<compile_context>
chip_gen: v7x
topology: tpu7x:2x2x1
jax: 0.10.2.dev20260603
libtpu: 0.0.44.dev20260713+nightly
codegen_flags: <defaults>
</compile_context>

<pallas_src>
import functools

import jax
import jax.numpy as jnp
from jax import lax
from jax.experimental import pallas as pl
from jax.experimental.pallas import tpu as pltpu
from jax.experimental.pallas import tpu_sc as plsc

NC = 2
NS = 16
NW = NC * NS

CHUNK = 128


def _edge_lin_body(ea_ref, we_ref, be_ref, out_ref):
    e = (
        lax.dot_general(
            ea_ref[...], we_ref[...],
            dimension_numbers=(((0,), (0,)), ((), ())),
            preferred_element_type=jnp.float32,
        )
        + be_ref[...]
    ).astype(jnp.bfloat16)
    out_ref[...] = pltpu.bitcast(e, jnp.int32)


def _edge_linear(edge_attr_t, We, be):
    DE, E = edge_attr_t.shape
    D = We.shape[1]
    BE = 12800
    grid = (E // BE,)
    return pl.pallas_call(
        _edge_lin_body,
        grid=grid,
        in_specs=[
            pl.BlockSpec((DE, BE), lambda i: (0, i)),
            pl.BlockSpec((DE, D), lambda i: (0, 0)),
            pl.BlockSpec((1, D), lambda i: (0, 0)),
        ],
        out_specs=pl.BlockSpec((BE // 2, D), lambda i: (i, 0)),
        out_shape=jax.ShapeDtypeStruct((E // 2, D), jnp.int32),
    )(edge_attr_t, We, be.reshape(1, D))


def _make_sc_edge(N, E, D):
    G = E // CHUNK
    nchunk = G // NW
    LEFT = G - nchunk * NW
    npad = ((N + NS * 8 - 1) // (NS * 8)) * NS * 8
    rpt = npad // NS

    mesh = plsc.VectorSubcoreMesh(
        core_axis_name="c", subcore_axis_name="s", num_cores=NC, num_subcores=NS
    )

    @functools.partial(
        pl.kernel,
        out_type=jax.ShapeDtypeStruct((NC, npad, D), jnp.float32),
        mesh=mesh,
        compiler_params=pltpu.CompilerParams(use_tc_tiling_on_sc=True),
        scratch_types=[
            pltpu.VMEM((CHUNK,), jnp.int32),
            pltpu.VMEM((CHUNK,), jnp.int32),
            pltpu.VMEM((CHUNK,), jnp.int32),
            pltpu.VMEM((CHUNK,), jnp.int32),
            pltpu.VMEM((CHUNK, D), jnp.float32),
            pltpu.VMEM((CHUNK, D), jnp.float32),
            pltpu.VMEM((CHUNK // 2, D), jnp.int32),
            pltpu.VMEM((CHUNK // 2, D), jnp.int32),
            pltpu.VMEM_SHARED((npad, D), jnp.float32),
            pltpu.SemaphoreType.DMA,
            pltpu.SemaphoreType.DMA,
            pltpu.SemaphoreType.DMA,
            pltpu.SemaphoreType.DMA,
            pltpu.SemaphoreType.DMA,
            pltpu.SemaphoreType.DMA,
            pltpu.SemaphoreType.DMA,
            pltpu.SemaphoreType.DMA,
            pltpu.SemaphoreType.DMA,
            pltpu.SemaphoreType.DMA,
        ],
    )
    def sc_edge(adj_hbm, feat_hbm, e_hbm, out_hbm,
                srcI0, srcI1, dstI0, dstI1, x0, x1, e0, e1, agg_sh,
                sem_si0, sem_si1, sem_di0, sem_di1,
                sem_x0, sem_x1, sem_e0, sem_e1, sem_s0, sem_s1):
        cid = lax.axis_index("c")
        sid = lax.axis_index("s")
        wid = sid * NC + cid
        srcI = (srcI0, srcI1)
        dstI = (dstI0, dstI1)
        xb = (x0, x1)
        eb = (e0, e1)
        sem_si = (sem_si0, sem_si1)
        sem_di = (sem_di0, sem_di1)
        sem_x = (sem_x0, sem_x1)
        sem_e = (sem_e0, sem_e1)
        sem_s = (sem_s0, sem_s1)

        def zbody(i, _):
            r = i // (D // 16)
            col = (i % (D // 16)) * 16
            x0[r, pl.ds(col, 16)] = jnp.zeros((16,), jnp.float32)
            return 0
        lax.fori_loop(0, CHUNK * (D // 16), zbody, 0, unroll=8)
        zbase = sid * rpt
        for j in range(rpt // CHUNK):
            pltpu.sync_copy(x0, agg_sh.at[pl.ds(zbase + j * CHUNK, CHUNK)])
        zrem = rpt % CHUNK
        if zrem:
            pltpu.sync_copy(
                x0.at[pl.ds(0, zrem)],
                agg_sh.at[pl.ds(zbase + (rpt // CHUNK) * CHUNK, zrem)])
        plsc.subcore_barrier()

        def issue_src(c, p):
            pltpu.async_copy(
                adj_hbm.at[0, pl.ds((wid + NW * c) * CHUNK, CHUNK)], srcI[p],
                sem_si[p])

        def wait_src(c, p):
            pltpu.make_async_copy(
                adj_hbm.at[0, pl.ds((wid + NW * c) * CHUNK, CHUNK)], srcI[p],
                sem_si[p]).wait()

        def issue_dst(c, p):
            pltpu.async_copy(
                adj_hbm.at[1, pl.ds((wid + NW * c) * CHUNK, CHUNK)], dstI[p],
                sem_di[p])

        def wait_dst(c, p):
            pltpu.make_async_copy(
                adj_hbm.at[1, pl.ds((wid + NW * c) * CHUNK, CHUNK)], dstI[p],
                sem_di[p]).wait()

        def issue_in(c, p):
            pltpu.async_copy(feat_hbm.at[srcI[p]], xb[p], sem_x[p])
            pltpu.async_copy(
                e_hbm.at[pl.ds((wid + NW * c) * (CHUNK // 2), CHUNK // 2)],
                eb[p], sem_e[p])

        def wait_in(c, p):
            pltpu.make_async_copy(feat_hbm.at[srcI[p]], xb[p], sem_x[p]).wait()
            pltpu.make_async_copy(
                e_hbm.at[pl.ds((wid + NW * c) * (CHUNK // 2), CHUNK // 2)],
                eb[p], sem_e[p]
            ).wait()

        def compute(p):
            hi_mask = jnp.full((16,), -65536, jnp.int32)

            @plsc.parallel_loop(0, CHUNK // 2, unroll=2)
            def _(rp):
                r0 = 2 * rp
                for k in range(D // 16):
                    sl = pl.ds(k * 16, 16)
                    w = eb[p][rp, sl]
                    elo = jax.lax.bitcast_convert_type(
                        jnp.left_shift(w, 16), jnp.float32)
                    ehi = jax.lax.bitcast_convert_type(
                        jnp.bitwise_and(w, hi_mask), jnp.float32)
                    xb[p][r0, sl] = jnp.maximum(xb[p][r0, sl] + elo, 0.0)
                    xb[p][r0 + 1, sl] = jnp.maximum(
                        xb[p][r0 + 1, sl] + ehi, 0.0)

        def issue_scatter(p):
            pltpu.async_copy(xb[p], agg_sh.at[dstI[p]], sem_s[p], add=True)

        def wait_scatter(p):
            pltpu.make_async_copy(xb[p], agg_sh.at[dstI[p]], sem_s[p]).wait()

        def step(c, p):
            q = 1 - p

            @pl.when(c + 1 < nchunk)
            def _():
                wait_src(c + 1, q)

                @pl.when(c >= 1)
                def _():
                    wait_scatter(q)
                issue_dst(c + 1, q)
                issue_in(c + 1, q)
            wait_in(c, p)

            @pl.when(c + 2 < nchunk)
            def _():
                issue_src(c + 2, p)
            compute(p)
            wait_dst(c, p)
            issue_scatter(p)

        issue_src(0, 0)
        issue_src(1, 1)
        issue_dst(0, 0)
        wait_src(0, 0)
        issue_in(0, 0)

        def pair(i, _):
            c = 2 * i
            step(c, 0)
            step(c + 1, 1)
            return 0

        lax.fori_loop(0, nchunk // 2, pair, 0)

        wait_scatter(0)
        wait_scatter(1)

        @pl.when(wid < LEFT)
        def _():
            g = NW * nchunk + wid
            pltpu.sync_copy(adj_hbm.at[0, pl.ds(g * CHUNK, CHUNK)], srcI[0])
            pltpu.sync_copy(adj_hbm.at[1, pl.ds(g * CHUNK, CHUNK)], dstI[0])
            pltpu.sync_copy(e_hbm.at[pl.ds(g * (CHUNK // 2), CHUNK // 2)],
                            eb[0])
            pltpu.async_copy(feat_hbm.at[srcI[0]], xb[0], sem_x[0]).wait()
            compute(0)
            pltpu.sync_copy(xb[0], agg_sh.at[dstI[0]], add=True)

        plsc.subcore_barrier()
        pltpu.sync_copy(
            agg_sh.at[pl.ds(sid * rpt, rpt)],
            out_hbm.at[cid, pl.ds(sid * rpt, rpt)],
        )

    return sc_edge


def _mlp_body(f_ref, a0_ref, a1_ref, eps_ref, w1_ref, b1_ref, w2_ref, b2_ref,
              wl_ref, bl_ref, out_ref):
    h = (f_ref[...] * (1.0 + eps_ref[0, 0]) + a0_ref[0] + a1_ref[0])
    h = jnp.dot(h, w1_ref[...], preferred_element_type=jnp.float32) + b1_ref[...]
    h = jnp.where(h > 0, h, 0.01 * h)
    h = jnp.dot(h, w2_ref[...], preferred_element_type=jnp.float32) + b2_ref[...]
    h = jnp.dot(h, wl_ref[...], preferred_element_type=jnp.float32) + bl_ref[...]
    out_ref[...] = jnp.where(h > 0, h, 0.01 * h)


def _mlp(feature, agg, eps, W1, b1, W2, b2, Wl, bl):
    N, D = feature.shape
    BN = 2000
    grid = (N // BN,)
    row = lambda i: (i, 0)
    full = lambda i: (0, 0)
    return pl.pallas_call(
        _mlp_body,
        grid=grid,
        in_specs=[
            pl.BlockSpec((BN, D), row),
            pl.BlockSpec((1, BN, D), lambda i: (0, i, 0)),
            pl.BlockSpec((1, BN, D), lambda i: (1, i, 0)),
            pl.BlockSpec(memory_space=pltpu.SMEM),
            pl.BlockSpec((D, D), full),
            pl.BlockSpec((1, D), full),
            pl.BlockSpec((D, D), full),
            pl.BlockSpec((1, D), full),
            pl.BlockSpec((D, D), full),
            pl.BlockSpec((1, D), full),
        ],
        out_specs=pl.BlockSpec((BN, D), row),
        out_shape=jax.ShapeDtypeStruct((N, D), jnp.float32),
    )(feature, agg, agg, eps.reshape(1, 1), W1, b1.reshape(1, D),
      W2, b2.reshape(1, D), Wl, bl.reshape(1, D))


def kernel(feature, adj, edge_attr, We, be, eps, W1, b1, W2, b2, Wl, bl):
    N, D = feature.shape
    E = edge_attr.shape[0]
    adj32 = adj.astype(jnp.int32)

    e = _edge_linear(edge_attr.T, We, be)
    agg = _make_sc_edge(N, E, D)(adj32, feature, e)
    return _mlp(feature, agg, eps, W1, b1, W2, b2, Wl, bl)

# --- scband reference (transcript-rebuilt; emitter-appended) ---
"""Pipeline reference for scband-graph-conv-38319698215095 (READ-ONLY COPY).

The authoritative reference and input builder live on the scoring server;
editing this copy changes nothing except your own understanding.
"""

import jax, jax.numpy as jnp
import numpy as np

N = 10000
E = 320000
D = 128
DE = 16


def setup_inputs(seed: int = 0) -> dict:
    key = jax.random.key(seed)
    ks = jax.random.split(key, 12)
    feature = jax.random.normal(ks[0], (N, D), dtype=jnp.float32)
    adj = jax.random.randint(ks[1], (2, E), 0, N).astype(jnp.int64)
    edge_attr = jax.random.normal(ks[2], (E, DE), dtype=jnp.float32)
    # Learned parameters (GINE-style conv: edge lin 16->128, eps, 2-layer MLP 128->128->128,
    # plus the module's final self.linear: dims[1]->dims[2] = 128->128)
    s = 1.0 / np.sqrt(D)
    se = 1.0 / np.sqrt(DE)
    We = jax.random.uniform(ks[3], (DE, D), minval=-se, maxval=se, dtype=jnp.float32)
    be = jax.random.uniform(ks[4], (D,), minval=-se, maxval=se, dtype=jnp.float32)
    eps = jnp.zeros((), dtype=jnp.float32)
    W1 = jax.random.uniform(ks[5], (D, D), minval=-s, maxval=s, dtype=jnp.float32)
    b1 = jax.random.uniform(ks[6], (D,), minval=-s, maxval=s, dtype=jnp.float32)
    W2 = jax.random.uniform(ks[7], (D, D), minval=-s, maxval=s, dtype=jnp.float32)
    b2 = jax.random.uniform(ks[8], (D,), minval=-s, maxval=s, dtype=jnp.float32)
    Wl = jax.random.uniform(ks[9], (D, D), minval=-s, maxval=s, dtype=jnp.float32)
    bl = jax.random.uniform(ks[10], (D,), minval=-s, maxval=s, dtype=jnp.float32)
    return {"feature": feature, "adj": adj, "edge_attr": edge_attr,
            "We": We, "be": be, "eps": eps,
            "W1": W1, "b1": b1, "W2": W2, "b2": b2,
            "Wl": Wl, "bl": bl}


def reference(feature, adj, edge_attr, We, be, eps, W1, b1, W2, b2, Wl, bl):
    src = adj[0]
    dst = adj[1]
    # GINE conv: msg_ij = relu(x_j + lin_e(e_ij)); aggregate by sum onto dst
    e = edge_attr @ We + be
    msg = jax.nn.relu(jnp.take(feature, src, axis=0) + e)
    agg = jax.ops.segment_sum(msg, dst, num_segments=N)
    h = (1.0 + eps) * feature + agg
    # GIN 2-layer MLP (LeakyReLU activation per module config)
    h = jax.nn.leaky_relu(h @ W1 + b1, negative_slope=0.01)
    h = h @ W2 + b2
    # F.dropout is identity in eval mode
    out = jax.nn.leaky_relu(h @ Wl + bl, negative_slope=0.01)
    return out

if __name__ == "__main__":
    import jax
    _d = setup_inputs()
    print(jax.jit(kernel)(*tuple(_d.values())))

</pallas_src>

<mosaic_0001>
#map = affine_map<(d0, d1) -> (0, 0)>
#map1 = affine_map<(d0, d1) -> (0, 0, 0)>
module attributes {stable_mosaic.version = 14 : i64} {
  func.func @sc_edge(%arg0: i32, %arg1: i32, %arg2: memref<2x320000xi32, #tpu.memory_space<hbm>>, %arg3: memref<10000x128xf32, #tpu.memory_space<hbm>>, %arg4: memref<160000x128xi32, #tpu.memory_space<hbm>>, %arg5: memref<2x10112x128xf32, #tpu.memory_space<hbm>>, %arg6: memref<128xi32, #tpu.memory_space<vmem>>, %arg7: memref<128xi32, #tpu.memory_space<vmem>>, %arg8: memref<128xi32, #tpu.memory_space<vmem>>, %arg9: memref<128xi32, #tpu.memory_space<vmem>>, %arg10: memref<128x128xf32, #tpu.memory_space<vmem>>, %arg11: memref<128x128xf32, #tpu.memory_space<vmem>>, %arg12: memref<64x128xi32, #tpu.memory_space<vmem>>, %arg13: memref<64x128xi32, #tpu.memory_space<vmem>>, %arg14: memref<10112x128xf32, #tpu.memory_space<vmem_shared>>, %arg15: memref<!tpu.dma_semaphore, #tpu.memory_space<semaphore_mem>>, %arg16: memref<!tpu.dma_semaphore, #tpu.memory_space<semaphore_mem>>, %arg17: memref<!tpu.dma_semaphore, #tpu.memory_space<semaphore_mem>>, %arg18: memref<!tpu.dma_semaphore, #tpu.memory_space<semaphore_mem>>, %arg19: memref<!tpu.dma_semaphore, #tpu.memory_space<semaphore_mem>>, %arg20: memref<!tpu.dma_semaphore, #tpu.memory_space<semaphore_mem>>, %arg21: memref<!tpu.dma_semaphore, #tpu.memory_space<semaphore_mem>>, %arg22: memref<!tpu.dma_semaphore, #tpu.memory_space<semaphore_mem>>, %arg23: memref<!tpu.dma_semaphore, #tpu.memory_space<semaphore_mem>>, %arg24: memref<!tpu.dma_semaphore, #tpu.memory_space<semaphore_mem>>) attributes {dimension_semantics = [#tpu.dimension_semantics<core_parallel>, #tpu.dimension_semantics<subcore_parallel>], iteration_bounds = array<i64: 2, 16>, scalar_prefetch = 0 : i64, scratch_operands = 19 : i64, tpu.core_type = #tpu.core_type<sc_vector_subcore>, window_params = [{transform_indices = #map}, {transform_indices = #map}, {transform_indices = #map}, {transform_indices = #map1}]} {
    %mul3A = arith.constant 2 : i32
    %mul3A_0 = arith.muli %arg1, %mul3A : i32
    %add3A = arith.addi %mul3A_0, %arg0 : i32
    %scan3A = arith.constant 0 : i32
    %scan3A_1 = arith.constant 0 : i32
    %scan3A_2 = arith.constant 1024 : i32
    %scan3A_3 = arith.addi %scan3A_1, %scan3A_2 : i32
    %scan3A_4 = arith.constant 8 : i32
    %scan3A_5 = scf.for %scan3A_84 = %scan3A_1 to %scan3A_3 step %scan3A_4 iter_args(%scan3A_85 = %scan3A) -> (i32)  : i32 {
      %jit3A = arith.constant 8 : i32
      %div3A = arith.divsi %scan3A_84, %jit3A : i32
      %sign3A = arith.constant 0 : i32
      %sign3A_86 = arith.cmpi sgt, %scan3A_84, %sign3A : i32
      %sign3A_87 = arith.extui %sign3A_86 : i1 to i32
      %sign3A_88 = arith.constant 0 : i32
      %sign3A_89 = arith.cmpi slt, %scan3A_84, %sign3A_88 : i32
      %sign3A_90 = arith.extui %sign3A_89 : i1 to i32
      %sign3A_91 = arith.subi %sign3A_87, %sign3A_90 : i32
      %sign3A_92 = arith.constant 0 : i32
      %sign3A_93 = arith.cmpi sgt, %jit3A, %sign3A_92 : i32
      %sign3A_94 = arith.extui %sign3A_93 : i1 to i32
      %sign3A_95 = arith.constant 0 : i32
      %sign3A_96 = arith.cmpi slt, %jit3A, %sign3A_95 : i32
      %sign3A_97 = arith.extui %sign3A_96 : i1 to i32
      %sign3A_98 = arith.subi %sign3A_94, %sign3A_97 : i32
      %ne3A = arith.cmpi ne, %sign3A_91, %sign3A_98 : i32
      %rem3A = arith.remsi %scan3A_84, %jit3A : i32
      %ne3A_99 = arith.constant 0 : i32
      %ne3A_100 = arith.cmpi ne, %rem3A, %ne3A_99 : i32
      %and3A = arith.andi %ne3A, %ne3A_100 : i1
      %sub3A = arith.constant 1 : i32
      %sub3A_101 = arith.subi %div3A, %sub3A : i32
      %select_n3A = arith.select %and3A, %sub3A_101, %div3A : i32
      %jit3A_102 = arith.constant 8 : i32
      %eq3A = arith.constant 0 : i32
      %eq3A_103 = arith.cmpi eq, %jit3A_102, %eq3A : i32
      %jit3A_104 = arith.constant 1 : i32
      %select_n3A_105 = arith.select %eq3A_103, %jit3A_104, %jit3A_102 : i32
      %rem3A_106 = arith.remsi %scan3A_84, %select_n3A_105 : i32
      %ne3A_107 = arith.constant 0 : i32
      %ne3A_108 = arith.cmpi ne, %rem3A_106, %ne3A_107 : i32
      %lt3A_109 = arith.constant 0 : i32
      %lt3A_110 = arith.cmpi slt, %rem3A_106, %lt3A_109 : i32
      %lt3A_111 = arith.constant 0 : i32
      %lt3A_112 = arith.cmpi slt, %select_n3A_105, %lt3A_111 : i32
      %ne3A_113 = arith.xori %lt3A_110, %lt3A_112 : i1
      %and3A_114 = arith.andi %ne3A_113, %ne3A_108 : i1
      %add3A_115 = arith.addi %rem3A_106, %select_n3A_105 : i32
      %select_n3A_116 = arith.select %and3A_114, %add3A_115, %rem3A_106 : i32
      %mul3A_117 = arith.constant 16 : i32
      %mul3A_118 = arith.muli %select_n3A_116, %mul3A_117 : i32
      %broadcast_in_dim3A = arith.constant 0.000000e+00 : f32
      %broadcast_in_dim3A_119 = vector.broadcast %broadcast_in_dim3A : f32 to vector<16xf32>
      %swap3A = arith.index_cast %select_n3A : i32 to index
      %swap3A_120 = arith.index_cast %mul3A_118 : i32 to index
      %swap3A_121 = tpu.vector_load %arg10[%swap3A, %swap3A_120] {strides = array<i32>} : memref<128x128xf32, #tpu.memory_space<vmem>>, vector<1x16xf32>,
      %swap3A_122 = vector.shape_cast %swap3A_121 : vector<1x16xf32> to vector<16xf32>
      %swap3A_123 = vector.shape_cast %broadcast_in_dim3A_119 : vector<16xf32> to vector<1x16xf32>
      tpu.vector_store %arg10[%swap3A, %swap3A_120], %swap3A_123 {strides = array<i32>} : memref<128x128xf32, #tpu.memory_space<vmem>>, vector<1x16xf32>,
      %scan3A_124 = arith.constant 0 : i32
      %scan3A_125 = arith.constant 1 : i32
      %scan3A_126 = arith.addi %scan3A_84, %scan3A_125 : i32
      %jit3A_127 = arith.constant 8 : i32
      %div3A_128 = arith.divsi %scan3A_126, %jit3A_127 : i32
      %sign3A_129 = arith.constant 0 : i32
      %sign3A_130 = arith.cmpi sgt, %scan3A_126, %sign3A_129 : i32
      %sign3A_131 = arith.extui %sign3A_130 : i1 to i32
      %sign3A_132 = arith.constant 0 : i32
      %sign3A_133 = arith.cmpi slt, %scan3A_126, %sign3A_132 : i32
      %sign3A_134 = arith.extui %sign3A_133 : i1 to i32
      %sign3A_135 = arith.subi %sign3A_131, %sign3A_134 : i32
      %sign3A_136 = arith.constant 0 : i32
      %sign3A_137 = arith.cmpi sgt, %jit3A_127, %sign3A_136 : i32
      %sign3A_138 = arith.extui %sign3A_137 : i1 to i32
      %sign3A_139 = arith.constant 0 : i32
      %sign3A_140 = arith.cmpi slt, %jit3A_127, %sign3A_139 : i32
      %sign3A_141 = arith.extui %sign3A_140 : i1 to i32
      %sign3A_142 = arith.subi %sign3A_138, %sign3A_141 : i32
      %ne3A_143 = arith.cmpi ne, %sign3A_135, %sign3A_142 : i32
      %rem3A_144 = arith.remsi %scan3A_126, %jit3A_127 : i32
      %ne3A_145 = arith.constant 0 : i32
      %ne3A_146 = arith.cmpi ne, %rem3A_144, %ne3A_145 : i32
      %and3A_147 = arith.andi %ne3A_143, %ne3A_146 : i1
      %sub3A_148 = arith.constant 1 : i32
      %sub3A_149 = arith.subi %div3A_128, %sub3A_148 : i32
      %select_n3A_150 = arith.select %and3A_147, %sub3A_149, %div3A_128 : i32
      %jit3A_151 = arith.constant 8 : i32
      %eq3A_152 = arith.constant 0 : i32
      %eq3A_153 = arith.cmpi eq, %jit3A_151, %eq3A_152 : i32
      %jit3A_154 = arith.constant 1 : i32
      %select_n3A_155 = arith.select %eq3A_153, %jit3A_154, %jit3A_151 : i32
      %rem3A_156 = arith.remsi %scan3A_126, %select_n3A_155 : i32
      %ne3A_157 = arith.constant 0 : i32
      %ne3A_158 = arith.cmpi ne, %rem3A_156, %ne3A_157 : i32
      %lt3A_159 = arith.constant 0 : i32
      %lt3A_160 = arith.cmpi slt, %rem3A_156, %lt3A_159 : i32
      %lt3A_161 = arith.constant 0 : i32
      %lt3A_162 = arith.cmpi slt, %select_n3A_155, %lt3A_161 : i32
      %ne3A_163 = arith.xori %lt3A_160, %lt3A_162 : i1
      %and3A_164 = arith.andi %ne3A_163, %ne3A_158 : i1
      %add3A_165 = arith.addi %rem3A_156, %select_n3A_155 : i32
      %select_n3A_166 = arith.select %and3A_164, %add3A_165, %rem3A_156 : i32
      %mul3A_167 = arith.constant 16 : i32
      %mul3A_168 = arith.muli %select_n3A_166, %mul3A_167 : i32
      %broadcast_in_dim3A_169 = arith.constant 0.000000e+00 : f32
      %broadcast_in_dim3A_170 = vector.broadcast %broadcast_in_dim3A_169 : f32 to vector<16xf32>
      %swap3A_171 = arith.index_cast %select_n3A_150 : i32 to index
      %swap3A_172 = arith.index_cast %mul3A_168 : i32 to index
      %swap3A_173 = tpu.vector_load %arg10[%swap3A_171, %swap3A_172] {strides = array<i32>} : memref<128x128xf32, #tpu.memory_space<vmem>>, vector<1x16xf32>,
      %swap3A_174 = vector.shape_cast %swap3A_173 : vector<1x16xf32> to vector<16xf32>
      %swap3A_175 = vector.shape_cast %broadcast_in_dim3A_170 : vector<16xf32> to vector<1x16xf32>
      tpu.vector_store %arg10[%swap3A_171, %swap3A_172], %swap3A_175 {strides = array<i32>} : memref<128x128xf32, #tpu.memory_space<vmem>>, vector<1x16xf32>,
      %scan3A_176 = arith.constant 0 : i32
      %scan3A_177 = arith.constant 2 : i32
      %scan3A_178 = arith.addi %scan3A_84, %scan3A_177 : i32
      %jit3A_179 = arith.constant 8 : i32
      %div3A_180 = arith.divsi %scan3A_178, %jit3A_179 : i32
      %sign3A_181 = arith.constant 0 : i32
      %sign3A_182 = arith.cmpi sgt, %scan3A_178, %sign3A_181 : i32
      %sign3A_183 = arith.extui %sign3A_182 : i1 to i32
      %sign3A_184 = arith.constant 0 : i32
      %sign3A_185 = arith.cmpi slt, %scan3A_178, %sign3A_184 : i32
      %sign3A_186 = arith.extui %sign3A_185 : i1 to i32
      %sign3A_187 = arith.subi %sign3A_183, %sign3A_186 : i32
      %sign3A_188 = arith.constant 0 : i32
      %sign3A_189 = arith.cmpi sgt, %jit3A_179, %sign3A_188 : i32
      %sign3A_190 = arith.extui %sign3A_189 : i1 to i32
      %sign3A_191 = arith.constant 0 : i32
      %sign3A_192 = arith.cmpi slt, %jit3A_179, %sign3A_191 : i32
      %sign3A_193 = arith.extui %sign3A_192 : i1 to i32
      %sign3A_194 = arith.subi %sign3A_190, %sign3A_193 : i32
      %ne3A_195 = arith.cmpi ne, %sign3A_187, %sign3A_194 : i32
      %rem3A_196 = arith.remsi %scan3A_178, %jit3A_179 : i32
      %ne3A_197 = arith.constant 0 : i32
      %ne3A_198 = arith.cmpi ne, %rem3A_196, %ne3A_197 : i32
      %and3A_199 = arith.andi %ne3A_195, %ne3A_198 : i1
      %sub3A_200 = arith.constant 1 : i32
      %sub3A_201 = arith.subi %div3A_180, %sub3A_200 : i32
      %select_n3A_202 = arith.select %and3A_199, %sub3A_201, %div3A_180 : i32
      %jit3A_203 = arith.constant 8 : i32
      %eq3A_204 = arith.constant 0 : i32
      %eq3A_205 = arith.cmpi eq, %jit3A_203, %eq3A_204 : i32
      %jit3A_206 = arith.constant 1 : i32
      %select_n3A_207 = arith.select %eq3A_205, %jit3A_206, %jit3A_203 : i32
      %rem3A_208 = arith.remsi %scan3A_178, %select_n3A_207 : i32
      %ne3A_209 = arith.constant 0 : i32
      %ne3A_210 = arith.cmpi ne, %rem3A_208, %ne3A_209 : i32
      %lt3A_211 = arith.constant 0 : i32
      %lt3A_212 = arith.cmpi slt, %rem3A_208, %lt3A_211 : i32
      %lt3A_213 = arith.constant 0 : i32
      %lt3A_214 = arith.cmpi slt, %select_n3A_207, %lt3A_213 : i32
      %ne3A_215 = arith.xori %lt3A_212, %lt3A_214 : i1
      %and3A_216 = arith.andi %ne3A_215, %ne3A_210 : i1
      %add3A_217 = arith.addi %rem3A_208, %select_n3A_207 : i32
      %select_n3A_218 = arith.select %and3A_216, %add3A_217, %rem3A_208 : i32
      %mul3A_219 = arith.constant 16 : i32
      %mul3A_220 = arith.muli %select_n3A_218, %mul3A_219 : i32
      %broadcast_in_dim3A_221 = arith.constant 0.000000e+00 : f32
      %broadcast_in_dim3A_222 = vector.broadcast %broadcast_in_dim3A_221 : f32 to vector<16xf32>
      %swap3A_223 = arith.index_cast %select_n3A_202 : i32 to index
      %swap3A_224 = arith.index_cast %mul3A_220 : i32 to index
      %swap3A_225 = tpu.vector_load %arg10[%swap3A_223, %swap3A_224] {strides = array<i32>} : memref<128x128xf32, #tpu.memory_space<vmem>>, vector<1x16xf32>,
      %swap3A_226 = vector.shape_cast %swap3A_225 : vector<1x16xf32> to vector<16xf32>
      %swap3A_227 = vector.shape_cast %broadcast_in_dim3A_222 : vector<16xf32> to vector<1x16xf32>
      tpu.vector_store %arg10[%swap3A_223, %swap3A_224], %swap3A_227 {strides = array<i32>} : memref<128x128xf32, #tpu.memory_space<vmem>>, vector<1x16xf32>,
      %scan3A_228 = arith.constant 0 : i32
      %scan3A_229 = arith.constant 3 : i32
      %scan3A_230 = arith.addi %scan3A_84, %scan3A_229 : i32
      %jit3A_231 = arith.constant 8 : i32
      %div3A_232 = arith.divsi %scan3A_230, %jit3A_231 : i32
      %sign3A_233 = arith.constant 0 : i32
      %sign3A_234 = arith.cmpi sgt, %scan3A_230, %sign3A_233 : i32
      %sign3A_235 = arith.extui %sign3A_234 : i1 to i32
      %sign3A_236 = arith.constant 0 : i32
      %sign3A_237 = arith.cmpi slt, %scan3A_230, %sign3A_236 : i32
      %sign3A_238 = arith.extui %sign3A_237 : i1 to i32
      %sign3A_239 = arith.subi %sign3A_235, %sign3A_238 : i32
      %sign3A_240 = arith.constant 0 : i32
      %sign3A_241 = arith.cmpi sgt, %jit3A_231, %sign3A_240 : i32
      %sign3A_242 = arith.extui %sign3A_241 : i1 to i32
      %sign3A_243 = arith.constant 0 : i32
      %sign3A_244 = arith.cmpi slt, %jit3A_231, %sign3A_243 : i32
      %sign3A_245 = arith.extui %sign3A_244 : i1 to i32
      %sign3A_246 = arith.subi %sign3A_242, %sign3A_245 : i32
      %ne3A_247 = arith.cmpi ne, %sign3A_239, %sign3A_246 : i32
      %rem3A_248 = arith.remsi %scan3A_230, %jit3A_231 : i32
      %ne3A_249 = arith.constant 0 : i32
      %ne3A_250 = arith.cmpi ne, %rem3A_248, %ne3A_249 : i32
      %and3A_251 = arith.andi %ne3A_247, %ne3A_250 : i1
      %sub3A_252 = arith.constant 1 : i32
      %sub3A_253 = arith.subi %div3A_232, %sub3A_252 : i32
      %select_n3A_254 = arith.select %and3A_251, %sub3A_253, %div3A_232 : i32
      %jit3A_255 = arith.constant 8 : i32
      %eq3A_256 = arith.constant 0 : i32
      %eq3A_257 = arith.cmpi eq, %jit3A_255, %eq3A_256 : i32
      %jit3A_258 = arith.constant 1 : i32
      %select_n3A_259 = arith.select %eq3A_257, %jit3A_258, %jit3A_255 : i32
      %rem3A_260 = arith.remsi %scan3A_230, %select_n3A_259 : i32
      %ne3A_261 = arith.constant 0 : i32
      %ne3A_262 = arith.cmpi ne, %rem3A_260, %ne3A_261 : i32
      %lt3A_263 = arith.constant 0 : i32
      %lt3A_264 = arith.cmpi slt, %rem3A_260, %lt3A_263 : i32
      %lt3A_265 = arith.constant 0 : i32
      %lt3A_266 = arith.cmpi slt, %select_n3A_259, %lt3A_265 : i32
      %ne3A_267 = arith.xori %lt3A_264, %lt3A_266 : i1
      %and3A_268 = arith.andi %ne3A_267, %ne3A_262 : i1
      %add3A_269 = arith.addi %rem3A_260, %select_n3A_259 : i32
      %select_n3A_270 = arith.select %and3A_268, %add3A_269, %rem3A_260 : i32
      %mul3A_271 = arith.constant 16 : i32
      %mul3A_272 = arith.muli %select_n3A_270, %mul3A_271 : i32
      %broadcast_in_dim3A_273 = arith.constant 0.000000e+00 : f32
      %broadcast_in_dim3A_274 = vector.broadcast %broadcast_in_dim3A_273 : f32 to vector<16xf32>
      %swap3A_275 = arith.index_cast %select_n3A_254 : i32 to index
      %swap3A_276 = arith.index_cast %mul3A_272 : i32 to index
      %swap3A_277 = tpu.vector_load %arg10[%swap3A_275, %swap3A_276] {strides = array<i32>} : memref<128x128xf32, #tpu.memory_space<vmem>>, vector<1x16xf32>,
      %swap3A_278 = vector.shape_cast %swap3A_277 : vector<1x16xf32> to vector<16xf32>
      %swap3A_279 = vector.shape_cast %broadcast_in_dim3A_274 : vector<16xf32> to vector<1x16xf32>
      tpu.vector_store %arg10[%swap3A_275, %swap3A_276], %swap3A_279 {strides = array<i32>} : memref<128x128xf32, #tpu.memory_space<vmem>>, vector<1x16xf32>,
      %scan3A_280 = arith.constant 0 : i32
      %scan3A_281 = arith.constant 4 : i32
      %scan3A_282 = arith.addi %scan3A_84, %scan3A_281 : i32
      %jit3A_283 = arith.constant 8 : i32
      %div3A_284 = arith.divsi %scan3A_282, %jit3A_283 : i32
      %sign3A_285 = arith.constant 0 : i32
      %sign3A_286 = arith.cmpi sgt, %scan3A_282, %sign3A_285 : i32
      %sign3A_287 = arith.extui %sign3A_286 : i1 to i32
      %sign3A_288 = arith.constant 0 : i32
      %sign3A_289 = arith.cmpi slt, %scan3A_282, %sign3A_288 : i32
      %sign3A_290 = arith.extui %sign3A_289 : i1 to i32
      %sign3A_291 = arith.subi %sign3A_287, %sign3A_290 : i32
      %sign3A_292 = arith.constant 0 : i32
      %sign3A_293 = arith.cmpi sgt, %jit3A_283, %sign3A_292 : i32
      %sign3A_294 = arith.extui %sign3A_293 : i1 to i32
      %sign3A_295 = arith.constant 0 : i32
      %sign3A_296 = arith.cmpi slt, %jit3A_283, %sign3A_295 : i32
      %sign3A_297 = arith.extui %sign3A_296 : i1 to i32
      %sign3A_298 = arith.subi %sign3A_294, %sign3A_297 : i32
      %ne3A_299 = arith.cmpi ne, %sign3A_291, %sign3A_298 : i32
      %rem3A_300 = arith.remsi %scan3A_282, %jit3A_283 : i32
      %ne3A_301 = arith.constant 0 : i32
      %ne3A_302 = arith.cmpi ne, %rem3A_300, %ne3A_301 : i32
      %and3A_303 = arith.andi %ne3A_299, %ne3A_302 : i1
      %sub3A_304 = arith.constant 1 : i32
      %sub3A_305 = arith.subi %div3A_284, %sub3A_304 : i32
      %select_n3A_306 = arith.select %and3A_303, %sub3A_305, %div3A_284 : i32
      %jit3A_307 = arith.constant 8 : i32
      %eq3A_308 = arith.constant 0 : i32
      %eq3A_309 = arith.cmpi eq, %jit3A_307, %eq3A_308 : i32
      %jit3A_310 = arith.constant 1 : i32
      %select_n3A_311 = arith.select %eq3A_309, %jit3A_310, %jit3A_307 : i32
      %rem3A_312 = arith.remsi %scan3A_282, %select_n3A_311 : i32
      %ne3A_313 = arith.constant 0 : i32
      %ne3A_314 = arith.cmpi ne, %rem3A_312, %ne3A_313 : i32
      %lt3A_315 = arith.constant 0 : i32
      %lt3A_316 = arith.cmpi slt, %rem3A_312, %lt3A_315 : i32
      %lt3A_317 = arith.constant 0 : i32
      %lt3A_318 = arith.cmpi slt, %select_n3A_311, %lt3A_317 : i32
      %ne3A_319 = arith.xori %lt3A_316, %lt3A_318 : i1
      %and3A_320 = arith.andi %ne3A_319, %ne3A_314 : i1
      %add3A_321 = arith.addi %rem3A_312, %select_n3A_311 : i32
      %select_n3A_322 = arith.select %and3A_320, %add3A_321, %rem3A_312 : i32
      %mul3A_323 = arith.constant 16 : i32
      %mul3A_324 = arith.muli %select_n3A_322, %mul3A_323 : i32
      %broadcast_in_dim3A_325 = arith.constant 0.000000e+00 : f32
      %broadcast_in_dim3A_326 = vector.broadcast %broadcast_in_dim3A_325 : f32 to vector<16xf32>
      %swap3A_327 = arith.index_cast %select_n3A_306 : i32 to index
      %swap3A_328 = arith.index_cast %mul3A_324 : i32 to index
      %swap3A_329 = tpu.vector_load %arg10[%swap3A_327, %swap3A_328] {strides = array<i32>} : memref<128x128xf32, #tpu.memory_space<vmem>>, vector<1x16xf32>,
      %swap3A_330 = vector.shape_cast %swap3A_329 : vector<1x16xf32> to vector<16xf32>
      %swap3A_331 = vector.shape_cast %broadcast_in_dim3A_326 : vector<16xf32> to vector<1x16xf32>
      tpu.vector_store %arg10[%swap3A_327, %swap3A_328], %swap3A_331 {strides = array<i32>} : memref<128x128xf32, #tpu.memory_space<vmem>>, vector<1x16xf32>,
      %scan3A_332 = arith.constant 0 : i32
      %scan3A_333 = arith.constant 5 : i32
      %scan3A_334 = arith.addi %scan3A_84, %scan3A_333 : i32
      %jit3A_335 = arith.constant 8 : i32
      %div3A_336 = arith.divsi %scan3A_334, %jit3A_335 : i32
      %sign3A_337 = arith.constant 0 : i32
      %sign3A_338 = arith.cmpi sgt, %scan3A_334, %sign3A_337 : i32
      %sign3A_339 = arith.extui %sign3A_338 : i1 to i32
      %sign3A_340 = arith.constant 0 : i32
      %sign3A_341 = arith.cmpi slt, %scan3A_334, %sign3A_340 : i32
      %sign3A_342 = arith.extui %sign3A_341 : i1 to i32
      %sign3A_343 = arith.subi %sign3A_339, %sign3A_342 : i32
      %sign3A_344 = arith.constant 0 : i32
      %sign3A_345 = arith.cmpi sgt, %jit3A_335, %sign3A_344 : i32
      %sign3A_346 = arith.extui %sign3A_345 : i1 to i32
      %sign3A_347 = arith.constant 0 : i32
      %sign3A_348 = arith.cmpi slt, %jit3A_335, %sign3A_347 : i32
      %sign3A_349 = arith.extui %sign3A_348 : i1 to i32
      %sign3A_350 = arith.subi %sign3A_346, %sign3A_349 : i32
      %ne3A_351 = arith.cmpi ne, %sign3A_343, %sign3A_350 : i32
      %rem3A_352 = arith.remsi %scan3A_334, %jit3A_335 : i32
      %ne3A_353 = arith.constant 0 : i32
      %ne3A_354 = arith.cmpi ne, %rem3A_352, %ne3A_353 : i32
      %and3A_355 = arith.andi %ne3A_351, %ne3A_354 : i1
      %sub3A_356 = arith.constant 1 : i32
      %sub3A_357 = arith.subi %div3A_336, %sub3A_356 : i32
      %select_n3A_358 = arith.select %and3A_355, %sub3A_357, %div3A_336 : i32
      %jit3A_359 = arith.constant 8 : i32
      %eq3A_360 = arith.constant 0 : i32
      %eq3A_361 = arith.cmpi eq, %jit3A_359, %eq3A_360 : i32
      %jit3A_362 = arith.constant 1 : i32
      %select_n3A_363 = arith.select %eq3A_361, %jit3A_362, %jit3A_359 : i32
      %rem3A_364 = arith.remsi %scan3A_334, %select_n3A_363 : i32
      %ne3A_365 = arith.constant 0 : i32
      %ne3A_366 = arith.cmpi ne, %rem3A_364, %ne3A_365 : i32
      %lt3A_367 = arith.constant 0 : i32
      %lt3A_368 = arith.cmpi slt, %rem3A_364, %lt3A_367 : i32
      %lt3A_369 = arith.constant 0 : i32
      %lt3A_370 = arith.cmpi slt, %select_n3A_363, %lt3A_369 : i32
      %ne3A_371 = arith.xori %lt3A_368, %lt3A_370 : i1
      %and3A_372 = arith.andi %ne3A_371, %ne3A_366 : i1
      %add3A_373 = arith.addi %rem3A_364, %select_n3A_363 : i32
      %select_n3A_374 = arith.select %and3A_372, %add3A_373, %rem3A_364 : i32
      %mul3A_375 = arith.constant 16 : i32
      %mul3A_376 = arith.muli %select_n3A_374, %mul3A_375 : i32
      %broadcast_in_dim3A_377 = arith.constant 0.000000e+00 : f32
      %broadcast_in_dim3A_378 = vector.broadcast %broadcast_in_dim3A_377 : f32 to vector<16xf32>
      %swap3A_379 = arith.index_cast %select_n3A_358 : i32 to index
      %swap3A_380 = arith.index_cast %mul3A_376 : i32 to index
      %swap3A_381 = tpu.vector_load %arg10[%swap3A_379, %swap3A_380] {strides = array<i32>} : memref<128x128xf32, #tpu.memory_space<vmem>>, vector<1x16xf32>,
      %swap3A_382 = vector.shape_cast %swap3A_381 : vector<1x16xf32> to vector<16xf32>
      %swap3A_383 = vector.shape_cast %broadcast_in_dim3A_378 : vector<16xf32> to vector<1x16xf32>
      tpu.vector_store %arg10[%swap3A_379, %swap3A_380], %swap3A_383 {strides = array<i32>} : memref<128x128xf32, #tpu.memory_space<vmem>>, vector<1x16xf32>,
      %scan3A_384 = arith.constant 0 : i32
      %scan3A_385 = arith.constant 6 : i32
      %scan3A_386 = arith.addi %scan3A_84, %scan3A_385 : i32
      %jit3A_387 = arith.constant 8 : i32
      %div3A_388 = arith.divsi %scan3A_386, %jit3A_387 : i32
      %sign3A_389 = arith.constant 0 : i32
      %sign3A_390 = arith.cmpi sgt, %scan3A_386, %sign3A_389 : i32
      %sign3A_391 = arith.extui %sign3A_390 : i1 to i32
      %sign3A_392 = arith.constant 0 : i32
      %sign3A_393 = arith.cmpi slt, %scan3A_386, %sign3A_392 : i32
      %sign3A_394 = arith.extui %sign3A_393 : i1 to i32
      %sign3A_395 = arith.subi %sign3A_391, %sign3A_394 : i32
      %sign3A_396 = arith.constant 0 : i32
      %sign3A_397 = arith.cmpi sgt, %jit3A_387, %sign3A_396 : i32
      %sign3A_398 = arith.extui %sign3A_397 : i1 to i32
      %sign3A_399 = arith.constant 0 : i32
      %sign3A_400 = arith.cmpi slt, %jit3A_387, %sign3A_399 : i32
      %sign3A_401 = arith.extui %sign3A_400 : i1 to i32
      %sign3A_402 = arith.subi %sign3A_398, %sign3A_401 : i32
      %ne3A_403 = arith.cmpi ne, %sign3A_395, %sign3A_402 : i32
      %rem3A_404 = arith.remsi %scan3A_386, %jit3A_387 : i32
      %ne3A_405 = arith.constant 0 : i32
      %ne3A_406 = arith.cmpi ne, %rem3A_404, %ne3A_405 : i32
      %and3A_407 = arith.andi %ne3A_403, %ne3A_406 : i1
      %sub3A_408 = arith.constant 1 : i32
      %sub3A_409 = arith.subi %div3A_388, %sub3A_408 : i32
      %select_n3A_410 = arith.select %and3A_407, %sub3A_409, %div3A_388 : i32
      %jit3A_411 = arith.constant 8 : i32
      %eq3A_412 = arith.constant 0 : i32
      %eq3A_413 = arith.cmpi eq, %jit3A_411, %eq3A_412 : i32
      %jit3A_414 = arith.constant 1 : i32
      %select_n3A_415 = arith.select %eq3A_413, %jit3A_414, %jit3A_411 : i32
      %rem3A_416 = arith.remsi %scan3A_386, %select_n3A_415 : i32
      %ne3A_417 = arith.constant 0 : i32
      %ne3A_418 = arith.cmpi ne, %rem3A_416, %ne3A_417 : i32
      %lt3A_419 = arith.constant 0 : i32
      %lt3A_420 = arith.cmpi slt, %rem3A_416, %lt3A_419 : i32
      %lt3A_421 = arith.constant 0 : i32
      %lt3A_422 = arith.cmpi slt, %select_n3A_415, %lt3A_421 : i32
      %ne3A_423 = arith.xori %lt3A_420, %lt3A_422 : i1
      %and3A_424 = arith.andi %ne3A_423, %ne3A_418 : i1
      %add3A_425 = arith.addi %rem3A_416, %select_n3A_415 : i32
      %select_n3A_426 = arith.select %and3A_424, %add3A_425, %rem3A_416 : i32
      %mul3A_427 = arith.constant 16 : i32
      %mul3A_428 = arith.muli %select_n3A_426, %mul3A_427 : i32
      %broadcast_in_dim3A_429 = arith.constant 0.000000e+00 : f32
      %broadcast_in_dim3A_430 = vector.broadcast %broadcast_in_dim3A_429 : f32 to vector<16xf32>
      %swap3A_431 = arith.index_cast %select_n3A_410 : i32 to index
      %swap3A_432 = arith.index_cast %mul3A_428 : i32 to index
      %swap3A_433 = tpu.vector_load %arg10[%swap3A_431, %swap3A_432] {strides = array<i32>} : memref<128x128xf32, #tpu.memory_space<vmem>>, vector<1x16xf32>,
      %swap3A_434 = vector.shape_cast %swap3A_433 : vector<1x16xf32> to vector<16xf32>
      %swap3A_435 = vector.shape_cast %broadcast_in_dim3A_430 : vector<16xf32> to vector<1x16xf32>
      tpu.vector_store %arg10[%swap3A_431, %swap3A_432], %swap3A_435 {strides = array<i32>} : memref<128x128xf32, #tpu.memory_space<vmem>>, vector<1x16xf32>,
      %scan3A_436 = arith.constant 0 : i32
      %scan3A_437 = arith.constant 7 : i32
      %scan3A_438 = arith.addi %scan3A_84, %scan3A_437 : i32
      %jit3A_439 = arith.constant 8 : i32
      %div3A_440 = arith.divsi %scan3A_438, %jit3A_439 : i32
      %sign3A_441 = arith.constant 0 : i32
      %sign3A_442 = arith.cmpi sgt, %scan3A_438, %sign3A_441 : i32
      %sign3A_443 = arith.extui %sign3A_442 : i1 to i32
      %sign3A_444 = arith.constant 0 : i32
      %sign3A_445 = arith.cmpi slt, %scan3A_438, %sign3A_444 : i32
      %sign3A_446 = arith.extui %sign3A_445 : i1 to i32
      %sign3A_447 = arith.subi %sign3A_443, %sign3A_446 : i32
      %sign3A_448 = arith.constant 0 : i32
      %sign3A_449 = arith.cmpi sgt, %jit3A_439, %sign3A_448 : i32
      %sign3A_450 = arith.extui %sign3A_449 : i1 to i32
      %sign3A_451 = arith.constant 0 : i32
      %sign3A_452 = arith.cmpi slt, %jit3A_439, %sign3A_451 : i32
      %sign3A_453 = arith.extui %sign3A_452 : i1 to i32
      %sign3A_454 = arith.subi %sign3A_450, %sign3A_453 : i32
      %ne3A_455 = arith.cmpi ne, %sign3A_447, %sign3A_454 : i32
      %rem3A_456 = arith.remsi %scan3A_438, %jit3A_439 : i32
      %ne3A_457 = arith.constant 0 : i32
      %ne3A_458 = arith.cmpi ne, %rem3A_456, %ne3A_457 : i32
      %and3A_459 = arith.andi %ne3A_455, %ne3A_458 : i1
      %sub3A_460 = arith.constant 1 : i32
      %sub3A_461 = arith.subi %div3A_440, %sub3A_460 : i32
      %select_n3A_462 = arith.select %and3A_459, %sub3A_461, %div3A_440 : i32
      %jit3A_463 = arith.constant 8 : i32
      %eq3A_464 = arith.constant 0 : i32
      %eq3A_465 = arith.cmpi eq, %jit3A_463, %eq3A_464 : i32
      %jit3A_466 = arith.constant 1 : i32
      %select_n3A_467 = arith.select %eq3A_465, %jit3A_466, %jit3A_463 : i32
      %rem3A_468 = arith.remsi %scan3A_438, %select_n3A_467 : i32
      %ne3A_469 = arith.constant 0 : i32
      %ne3A_470 = arith.cmpi ne, %rem3A_468, %ne3A_469 : i32
      %lt3A_471 = arith.constant 0 : i32
      %lt3A_472 = arith.cmpi slt, %rem3A_468, %lt3A_471 : i32
      %lt3A_473 = arith.constant 0 : i32
      %lt3A_474 = arith.cmpi slt, %select_n3A_467, %lt3A_473 : i32
      %ne3A_475 = arith.xori %lt3A_472, %lt3A_474 : i1
      %and3A_476 = arith.andi %ne3A_475, %ne3A_470 : i1
      %add3A_477 = arith.addi %rem3A_468, %select_n3A_467 : i32
      %select_n3A_478 = arith.select %and3A_476, %add3A_477, %rem3A_468 : i32
      %mul3A_479 = arith.constant 16 : i32
      %mul3A_480 = arith.muli %select_n3A_478, %mul3A_479 : i32
      %broadcast_in_dim3A_481 = arith.constant 0.000000e+00 : f32
      %broadcast_in_dim3A_482 = vector.broadcast %broadcast_in_dim3A_481 : f32 to vector<16xf32>
      %swap3A_483 = arith.index_cast %select_n3A_462 : i32 to index
      %swap3A_484 = arith.index_cast %mul3A_480 : i32 to index
      %swap3A_485 = tpu.vector_load %arg10[%swap3A_483, %swap3A_484] {strides = array<i32>} : memref<128x128xf32, #tpu.memory_space<vmem>>, vector<1x16xf32>,
      %swap3A_486 = vector.shape_cast %swap3A_485 : vector<1x16xf32> to vector<16xf32>
      %swap3A_487 = vector.shape_cast %broadcast_in_dim3A_482 : vector<16xf32> to vector<1x16xf32>
      tpu.vector_store %arg10[%swap3A_483, %swap3A_484], %swap3A_487 {strides = array<i32>} : memref<128x128xf32, #tpu.memory_space<vmem>>, vector<1x16xf32>,
      %scan3A_488 = arith.constant 0 : i32
      scf.yield %scan3A_488 : i32
    }
    %scan3A_6 = arith.constant 1024 : i32
    %mul3A_7 = arith.constant 632 : i32
    %mul3A_8 = arith.muli %arg1, %mul3A_7 : i32
    %add3A_9 = arith.constant 0 : i32
    %add3A_10 = arith.addi %mul3A_8, %add3A_9 : i32
    "tpu.region"() ({
      %run_scoped3A = tpu.sem_alloc : memref<!tpu.dma_semaphore, #tpu.memory_space<semaphore_mem>>
      %dma_start3A_84 = arith.constant 0 : i32
      %dma_start3A_85 = tpu.memref_slice %arg14[%add3A_10, %dma_start3A_84] : memref<10112x128xf32, #tpu.memory_space<vmem_shared>> -> memref<128x128xf32, #tpu.memory_space<vmem_shared>>
      %dma_start3A_86 = arith.constant 0 : i32
      %dma_start3A_87 = tpu.memref_slice %arg14[%add3A_10, %dma_start3A_86] : memref<10112x128xf32, #tpu.memory_space<vmem_shared>> -> memref<128x128xf32, #tpu.memory_space<vmem_shared>>
      tpu.enqueue_dma source(%arg10 : memref<128x128xf32, #tpu.memory_space<vmem>>) target(%dma_start3A_87 : memref<128x128xf32, #tpu.memory_space<vmem_shared>>) target_semaphore(%run_scoped3A : memref<!tpu.dma_semaphore, #tpu.memory_space<semaphore_mem>>)
      %dma_wait3A_88 = arith.constant 0 : i32
      %dma_wait3A_89 = tpu.memref_slice %arg14[%add3A_10, %dma_wait3A_88] : memref<10112x128xf32, #tpu.memory_space<vmem_shared>> -> memref<128x128xf32, #tpu.memory_space<vmem_shared>>
      %dma_wait3A_90 = arith.constant 0 : i32
      %dma_wait3A_91 = tpu.memref_slice %arg14[%add3A_10, %dma_wait3A_90] : memref<10112x128xf32, #tpu.memory_space<vmem_shared>> -> memref<128x128xf32, #tpu.memory_space<vmem_shared>>
      tpu.wait_dma2 semaphore(%run_scoped3A : memref<!tpu.dma_semaphore, #tpu.memory_space<semaphore_mem>>) src(%arg10 : memref<128x128xf32, #tpu.memory_space<vmem>>) dst(%dma_wait3A_91 : memref<128x128xf32, #tpu.memory_space<vmem_shared>>)
      tpu.yield
    }) : () -> ()
    %add3A_11 = arith.constant 128 : i32
    %add3A_12 = arith.addi %mul3A_8, %add3A_11 : i32
    "tpu.region"() ({
      %run_scoped3A = tpu.sem_alloc : memref<!tpu.dma_semaphore, #tpu.memory_space<semaphore_mem>>
      %dma_start3A_84 = arith.constant 0 : i32
      %dma_start3A_85 = tpu.memref_slice %arg14[%add3A_12, %dma_start3A_84] : memref<10112x128xf32, #tpu.memory_space<vmem_shared>> -> memref<128x128xf32, #tpu.memory_space<vmem_shared>>
      %dma_start3A_86 = arith.constant 0 : i32
      %dma_start3A_87 = tpu.memref_slice %arg14[%add3A_12, %dma_start3A_86] : memref<10112x128xf32, #tpu.memory_space<vmem_shared>> -> memref<128x128xf32, #tpu.memory_space<vmem_shared>>
      tpu.enqueue_dma source(%arg10 : memref<128x128xf32, #tpu.memory_space<vmem>>) target(%dma_start3A_87 : memref<128x128xf32, #tpu.memory_space<vmem_shared>>) target_semaphore(%run_scoped3A : memref<!tpu.dma_semaphore, #tpu.memory_space<semaphore_mem>>)
      %dma_wait3A_88 = arith.constant 0 : i32
      %dma_wait3A_89 = tpu.memref_slice %arg14[%add3A_12, %dma_wait3A_88] : memref<10112x128xf32, #tpu.memory_space<vmem_shared>> -> memref<128x128xf32, #tpu.memory_space<vmem_shared>>
      %dma_wait3A_90 = arith.constant 0 : i32
      %dma_wait3A_91 = tpu.memref_slice %arg14[%add3A_12, %dma_wait3A_90] : memref<10112x128xf32, #tpu.memory_space<vmem_shared>> -> memref<128x128xf32, #tpu.memory_space<vmem_shared>>
      tpu.wait_dma2 semaphore(%run_scoped3A : memref<!tpu.dma_semaphore, #tpu.memory_space<semaphore_mem>>) src(%arg10 : memref<128x128xf32, #tpu.memory_space<vmem>>) dst(%dma_wait3A_91 : memref<128x128xf32, #tpu.memory_space<vmem_shared>>)
      tpu.yield
    }) : () -> ()
    %add3A_13 = arith.constant 256 : i32
    %add3A_14 = arith.addi %mul3A_8, %add3A_13 : i32
    "tpu.region"() ({
      %run_scoped3A = tpu.sem_alloc : memref<!tpu.dma_semaphore, #tpu.memory_space<semaphore_mem>>
      %dma_start3A_84 = arith.constant 0 : i32
      %dma_start3A_85 = tpu.memref_slice %arg14[%add3A_14, %dma_start3A_84] : memref<10112x128xf32, #tpu.memory_space<vmem_shared>> -> memref<128x128xf32, #tpu.memory_space<vmem_shared>>
      %dma_start3A_86 = arith.constant 0 : i32
      %dma_start3A_87 = tpu.memref_slice %arg14[%add3A_14, %dma_start3A_86] : memref<10112x128xf32, #tpu.memory_space<vmem_shared>> -> memref<128x128xf32, #tpu.memory_space<vmem_shared>>
      tpu.enqueue_dma source(%arg10 : memref<128x128xf32, #tpu.memory_space<vmem>>) target(%dma_start3A_87 : memref<128x128xf32, #tpu.memory_space<vmem_shared>>) target_semaphore(%run_scoped3A : memref<!tpu.dma_semaphore, #tpu.memory_space<semaphore_mem>>)
      %dma_wait3A_88 = arith.constant 0 : i32
      %dma_wait3A_89 = tpu.memref_slice %arg14[%add3A_14, %dma_wait3A_88] : memref<10112x128xf32, #tpu.memory_space<vmem_shared>> -> memref<128x128xf32, #tpu.memory_space<vmem_shared>>
      %dma_wait3A_90 = arith.constant 0 : i32
      %dma_wait3A_91 = tpu.memref_slice %arg14[%add3A_14, %dma_wait3A_90] : memref<10112x128xf32, #tpu.memory_space<vmem_shared>> -> memref<128x128xf32, #tpu.memory_space<vmem_shared>>
      tpu.wait_dma2 semaphore(%run_scoped3A : memref<!tpu.dma_semaphore, #tpu.memory_space<semaphore_mem>>) src(%arg10 : memref<128x128xf32, #tpu.memory_space<vmem>>) dst(%dma_wait3A_91 : memref<128x128xf32, #tpu.memory_space<vmem_shared>>)
      tpu.yield
    }) : () -> ()
    %add3A_15 = arith.constant 384 : i32
    %add3A_16 = arith.addi %mul3A_8, %add3A_15 : i32
    "tpu.region"() ({
      %run_scoped3A = tpu.sem_alloc : memref<!tpu.dma_semaphore, #tpu.memory_space<semaphore_mem>>
      %dma_start3A_84 = arith.constant 0 : i32
      %dma_start3A_85 = tpu.memref_slice %arg14[%add3A_16, %dma_start3A_84] : memref<10112x128xf32, #tpu.memory_space<vmem_shared>> -> memref<128x128xf32, #tpu.memory_space<vmem_shared>>
      %dma_start3A_86 = arith.constant 0 : i32
      %dma_start3A_87 = tpu.memref_slice %arg14[%add3A_16, %dma_start3A_86] : memref<10112x128xf32, #tpu.memory_space<vmem_shared>> -> memref<128x128xf32, #tpu.memory_space<vmem_shared>>
      tpu.enqueue_dma source(%arg10 : memref<128x128xf32, #tpu.memory_space<vmem>>) target(%dma_start3A_87 : memref<128x128xf32, #tpu.memory_space<vmem_shared>>) target_semaphore(%run_scoped3A : memref<!tpu.dma_semaphore, #tpu.memory_space<semaphore_mem>>)
      %dma_wait3A_88 = arith.constant 0 : i32
      %dma_wait3A_89 = tpu.memref_slice %arg14[%add3A_16, %dma_wait3A_88] : memref<10112x128xf32, #tpu.memory_space<vmem_shared>> -> memref<128x128xf32, #tpu.memory_space<vmem_shared>>
      %dma_wait3A_90 = arith.constant 0 : i32
      %dma_wait3A_91 = tpu.memref_slice %arg14[%add3A_16, %dma_wait3A_90] : memref<10112x128xf32, #tpu.memory_space<vmem_shared>> -> memref<128x128xf32, #tpu.memory_space<vmem_shared>>
      tpu.wait_dma2 semaphore(%run_scoped3A : memref<!tpu.dma_semaphore, #tpu.memory_space<semaphore_mem>>) src(%arg10 : memref<128x128xf32, #tpu.memory_space<vmem>>) dst(%dma_wait3A_91 : memref<128x128xf32, #tpu.memory_space<vmem_shared>>)
      tpu.yield
    }) : () -> ()
    %add3A_17 = arith.constant 512 : i32
    %add3A_18 = arith.addi %mul3A_8, %add3A_17 : i32
    "tpu.region"() ({
      %run_scoped3A = tpu.sem_alloc : memref<!tpu.dma_semaphore, #tpu.memory_space<semaphore_mem>>
      %dma_start3A_84 = arith.constant 0 : i32
      %dma_start3A_85 = arith.constant 0 : i32
      %dma_start3A_86 = tpu.memref_slice %arg10[%dma_start3A_84, %dma_start3A_85] : memref<128x128xf32, #tpu.memory_space<vmem>> -> memref<120x128xf32, #tpu.memory_space<vmem>>
      %dma_start3A_87 = arith.constant 0 : i32
      %dma_start3A_88 = tpu.memref_slice %arg14[%add3A_18, %dma_start3A_87] : memref<10112x128xf32, #tpu.memory_space<vmem_shared>> -> memref<120x128xf32, #tpu.memory_space<vmem_shared>>
      %dma_start3A_89 = arith.constant 0 : i32
      %dma_start3A_90 = tpu.memref_slice %arg14[%add3A_18, %dma_start3A_89] : memref<10112x128xf32, #tpu.memory_space<vmem_shared>> -> memref<120x128xf32, #tpu.memory_space<vmem_shared>>
      %dma_start3A_91 = arith.constant 0 : i32
      %dma_start3A_92 = arith.constant 0 : i32
      %dma_start3A_93 = tpu.memref_slice %arg10[%dma_start3A_91, %dma_start3A_92] : memref<128x128xf32, #tpu.memory_space<vmem>> -> memref<120x128xf32, #tpu.memory_space<vmem>>
      tpu.enqueue_dma source(%dma_start3A_93 : memref<120x128xf32, #tpu.memory_space<vmem>>) target(%dma_start3A_90 : memref<120x128xf32, #tpu.memory_space<vmem_shared>>) target_semaphore(%run_scoped3A : memref<!tpu.dma_semaphore, #tpu.memory_space<semaphore_mem>>)
      %dma_wait3A_94 = arith.constant 0 : i32
      %dma_wait3A_95 = arith.constant 0 : i32
      %dma_wait3A_96 = tpu.memref_slice %arg10[%dma_wait3A_94, %dma_wait3A_95] : memref<128x128xf32, #tpu.memory_space<vmem>> -> memref<120x128xf32, #tpu.memory_space<vmem>>
      %dma_wait3A_97 = arith.constant 0 : i32
      %dma_wait3A_98 = tpu.memref_slice %arg14[%add3A_18, %dma_wait3A_97] : memref<10112x128xf32, #tpu.memory_space<vmem_shared>> -> memref<120x128xf32, #tpu.memory_space<vmem_shared>>
      %dma_wait3A_99 = arith.constant 0 : i32
      %dma_wait3A_100 = tpu.memref_slice %arg14[%add3A_18, %dma_wait3A_99] : memref<10112x128xf32, #tpu.memory_space<vmem_shared>> -> memref<120x128xf32, #tpu.memory_space<vmem_shared>>
      %dma_wait3A_101 = arith.constant 0 : i32
      %dma_wait3A_102 = arith.constant 0 : i32
      %dma_wait3A_103 = tpu.memref_slice %arg10[%dma_wait3A_101, %dma_wait3A_102] : memref<128x128xf32, #tpu.memory_space<vmem>> -> memref<120x128xf32, #tpu.memory_space<vmem>>
      tpu.wait_dma2 semaphore(%run_scoped3A : memref<!tpu.dma_semaphore, #tpu.memory_space<semaphore_mem>>) src(%dma_wait3A_103 : memref<120x128xf32, #tpu.memory_space<vmem>>) dst(%dma_wait3A_100 : memref<120x128xf32, #tpu.memory_space<vmem_shared>>)
      tpu.yield
    }) : () -> ()
    %barrier3A = arith.constant 0 : index
    tpu.barrier barrier_id(%barrier3A)
    %add3A_19 = arith.constant 0 : i32
    %add3A_20 = arith.addi %add3A, %add3A_19 : i32
    %mul3A_21 = arith.constant 128 : i32
    %mul3A_22 = arith.muli %add3A_20, %mul3A_21 : i32
    %dma_start3A = arith.constant 0 : i32
    %dma_start3A_23 = tpu.memref_slice %arg2[%dma_start3A, %mul3A_22] : memref<2x320000xi32, #tpu.memory_space<hbm>> -> memref<1x128xi32, #tpu.memory_space<hbm>>
    %dma_start3A_24 = tpu.memref_squeeze %dma_start3A_23 : memref<1x128xi32, #tpu.memory_space<hbm>> -> memref<128xi32, #tpu.memory_space<hbm>>
    %dma_start3A_25 = tpu.memref_slice %arg2[%dma_start3A, %mul3A_22] : memref<2x320000xi32, #tpu.memory_space<hbm>> -> memref<1x128xi32, #tpu.memory_space<hbm>>
    %dma_start3A_26 = tpu.memref_squeeze %dma_start3A_25 : memref<1x128xi32, #tpu.memory_space<hbm>> -> memref<128xi32, #tpu.memory_space<hbm>>
    tpu.enqueue_dma source(%dma_start3A_26 : memref<128xi32, #tpu.memory_space<hbm>>) target(%arg6 : memref<128xi32, #tpu.memory_space<vmem>>) target_semaphore(%arg15 : memref<!tpu.dma_semaphore, #tpu.memory_space<semaphore_mem>>)
    %add3A_27 = arith.constant 32 : i32
    %add3A_28 = arith.addi %add3A, %add3A_27 : i32
    %mul3A_29 = arith.constant 128 : i32
    %mul3A_30 = arith.muli %add3A_28, %mul3A_29 : i32
    %dma_start3A_31 = arith.constant 0 : i32
    %dma_start3A_32 = tpu.memref_slice %arg2[%dma_start3A_31, %mul3A_30] : memref<2x320000xi32, #tpu.memory_space<hbm>> -> memref<1x128xi32, #tpu.memory_space<hbm>>
    %dma_start3A_33 = tpu.memref_squeeze %dma_start3A_32 : memref<1x128xi32, #tpu.memory_space<hbm>> -> memref<128xi32, #tpu.memory_space<hbm>>
    %dma_start3A_34 = tpu.memref_slice %arg2[%dma_start3A_31, %mul3A_30] : memref<2x320000xi32, #tpu.memory_space<hbm>> -> memref<1x128xi32, #tpu.memory_space<hbm>>
    %dma_start3A_35 = tpu.memref_squeeze %dma_start3A_34 : memref<1x128xi32, #tpu.memory_space<hbm>> -> memref<128xi32, #tpu.memory_space<hbm>>
    tpu.enqueue_dma source(%dma_start3A_35 : memref<128xi32, #tpu.memory_space<hbm>>) target(%arg7 : memref<128xi32, #tpu.memory_space<vmem>>) target_semaphore(%arg16 : memref<!tpu.dma_semaphore, #tpu.memory_space<semaphore_mem>>)
    %add3A_36 = arith.constant 0 : i32
    %add3A_37 = arith.addi %add3A, %add3A_36 : i32
    %mul3A_38 = arith.constant 128 : i32
    %mul3A_39 = arith.muli %add3A_37, %mul3A_38 : i32
    %dma_start3A_40 = arith.constant 1 : i32
    %dma_start3A_41 = tpu.memref_slice %arg2[%dma_start3A_40, %mul3A_39] : memref<2x320000xi32, #tpu.memory_space<hbm>> -> memref<1x128xi32, #tpu.memory_space<hbm>>
    %dma_start3A_42 = tpu.memref_squeeze %dma_start3A_41 : memref<1x128xi32, #tpu.memory_space<hbm>> -> memref<128xi32, #tpu.memory_space<hbm>>
    %dma_start3A_43 = tpu.memref_slice %arg2[%dma_start3A_40, %mul3A_39] : memref<2x320000xi32, #tpu.memory_space<hbm>> -> memref<1x128xi32, #tpu.memory_space<hbm>>
    %dma_start3A_44 = tpu.memref_squeeze %dma_start3A_43 : memref<1x128xi32, #tpu.memory_space<hbm>> -> memref<128xi32, #tpu.memory_space<hbm>>
    tpu.enqueue_dma source(%dma_start3A_44 : memref<128xi32, #tpu.memory_space<hbm>>) target(%arg8 : memref<128xi32, #tpu.memory_space<vmem>>) target_semaphore(%arg17 : memref<!tpu.dma_semaphore, #tpu.memory_space<semaphore_mem>>)
    %add3A_45 = arith.constant 0 : i32
    %add3A_46 = arith.addi %add3A, %add3A_45 : i32
    %mul3A_47 = arith.constant 128 : i32
    %mul3A_48 = arith.muli %add3A_46, %mul3A_47 : i32
    %dma_wait3A = arith.constant 0 : i32
    %dma_wait3A_49 = tpu.memref_slice %arg2[%dma_wait3A, %mul3A_48] : memref<2x320000xi32, #tpu.memory_space<hbm>> -> memref<1x128xi32, #tpu.memory_space<hbm>>
    %dma_wait3A_50 = tpu.memref_squeeze %dma_wait3A_49 : memref<1x128xi32, #tpu.memory_space<hbm>> -> memref<128xi32, #tpu.memory_space<hbm>>
    %dma_wait3A_51 = tpu.memref_slice %arg2[%dma_wait3A, %mul3A_48] : memref<2x320000xi32, #tpu.memory_space<hbm>> -> memref<1x128xi32, #tpu.memory_space<hbm>>
    %dma_wait3A_52 = tpu.memref_squeeze %dma_wait3A_51 : memref<1x128xi32, #tpu.memory_space<hbm>> -> memref<128xi32, #tpu.memory_space<hbm>>
    tpu.wait_dma2 semaphore(%arg15 : memref<!tpu.dma_semaphore, #tpu.memory_space<semaphore_mem>>) src(%dma_wait3A_52 : memref<128xi32, #tpu.memory_space<hbm>>) dst(%arg6 : memref<128xi32, #tpu.memory_space<vmem>>)
    %dma_start3A_53 = arith.constant 0 : i32
    %dma_start3A_54 = arith.constant 0 : i32
    %dma_start3A_55 = tpu.memref_slice %arg3[%dma_start3A_53, %dma_start3A_54] : memref<10000x128xf32, #tpu.memory_space<hbm>> -> memref<10000x128xf32, #tpu.memory_space<hbm>>
    tpu.enqueue_indirect_dma source(%dma_start3A_55 : memref<10000x128xf32, #tpu.memory_space<hbm>>) target(%arg10 : memref<128x128xf32, #tpu.memory_space<vmem>>) offsets(%arg6 : memref<128xi32, #tpu.memory_space<vmem>>) semaphore(%arg19 : memref<!tpu.dma_semaphore, #tpu.memory_space<semaphore_mem>>)
    %add3A_56 = arith.constant 0 : i32
    %add3A_57 = arith.addi %add3A, %add3A_56 : i32
    %mul3A_58 = arith.constant 64 : i32
    %mul3A_59 = arith.muli %add3A_57, %mul3A_58 : i32
    %dma_start3A_60 = arith.constant 0 : i32
    %dma_start3A_61 = tpu.memref_slice %arg4[%mul3A_59, %dma_start3A_60] : memref<160000x128xi32, #tpu.memory_space<hbm>> -> memref<64x128xi32, #tpu.memory_space<hbm>>
    %dma_start3A_62 = arith.constant 0 : i32
    %dma_start3A_63 = tpu.memref_slice %arg4[%mul3A_59, %dma_start3A_62] : memref<160000x128xi32, #tpu.memory_space<hbm>> -> memref<64x128xi32, #tpu.memory_space<hbm>>
    tpu.enqueue_dma source(%dma_start3A_63 : memref<64x128xi32, #tpu.memory_space<hbm>>) target(%arg12 : memref<64x128xi32, #tpu.memory_space<vmem>>) target_semaphore(%arg21 : memref<!tpu.dma_semaphore, #tpu.memory_space<semaphore_mem>>)
    %scan3A_64 = arith.constant 0 : i32
    %scan3A_65 = arith.constant 0 : i32
    %scan3A_66 = arith.constant 39 : i32
    %scan3A_67 = arith.addi %scan3A_65, %scan3A_66 : i32
    %scan3A_68 = arith.constant 1 : i32
    %scan3A_69 = scf.for %scan3A_84 = %scan3A_65 to %scan3A_67 step %scan3A_68 iter_args(%scan3A_85 = %scan3A_64) -> (i32)  : i32 {
      %mul3A_86 = arith.constant 2 : i32
      %mul3A_87 = arith.muli %mul3A_86, %scan3A_84 : i32
      %add3A_88 = arith.constant 1 : i32
      %add3A_89 = arith.addi %mul3A_87, %add3A_88 : i32
      %lt3A_90 = arith.constant 78 : i32
      %lt3A_91 = arith.cmpi slt, %add3A_89, %lt3A_90 : i32
      %convert_element_type3A_92 = arith.extui %lt3A_91 : i1 to i32
      %cond3A_93 = arith.constant 0 : i32
      %cond3A_94 = arith.cmpi ne, %convert_element_type3A_92, %cond3A_93 : i32
      scf.if %cond3A_94 {
        %add3A_177 = arith.constant 1 : i32
        %add3A_178 = arith.addi %mul3A_87, %add3A_177 : i32
        %mul3A_179 = arith.constant 32 : i32
        %mul3A_180 = arith.muli %mul3A_179, %add3A_178 : i32
        %add3A_181 = arith.addi %add3A, %mul3A_180 : i32
        %mul3A_182 = arith.constant 128 : i32
        %mul3A_183 = arith.muli %add3A_181, %mul3A_182 : i32
        %dma_wait3A_184 = arith.constant 0 : i32
        %dma_wait3A_185 = tpu.memref_slice %arg2[%dma_wait3A_184, %mul3A_183] : memref<2x320000xi32, #tpu.memory_space<hbm>> -> memref<1x128xi32, #tpu.memory_space<hbm>>
        %dma_wait3A_186 = tpu.memref_squeeze %dma_wait3A_185 : memref<1x128xi32, #tpu.memory_space<hbm>> -> memref<128xi32, #tpu.memory_space<hbm>>
        %dma_wait3A_187 = tpu.memref_slice %arg2[%dma_wait3A_184, %mul3A_183] : memref<2x320000xi32, #tpu.memory_space<hbm>> -> memref<1x128xi32, #tpu.memory_space<hbm>>
        %dma_wait3A_188 = tpu.memref_squeeze %dma_wait3A_187 : memref<1x128xi32, #tpu.memory_space<hbm>> -> memref<128xi32, #tpu.memory_space<hbm>>
        tpu.wait_dma2 semaphore(%arg16 : memref<!tpu.dma_semaphore, #tpu.memory_space<semaphore_mem>>) src(%dma_wait3A_188 : memref<128xi32, #tpu.memory_space<hbm>>) dst(%arg7 : memref<128xi32, #tpu.memory_space<vmem>>)
        %ge3A = arith.constant 1 : i32
        %ge3A_189 = arith.cmpi sge, %mul3A_87, %ge3A : i32
        %convert_element_type3A_190 = arith.extui %ge3A_189 : i1 to i32
        %cond3A_191 = arith.constant 0 : i32
        %cond3A_192 = arith.cmpi ne, %convert_element_type3A_190, %cond3A_191 : i32
        scf.if %cond3A_192 {
          %dma_wait3A_219 = arith.constant 0 : i32
          %dma_wait3A_220 = arith.constant 0 : i32
          %dma_wait3A_221 = tpu.memref_slice %arg14[%dma_wait3A_219, %dma_wait3A_220] : memref<10112x128xf32, #tpu.memory_space<vmem_shared>> -> memref<10112x128xf32, #tpu.memory_space<vmem_shared>>
          tpu.wait_indirect_dma semaphore(%arg24 : memref<!tpu.dma_semaphore, #tpu.memory_space<semaphore_mem>>) src(%arg11 : memref<128x128xf32, #tpu.memory_space<vmem>>) dst(%dma_wait3A_221 : memref<10112x128xf32, #tpu.memory_space<vmem_shared>>)
        } else {
        }
        %add3A_193 = arith.constant 1 : i32
        %add3A_194 = arith.addi %mul3A_87, %add3A_193 : i32
        %mul3A_195 = arith.constant 32 : i32
        %mul3A_196 = arith.muli %mul3A_195, %add3A_194 : i32
        %add3A_197 = arith.addi %add3A, %mul3A_196 : i32
        %mul3A_198 = arith.constant 128 : i32
        %mul3A_199 = arith.muli %add3A_197, %mul3A_198 : i32
        %dma_start3A_200 = arith.constant 1 : i32
        %dma_start3A_201 = tpu.memref_slice %arg2[%dma_start3A_200, %mul3A_199] : memref<2x320000xi32, #tpu.memory_space<hbm>> -> memref<1x128xi32, #tpu.memory_space<hbm>>
        %dma_start3A_202 = tpu.memref_squeeze %dma_start3A_201 : memref<1x128xi32, #tpu.memory_space<hbm>> -> memref<128xi32, #tpu.memory_space<hbm>>
        %dma_start3A_203 = tpu.memref_slice %arg2[%dma_start3A_200, %mul3A_199] : memref<2x320000xi32, #tpu.memory_space<hbm>> -> memref<1x128xi32, #tpu.memory_space<hbm>>
        %dma_start3A_204 = tpu.memref_squeeze %dma_start3A_203 : memref<1x128xi32, #tpu.memory_space<hbm>> -> memref<128xi32, #tpu.memory_space<hbm>>
        tpu.enqueue_dma source(%dma_start3A_204 : memref<128xi32, #tpu.memory_space<hbm>>) target(%arg9 : memref<128xi32, #tpu.memory_space<vmem>>) target_semaphore(%arg18 : memref<!tpu.dma_semaphore, #tpu.memory_space<semaphore_mem>>)
        %add3A_205 = arith.constant 1 : i32
        %add3A_206 = arith.addi %mul3A_87, %add3A_205 : i32
        %dma_start3A_207 = arith.constant 0 : i32
        %dma_start3A_208 = arith.constant 0 : i32
        %dma_start3A_209 = tpu.memref_slice %arg3[%dma_start3A_207, %dma_start3A_208] : memref<10000x128xf32, #tpu.memory_space<hbm>> -> memref<10000x128xf32, #tpu.memory_space<hbm>>
        tpu.enqueue_indirect_dma source(%dma_start3A_209 : memref<10000x128xf32, #tpu.memory_space<hbm>>) target(%arg11 : memref<128x128xf32, #tpu.memory_space<vmem>>) offsets(%arg7 : memref<128xi32, #tpu.memory_space<vmem>>) semaphore(%arg20 : memref<!tpu.dma_semaphore, #tpu.memory_space<semaphore_mem>>)
        %mul3A_210 = arith.constant 32 : i32
        %mul3A_211 = arith.muli %mul3A_210, %add3A_206 : i32
        %add3A_212 = arith.addi %add3A, %mul3A_211 : i32
        %mul3A_213 = arith.constant 64 : i32
        %mul3A_214 = arith.muli %add3A_212, %mul3A_213 : i32
        %dma_start3A_215 = arith.constant 0 : i32
        %dma_start3A_216 = tpu.memref_slice %arg4[%mul3A_214, %dma_start3A_215] : memref<160000x128xi32, #tpu.memory_space<hbm>> -> memref<64x128xi32, #tpu.memory_space<hbm>>
        %dma_start3A_217 = arith.constant 0 : i32
        %dma_start3A_218 = tpu.memref_slice %arg4[%mul3A_214, %dma_start3A_217] : memref<160000x128xi32, #tpu.memory_space<hbm>> -> memref<64x128xi32, #tpu.memory_space<hbm>>
        tpu.enqueue_dma source(%dma_start3A_218 : memref<64x128xi32, #tpu.memory_space<hbm>>) target(%arg13 : memref<64x128xi32, #tpu.memory_space<vmem>>) target_semaphore(%arg22 : memref<!tpu.dma_semaphore, #tpu.memory_space<semaphore_mem>>)
      } else {
      }
      %dma_wait3A_95 = arith.constant 0 : i32
      %dma_wait3A_96 = arith.constant 0 : i32
      %dma_wait3A_97 = tpu.memref_slice %arg3[%dma_wait3A_95, %dma_wait3A_96] : memref<10000x128xf32, #tpu.memory_space<hbm>> -> memref<10000x128xf32, #tpu.memory_space<hbm>>
      tpu.wait_indirect_dma semaphore(%arg19 : memref<!tpu.dma_semaphore, #tpu.memory_space<semaphore_mem>>) src(%dma_wait3A_97 : memref<10000x128xf32, #tpu.memory_space<hbm>>) dst(%arg10 : memref<128x128xf32, #tpu.memory_space<vmem>>)
      %mul3A_98 = arith.constant 32 : i32
      %mul3A_99 = arith.muli %mul3A_98, %mul3A_87 : i32
      %add3A_100 = arith.addi %add3A, %mul3A_99 : i32
      %mul3A_101 = arith.constant 64 : i32
      %mul3A_102 = arith.muli %add3A_100, %mul3A_101 : i32
      %dma_wait3A_103 = arith.constant 0 : i32
      %dma_wait3A_104 = tpu.memref_slice %arg4[%mul3A_102, %dma_wait3A_103] : memref<160000x128xi32, #tpu.memory_space<hbm>> -> memref<64x128xi32, #tpu.memory_space<hbm>>
      %dma_wait3A_105 = arith.constant 0 : i32
      %dma_wait3A_106 = tpu.memref_slice %arg4[%mul3A_102, %dma_wait3A_105] : memref<160000x128xi32, #tpu.memory_space<hbm>> -> memref<64x128xi32, #tpu.memory_space<hbm>>
      tpu.wait_dma2 semaphore(%arg21 : memref<!tpu.dma_semaphore, #tpu.memory_space<semaphore_mem>>) src(%dma_wait3A_106 : memref<64x128xi32, #tpu.memory_space<hbm>>) dst(%arg12 : memref<64x128xi32, #tpu.memory_space<vmem>>)
      %add3A_107 = arith.constant 2 : i32
      %add3A_108 = arith.addi %mul3A_87, %add3A_107 : i32
      %lt3A_109 = arith.constant 78 : i32
      %lt3A_110 = arith.cmpi slt, %add3A_108, %lt3A_109 : i32
      %convert_element_type3A_111 = arith.extui %lt3A_110 : i1 to i32
      %cond3A_112 = arith.constant 0 : i32
      %cond3A_113 = arith.cmpi ne, %convert_element_type3A_111, %cond3A_112 : i32
      scf.if %cond3A_113 {
        %add3A_177 = arith.constant 2 : i32
        %add3A_178 = arith.addi %mul3A_87, %add3A_177 : i32
        %mul3A_179 = arith.constant 32 : i32
        %mul3A_180 = arith.muli %mul3A_179, %add3A_178 : i32
        %add3A_181 = arith.addi %add3A, %mul3A_180 : i32
        %mul3A_182 = arith.constant 128 : i32
        %mul3A_183 = arith.muli %add3A_181, %mul3A_182 : i32
        %dma_start3A_184 = arith.constant 0 : i32
        %dma_start3A_185 = tpu.memref_slice %arg2[%dma_start3A_184, %mul3A_183] : memref<2x320000xi32, #tpu.memory_space<hbm>> -> memref<1x128xi32, #tpu.memory_space<hbm>>
        %dma_start3A_186 = tpu.memref_squeeze %dma_start3A_185 : memref<1x128xi32, #tpu.memory_space<hbm>> -> memref<128xi32, #tpu.memory_space<hbm>>
        %dma_start3A_187 = tpu.memref_slice %arg2[%dma_start3A_184, %mul3A_183] : memref<2x320000xi32, #tpu.memory_space<hbm>> -> memref<1x128xi32, #tpu.memory_space<hbm>>
        %dma_start3A_188 = tpu.memref_squeeze %dma_start3A_187 : memref<1x128xi32, #tpu.memory_space<hbm>> -> memref<128xi32, #tpu.memory_space<hbm>>
        tpu.enqueue_dma source(%dma_start3A_188 : memref<128xi32, #tpu.memory_space<hbm>>) target(%arg6 : memref<128xi32, #tpu.memory_space<vmem>>) target_semaphore(%arg15 : memref<!tpu.dma_semaphore, #tpu.memory_space<semaphore_mem>>)
      } else {
      }
      %broadcast_in_dim3A = arith.constant -65536 : i32
      %broadcast_in_dim3A_114 = vector.broadcast %broadcast_in_dim3A : i32 to vector<16xi32>
      %parallel_loop3A = arith.constant 0 : i32
      %parallel_loop3A_115 = arith.constant 64 : i32
      %parallel_loop3A_116 = arith.constant 1 : i32
      scf.for %parallel_loop3A_177 = %parallel_loop3A to %parallel_loop3A_115 step %parallel_loop3A_116  : i32 {
        %parallel_loop3A_178 = arith.constant 2 : i32
        %parallel_loop3A_179 = arith.muli %parallel_loop3A_178, %parallel_loop3A_177 : i32
        %parallel_loop3A_180 = arith.index_cast %parallel_loop3A_177 : i32 to index
        %parallel_loop3A_181 = arith.constant 0 : index
        %parallel_loop3A_182 = tpu.vector_load %arg12[%parallel_loop3A_180, %parallel_loop3A_181] {strides = array<i32>} : memref<64x128xi32, #tpu.memory_space<vmem>>, vector<1x16xi32>,
        %parallel_loop3A_183 = vector.shape_cast %parallel_loop3A_182 : vector<1x16xi32> to vector<16xi32>
        %parallel_loop3A_184 = arith.constant 16 : i32
        %parallel_loop3A_185 = vector.broadcast %parallel_loop3A_184 : i32 to vector<16xi32>
        %parallel_loop3A_186 = arith.shli %parallel_loop3A_183, %parallel_loop3A_185 : vector<16xi32>
        %parallel_loop3A_187 = tpu.bitcast %parallel_loop3A_186 : vector<16xi32> -> vector<16xf32>
        %parallel_loop3A_188 = arith.andi %parallel_loop3A_183, %broadcast_in_dim3A_114 : vector<16xi32>
        %parallel_loop3A_189 = tpu.bitcast %parallel_loop3A_188 : vector<16xi32> -> vector<16xf32>
        %parallel_loop3A_190 = arith.index_cast %parallel_loop3A_179 : i32 to index
        %parallel_loop3A_191 = arith.constant 0 : index
        %parallel_loop3A_192 = tpu.vector_load %arg10[%parallel_loop3A_190, %parallel_loop3A_191] {strides = array<i32>} : memref<128x128xf32, #tpu.memory_space<vmem>>, vector<1x16xf32>,
        %parallel_loop3A_193 = vector.shape_cast %parallel_loop3A_192 : vector<1x16xf32> to vector<16xf32>
        %parallel_loop3A_194 = arith.addf %parallel_loop3A_193, %parallel_loop3A_187 : vector<16xf32>
        %parallel_loop3A_195 = arith.constant 0.000000e+00 : f32
        %parallel_loop3A_196 = vector.broadcast %parallel_loop3A_195 : f32 to vector<16xf32>
        %parallel_loop3A_197 = arith.maximumf %parallel_loop3A_194, %parallel_loop3A_196 : vector<16xf32>
        %parallel_loop3A_198 = arith.index_cast %parallel_loop3A_179 : i32 to index
        %parallel_loop3A_199 = arith.constant 0 : index
        %parallel_loop3A_200 = tpu.vector_load %arg10[%parallel_loop3A_198, %parallel_loop3A_199] {strides = array<i32>} : memref<128x128xf32, #tpu.memory_space<vmem>>, vector<1x16xf32>,
        %parallel_loop3A_201 = vector.shape_cast %parallel_loop3A_200 : vector<1x16xf32> to vector<16xf32>
        %parallel_loop3A_202 = vector.shape_cast %parallel_loop3A_197 : vector<16xf32> to vector<1x16xf32>
        tpu.vector_store %arg10[%parallel_loop3A_198, %parallel_loop3A_199], %parallel_loop3A_202 {strides = array<i32>} : memref<128x128xf32, #tpu.memory_space<vmem>>, vector<1x16xf32>,
        %parallel_loop3A_203 = arith.constant 1 : i32
        %parallel_loop3A_204 = arith.addi %parallel_loop3A_179, %parallel_loop3A_203 : i32
        %parallel_loop3A_205 = arith.index_cast %parallel_loop3A_204 : i32 to index
        %parallel_loop3A_206 = arith.constant 0 : index
        %parallel_loop3A_207 = tpu.vector_load %arg10[%parallel_loop3A_205, %parallel_loop3A_206] {strides = array<i32>} : memref<128x128xf32, #tpu.memory_space<vmem>>, vector<1x16xf32>,
        %parallel_loop3A_208 = vector.shape_cast %parallel_loop3A_207 : vector<1x16xf32> to vector<16xf32>
        %parallel_loop3A_209 = arith.addf %parallel_loop3A_208, %parallel_loop3A_189 : vector<16xf32>
        %parallel_loop3A_210 = arith.constant 0.000000e+00 : f32
        %parallel_loop3A_211 = vector.broadcast %parallel_loop3A_210 : f32 to vector<16xf32>
        %parallel_loop3A_212 = arith.maximumf %parallel_loop3A_209, %parallel_loop3A_211 : vector<16xf32>
        %parallel_loop3A_213 = arith.constant 1 : i32
        %parallel_loop3A_214 = arith.addi %parallel_loop3A_179, %parallel_loop3A_213 : i32
        %parallel_loop3A_215 = arith.index_cast %parallel_loop3A_214 : i32 to index
        %parallel_loop3A_216 = arith.constant 0 : index
        %parallel_loop3A_217 = tpu.vector_load %arg10[%parallel_loop3A_215, %parallel_loop3A_216] {strides = array<i32>} : memref<128x128xf32, #tpu.memory_space<vmem>>, vector<1x16xf32>,
        %parallel_loop3A_218 = vector.shape_cast %parallel_loop3A_217 : vector<1x16xf32> to vector<16xf32>
        %parallel_loop3A_219 = vector.shape_cast %parallel_loop3A_212 : vector<16xf32> to vector<1x16xf32>
        tpu.vector_store %arg10[%parallel_loop3A_215, %parallel_loop3A_216], %parallel_loop3A_219 {strides = array<i32>} : memref<128x128xf32, #tpu.memory_space<vmem>>, vector<1x16xf32>,
        %parallel_loop3A_220 = arith.index_cast %parallel_loop3A_177 : i32 to index
        %parallel_loop3A_221 = arith.constant 16 : index
        %parallel_loop3A_222 = tpu.vector_load %arg12[%parallel_loop3A_220, %parallel_loop3A_221] {strides = array<i32>} : memref<64x128xi32, #tpu.memory_space<vmem>>, vector<1x16xi32>,
        %parallel_loop3A_223 = vector.shape_cast %parallel_loop3A_222 : vector<1x16xi32> to vector<16xi32>
        %parallel_loop3A_224 = arith.constant 16 : i32
        %parallel_loop3A_225 = vector.broadcast %parallel_loop3A_224 : i32 to vector<16xi32>
        %parallel_loop3A_226 = arith.shli %parallel_loop3A_223, %parallel_loop3A_225 : vector<16xi32>
        %parallel_loop3A_227 = tpu.bitcast %parallel_loop3A_226 : vector<16xi32> -> vector<16xf32>
        %parallel_loop3A_228 = arith.andi %parallel_loop3A_223, %broadcast_in_dim3A_114 : vector<16xi32>
        %parallel_loop3A_229 = tpu.bitcast %parallel_loop3A_228 : vector<16xi32> -> vector<16xf32>
        %parallel_loop3A_230 = arith.index_cast %parallel_loop3A_179 : i32 to index
        %parallel_loop3A_231 = arith.constant 16 : index
        %parallel_loop3A_232 = tpu.vector_load %arg10[%parallel_loop3A_230, %parallel_loop3A_231] {strides = array<i32>} : memref<128x128xf32, #tpu.memory_space<vmem>>, vector<1x16xf32>,
        %parallel_loop3A_233 = vector.shape_cast %parallel_loop3A_232 : vector<1x16xf32> to vector<16xf32>
        %parallel_loop3A_234 = arith.addf %parallel_loop3A_233, %parallel_loop3A_227 : vector<16xf32>
        %parallel_loop3A_235 = arith.constant 0.000000e+00 : f32
        %parallel_loop3A_236 = vector.broadcast %parallel_loop3A_235 : f32 to vector<16xf32>
        %parallel_loop3A_237 = arith.maximumf %parallel_loop3A_234, %parallel_loop3A_236 : vector<16xf32>
        %parallel_loop3A_238 = arith.index_cast %parallel_loop3A_179 : i32 to index
        %parallel_loop3A_239 = arith.constant 16 : index
        %parallel_loop3A_240 = tpu.vector_load %arg10[%parallel_loop3A_238, %parallel_loop3A_239] {strides = array<i32>} : memref<128x128xf32, #tpu.memory_space<vmem>>, vector<1x16xf32>,
        %parallel_loop3A_241 = vector.shape_cast %parallel_loop3A_240 : vector<1x16xf32> to vector<16xf32>
        %parallel_loop3A_242 = vector.shape_cast %parallel_loop3A_237 : vector<16xf32> to vector<1x16xf32>
        tpu.vector_store %arg10[%parallel_loop3A_238, %parallel_loop3A_239], %parallel_loop3A_242 {strides = array<i32>} : memref<128x128xf32, #tpu.memory_space<vmem>>, vector<1x16xf32>,
        %parallel_loop3A_243 = arith.constant 1 : i32
        %parallel_loop3A_244 = arith.addi %parallel_loop3A_179, %parallel_loop3A_243 : i32
        %parallel_loop3A_245 = arith.index_cast %parallel_loop3A_244 : i32 to index
        %parallel_loop3A_246 = arith.constant 16 : index
        %parallel_loop3A_247 = tpu.vector_load %arg10[%parallel_loop3A_245, %parallel_loop3A_246] {strides = array<i32>} : memref<128x128xf32, #tpu.memory_space<vmem>>, vector<1x16xf32>,
        %parallel_loop3A_248 = vector.shape_cast %parallel_loop3A_247 : vector<1x16xf32> to vector<16xf32>
        %parallel_loop3A_249 = arith.addf %parallel_loop3A_248, %parallel_loop3A_229 : vector<16xf32>
        %parallel_loop3A_250 = arith.constant 0.000000e+00 : f32
        %parallel_loop3A_251 = vector.broadcast %parallel_loop3A_250 : f32 to vector<16xf32>
        %parallel_loop3A_252 = arith.maximumf %parallel_loop3A_249, %parallel_loop3A_251 : vector<16xf32>
        %parallel_loop3A_253 = arith.constant 1 : i32
        %parallel_loop3A_254 = arith.addi %parallel_loop3A_179, %parallel_loop3A_253 : i32
        %parallel_loop3A_255 = arith.index_cast %parallel_loop3A_254 : i32 to index
        %parallel_loop3A_256 = arith.constant 16 : index
        %parallel_loop3A_257 = tpu.vector_load %arg10[%parallel_loop3A_255, %parallel_loop3A_256] {strides = array<i32>} : memref<128x128xf32, #tpu.memory_space<vmem>>, vector<1x16xf32>,
        %parallel_loop3A_258 = vector.shape_cast %parallel_loop3A_257 : vector<1x16xf32> to vector<16xf32>
        %parallel_loop3A_259 = vector.shape_cast %parallel_loop3A_252 : vector<16xf32> to vector<1x16xf32>
        tpu.vector_store %arg10[%parallel_loop3A_255, %parallel_loop3A_256], %parallel_loop3A_259 {strides = array<i32>} : memref<128x128xf32, #tpu.memory_space<vmem>>, vector<1x16xf32>,
        %parallel_loop3A_260 = arith.index_cast %parallel_loop3A_177 : i32 to index
        %parallel_loop3A_261 = arith.constant 32 : index
        %parallel_loop3A_262 = tpu.vector_load %arg12[%parallel_loop3A_260, %parallel_loop3A_261] {strides = array<i32>} : memref<64x128xi32, #tpu.memory_space<vmem>>, vector<1x16xi32>,
        %parallel_loop3A_263 = vector.shape_cast %parallel_loop3A_262 : vector<1x16xi32> to vector<16xi32>
        %parallel_loop3A_264 = arith.constant 16 : i32
        %parallel_loop3A_265 = vector.broadcast %parallel_loop3A_264 : i32 to vector<16xi32>
        %parallel_loop3A_266 = arith.shli %parallel_loop3A_263, %parallel_loop3A_265 : vector<16xi32>
        %parallel_loop3A_267 = tpu.bitcast %parallel_loop3A_266 : vector<16xi32> -> vector<16xf32>
        %parallel_loop3A_268 = arith.andi %parallel_loop3A_263, %broadcast_in_dim3A_114 : vector<16xi32>
        %parallel_loop3A_269 = tpu.bitcast %parallel_loop3A_268 : vector<16xi32> -> vector<16xf32>
        %parallel_loop3A_270 = arith.index_cast %parallel_loop3A_179 : i32 to index
        %parallel_loop3A_271 = arith.constant 32 : index
        %parallel_loop3A_272 = tpu.vector_load %arg10[%parallel_loop3A_270, %parallel_loop3A_271] {strides = array<i32>} : memref<128x128xf32, #tpu.memory_space<vmem>>, vector<1x16xf32>,
        %parallel_loop3A_273 = vector.shape_cast %parallel_loop3A_272 : vector<1x16xf32> to vector<16xf32>
        %parallel_loop3A_274 = arith.addf %parallel_loop3A_273, %parallel_loop3A_267 : vector<16xf32>
        %parallel_loop3A_275 = arith.constant 0.000000e+00 : f32
        %parallel_loop3A_276 = vector.broadcast %parallel_loop3A_275 : f32 to vector<16xf32>
        %parallel_loop3A_277 = arith.maximumf %parallel_loop3A_274, %parallel_loop3A_276 : vector<16xf32>
        %parallel_loop3A_278 = arith.index_cast %parallel_loop3A_179 : i32 to index
        %parallel_loop3A_279 = arith.constant 32 : index
        %parallel_loop3A_280 = tpu.vector_load %arg10[%parallel_loop3A_278, %parallel_loop3A_279] {strides = array<i32>} : memref<128x128xf32, #tpu.memory_space<vmem>>, vector<1x16xf32>,
        %parallel_loop3A_281 = vector.shape_cast %parallel_loop3A_280 : vector<1x16xf32> to vector<16xf32>
        %parallel_loop3A_282 = vector.shape_cast %parallel_loop3A_277 : vector<16xf32> to vector<1x16xf32>
        tpu.vector_store %arg10[%parallel_loop3A_278, %parallel_loop3A_279], %parallel_loop3A_282 {strides = array<i32>} : memref<128x128xf32, #tpu.memory_space<vmem>>, vector<1x16xf32>,
        %parallel_loop3A_283 = arith.constant 1 : i32
        %parallel_loop3A_284 = arith.addi %parallel_loop3A_179, %parallel_loop3A_283 : i32
        %parallel_loop3A_285 = arith.index_cast %parallel_loop3A_284 : i32 to index
        %parallel_loop3A_286 = arith.constant 32 : index
        %parallel_loop3A_287 = tpu.vector_load %arg10[%parallel_loop3A_285, %parallel_loop3A_286] {strides = array<i32>} : memref<128x128xf32, #tpu.memory_space<vmem>>, vector<1x16xf32>,
        %parallel_loop3A_288 = vector.shape_cast %parallel_loop3A_287 : vector<1x16xf32> to vector<16xf32>
        %parallel_loop3A_289 = arith.addf %parallel_loop3A_288, %parallel_loop3A_269 : vector<16xf32>
        %parallel_loop3A_290 = arith.constant 0.000000e+00 : f32
        %parallel_loop3A_291 = vector.broadcast %parallel_loop3A_290 : f32 to vector<16xf32>
        %parallel_loop3A_292 = arith.maximumf %parallel_loop3A_289, %parallel_loop3A_291 : vector<16xf32>
        %parallel_loop3A_293 = arith.constant 1 : i32
        %parallel_loop3A_294 = arith.addi %parallel_loop3A_179, %parallel_loop3A_293 : i32
        %parallel_loop3A_295 = arith.index_cast %parallel_loop3A_294 : i32 to index
        %parallel_loop3A_296 = arith.constant 32 : index
        %parallel_loop3A_297 = tpu.vector_load %arg10[%parallel_loop3A_295, %parallel_loop3A_296] {strides = array<i32>} : memref<128x128xf32, #tpu.memory_space<vmem>>, vector<1x16xf32>,
        %parallel_loop3A_298 = vector.shape_cast %parallel_loop3A_297 : vector<1x16xf32> to vector<16xf32>
        %parallel_loop3A_299 = vector.shape_cast %parallel_loop3A_292 : vector<16xf32> to vector<1x16xf32>
        tpu.vector_store %arg10[%parallel_loop3A_295, %parallel_loop3A_296], %parallel_loop3A_299 {strides = array<i32>} : memref<128x128xf32, #tpu.memory_space<vmem>>, vector<1x16xf32>,
        %parallel_loop3A_300 = arith.index_cast %parallel_loop3A_177 : i32 to index
        %parallel_loop3A_301 = arith.constant 48 : index
        %parallel_loop3A_302 = tpu.vector_load %arg12[%parallel_loop3A_300, %parallel_loop3A_301] {strides = array<i32>} : memref<64x128xi32, #tpu.memory_space<vmem>>, vector<1x16xi32>,
        %parallel_loop3A_303 = vector.shape_cast %parallel_loop3A_302 : vector<1x16xi32> to vector<16xi32>
        %parallel_loop3A_304 = arith.constant 16 : i32
        %parallel_loop3A_305 = vector.broadcast %parallel_loop3A_304 : i32 to vector<16xi32>
        %parallel_loop3A_306 = arith.shli %parallel_loop3A_303, %parallel_loop3A_305 : vector<16xi32>
        %parallel_loop3A_307 = tpu.bitcast %parallel_loop3A_306 : vector<16xi32> -> vector<16xf32>
        %parallel_loop3A_308 = arith.andi %parallel_loop3A_303, %broadcast_in_dim3A_114 : vector<16xi32>
        %parallel_loop3A_309 = tpu.bitcast %parallel_loop3A_308 : vector<16xi32> -> vector<16xf32>
        %parallel_loop3A_310 = arith.index_cast %parallel_loop3A_179 : i32 to index
        %parallel_loop3A_311 = arith.constant 48 : index
        %parallel_loop3A_312 = tpu.vector_load %arg10[%parallel_loop3A_310, %parallel_loop3A_311] {strides = array<i32>} : memref<128x128xf32, #tpu.memory_space<vmem>>, vector<1x16xf32>,
        %parallel_loop3A_313 = vector.shape_cast %parallel_loop3A_312 : vector<1x16xf32> to vector<16xf32>
        %parallel_loop3A_314 = arith.addf %parallel_loop3A_313, %parallel_loop3A_307 : vector<16xf32>
        %parallel_loop3A_315 = arith.constant 0.000000e+00 : f32
        %parallel_loop3A_316 = vector.broadcast %parallel_loop3A_315 : f32 to vector<16xf32>
        %parallel_loop3A_317 = arith.maximumf %parallel_loop3A_314, %parallel_loop3A_316 : vector<16xf32>
        %parallel_loop3A_318 = arith.index_cast %parallel_loop3A_179 : i32 to index
        %parallel_loop3A_319 = arith.constant 48 : index
        %parallel_loop3A_320 = tpu.vector_load %arg10[%parallel_loop3A_318, %parallel_loop3A_319] {strides = array<i32>} : memref<128x128xf32, #tpu.memory_space<vmem>>, vector<1x16xf32>,
        %parallel_loop3A_321 = vector.shape_cast %parallel_loop3A_320 : vector<1x16xf32> to vector<16xf32>
        %parallel_loop3A_322 = vector.shape_cast %parallel_loop3A_317 : vector<16xf32> to vector<1x16xf32>
        tpu.vector_store %arg10[%parallel_loop3A_318, %parallel_loop3A_319], %parallel_loop3A_322 {strides = array<i32>} : memref<128x128xf32, #tpu.memory_space<vmem>>, vector<1x16xf32>,
        %parallel_loop3A_323 = arith.constant 1 : i32
        %parallel_loop3A_324 = arith.addi %parallel_loop3A_179, %parallel_loop3A_323 : i32
        %parallel_loop3A_325 = arith.index_cast %parallel_loop3A_324 : i32 to index
        %parallel_loop3A_326 = arith.constant 48 : index
        %parallel_loop3A_327 = tpu.vector_load %arg10[%parallel_loop3A_325, %parallel_loop3A_326] {strides = array<i32>} : memref<128x128xf32, #tpu.memory_space<vmem>>, vector<1x16xf32>,
        %parallel_loop3A_328 = vector.shape_cast %parallel_loop3A_327 : vector<1x16xf32> to vector<16xf32>
        %parallel_loop3A_329 = arith.addf %parallel_loop3A_328, %parallel_loop3A_309 : vector<16xf32>
        %parallel_loop3A_330 = arith.constant 0.000000e+00 : f32
        %parallel_loop3A_331 = vector.broadcast %parallel_loop3A_330 : f32 to vector<16xf32>
        %parallel_loop3A_332 = arith.maximumf %parallel_loop3A_329, %parallel_loop3A_331 : vector<16xf32>
        %parallel_loop3A_333 = arith.constant 1 : i32
        %parallel_loop3A_334 = arith.addi %parallel_loop3A_179, %parallel_loop3A_333 : i32
        %parallel_loop3A_335 = arith.index_cast %parallel_loop3A_334 : i32 to index
        %parallel_loop3A_336 = arith.constant 48 : index
        %parallel_loop3A_337 = tpu.vector_load %arg10[%parallel_loop3A_335, %parallel_loop3A_336] {strides = array<i32>} : memref<128x128xf32, #tpu.memory_space<vmem>>, vector<1x16xf32>,
        %parallel_loop3A_338 = vector.shape_cast %parallel_loop3A_337 : vector<1x16xf32> to vector<16xf32>
        %parallel_loop3A_339 = vector.shape_cast %parallel_loop3A_332 : vector<16xf32> to vector<1x16xf32>
        tpu.vector_store %arg10[%parallel_loop3A_335, %parallel_loop3A_336], %parallel_loop3A_339 {strides = array<i32>} : memref<128x128xf32, #tpu.memory_space<vmem>>, vector<1x16xf32>,
        %parallel_loop3A_340 = arith.index_cast %parallel_loop3A_177 : i32 to index
        %parallel_loop3A_341 = arith.constant 64 : index
        %parallel_loop3A_342 = tpu.vector_load %arg12[%parallel_loop3A_340, %parallel_loop3A_341] {strides = array<i32>} : memref<64x128xi32, #tpu.memory_space<vmem>>, vector<1x16xi32>,
        %parallel_loop3A_343 = vector.shape_cast %parallel_loop3A_342 : vector<1x16xi32> to vector<16xi32>
        %parallel_loop3A_344 = arith.constant 16 : i32
        %parallel_loop3A_345 = vector.broadcast %parallel_loop3A_344 : i32 to vector<16xi32>
        %parallel_loop3A_346 = arith.shli %parallel_loop3A_343, %parallel_loop3A_345 : vector<16xi32>
        %parallel_loop3A_347 = tpu.bitcast %parallel_loop3A_346 : vector<16xi32> -> vector<16xf32>
        %parallel_loop3A_348 = arith.andi %parallel_loop3A_343, %broadcast_in_dim3A_114 : vector<16xi32>
        %parallel_loop3A_349 = tpu.bitcast %parallel_loop3A_348 : vector<16xi32> -> vector<16xf32>
        %parallel_loop3A_350 = arith.index_cast %parallel_loop3A_179 : i32 to index
        %parallel_loop3A_351 = arith.constant 64 : index
        %parallel_loop3A_352 = tpu.vector_load %arg10[%parallel_loop3A_350, %parallel_loop3A_351] {strides = array<i32>} : memref<128x128xf32, #tpu.memory_space<vmem>>, vector<1x16xf32>,
        %parallel_loop3A_353 = vector.shape_cast %parallel_loop3A_352 : vector<1x16xf32> to vector<16xf32>
        %parallel_loop3A_354 = arith.addf %parallel_loop3A_353, %parallel_loop3A_347 : vector<16xf32>
        %parallel_loop3A_355 = arith.constant 0.000000e+00 : f32
        %parallel_loop3A_356 = vector.broadcast %parallel_loop3A_355 : f32 to vector<16xf32>
        %parallel_loop3A_357 = arith.maximumf %parallel_loop3A_354, %parallel_loop3A_356 : vector<16xf32>
        %parallel_loop3A_358 = arith.index_cast %parallel_loop3A_179 : i32 to index
        %parallel_loop3A_359 = arith.constant 64 : index
        %parallel_loop3A_360 = tpu.vector_load %arg10[%parallel_loop3A_358, %parallel_loop3A_359] {strides = array<i32>} : memref<128x128xf32, #tpu.memory_space<vmem>>, vector<1x16xf32>,
        %parallel_loop3A_361 = vector.shape_cast %parallel_loop3A_360 : vector<1x16xf32> to vector<16xf32>
        %parallel_loop3A_362 = vector.shape_cast %parallel_loop3A_357 : vector<16xf32> to vector<1x16xf32>
        tpu.vector_store %arg10[%parallel_loop3A_358, %parallel_loop3A_359], %parallel_loop3A_362 {strides = array<i32>} : memref<128x128xf32, #tpu.memory_space<vmem>>, vector<1x16xf32>,
        %parallel_loop3A_363 = arith.constant 1 : i32
        %parallel_loop3A_364 = arith.addi %parallel_loop3A_179, %parallel_loop3A_363 : i32
        %parallel_loop3A_365 = arith.index_cast %parallel_loop3A_364 : i32 to index
        %parallel_loop3A_366 = arith.constant 64 : index
        %parallel_loop3A_367 = tpu.vector_load %arg10[%parallel_loop3A_365, %parallel_loop3A_366] {strides = array<i32>} : memref<128x128xf32, #tpu.memory_space<vmem>>, vector<1x16xf32>,
        %parallel_loop3A_368 = vector.shape_cast %parallel_loop3A_367 : vector<1x16xf32> to vector<16xf32>
        %parallel_loop3A_369 = arith.addf %parallel_loop3A_368, %parallel_loop3A_349 : vector<16xf32>
        %parallel_loop3A_370 = arith.constant 0.000000e+00 : f32
        %parallel_loop3A_371 = vector.broadcast %parallel_loop3A_370 : f32 to vector<16xf32>
        %parallel_loop3A_372 = arith.maximumf %parallel_loop3A_369, %parallel_loop3A_371 : vector<16xf32>
        %parallel_loop3A_373 = arith.constant 1 : i32
        %parallel_loop3A_374 = arith.addi %parallel_loop3A_179, %parallel_loop3A_373 : i32
        %parallel_loop3A_375 = arith.index_cast %parallel_loop3A_374 : i32 to index
        %parallel_loop3A_376 = arith.constant 64 : index
        %parallel_loop3A_377 = tpu.vector_load %arg10[%parallel_loop3A_375, %parallel_loop3A_376] {strides = array<i32>} : memref<128x128xf32, #tpu.memory_space<vmem>>, vector<1x16xf32>,
        %parallel_loop3A_378 = vector.shape_cast %parallel_loop3A_377 : vector<1x16xf32> to vector<16xf32>
        %parallel_loop3A_379 = vector.shape_cast %parallel_loop3A_372 : vector<16xf32> to vector<1x16xf32>
        tpu.vector_store %arg10[%parallel_loop3A_375, %parallel_loop3A_376], %parallel_loop3A_379 {strides = array<i32>} : memref<128x128xf32, #tpu.memory_space<vmem>>, vector<1x16xf32>,
        %parallel_loop3A_380 = arith.index_cast %parallel_loop3A_177 : i32 to index
        %parallel_loop3A_381 = arith.constant 80 : index
        %parallel_loop3A_382 = tpu.vector_load %arg12[%parallel_loop3A_380, %parallel_loop3A_381] {strides = array<i32>} : memref<64x128xi32, #tpu.memory_space<vmem>>, vector<1x16xi32>,
        %parallel_loop3A_383 = vector.shape_cast %parallel_loop3A_382 : vector<1x16xi32> to vector<16xi32>
        %parallel_loop3A_384 = arith.constant 16 : i32
        %parallel_loop3A_385 = vector.broadcast %parallel_loop3A_384 : i32 to vector<16xi32>
        %parallel_loop3A_386 = arith.shli %parallel_loop3A_383, %parallel_loop3A_385 : vector<16xi32>
        %parallel_loop3A_387 = tpu.bitcast %parallel_loop3A_386 : vector<16xi32> -> vector<16xf32>
        %parallel_loop3A_388 = arith.andi %parallel_loop3A_383, %broadcast_in_dim3A_114 : vector<16xi32>
        %parallel_loop3A_389 = tpu.bitcast %parallel_loop3A_388 : vector<16xi32> -> vector<16xf32>
        %parallel_loop3A_390 = arith.index_cast %parallel_loop3A_179 : i32 to index
        %parallel_loop3A_391 = arith.constant 80 : index
        %parallel_loop3A_392 = tpu.vector_load %arg10[%parallel_loop3A_390, %parallel_loop3A_391] {strides = array<i32>} : memref<128x128xf32, #tpu.memory_space<vmem>>, vector<1x16xf32>,
        %parallel_loop3A_393 = vector.shape_cast %parallel_loop3A_392 : vector<1x16xf32> to vector<16xf32>
        %parallel_loop3A_394 = arith.addf %parallel_loop3A_393, %parallel_loop3A_387 : vector<16xf32>
        %parallel_loop3A_395 = arith.constant 0.000000e+00 : f32
        %parallel_loop3A_396 = vector.broadcast %parallel_loop3A_395 : f32 to vector<16xf32>
        %parallel_loop3A_397 = arith.maximumf %parallel_loop3A_394, %parallel_loop3A_396 : vector<16xf32>
        %parallel_loop3A_398 = arith.index_cast %parallel_loop3A_179 : i32 to index
        %parallel_loop3A_399 = arith.constant 80 : index
        %parallel_loop3A_400 = tpu.vector_load %arg10[%parallel_loop3A_398, %parallel_loop3A_399] {strides = array<i32>} : memref<128x128xf32, #tpu.memory_space<vmem>>, vector<1x16xf32>,
        %parallel_loop3A_401 = vector.shape_cast %parallel_loop3A_400 : vector<1x16xf32> to vector<16xf32>
        %parallel_loop3A_402 = vector.shape_cast %parallel_loop3A_397 : vector<16xf32> to vector<1x16xf32>
        tpu.vector_store %arg10[%parallel_loop3A_398, %parallel_loop3A_399], %parallel_loop3A_402 {strides = array<i32>} : memref<128x128xf32, #tpu.memory_space<vmem>>, vector<1x16xf32>,
        %parallel_loop3A_403 = arith.constant 1 : i32
        %parallel_loop3A_404 = arith.addi %parallel_loop3A_179, %parallel_loop3A_403 : i32
        %parallel_loop3A_405 = arith.index_cast %parallel_loop3A_404 : i32 to index
        %parallel_loop3A_406 = arith.constant 80 : index
        %parallel_loop3A_407 = tpu.vector_load %arg10[%parallel_loop3A_405, %parallel_loop3A_406] {strides = array<i32>} : memref<128x128xf32, #tpu.memory_space<vmem>>, vector<1x16xf32>,
        %parallel_loop3A_408 = vector.shape_cast %parallel_loop3A_407 : vector<1x16xf32> to vector<16xf32>
        %parallel_loop3A_409 = arith.addf %parallel_loop3A_408, %parallel_loop3A_389 : vector<16xf32>
        %parallel_loop3A_410 = arith.constant 0.000000e+00 : f32
        %parallel_loop3A_411 = vector.broadcast %parallel_loop3A_410 : f32 to vector<16xf32>
        %parallel_loop3A_412 = arith.maximumf %parallel_loop3A_409, %parallel_loop3A_411 : vector<16xf32>
        %parallel_loop3A_413 = arith.constant 1 : i32
        %parallel_loop3A_414 = arith.addi %parallel_loop3A_179, %parallel_loop3A_413 : i32
        %parallel_loop3A_415 = arith.index_cast %parallel_loop3A_414 : i32 to index
        %parallel_loop3A_416 = arith.constant 80 : index
        %parallel_loop3A_417 = tpu.vector_load %arg10[%parallel_loop3A_415, %parallel_loop3A_416] {strides = array<i32>} : memref<128x128xf32, #tpu.memory_space<vmem>>, vector<1x16xf32>,
        %parallel_loop3A_418 = vector.shape_cast %parallel_loop3A_417 : vector<1x16xf32> to vector<16xf32>
        %parallel_loop3A_419 = vector.shape_cast %parallel_loop3A_412 : vector<16xf32> to vector<1x16xf32>
        tpu.vector_store %arg10[%parallel_loop3A_415, %parallel_loop3A_416], %parallel_loop3A_419 {strides = array<i32>} : memref<128x128xf32, #tpu.memory_space<vmem>>, vector<1x16xf32>,
        %parallel_loop3A_420 = arith.index_cast %parallel_loop3A_177 : i32 to index
        %parallel_loop3A_421 = arith.constant 96 : index
        %parallel_loop3A_422 = tpu.vector_load %arg12[%parallel_loop3A_420, %parallel_loop3A_421] {strides = array<i32>} : memref<64x128xi32, #tpu.memory_space<vmem>>, vector<1x16xi32>,
        %parallel_loop3A_423 = vector.shape_cast %parallel_loop3A_422 : vector<1x16xi32> to vector<16xi32>
        %parallel_loop3A_424 = arith.constant 16 : i32
        %parallel_loop3A_425 = vector.broadcast %parallel_loop3A_424 : i32 to vector<16xi32>
        %parallel_loop3A_426 = arith.shli %parallel_loop3A_423, %parallel_loop3A_425 : vector<16xi32>
        %parallel_loop3A_427 = tpu.bitcast %parallel_loop3A_426 : vector<16xi32> -> vector<16xf32>
        %parallel_loop3A_428 = arith.andi %parallel_loop3A_423, %broadcast_in_dim3A_114 : vector<16xi32>
        %parallel_loop3A_429 = tpu.bitcast %parallel_loop3A_428 : vector<16xi32> -> vector<16xf32>
        %parallel_loop3A_430 = arith.index_cast %parallel_loop3A_179 : i32 to index
        %parallel_loop3A_431 = arith.constant 96 : index
        %parallel_loop3A_432 = tpu.vector_load %arg10[%parallel_loop3A_430, %parallel_loop3A_431] {strides = array<i32>} : memref<128x128xf32, #tpu.memory_space<vmem>>, vector<1x16xf32>,
        %parallel_loop3A_433 = vector.shape_cast %parallel_loop3A_432 : vector<1x16xf32> to vector<16xf32>
        %parallel_loop3A_434 = arith.addf %parallel_loop3A_433, %parallel_loop3A_427 : vector<16xf32>
        %parallel_loop3A_435 = arith.constant 0.000000e+00 : f32
        %parallel_loop3A_436 = vector.broadcast %parallel_loop3A_435 : f32 to vector<16xf32>
        %parallel_loop3A_437 = arith.maximumf %parallel_loop3A_434, %parallel_loop3A_436 : vector<16xf32>
        %parallel_loop3A_438 = arith.index_cast %parallel_loop3A_179 : i32 to index
        %parallel_loop3A_439 = arith.constant 96 : index
        %parallel_loop3A_440 = tpu.vector_load %arg10[%parallel_loop3A_438, %parallel_loop3A_439] {strides = array<i32>} : memref<128x128xf32, #tpu.memory_space<vmem>>, vector<1x16xf32>,
        %parallel_loop3A_441 = vector.shape_cast %parallel_loop3A_440 : vector<1x16xf32> to vector<16xf32>
        %parallel_loop3A_442 = vector.shape_cast %parallel_loop3A_437 : vector<16xf32> to vector<1x16xf32>
        tpu.vector_store %arg10[%parallel_loop3A_438, %parallel_loop3A_439], %parallel_loop3A_442 {strides = array<i32>} : memref<128x128xf32, #tpu.memory_space<vmem>>, vector<1x16xf32>,
        %parallel_loop3A_443 = arith.constant 1 : i32
        %parallel_loop3A_444 = arith.addi %parallel_loop3A_179, %parallel_loop3A_443 : i32
        %parallel_loop3A_445 = arith.index_cast %parallel_loop3A_444 : i32 to index
        %parallel_loop3A_446 = arith.constant 96 : index
        %parallel_loop3A_447 = tpu.vector_load %arg10[%parallel_loop3A_445, %parallel_loop3A_446] {strides = array<i32>} : memref<128x128xf32, #tpu.memory_space<vmem>>, vector<1x16xf32>,
        %parallel_loop3A_448 = vector.shape_cast %parallel_loop3A_447 : vector<1x16xf32> to vector<16xf32>
        %parallel_loop3A_449 = arith.addf %parallel_loop3A_448, %parallel_loop3A_429 : vector<16xf32>
        %parallel_loop3A_450 = arith.constant 0.000000e+00 : f32
        %parallel_loop3A_451 = vector.broadcast %parallel_loop3A_450 : f32 to vector<16xf32>
        %parallel_loop3A_452 = arith.maximumf %parallel_loop3A_449, %parallel_loop3A_451 : vector<16xf32>
        %parallel_loop3A_453 = arith.constant 1 : i32
        %parallel_loop3A_454 = arith.addi %parallel_loop3A_179, %parallel_loop3A_453 : i32
        %parallel_loop3A_455 = arith.index_cast %parallel_loop3A_454 : i32 to index
        %parallel_loop3A_456 = arith.constant 96 : index
        %parallel_loop3A_457 = tpu.vector_load %arg10[%parallel_loop3A_455, %parallel_loop3A_456] {strides = array<i32>} : memref<128x128xf32, #tpu.memory_space<vmem>>, vector<1x16xf32>,
        %parallel_loop3A_458 = vector.shape_cast %parallel_loop3A_457 : vector<1x16xf32> to vector<16xf32>
        %parallel_loop3A_459 = vector.shape_cast %parallel_loop3A_452 : vector<16xf32> to vector<1x16xf32>
        tpu.vector_store %arg10[%parallel_loop3A_455, %parallel_loop3A_456], %parallel_loop3A_459 {strides = array<i32>} : memref<128x128xf32, #tpu.memory_space<vmem>>, vector<1x16xf32>,
        %parallel_loop3A_460 = arith.index_cast %parallel_loop3A_177 : i32 to index
        %parallel_loop3A_461 = arith.constant 112 : index
        %parallel_loop3A_462 = tpu.vector_load %arg12[%parallel_loop3A_460, %parallel_loop3A_461] {strides = array<i32>} : memref<64x128xi32, #tpu.memory_space<vmem>>, vector<1x16xi32>,
        %parallel_loop3A_463 = vector.shape_cast %parallel_loop3A_462 : vector<1x16xi32> to vector<16xi32>
        %parallel_loop3A_464 = arith.constant 16 : i32
        %parallel_loop3A_465 = vector.broadcast %parallel_loop3A_464 : i32 to vector<16xi32>
        %parallel_loop3A_466 = arith.shli %parallel_loop3A_463, %parallel_loop3A_465 : vector<16xi32>
        %parallel_loop3A_467 = tpu.bitcast %parallel_loop3A_466 : vector<16xi32> -> vector<16xf32>
        %parallel_loop3A_468 = arith.andi %parallel_loop3A_463, %broadcast_in_dim3A_114 : vector<16xi32>
        %parallel_loop3A_469 = tpu.bitcast %parallel_loop3A_468 : vector<16xi32> -> vector<16xf32>
        %parallel_loop3A_470 = arith.index_cast %parallel_loop3A_179 : i32 to index
        %parallel_loop3A_471 = arith.constant 112 : index
        %parallel_loop3A_472 = tpu.vector_load %arg10[%parallel_loop3A_470, %parallel_loop3A_471] {strides = array<i32>} : memref<128x128xf32, #tpu.memory_space<vmem>>, vector<1x16xf32>,
        %parallel_loop3A_473 = vector.shape_cast %parallel_loop3A_472 : vector<1x16xf32> to vector<16xf32>
        %parallel_loop3A_474 = arith.addf %parallel_loop3A_473, %parallel_loop3A_467 : vector<16xf32>
        %parallel_loop3A_475 = arith.constant 0.000000e+00 : f32
        %parallel_loop3A_476 = vector.broadcast %parallel_loop3A_475 : f32 to vector<16xf32>
        %parallel_loop3A_477 = arith.maximumf %parallel_loop3A_474, %parallel_loop3A_476 : vector<16xf32>
        %parallel_loop3A_478 = arith.index_cast %parallel_loop3A_179 : i32 to index
        %parallel_loop3A_479 = arith.constant 112 : index
        %parallel_loop3A_480 = tpu.vector_load %arg10[%parallel_loop3A_478, %parallel_loop3A_479] {strides = array<i32>} : memref<128x128xf32, #tpu.memory_space<vmem>>, vector<1x16xf32>,
        %parallel_loop3A_481 = vector.shape_cast %parallel_loop3A_480 : vector<1x16xf32> to vector<16xf32>
        %parallel_loop3A_482 = vector.shape_cast %parallel_loop3A_477 : vector<16xf32> to vector<1x16xf32>
        tpu.vector_store %arg10[%parallel_loop3A_478, %parallel_loop3A_479], %parallel_loop3A_482 {strides = array<i32>} : memref<128x128xf32, #tpu.memory_space<vmem>>, vector<1x16xf32>,
        %parallel_loop3A_483 = arith.constant 1 : i32
        %parallel_loop3A_484 = arith.addi %parallel_loop3A_179, %parallel_loop3A_483 : i32
        %parallel_loop3A_485 = arith.index_cast %parallel_loop3A_484 : i32 to index
        %parallel_loop3A_486 = arith.constant 112 : index
        %parallel_loop3A_487 = tpu.vector_load %arg10[%parallel_loop3A_485, %parallel_loop3A_486] {strides = array<i32>} : memref<128x128xf32, #tpu.memory_space<vmem>>, vector<1x16xf32>,
        %parallel_loop3A_488 = vector.shape_cast %parallel_loop3A_487 : vector<1x16xf32> to vector<16xf32>
        %parallel_loop3A_489 = arith.addf %parallel_loop3A_488, %parallel_loop3A_469 : vector<16xf32>
        %parallel_loop3A_490 = arith.constant 0.000000e+00 : f32
        %parallel_loop3A_491 = vector.broadcast %parallel_loop3A_490 : f32 to vector<16xf32>
        %parallel_loop3A_492 = arith.maximumf %parallel_loop3A_489, %parallel_loop3A_491 : vector<16xf32>
        %parallel_loop3A_493 = arith.constant 1 : i32
        %parallel_loop3A_494 = arith.addi %parallel_loop3A_179, %parallel_loop3A_493 : i32
        %parallel_loop3A_495 = arith.index_cast %parallel_loop3A_494 : i32 to index
        %parallel_loop3A_496 = arith.constant 112 : index
        %parallel_loop3A_497 = tpu.vector_load %arg10[%parallel_loop3A_495, %parallel_loop3A_496] {strides = array<i32>} : memref<128x128xf32, #tpu.memory_space<vmem>>, vector<1x16xf32>,
        %parallel_loop3A_498 = vector.shape_cast %parallel_loop3A_497 : vector<1x16xf32> to vector<16xf32>
        %parallel_loop3A_499 = vector.shape_cast %parallel_loop3A_492 : vector<16xf32> to vector<1x16xf32>
        tpu.vector_store %arg10[%parallel_loop3A_495, %parallel_loop3A_496], %parallel_loop3A_499 {strides = array<i32>} : memref<128x128xf32, #tpu.memory_space<vmem>>, vector<1x16xf32>,
      } {sc.loop_unroll_factor = 2 : i64, sc.parallel_access}
      %mul3A_117 = arith.constant 32 : i32
      %mul3A_118 = arith.muli %mul3A_117, %mul3A_87 : i32
      %add3A_119 = arith.addi %add3A, %mul3A_118 : i32
      %mul3A_120 = arith.constant 128 : i32
      %mul3A_121 = arith.muli %add3A_119, %mul3A_120 : i32
      %dma_wait3A_122 = arith.constant 1 : i32
      %dma_wait3A_123 = tpu.memref_slice %arg2[%dma_wait3A_122, %mul3A_121] : memref<2x320000xi32, #tpu.memory_space<hbm>> -> memref<1x128xi32, #tpu.memory_space<hbm>>
      %dma_wait3A_124 = tpu.memref_squeeze %dma_wait3A_123 : memref<1x128xi32, #tpu.memory_space<hbm>> -> memref<128xi32, #tpu.memory_space<hbm>>
      %dma_wait3A_125 = tpu.memref_slice %arg2[%dma_wait3A_122, %mul3A_121] : memref<2x320000xi32, #tpu.memory_space<hbm>> -> memref<1x128xi32, #tpu.memory_space<hbm>>
      %dma_wait3A_126 = tpu.memref_squeeze %dma_wait3A_125 : memref<1x128xi32, #tpu.memory_space<hbm>> -> memref<128xi32, #tpu.memory_space<hbm>>
      tpu.wait_dma2 semaphore(%arg17 : memref<!tpu.dma_semaphore, #tpu.memory_space<semaphore_mem>>) src(%dma_wait3A_126 : memref<128xi32, #tpu.memory_space<hbm>>) dst(%arg8 : memref<128xi32, #tpu.memory_space<vmem>>)
      %dma_start3A_127 = arith.constant 0 : i32
      %dma_start3A_128 = arith.constant 0 : i32
      %dma_start3A_129 = tpu.memref_slice %arg14[%dma_start3A_127, %dma_start3A_128] : memref<10112x128xf32, #tpu.memory_space<vmem_shared>> -> memref<10112x128xf32, #tpu.memory_space<vmem_shared>>
      tpu.enqueue_indirect_dma source(%arg10 : memref<128x128xf32, #tpu.memory_space<vmem>>) target(%dma_start3A_129 : memref<10112x128xf32, #tpu.memory_space<vmem_shared>>) offsets(%arg8 : memref<128xi32, #tpu.memory_space<vmem>>) semaphore(%arg23 : memref<!tpu.dma_semaphore, #tpu.memory_space<semaphore_mem>>) {add = true}
      %add3A_130 = arith.constant 1 : i32
      %add3A_131 = arith.addi %mul3A_87, %add3A_130 : i32
      %add3A_132 = arith.constant 1 : i32
      %add3A_133 = arith.addi %add3A_131, %add3A_132 : i32
      %lt3A_134 = arith.constant 78 : i32
      %lt3A_135 = arith.cmpi slt, %add3A_133, %lt3A_134 : i32
      %convert_element_type3A_136 = arith.extui %lt3A_135 : i1 to i32
      %cond3A_137 = arith.constant 0 : i32
      %cond3A_138 = arith.cmpi ne, %convert_element_type3A_136, %cond3A_137 : i32
      scf.if %cond3A_138 {
        %add3A_177 = arith.constant 1 : i32
        %add3A_178 = arith.addi %add3A_131, %add3A_177 : i32
        %mul3A_179 = arith.constant 32 : i32
        %mul3A_180 = arith.muli %mul3A_179, %add3A_178 : i32
        %add3A_181 = arith.addi %add3A, %mul3A_180 : i32
        %mul3A_182 = arith.constant 128 : i32
        %mul3A_183 = arith.muli %add3A_181, %mul3A_182 : i32
        %dma_wait3A_184 = arith.constant 0 : i32
        %dma_wait3A_185 = tpu.memref_slice %arg2[%dma_wait3A_184, %mul3A_183] : memref<2x320000xi32, #tpu.memory_space<hbm>> -> memref<1x128xi32, #tpu.memory_space<hbm>>
        %dma_wait3A_186 = tpu.memref_squeeze %dma_wait3A_185 : memref<1x128xi32, #tpu.memory_space<hbm>> -> memref<128xi32, #tpu.memory_space<hbm>>
        %dma_wait3A_187 = tpu.memref_slice %arg2[%dma_wait3A_184, %mul3A_183] : memref<2x320000xi32, #tpu.memory_space<hbm>> -> memref<1x128xi32, #tpu.memory_space<hbm>>
        %dma_wait3A_188 = tpu.memref_squeeze %dma_wait3A_187 : memref<1x128xi32, #tpu.memory_space<hbm>> -> memref<128xi32, #tpu.memory_space<hbm>>
        tpu.wait_dma2 semaphore(%arg15 : memref<!tpu.dma_semaphore, #tpu.memory_space<semaphore_mem>>) src(%dma_wait3A_188 : memref<128xi32, #tpu.memory_space<hbm>>) dst(%arg6 : memref<128xi32, #tpu.memory_space<vmem>>)
        %ge3A = arith.constant 1 : i32
        %ge3A_189 = arith.cmpi sge, %add3A_131, %ge3A : i32
        %convert_element_type3A_190 = arith.extui %ge3A_189 : i1 to i32
        %cond3A_191 = arith.constant 0 : i32
        %cond3A_192 = arith.cmpi ne, %convert_element_type3A_190, %cond3A_191 : i32
        scf.if %cond3A_192 {
          %dma_wait3A_219 = arith.constant 0 : i32
          %dma_wait3A_220 = arith.constant 0 : i32
          %dma_wait3A_221 = tpu.memref_slice %arg14[%dma_wait3A_219, %dma_wait3A_220] : memref<10112x128xf32, #tpu.memory_space<vmem_shared>> -> memref<10112x128xf32, #tpu.memory_space<vmem_shared>>
          tpu.wait_indirect_dma semaphore(%arg23 : memref<!tpu.dma_semaphore, #tpu.memory_space<semaphore_mem>>) src(%arg10 : memref<128x128xf32, #tpu.memory_space<vmem>>) dst(%dma_wait3A_221 : memref<10112x128xf32, #tpu.memory_space<vmem_shared>>)
        } else {
        }
        %add3A_193 = arith.constant 1 : i32
        %add3A_194 = arith.addi %add3A_131, %add3A_193 : i32
        %mul3A_195 = arith.constant 32 : i32
        %mul3A_196 = arith.muli %mul3A_195, %add3A_194 : i32
        %add3A_197 = arith.addi %add3A, %mul3A_196 : i32
        %mul3A_198 = arith.constant 128 : i32
        %mul3A_199 = arith.muli %add3A_197, %mul3A_198 : i32
        %dma_start3A_200 = arith.constant 1 : i32
        %dma_start3A_201 = tpu.memref_slice %arg2[%dma_start3A_200, %mul3A_199] : memref<2x320000xi32, #tpu.memory_space<hbm>> -> memref<1x128xi32, #tpu.memory_space<hbm>>
        %dma_start3A_202 = tpu.memref_squeeze %dma_start3A_201 : memref<1x128xi32, #tpu.memory_space<hbm>> -> memref<128xi32, #tpu.memory_space<hbm>>
        %dma_start3A_203 = tpu.memref_slice %arg2[%dma_start3A_200, %mul3A_199] : memref<2x320000xi32, #tpu.memory_space<hbm>> -> memref<1x128xi32, #tpu.memory_space<hbm>>
        %dma_start3A_204 = tpu.memref_squeeze %dma_start3A_203 : memref<1x128xi32, #tpu.memory_space<hbm>> -> memref<128xi32, #tpu.memory_space<hbm>>
        tpu.enqueue_dma source(%dma_start3A_204 : memref<128xi32, #tpu.memory_space<hbm>>) target(%arg8 : memref<128xi32, #tpu.memory_space<vmem>>) target_semaphore(%arg17 : memref<!tpu.dma_semaphore, #tpu.memory_space<semaphore_mem>>)
        %add3A_205 = arith.constant 1 : i32
        %add3A_206 = arith.addi %add3A_131, %add3A_205 : i32
        %dma_start3A_207 = arith.constant 0 : i32
        %dma_start3A_208 = arith.constant 0 : i32
        %dma_start3A_209 = tpu.memref_slice %arg3[%dma_start3A_207, %dma_start3A_208] : memref<10000x128xf32, #tpu.memory_space<hbm>> -> memref<10000x128xf32, #tpu.memory_space<hbm>>
        tpu.enqueue_indirect_dma source(%dma_start3A_209 : memref<10000x128xf32, #tpu.memory_space<hbm>>) target(%arg10 : memref<128x128xf32, #tpu.memory_space<vmem>>) offsets(%arg6 : memref<128xi32, #tpu.memory_space<vmem>>) semaphore(%arg19 : memref<!tpu.dma_semaphore, #tpu.memory_space<semaphore_mem>>)
        %mul3A_210 = arith.constant 32 : i32
        %mul3A_211 = arith.muli %mul3A_210, %add3A_206 : i32
        %add3A_212 = arith.addi %add3A, %mul3A_211 : i32
        %mul3A_213 = arith.constant 64 : i32
        %mul3A_214 = arith.muli %add3A_212, %mul3A_213 : i32
        %dma_start3A_215 = arith.constant 0 : i32
        %dma_start3A_216 = tpu.memref_slice %arg4[%mul3A_214, %dma_start3A_215] : memref<160000x128xi32, #tpu.memory_space<hbm>> -> memref<64x128xi32, #tpu.memory_space<hbm>>
        %dma_start3A_217 = arith.constant 0 : i32
        %dma_start3A_218 = tpu.memref_slice %arg4[%mul3A_214, %dma_start3A_217] : memref<160000x128xi32, #tpu.memory_space<hbm>> -> memref<64x128xi32, #tpu.memory_space<hbm>>
        tpu.enqueue_dma source(%dma_start3A_218 : memref<64x128xi32, #tpu.memory_space<hbm>>) target(%arg12 : memref<64x128xi32, #tpu.memory_space<vmem>>) target_semaphore(%arg21 : memref<!tpu.dma_semaphore, #tpu.memory_space<semaphore_mem>>)
      } else {
      }
      %dma_wait3A_139 = arith.constant 0 : i32
      %dma_wait3A_140 = arith.constant 0 : i32
      %dma_wait3A_141 = tpu.memref_slice %arg3[%dma_wait3A_139, %dma_wait3A_140] : memref<10000x128xf32, #tpu.memory_space<hbm>> -> memref<10000x128xf32, #tpu.memory_space<hbm>>
      tpu.wait_indirect_dma semaphore(%arg20 : memref<!tpu.dma_semaphore, #tpu.memory_space<semaphore_mem>>) src(%dma_wait3A_141 : memref<10000x128xf32, #tpu.memory_space<hbm>>) dst(%arg11 : memref<128x128xf32, #tpu.memory_space<vmem>>)
      %mul3A_142 = arith.constant 32 : i32
      %mul3A_143 = arith.muli %mul3A_142, %add3A_131 : i32
      %add3A_144 = arith.addi %add3A, %mul3A_143 : i32
      %mul3A_145 = arith.constant 64 : i32
      %mul3A_146 = arith.muli %add3A_144, %mul3A_145 : i32
      %dma_wait3A_147 = arith.constant 0 : i32
      %dma_wait3A_148 = tpu.memref_slice %arg4[%mul3A_146, %dma_wait3A_147] : memref<160000x128xi32, #tpu.memory_space<hbm>> -> memref<64x128xi32, #tpu.memory_space<hbm>>
      %dma_wait3A_149 = arith.constant 0 : i32
      %dma_wait3A_150 = tpu.memref_slice %arg4[%mul3A_146, %dma_wait3A_149] : memref<160000x128xi32, #tpu.memory_space<hbm>> -> memref<64x128xi32, #tpu.memory_space<hbm>>
      tpu.wait_dma2 semaphore(%arg22 : memref<!tpu.dma_semaphore, #tpu.memory_space<semaphore_mem>>) src(%dma_wait3A_150 : memref<64x128xi32, #tpu.memory_space<hbm>>) dst(%arg13 : memref<64x128xi32, #tpu.memory_space<vmem>>)
      %add3A_151 = arith.constant 2 : i32
      %add3A_152 = arith.addi %add3A_131, %add3A_151 : i32
      %lt3A_153 = arith.constant 78 : i32
      %lt3A_154 = arith.cmpi slt, %add3A_152, %lt3A_153 : i32
      %convert_element_type3A_155 = arith.extui %lt3A_154 : i1 to i32
      %cond3A_156 = arith.constant 0 : i32
      %cond3A_157 = arith.cmpi ne, %convert_element_type3A_155, %cond3A_156 : i32
      scf.if %cond3A_157 {
        %add3A_177 = arith.constant 2 : i32
        %add3A_178 = arith.addi %add3A_131, %add3A_177 : i32
        %mul3A_179 = arith.constant 32 : i32
        %mul3A_180 = arith.muli %mul3A_179, %add3A_178 : i32
        %add3A_181 = arith.addi %add3A, %mul3A_180 : i32
        %mul3A_182 = arith.constant 128 : i32
        %mul3A_183 = arith.muli %add3A_181, %mul3A_182 : i32
        %dma_start3A_184 = arith.constant 0 : i32
        %dma_start3A_185 = tpu.memref_slice %arg2[%dma_start3A_184, %mul3A_183] : memref<2x320000xi32, #tpu.memory_space<hbm>> -> memref<1x128xi32, #tpu.memory_space<hbm>>
        %dma_start3A_186 = tpu.memref_squeeze %dma_start3A_185 : memref<1x128xi32, #tpu.memory_space<hbm>> -> memref<128xi32, #tpu.memory_space<hbm>>
        %dma_start3A_187 = tpu.memref_slice %arg2[%dma_start3A_184, %mul3A_183] : memref<2x320000xi32, #tpu.memory_space<hbm>> -> memref<1x128xi32, #tpu.memory_space<hbm>>
        %dma_start3A_188 = tpu.memref_squeeze %dma_start3A_187 : memref<1x128xi32, #tpu.memory_space<hbm>> -> memref<128xi32, #tpu.memory_space<hbm>>
        tpu.enqueue_dma source(%dma_start3A_188 : memref<128xi32, #tpu.memory_space<hbm>>) target(%arg7 : memref<128xi32, #tpu.memory_space<vmem>>) target_semaphore(%arg16 : memref<!tpu.dma_semaphore, #tpu.memory_space<semaphore_mem>>)
      } else {
      }
      %broadcast_in_dim3A_158 = arith.constant -65536 : i32
      %broadcast_in_dim3A_159 = vector.broadcast %broadcast_in_dim3A_158 : i32 to vector<16xi32>
      %parallel_loop3A_160 = arith.constant 0 : i32
      %parallel_loop3A_161 = arith.constant 64 : i32
      %parallel_loop3A_162 = arith.constant 1 : i32
      scf.for %parallel_loop3A_177 = %parallel_loop3A_160 to %parallel_loop3A_161 step %parallel_loop3A_162  : i32 {
        %parallel_loop3A_178 = arith.constant 2 : i32
        %parallel_loop3A_179 = arith.muli %parallel_loop3A_178, %parallel_loop3A_177 : i32
        %parallel_loop3A_180 = arith.index_cast %parallel_loop3A_177 : i32 to index
        %parallel_loop3A_181 = arith.constant 0 : index
        %parallel_loop3A_182 = tpu.vector_load %arg13[%parallel_loop3A_180, %parallel_loop3A_181] {strides = array<i32>} : memref<64x128xi32, #tpu.memory_space<vmem>>, vector<1x16xi32>,
        %parallel_loop3A_183 = vector.shape_cast %parallel_loop3A_182 : vector<1x16xi32> to vector<16xi32>
        %parallel_loop3A_184 = arith.constant 16 : i32
        %parallel_loop3A_185 = vector.broadcast %parallel_loop3A_184 : i32 to vector<16xi32>
        %parallel_loop3A_186 = arith.shli %parallel_loop3A_183, %parallel_loop3A_185 : vector<16xi32>
        %parallel_loop3A_187 = tpu.bitcast %parallel_loop3A_186 : vector<16xi32> -> vector<16xf32>
        %parallel_loop3A_188 = arith.andi %parallel_loop3A_183, %broadcast_in_dim3A_159 : vector<16xi32>
        %parallel_loop3A_189 = tpu.bitcast %parallel_loop3A_188 : vector<16xi32> -> vector<16xf32>
        %parallel_loop3A_190 = arith.index_cast %parallel_loop3A_179 : i32 to index
        %parallel_loop3A_191 = arith.constant 0 : index
        %parallel_loop3A_192 = tpu.vector_load %arg11[%parallel_loop3A_190, %parallel_loop3A_191] {strides = array<i32>} : memref<128x128xf32, #tpu.memory_space<vmem>>, vector<1x16xf32>,
        %parallel_loop3A_193 = vector.shape_cast %parallel_loop3A_192 : vector<1x16xf32> to vector<16xf32>
        %parallel_loop3A_194 = arith.addf %parallel_loop3A_193, %parallel_loop3A_187 : vector<16xf32>
        %parallel_loop3A_195 = arith.constant 0.000000e+00 : f32
        %parallel_loop3A_196 = vector.broadcast %parallel_loop3A_195 : f32 to vector<16xf32>
        %parallel_loop3A_197 = arith.maximumf %parallel_loop3A_194, %parallel_loop3A_196 : vector<16xf32>
        %parallel_loop3A_198 = arith.index_cast %parallel_loop3A_179 : i32 to index
        %parallel_loop3A_199 = arith.constant 0 : index
        %parallel_loop3A_200 = tpu.vector_load %arg11[%parallel_loop3A_198, %parallel_loop3A_199] {strides = array<i32>} : memref<128x128xf32, #tpu.memory_space<vmem>>, vector<1x16xf32>,
        %parallel_loop3A_201 = vector.shape_cast %parallel_loop3A_200 : vector<1x16xf32> to vector<16xf32>
        %parallel_loop3A_202 = vector.shape_cast %parallel_loop3A_197 : vector<16xf32> to vector<1x16xf32>
        tpu.vector_store %arg11[%parallel_loop3A_198, %parallel_loop3A_199], %parallel_loop3A_202 {strides = array<i32>} : memref<128x128xf32, #tpu.memory_space<vmem>>, vector<1x16xf32>,
        %parallel_loop3A_203 = arith.constant 1 : i32
        %parallel_loop3A_204 = arith.addi %parallel_loop3A_179, %parallel_loop3A_203 : i32
        %parallel_loop3A_205 = arith.index_cast %parallel_loop3A_204 : i32 to index
        %parallel_loop3A_206 = arith.constant 0 : index
        %parallel_loop3A_207 = tpu.vector_load %arg11[%parallel_loop3A_205, %parallel_loop3A_206] {strides = array<i32>} : memref<128x128xf32, #tpu.memory_space<vmem>>, vector<1x16xf32>,
        %parallel_loop3A_208 = vector.shape_cast %parallel_loop3A_207 : vector<1x16xf32> to vector<16xf32>
        %parallel_loop3A_209 = arith.addf %parallel_loop3A_208, %parallel_loop3A_189 : vector<16xf32>
        %parallel_loop3A_210 = arith.constant 0.000000e+00 : f32
        %parallel_loop3A_211 = vector.broadcast %parallel_loop3A_210 : f32 to vector<16xf32>
        %parallel_loop3A_212 = arith.maximumf %parallel_loop3A_209, %parallel_loop3A_211 : vector<16xf32>
        %parallel_loop3A_213 = arith.constant 1 : i32
        %parallel_loop3A_214 = arith.addi %parallel_loop3A_179, %parallel_loop3A_213 : i32
        %parallel_loop3A_215 = arith.index_cast %parallel_loop3A_214 : i32 to index
        %parallel_loop3A_216 = arith.constant 0 : index
        %parallel_loop3A_217 = tpu.vector_load %arg11[%parallel_loop3A_215, %parallel_loop3A_216] {strides = array<i32>} : memref<128x128xf32, #tpu.memory_space<vmem>>, vector<1x16xf32>,
        %parallel_loop3A_218 = vector.shape_cast %parallel_loop3A_217 : vector<1x16xf32> to vector<16xf32>
        %parallel_loop3A_219 = vector.shape_cast %parallel_loop3A_212 : vector<16xf32> to vector<1x16xf32>
        tpu.vector_store %arg11[%parallel_loop3A_215, %parallel_loop3A_216], %parallel_loop3A_219 {strides = array<i32>} : memref<128x128xf32, #tpu.memory_space<vmem>>, vector<1x16xf32>,
        %parallel_loop3A_220 = arith.index_cast %parallel_loop3A_177 : i32 to index
        %parallel_loop3A_221 = arith.constant 16 : index
        %parallel_loop3A_222 = tpu.vector_load %arg13[%parallel_loop3A_220, %parallel_loop3A_221] {strides = array<i32>} : memref<64x128xi32, #tpu.memory_space<vmem>>, vector<1x16xi32>,
        %parallel_loop3A_223 = vector.shape_cast %parallel_loop3A_222 : vector<1x16xi32> to vector<16xi32>
        %parallel_loop3A_224 = arith.constant 16 : i32
        %parallel_loop3A_225 = vector.broadcast %parallel_loop3A_224 : i32 to vector<16xi32>
        %parallel_loop3A_226 = arith.shli %parallel_loop3A_223, %parallel_loop3A_225 : vector<16xi32>
        %parallel_loop3A_227 = tpu.bitcast %parallel_loop3A_226 : vector<16xi32> -> vector<16xf32>
        %parallel_loop3A_228 = arith.andi %parallel_loop3A_223, %broadcast_in_dim3A_159 : vector<16xi32>
        %parallel_loop3A_229 = tpu.bitcast %parallel_loop3A_228 : vector<16xi32> -> vector<16xf32>
        %parallel_loop3A_230 = arith.index_cast %parallel_loop3A_179 : i32 to index
        %parallel_loop3A_231 = arith.constant 16 : index
        %parallel_loop3A_232 = tpu.vector_load %arg11[%parallel_loop3A_230, %parallel_loop3A_231] {strides = array<i32>} : memref<128x128xf32, #tpu.memory_space<vmem>>, vector<1x16xf32>,
        %parallel_loop3A_233 = vector.shape_cast %parallel_loop3A_232 : vector<1x16xf32> to vector<16xf32>
        %parallel_loop3A_234 = arith.addf %parallel_loop3A_233, %parallel_loop3A_227 : vector<16xf32>
        %parallel_loop3A_235 = arith.constant 0.000000e+00 : f32
        %parallel_loop3A_236 = vector.broadcast %parallel_loop3A_235 : f32 to vector<16xf32>
        %parallel_loop3A_237 = arith.maximumf %parallel_loop3A_234, %parallel_loop3A_236 : vector<16xf32>
        %parallel_loop3A_238 = arith.index_cast %parallel_loop3A_179 : i32 to index
        %parallel_loop3A_239 = arith.constant 16 : index
        %parallel_loop3A_240 = tpu.vector_load %arg11[%parallel_loop3A_238, %parallel_loop3A_239] {strides = array<i32>} : memref<128x128xf32, #tpu.memory_space<vmem>>, vector<1x16xf32>,
        %parallel_loop3A_241 = vector.shape_cast %parallel_loop3A_240 : vector<1x16xf32> to vector<16xf32>
        %parallel_loop3A_242 = vector.shape_cast %parallel_loop3A_237 : vector<16xf32> to vector<1x16xf32>
        tpu.vector_store %arg11[%parallel_loop3A_238, %parallel_loop3A_239], %parallel_loop3A_242 {strides = array<i32>} : memref<128x128xf32, #tpu.memory_space<vmem>>, vector<1x16xf32>,
        %parallel_loop3A_243 = arith.constant 1 : i32
        %parallel_loop3A_244 = arith.addi %parallel_loop3A_179, %parallel_loop3A_243 : i32
        %parallel_loop3A_245 = arith.index_cast %parallel_loop3A_244 : i32 to index
        %parallel_loop3A_246 = arith.constant 16 : index
        %parallel_loop3A_247 = tpu.vector_load %arg11[%parallel_loop3A_245, %parallel_loop3A_246] {strides = array<i32>} : memref<128x128xf32, #tpu.memory_space<vmem>>, vector<1x16xf32>,
        %parallel_loop3A_248 = vector.shape_cast %parallel_loop3A_247 : vector<1x16xf32> to vector<16xf32>
        %parallel_loop3A_249 = arith.addf %parallel_loop3A_248, %parallel_loop3A_229 : vector<16xf32>
        %parallel_loop3A_250 = arith.constant 0.000000e+00 : f32
        %parallel_loop3A_251 = vector.broadcast %parallel_loop3A_250 : f32 to vector<16xf32>
        %parallel_loop3A_252 = arith.maximumf %parallel_loop3A_249, %parallel_loop3A_251 : vector<16xf32>
        %parallel_loop3A_253 = arith.constant 1 : i32
        %parallel_loop3A_254 = arith.addi %parallel_loop3A_179, %parallel_loop3A_253 : i32
        %parallel_loop3A_255 = arith.index_cast %parallel_loop3A_254 : i32 to index
        %parallel_loop3A_256 = arith.constant 16 : index
        %parallel_loop3A_257 = tpu.vector_load %arg11[%parallel_loop3A_255, %parallel_loop3A_256] {strides = array<i32>} : memref<128x128xf32, #tpu.memory_space<vmem>>, vector<1x16xf32>,
        %parallel_loop3A_258 = vector.shape_cast %parallel_loop3A_257 : vector<1x16xf32> to vector<16xf32>
        %parallel_loop3A_259 = vector.shape_cast %parallel_loop3A_252 : vector<16xf32> to vector<1x16xf32>
        tpu.vector_store %arg11[%parallel_loop3A_255, %parallel_loop3A_256], %parallel_loop3A_259 {strides = array<i32>} : memref<128x128xf32, #tpu.memory_space<vmem>>, vector<1x16xf32>,
        %parallel_loop3A_260 = arith.index_cast %parallel_loop3A_177 : i32 to index
        %parallel_loop3A_261 = arith.constant 32 : index
        %parallel_loop3A_262 = tpu.vector_load %arg13[%parallel_loop3A_260, %parallel_loop3A_261] {strides = array<i32>} : memref<64x128xi32, #tpu.memory_space<vmem>>, vector<1x16xi32>,
        %parallel_loop3A_263 = vector.shape_cast %parallel_loop3A_262 : vector<1x16xi32> to vector<16xi32>
        %parallel_loop3A_264 = arith.constant 16 : i32
        %parallel_loop3A_265 = vector.broadcast %parallel_loop3A_264 : i32 to vector<16xi32>
        %parallel_loop3A_266 = arith.shli %parallel_loop3A_263, %parallel_loop3A_265 : vector<16xi32>
        %parallel_loop3A_267 = tpu.bitcast %parallel_loop3A_266 : vector<16xi32> -> vector<16xf32>
        %parallel_loop3A_268 = arith.andi %parallel_loop3A_263, %broadcast_in_dim3A_159 : vector<16xi32>
        %parallel_loop3A_269 = tpu.bitcast %parallel_loop3A_268 : vector<16xi32> -> vector<16xf32>
        %parallel_loop3A_270 = arith.index_cast %parallel_loop3A_179 : i32 to index
        %parallel_loop3A_271 = arith.constant 32 : index
        %parallel_loop3A_272 = tpu.vector_load %arg11[%parallel_loop3A_270, %parallel_loop3A_271] {strides = array<i32>} : memref<128x128xf32, #tpu.memory_space<vmem>>, vector<1x16xf32>,
        %parallel_loop3A_273 = vector.shape_cast %parallel_loop3A_272 : vector<1x16xf32> to vector<16xf32>
        %parallel_loop3A_274 = arith.addf %parallel_loop3A_273, %parallel_loop3A_267 : vector<16xf32>
        %parallel_loop3A_275 = arith.constant 0.000000e+00 : f32
        %parallel_loop3A_276 = vector.broadcast %parallel_loop3A_275 : f32 to vector<16xf32>
        %parallel_loop3A_277 = arith.maximumf %parallel_loop3A_274, %parallel_loop3A_276 : vector<16xf32>
        %parallel_loop3A_278 = arith.index_cast %parallel_loop3A_179 : i32 to index
        %parallel_loop3A_279 = arith.constant 32 : index
        %parallel_loop3A_280 = tpu.vector_load %arg11[%parallel_loop3A_278, %parallel_loop3A_279] {strides = array<i32>} : memref<128x128xf32, #tpu.memory_space<vmem>>, vector<1x16xf32>,
        %parallel_loop3A_281 = vector.shape_cast %parallel_loop3A_280 : vector<1x16xf32> to vector<16xf32>
        %parallel_loop3A_282 = vector.shape_cast %parallel_loop3A_277 : vector<16xf32> to vector<1x16xf32>
        tpu.vector_store %arg11[%parallel_loop3A_278, %parallel_loop3A_279], %parallel_loop3A_282 {strides = array<i32>} : memref<128x128xf32, #tpu.memory_space<vmem>>, vector<1x16xf32>,
        %parallel_loop3A_283 = arith.constant 1 : i32
        %parallel_loop3A_284 = arith.addi %parallel_loop3A_179, %parallel_loop3A_283 : i32
        %parallel_loop3A_285 = arith.index_cast %parallel_loop3A_284 : i32 to index
        %parallel_loop3A_286 = arith.constant 32 : index
        %parallel_loop3A_287 = tpu.vector_load %arg11[%parallel_loop3A_285, %parallel_loop3A_286] {strides = array<i32>} : memref<128x128xf32, #tpu.memory_space<vmem>>, vector<1x16xf32>,
        %parallel_loop3A_288 = vector.shape_cast %parallel_loop3A_287 : vector<1x16xf32> to vector<16xf32>
        %parallel_loop3A_289 = arith.addf %parallel_loop3A_288, %parallel_loop3A_269 : vector<16xf32>
        %parallel_loop3A_290 = arith.constant 0.000000e+00 : f32
        %parallel_loop3A_291 = vector.broadcast %parallel_loop3A_290 : f32 to vector<16xf32>
        %parallel_loop3A_292 = arith.maximumf %parallel_loop3A_289, %parallel_loop3A_291 : vector<16xf32>
        %parallel_loop3A_293 = arith.constant 1 : i32
        %parallel_loop3A_294 = arith.addi %parallel_loop3A_179, %parallel_loop3A_293 : i32
        %parallel_loop3A_295 = arith.index_cast %parallel_loop3A_294 : i32 to index
        %parallel_loop3A_296 = arith.constant 32 : index
        %parallel_loop3A_297 = tpu.vector_load %arg11[%parallel_loop3A_295, %parallel_loop3A_296] {strides = array<i32>} : memref<128x128xf32, #tpu.memory_space<vmem>>, vector<1x16xf32>,
        %parallel_loop3A_298 = vector.shape_cast %parallel_loop3A_297 : vector<1x16xf32> to vector<16xf32>
        %parallel_loop3A_299 = vector.shape_cast %parallel_loop3A_292 : vector<16xf32> to vector<1x16xf32>
        tpu.vector_store %arg11[%parallel_loop3A_295, %parallel_loop3A_296], %parallel_loop3A_299 {strides = array<i32>} : memref<128x128xf32, #tpu.memory_space<vmem>>, vector<1x16xf32>,
        %parallel_loop3A_300 = arith.index_cast %parallel_loop3A_177 : i32 to index
        %parallel_loop3A_301 = arith.constant 48 : index
        %parallel_loop3A_302 = tpu.vector_load %arg13[%parallel_loop3A_300, %parallel_loop3A_301] {strides = array<i32>} : memref<64x128xi32, #tpu.memory_space<vmem>>, vector<1x16xi32>,
        %parallel_loop3A_303 = vector.shape_cast %parallel_loop3A_302 : vector<1x16xi32> to vector<16xi32>
        %parallel_loop3A_304 = arith.constant 16 : i32
        %parallel_loop3A_305 = vector.broadcast %parallel_loop3A_304 : i32 to vector<16xi32>
        %parallel_loop3A_306 = arith.shli %parallel_loop3A_303, %parallel_loop3A_305 : vector<16xi32>
        %parallel_loop3A_307 = tpu.bitcast %parallel_loop3A_306 : vector<16xi32> -> vector<16xf32>
        %parallel_loop3A_308 = arith.andi %parallel_loop3A_303, %broadcast_in_dim3A_159 : vector<16xi32>
        %parallel_loop3A_309 = tpu.bitcast %parallel_loop3A_308 : vector<16xi32> -> vector<16xf32>
        %parallel_loop3A_310 = arith.index_cast %parallel_loop3A_179 : i32 to index
        %parallel_loop3A_311 = arith.constant 48 : index
        %parallel_loop3A_312 = tpu.vector_load %arg11[%parallel_loop3A_310, %parallel_loop3A_311] {strides = array<i32>} : memref<128x128xf32, #tpu.memory_space<vmem>>, vector<1x16xf32>,
        %parallel_loop3A_313 = vector.shape_cast %parallel_loop3A_312 : vector<1x16xf32> to vector<16xf32>
        %parallel_loop3A_314 = arith.addf %parallel_loop3A_313, %parallel_loop3A_307 : vector<16xf32>
        %parallel_loop3A_315 = arith.constant 0.000000e+00 : f32
        %parallel_loop3A_316 = vector.broadcast %parallel_loop3A_315 : f32 to vector<16xf32>
        %parallel_loop3A_317 = arith.maximumf %parallel_loop3A_314, %parallel_loop3A_316 : vector<16xf32>
        %parallel_loop3A_318 = arith.index_cast %parallel_loop3A_179 : i32 to index
        %parallel_loop3A_319 = arith.constant 48 : index
        %parallel_loop3A_320 = tpu.vector_load %arg11[%parallel_loop3A_318, %parallel_loop3A_319] {strides = array<i32>} : memref<128x128xf32, #tpu.memory_space<vmem>>, vector<1x16xf32>,
        %parallel_loop3A_321 = vector.shape_cast %parallel_loop3A_320 : vector<1x16xf32> to vector<16xf32>
        %parallel_loop3A_322 = vector.shape_cast %parallel_loop3A_317 : vector<16xf32> to vector<1x16xf32>
        tpu.vector_store %arg11[%parallel_loop3A_318, %parallel_loop3A_319], %parallel_loop3A_322 {strides = array<i32>} : memref<128x128xf32, #tpu.memory_space<vmem>>, vector<1x16xf32>,
        %parallel_loop3A_323 = arith.constant 1 : i32
        %parallel_loop3A_324 = arith.addi %parallel_loop3A_179, %parallel_loop3A_323 : i32
        %parallel_loop3A_325 = arith.index_cast %parallel_loop3A_324 : i32 to index
        %parallel_loop3A_326 = arith.constant 48 : index
        %parallel_loop3A_327 = tpu.vector_load %arg11[%parallel_loop3A_325, %parallel_loop3A_326] {strides = array<i32>} : memref<128x128xf32, #tpu.memory_space<vmem>>, vector<1x16xf32>,
        %parallel_loop3A_328 = vector.shape_cast %parallel_loop3A_327 : vector<1x16xf32> to vector<16xf32>
        %parallel_loop3A_329 = arith.addf %parallel_loop3A_328, %parallel_loop3A_309 : vector<16xf32>
        %parallel_loop3A_330 = arith.constant 0.000000e+00 : f32
        %parallel_loop3A_331 = vector.broadcast %parallel_loop3A_330 : f32 to vector<16xf32>
        %parallel_loop3A_332 = arith.maximumf %parallel_loop3A_329, %parallel_loop3A_331 : vector<16xf32>
        %parallel_loop3A_333 = arith.constant 1 : i32
        %parallel_loop3A_334 = arith.addi %parallel_loop3A_179, %parallel_loop3A_333 : i32
        %parallel_loop3A_335 = arith.index_cast %parallel_loop3A_334 : i32 to index
        %parallel_loop3A_336 = arith.constant 48 : index
        %parallel_loop3A_337 = tpu.vector_load %arg11[%parallel_loop3A_335, %parallel_loop3A_336] {strides = array<i32>} : memref<128x128xf32, #tpu.memory_space<vmem>>, vector<1x16xf32>,
        %parallel_loop3A_338 = vector.shape_cast %parallel_loop3A_337 : vector<1x16xf32> to vector<16xf32>
        %parallel_loop3A_339 = vector.shape_cast %parallel_loop3A_332 : vector<16xf32> to vector<1x16xf32>
        tpu.vector_store %arg11[%parallel_loop3A_335, %parallel_loop3A_336], %parallel_loop3A_339 {strides = array<i32>} : memref<128x128xf32, #tpu.memory_space<vmem>>, vector<1x16xf32>,
        %parallel_loop3A_340 = arith.index_cast %parallel_loop3A_177 : i32 to index
        %parallel_loop3A_341 = arith.constant 64 : index
        %parallel_loop3A_342 = tpu.vector_load %arg13[%parallel_loop3A_340, %parallel_loop3A_341] {strides = array<i32>} : memref<64x128xi32, #tpu.memory_space<vmem>>, vector<1x16xi32>,
        %parallel_loop3A_343 = vector.shape_cast %parallel_loop3A_342 : vector<1x16xi32> to vector<16xi32>
        %parallel_loop3A_344 = arith.constant 16 : i32
        %parallel_loop3A_345 = vector.broadcast %parallel_loop3A_344 : i32 to vector<16xi32>
        %parallel_loop3A_346 = arith.shli %parallel_loop3A_343, %parallel_loop3A_345 : vector<16xi32>
        %parallel_loop3A_347 = tpu.bitcast %parallel_loop3A_346 : vector<16xi32> -> vector<16xf32>
        %parallel_loop3A_348 = arith.andi %parallel_loop3A_343, %broadcast_in_dim3A_159 : vector<16xi32>
        %parallel_loop3A_349 = tpu.bitcast %parallel_loop3A_348 : vector<16xi32> -> vector<16xf32>
        %parallel_loop3A_350 = arith.index_cast %parallel_loop3A_179 : i32 to index
        %parallel_loop3A_351 = arith.constant 64 : index
        %parallel_loop3A_352 = tpu.vector_load %arg11[%parallel_loop3A_350, %parallel_loop3A_351] {strides = array<i32>} : memref<128x128xf32, #tpu.memory_space<vmem>>, vector<1x16xf32>,
        %parallel_loop3A_353 = vector.shape_cast %parallel_loop3A_352 : vector<1x16xf32> to vector<16xf32>
        %parallel_loop3A_354 = arith.addf %parallel_loop3A_353, %parallel_loop3A_347 : vector<16xf32>
        %parallel_loop3A_355 = arith.constant 0.000000e+00 : f32
        %parallel_loop3A_356 = vector.broadcast %parallel_loop3A_355 : f32 to vector<16xf32>
        %parallel_loop3A_357 = arith.maximumf %parallel_loop3A_354, %parallel_loop3A_356 : vector<16xf32>
        %parallel_loop3A_358 = arith.index_cast %parallel_loop3A_179 : i32 to index
        %parallel_loop3A_359 = arith.constant 64 : index
        %parallel_loop3A_360 = tpu.vector_load %arg11[%parallel_loop3A_358, %parallel_loop3A_359] {strides = array<i32>} : memref<128x128xf32, #tpu.memory_space<vmem>>, vector<1x16xf32>,
        %parallel_loop3A_361 = vector.shape_cast %parallel_loop3A_360 : vector<1x16xf32> to vector<16xf32>
        %parallel_loop3A_362 = vector.shape_cast %parallel_loop3A_357 : vector<16xf32> to vector<1x16xf32>
        tpu.vector_store %arg11[%parallel_loop3A_358, %parallel_loop3A_359], %parallel_loop3A_362 {strides = array<i32>} : memref<128x128xf32, #tpu.memory_space<vmem>>, vector<1x16xf32>,
        %parallel_loop3A_363 = arith.constant 1 : i32
        %parallel_loop3A_364 = arith.addi %parallel_loop3A_179, %parallel_loop3A_363 : i32
        %parallel_loop3A_365 = arith.index_cast %parallel_loop3A_364 : i32 to index
        %parallel_loop3A_366 = arith.constant 64 : index
        %parallel_loop3A_367 = tpu.vector_load %arg11[%parallel_loop3A_365, %parallel_loop3A_366] {strides = array<i32>} : memref<128x128xf32, #tpu.memory_space<vmem>>, vector<1x16xf32>,
        %parallel_loop3A_368 = vector.shape_cast %parallel_loop3A_367 : vector<1x16xf32> to vector<16xf32>
        %parallel_loop3A_369 = arith.addf %parallel_loop3A_368, %parallel_loop3A_349 : vector<16xf32>
        %parallel_loop3A_370 = arith.constant 0.000000e+00 : f32
        %parallel_loop3A_371 = vector.broadcast %parallel_loop3A_370 : f32 to vector<16xf32>
        %parallel_loop3A_372 = arith.maximumf %parallel_loop3A_369, %parallel_loop3A_371 : vector<16xf32>
        %parallel_loop3A_373 = arith.constant 1 : i32
        %parallel_loop3A_374 = arith.addi %parallel_loop3A_179, %parallel_loop3A_373 : i32
        %parallel_loop3A_375 = arith.index_cast %parallel_loop3A_374 : i32 to index
        %parallel_loop3A_376 = arith.constant 64 : index
        %parallel_loop3A_377 = tpu.vector_load %arg11[%parallel_loop3A_375, %parallel_loop3A_376] {strides = array<i32>} : memref<128x128xf32, #tpu.memory_space<vmem>>, vector<1x16xf32>,
        %parallel_loop3A_378 = vector.shape_cast %parallel_loop3A_377 : vector<1x16xf32> to vector<16xf32>
        %parallel_loop3A_379 = vector.shape_cast %parallel_loop3A_372 : vector<16xf32> to vector<1x16xf32>
        tpu.vector_store %arg11[%parallel_loop3A_375, %parallel_loop3A_376], %parallel_loop3A_379 {strides = array<i32>} : memref<128x128xf32, #tpu.memory_space<vmem>>, vector<1x16xf32>,
        %parallel_loop3A_380 = arith.index_cast %parallel_loop3A_177 : i32 to index
        %parallel_loop3A_381 = arith.constant 80 : index
        %parallel_loop3A_382 = tpu.vector_load %arg13[%parallel_loop3A_380, %parallel_loop3A_381] {strides = array<i32>} : memref<64x128xi32, #tpu.memory_space<vmem>>, vector<1x16xi32>,
        %parallel_loop3A_383 = vector.shape_cast %parallel_loop3A_382 : vector<1x16xi32> to vector<16xi32>
        %parallel_loop3A_384 = arith.constant 16 : i32
        %parallel_loop3A_385 = vector.broadcast %parallel_loop3A_384 : i32 to vector<16xi32>
        %parallel_loop3A_386 = arith.shli %parallel_loop3A_383, %parallel_loop3A_385 : vector<16xi32>
        %parallel_loop3A_387 = tpu.bitcast %parallel_loop3A_386 : vector<16xi32> -> vector<16xf32>
        %parallel_loop3A_388 = arith.andi %parallel_loop3A_383, %broadcast_in_dim3A_159 : vector<16xi32>
        %parallel_loop3A_389 = tpu.bitcast %parallel_loop3A_388 : vector<16xi32> -> vector<16xf32>
        %parallel_loop3A_390 = arith.index_cast %parallel_loop3A_179 : i32 to index
        %parallel_loop3A_391 = arith.constant 80 : index
        %parallel_loop3A_392 = tpu.vector_load %arg11[%parallel_loop3A_390, %parallel_loop3A_391] {strides = array<i32>} : memref<128x128xf32, #tpu.memory_space<vmem>>, vector<1x16xf32>,
        %parallel_loop3A_393 = vector.shape_cast %parallel_loop3A_392 : vector<1x16xf32> to vector<16xf32>
        %parallel_loop3A_394 = arith.addf %parallel_loop3A_393, %parallel_loop3A_387 : vector<16xf32>
        %parallel_loop3A_395 = arith.constant 0.000000e+00 : f32
        %parallel_loop3A_396 = vector.broadcast %parallel_loop3A_395 : f32 to vector<16xf32>
        %parallel_loop3A_397 = arith.maximumf %parallel_loop3A_394, %parallel_loop3A_396 : vector<16xf32>
        %parallel_loop3A_398 = arith.index_cast %parallel_loop3A_179 : i32 to index
        %parallel_loop3A_399 = arith.constant 80 : index
        %parallel_loop3A_400 = tpu.vector_load %arg11[%parallel_loop3A_398, %parallel_loop3A_399] {strides = array<i32>} : memref<128x128xf32, #tpu.memory_space<vmem>>, vector<1x16xf32>,
        %parallel_loop3A_401 = vector.shape_cast %parallel_loop3A_400 : vector<1x16xf32> to vector<16xf32>
        %parallel_loop3A_402 = vector.shape_cast %parallel_loop3A_397 : vector<16xf32> to vector<1x16xf32>
        tpu.vector_store %arg11[%parallel_loop3A_398, %parallel_loop3A_399], %parallel_loop3A_402 {strides = array<i32>} : memref<128x128xf32, #tpu.memory_space<vmem>>, vector<1x16xf32>,
        %parallel_loop3A_403 = arith.constant 1 : i32
        %parallel_loop3A_404 = arith.addi %parallel_loop3A_179, %parallel_loop3A_403 : i32
        %parallel_loop3A_405 = arith.index_cast %parallel_loop3A_404 : i32 to index
        %parallel_loop3A_406 = arith.constant 80 : index
        %parallel_loop3A_407 = tpu.vector_load %arg11[%parallel_loop3A_405, %parallel_loop3A_406] {strides = array<i32>} : memref<128x128xf32, #tpu.memory_space<vmem>>, vector<1x16xf32>,
        %parallel_loop3A_408 = vector.shape_cast %parallel_loop3A_407 : vector<1x16xf32> to vector<16xf32>
        %parallel_loop3A_409 = arith.addf %parallel_loop3A_408, %parallel_loop3A_389 : vector<16xf32>
        %parallel_loop3A_410 = arith.constant 0.000000e+00 : f32
        %parallel_loop3A_411 = vector.broadcast %parallel_loop3A_410 : f32 to vector<16xf32>
        %parallel_loop3A_412 = arith.maximumf %parallel_loop3A_409, %parallel_loop3A_411 : vector<16xf32>
        %parallel_loop3A_413 = arith.constant 1 : i32
        %parallel_loop3A_414 = arith.addi %parallel_loop3A_179, %parallel_loop3A_413 : i32
        %parallel_loop3A_415 = arith.index_cast %parallel_loop3A_414 : i32 to index
        %parallel_loop3A_416 = arith.constant 80 : index
        %parallel_loop3A_417 = tpu.vector_load %arg11[%parallel_loop3A_415, %parallel_loop3A_416] {strides = array<i32>} : memref<128x128xf32, #tpu.memory_space<vmem>>, vector<1x16xf32>,
        %parallel_loop3A_418 = vector.shape_cast %parallel_loop3A_417 : vector<1x16xf32> to vector<16xf32>
        %parallel_loop3A_419 = vector.shape_cast %parallel_loop3A_412 : vector<16xf32> to vector<1x16xf32>
        tpu.vector_store %arg11[%parallel_loop3A_415, %parallel_loop3A_416], %parallel_loop3A_419 {strides = array<i32>} : memref<128x128xf32, #tpu.memory_space<vmem>>, vector<1x16xf32>,
        %parallel_loop3A_420 = arith.index_cast %parallel_loop3A_177 : i32 to index
        %parallel_loop3A_421 = arith.constant 96 : index
        %parallel_loop3A_422 = tpu.vector_load %arg13[%parallel_loop3A_420, %parallel_loop3A_421] {strides = array<i32>} : memref<64x128xi32, #tpu.memory_space<vmem>>, vector<1x16xi32>,
        %parallel_loop3A_423 = vector.shape_cast %parallel_loop3A_422 : vector<1x16xi32> to vector<16xi32>
        %parallel_loop3A_424 = arith.constant 16 : i32
        %parallel_loop3A_425 = vector.broadcast %parallel_loop3A_424 : i32 to vector<16xi32>
        %parallel_loop3A_426 = arith.shli %parallel_loop3A_423, %parallel_loop3A_425 : vector<16xi32>
        %parallel_loop3A_427 = tpu.bitcast %parallel_loop3A_426 : vector<16xi32> -> vector<16xf32>
        %parallel_loop3A_428 = arith.andi %parallel_loop3A_423, %broadcast_in_dim3A_159 : vector<16xi32>
        %parallel_loop3A_429 = tpu.bitcast %parallel_loop3A_428 : vector<16xi32> -> vector<16xf32>
        %parallel_loop3A_430 = arith.index_cast %parallel_loop3A_179 : i32 to index
        %parallel_loop3A_431 = arith.constant 96 : index
        %parallel_loop3A_432 = tpu.vector_load %arg11[%parallel_loop3A_430, %parallel_loop3A_431] {strides = array<i32>} : memref<128x128xf32, #tpu.memory_space<vmem>>, vector<1x16xf32>,
        %parallel_loop3A_433 = vector.shape_cast %parallel_loop3A_432 : vector<1x16xf32> to vector<16xf32>
        %parallel_loop3A_434 = arith.addf %parallel_loop3A_433, %parallel_loop3A_427 : vector<16xf32>
        %parallel_loop3A_435 = arith.constant 0.000000e+00 : f32
        %parallel_loop3A_436 = vector.broadcast %parallel_loop3A_435 : f32 to vector<16xf32>
        %parallel_loop3A_437 = arith.maximumf %parallel_loop3A_434, %parallel_loop3A_436 : vector<16xf32>
        %parallel_loop3A_438 = arith.index_cast %parallel_loop3A_179 : i32 to index
        %parallel_loop3A_439 = arith.constant 96 : index
        %parallel_loop3A_440 = tpu.vector_load %arg11[%parallel_loop3A_438, %parallel_loop3A_439] {strides = array<i32>} : memref<128x128xf32, #tpu.memory_space<vmem>>, vector<1x16xf32>,
        %parallel_loop3A_441 = vector.shape_cast %parallel_loop3A_440 : vector<1x16xf32> to vector<16xf32>
        %parallel_loop3A_442 = vector.shape_cast %parallel_loop3A_437 : vector<16xf32> to vector<1x16xf32>
        tpu.vector_store %arg11[%parallel_loop3A_438, %parallel_loop3A_439], %parallel_loop3A_442 {strides = array<i32>} : memref<128x128xf32, #tpu.memory_space<vmem>>, vector<1x16xf32>,
        %parallel_loop3A_443 = arith.constant 1 : i32
        %parallel_loop3A_444 = arith.addi %parallel_loop3A_179, %parallel_loop3A_443 : i32
        %parallel_loop3A_445 = arith.index_cast %parallel_loop3A_444 : i32 to index
        %parallel_loop3A_446 = arith.constant 96 : index
        %parallel_loop3A_447 = tpu.vector_load %arg11[%parallel_loop3A_445, %parallel_loop3A_446] {strides = array<i32>} : memref<128x128xf32, #tpu.memory_space<vmem>>, vector<1x16xf32>,
        %parallel_loop3A_448 = vector.shape_cast %parallel_loop3A_447 : vector<1x16xf32> to vector<16xf32>
        %parallel_loop3A_449 = arith.addf %parallel_loop3A_448, %parallel_loop3A_429 : vector<16xf32>
        %parallel_loop3A_450 = arith.constant 0.000000e+00 : f32
        %parallel_loop3A_451 = vector.broadcast %parallel_loop3A_450 : f32 to vector<16xf32>
        %parallel_loop3A_452 = arith.maximumf %parallel_loop3A_449, %parallel_loop3A_451 : vector<16xf32>
        %parallel_loop3A_453 = arith.constant 1 : i32
        %parallel_loop3A_454 = arith.addi %parallel_loop3A_179, %parallel_loop3A_453 : i32
        %parallel_loop3A_455 = arith.index_cast %parallel_loop3A_454 : i32 to index
        %parallel_loop3A_456 = arith.constant 96 : index
        %parallel_loop3A_457 = tpu.vector_load %arg11[%parallel_loop3A_455, %parallel_loop3A_456] {strides = array<i32>} : memref<128x128xf32, #tpu.memory_space<vmem>>, vector<1x16xf32>,
        %parallel_loop3A_458 = vector.shape_cast %parallel_loop3A_457 : vector<1x16xf32> to vector<16xf32>
        %parallel_loop3A_459 = vector.shape_cast %parallel_loop3A_452 : vector<16xf32> to vector<1x16xf32>
        tpu.vector_store %arg11[%parallel_loop3A_455, %parallel_loop3A_456], %parallel_loop3A_459 {strides = array<i32>} : memref<128x128xf32, #tpu.memory_space<vmem>>, vector<1x16xf32>,
        %parallel_loop3A_460 = arith.index_cast %parallel_loop3A_177 : i32 to index
        %parallel_loop3A_461 = arith.constant 112 : index
        %parallel_loop3A_462 = tpu.vector_load %arg13[%parallel_loop3A_460, %parallel_loop3A_461] {strides = array<i32>} : memref<64x128xi32, #tpu.memory_space<vmem>>, vector<1x16xi32>,
        %parallel_loop3A_463 = vector.shape_cast %parallel_loop3A_462 : vector<1x16xi32> to vector<16xi32>
        %parallel_loop3A_464 = arith.constant 16 : i32
        %parallel_loop3A_465 = vector.broadcast %parallel_loop3A_464 : i32 to vector<16xi32>
        %parallel_loop3A_466 = arith.shli %parallel_loop3A_463, %parallel_loop3A_465 : vector<16xi32>
        %parallel_loop3A_467 = tpu.bitcast %parallel_loop3A_466 : vector<16xi32> -> vector<16xf32>
        %parallel_loop3A_468 = arith.andi %parallel_loop3A_463, %broadcast_in_dim3A_159 : vector<16xi32>
        %parallel_loop3A_469 = tpu.bitcast %parallel_loop3A_468 : vector<16xi32> -> vector<16xf32>
        %parallel_loop3A_470 = arith.index_cast %parallel_loop3A_179 : i32 to index
        %parallel_loop3A_471 = arith.constant 112 : index
        %parallel_loop3A_472 = tpu.vector_load %arg11[%parallel_loop3A_470, %parallel_loop3A_471] {strides = array<i32>} : memref<128x128xf32, #tpu.memory_space<vmem>>, vector<1x16xf32>,
        %parallel_loop3A_473 = vector.shape_cast %parallel_loop3A_472 : vector<1x16xf32> to vector<16xf32>
        %parallel_loop3A_474 = arith.addf %parallel_loop3A_473, %parallel_loop3A_467 : vector<16xf32>
        %parallel_loop3A_475 = arith.constant 0.000000e+00 : f32
        %parallel_loop3A_476 = vector.broadcast %parallel_loop3A_475 : f32 to vector<16xf32>
        %parallel_loop3A_477 = arith.maximumf %parallel_loop3A_474, %parallel_loop3A_476 : vector<16xf32>
        %parallel_loop3A_478 = arith.index_cast %parallel_loop3A_179 : i32 to index
        %parallel_loop3A_479 = arith.constant 112 : index
        %parallel_loop3A_480 = tpu.vector_load %arg11[%parallel_loop3A_478, %parallel_loop3A_479] {strides = array<i32>} : memref<128x128xf32, #tpu.memory_space<vmem>>, vector<1x16xf32>,
        %parallel_loop3A_481 = vector.shape_cast %parallel_loop3A_480 : vector<1x16xf32> to vector<16xf32>
        %parallel_loop3A_482 = vector.shape_cast %parallel_loop3A_477 : vector<16xf32> to vector<1x16xf32>
        tpu.vector_store %arg11[%parallel_loop3A_478, %parallel_loop3A_479], %parallel_loop3A_482 {strides = array<i32>} : memref<128x128xf32, #tpu.memory_space<vmem>>, vector<1x16xf32>,
        %parallel_loop3A_483 = arith.constant 1 : i32
        %parallel_loop3A_484 = arith.addi %parallel_loop3A_179, %parallel_loop3A_483 : i32
        %parallel_loop3A_485 = arith.index_cast %parallel_loop3A_484 : i32 to index
        %parallel_loop3A_486 = arith.constant 112 : index
        %parallel_loop3A_487 = tpu.vector_load %arg11[%parallel_loop3A_485, %parallel_loop3A_486] {strides = array<i32>} : memref<128x128xf32, #tpu.memory_space<vmem>>, vector<1x16xf32>,
        %parallel_loop3A_488 = vector.shape_cast %parallel_loop3A_487 : vector<1x16xf32> to vector<16xf32>
        %parallel_loop3A_489 = arith.addf %parallel_loop3A_488, %parallel_loop3A_469 : vector<16xf32>
        %parallel_loop3A_490 = arith.constant 0.000000e+00 : f32
        %parallel_loop3A_491 = vector.broadcast %parallel_loop3A_490 : f32 to vector<16xf32>
        %parallel_loop3A_492 = arith.maximumf %parallel_loop3A_489, %parallel_loop3A_491 : vector<16xf32>
        %parallel_loop3A_493 = arith.constant 1 : i32
        %parallel_loop3A_494 = arith.addi %parallel_loop3A_179, %parallel_loop3A_493 : i32
        %parallel_loop3A_495 = arith.index_cast %parallel_loop3A_494 : i32 to index
        %parallel_loop3A_496 = arith.constant 112 : index
        %parallel_loop3A_497 = tpu.vector_load %arg11[%parallel_loop3A_495, %parallel_loop3A_496] {strides = array<i32>} : memref<128x128xf32, #tpu.memory_space<vmem>>, vector<1x16xf32>,
        %parallel_loop3A_498 = vector.shape_cast %parallel_loop3A_497 : vector<1x16xf32> to vector<16xf32>
        %parallel_loop3A_499 = vector.shape_cast %parallel_loop3A_492 : vector<16xf32> to vector<1x16xf32>
        tpu.vector_store %arg11[%parallel_loop3A_495, %parallel_loop3A_496], %parallel_loop3A_499 {strides = array<i32>} : memref<128x128xf32, #tpu.memory_space<vmem>>, vector<1x16xf32>,
      } {sc.loop_unroll_factor = 2 : i64, sc.parallel_access}
      %mul3A_163 = arith.constant 32 : i32
      %mul3A_164 = arith.muli %mul3A_163, %add3A_131 : i32
      %add3A_165 = arith.addi %add3A, %mul3A_164 : i32
      %mul3A_166 = arith.constant 128 : i32
      %mul3A_167 = arith.muli %add3A_165, %mul3A_166 : i32
      %dma_wait3A_168 = arith.constant 1 : i32
      %dma_wait3A_169 = tpu.memref_slice %arg2[%dma_wait3A_168, %mul3A_167] : memref<2x320000xi32, #tpu.memory_space<hbm>> -> memref<1x128xi32, #tpu.memory_space<hbm>>
      %dma_wait3A_170 = tpu.memref_squeeze %dma_wait3A_169 : memref<1x128xi32, #tpu.memory_space<hbm>> -> memref<128xi32, #tpu.memory_space<hbm>>
      %dma_wait3A_171 = tpu.memref_slice %arg2[%dma_wait3A_168, %mul3A_167] : memref<2x320000xi32, #tpu.memory_space<hbm>> -> memref<1x128xi32, #tpu.memory_space<hbm>>
      %dma_wait3A_172 = tpu.memref_squeeze %dma_wait3A_171 : memref<1x128xi32, #tpu.memory_space<hbm>> -> memref<128xi32, #tpu.memory_space<hbm>>
      tpu.wait_dma2 semaphore(%arg18 : memref<!tpu.dma_semaphore, #tpu.memory_space<semaphore_mem>>) src(%dma_wait3A_172 : memref<128xi32, #tpu.memory_space<hbm>>) dst(%arg9 : memref<128xi32, #tpu.memory_space<vmem>>)
      %dma_start3A_173 = arith.constant 0 : i32
      %dma_start3A_174 = arith.constant 0 : i32
      %dma_start3A_175 = tpu.memref_slice %arg14[%dma_start3A_173, %dma_start3A_174] : memref<10112x128xf32, #tpu.memory_space<vmem_shared>> -> memref<10112x128xf32, #tpu.memory_space<vmem_shared>>
      tpu.enqueue_indirect_dma source(%arg11 : memref<128x128xf32, #tpu.memory_space<vmem>>) target(%dma_start3A_175 : memref<10112x128xf32, #tpu.memory_space<vmem_shared>>) offsets(%arg9 : memref<128xi32, #tpu.memory_space<vmem>>) semaphore(%arg24 : memref<!tpu.dma_semaphore, #tpu.memory_space<semaphore_mem>>) {add = true}
      %scan3A_176 = arith.constant 0 : i32
      scf.yield %scan3A_176 : i32
    }
    %scan3A_70 = arith.constant 39 : i32
    %dma_wait3A_71 = arith.constant 0 : i32
    %dma_wait3A_72 = arith.constant 0 : i32
    %dma_wait3A_73 = tpu.memref_slice %arg14[%dma_wait3A_71, %dma_wait3A_72] : memref<10112x128xf32, #tpu.memory_space<vmem_shared>> -> memref<10112x128xf32, #tpu.memory_space<vmem_shared>>
    tpu.wait_indirect_dma semaphore(%arg23 : memref<!tpu.dma_semaphore, #tpu.memory_space<semaphore_mem>>) src(%arg10 : memref<128x128xf32, #tpu.memory_space<vmem>>) dst(%dma_wait3A_73 : memref<10112x128xf32, #tpu.memory_space<vmem_shared>>)
    %dma_wait3A_74 = arith.constant 0 : i32
    %dma_wait3A_75 = arith.constant 0 : i32
    %dma_wait3A_76 = tpu.memref_slice %arg14[%dma_wait3A_74, %dma_wait3A_75] : memref<10112x128xf32, #tpu.memory_space<vmem_shared>> -> memref<10112x128xf32, #tpu.memory_space<vmem_shared>>
    tpu.wait_indirect_dma semaphore(%arg24 : memref<!tpu.dma_semaphore, #tpu.memory_space<semaphore_mem>>) src(%arg11 : memref<128x128xf32, #tpu.memory_space<vmem>>) dst(%dma_wait3A_76 : memref<10112x128xf32, #tpu.memory_space<vmem_shared>>)
    %lt3A = arith.constant 4 : i32
    %lt3A_77 = arith.cmpi slt, %add3A, %lt3A : i32
    %convert_element_type3A = arith.extui %lt3A_77 : i1 to i32
    %cond3A = arith.constant 0 : i32
    %cond3A_78 = arith.cmpi ne, %convert_element_type3A, %cond3A : i32
    scf.if %cond3A_78 {
      %add3A_84 = arith.constant 2496 : i32
      %add3A_85 = arith.addi %add3A_84, %add3A : i32
      %mul3A_86 = arith.constant 128 : i32
      %mul3A_87 = arith.muli %add3A_85, %mul3A_86 : i32
      %run_scoped3A = arith.constant 0 : i32
      "tpu.region"() ({
        %run_scoped3A_102 = tpu.sem_alloc : memref<!tpu.dma_semaphore, #tpu.memory_space<semaphore_mem>>
        %dma_start3A_103 = tpu.memref_slice %arg2[%run_scoped3A, %mul3A_87] : memref<2x320000xi32, #tpu.memory_space<hbm>> -> memref<1x128xi32, #tpu.memory_space<hbm>>
        %dma_start3A_104 = tpu.memref_squeeze %dma_start3A_103 : memref<1x128xi32, #tpu.memory_space<hbm>> -> memref<128xi32, #tpu.memory_space<hbm>>
        %dma_start3A_105 = tpu.memref_slice %arg2[%run_scoped3A, %mul3A_87] : memref<2x320000xi32, #tpu.memory_space<hbm>> -> memref<1x128xi32, #tpu.memory_space<hbm>>
        %dma_start3A_106 = tpu.memref_squeeze %dma_start3A_105 : memref<1x128xi32, #tpu.memory_space<hbm>> -> memref<128xi32, #tpu.memory_space<hbm>>
        tpu.enqueue_dma source(%dma_start3A_106 : memref<128xi32, #tpu.memory_space<hbm>>) target(%arg6 : memref<128xi32, #tpu.memory_space<vmem>>) target_semaphore(%run_scoped3A_102 : memref<!tpu.dma_semaphore, #tpu.memory_space<semaphore_mem>>)
        %dma_wait3A_107 = tpu.memref_slice %arg2[%run_scoped3A, %mul3A_87] : memref<2x320000xi32, #tpu.memory_space<hbm>> -> memref<1x128xi32, #tpu.memory_space<hbm>>
        %dma_wait3A_108 = tpu.memref_squeeze %dma_wait3A_107 : memref<1x128xi32, #tpu.memory_space<hbm>> -> memref<128xi32, #tpu.memory_space<hbm>>
        %dma_wait3A_109 = tpu.memref_slice %arg2[%run_scoped3A, %mul3A_87] : memref<2x320000xi32, #tpu.memory_space<hbm>> -> memref<1x128xi32, #tpu.memory_space<hbm>>
        %dma_wait3A_110 = tpu.memref_squeeze %dma_wait3A_109 : memref<1x128xi32, #tpu.memory_space<hbm>> -> memref<128xi32, #tpu.memory_space<hbm>>
        tpu.wait_dma2 semaphore(%run_scoped3A_102 : memref<!tpu.dma_semaphore, #tpu.memory_space<semaphore_mem>>) src(%dma_wait3A_110 : memref<128xi32, #tpu.memory_space<hbm>>) dst(%arg6 : memref<128xi32, #tpu.memory_space<vmem>>)
        tpu.yield
      }) : () -> ()
      %mul3A_88 = arith.constant 128 : i32
      %mul3A_89 = arith.muli %add3A_85, %mul3A_88 : i32
      %run_scoped3A_90 = arith.constant 1 : i32
      "tpu.region"() ({
        %run_scoped3A_102 = tpu.sem_alloc : memref<!tpu.dma_semaphore, #tpu.memory_space<semaphore_mem>>
        %dma_start3A_103 = tpu.memref_slice %arg2[%run_scoped3A_90, %mul3A_89] : memref<2x320000xi32, #tpu.memory_space<hbm>> -> memref<1x128xi32, #tpu.memory_space<hbm>>
        %dma_start3A_104 = tpu.memref_squeeze %dma_start3A_103 : memref<1x128xi32, #tpu.memory_space<hbm>> -> memref<128xi32, #tpu.memory_space<hbm>>
        %dma_start3A_105 = tpu.memref_slice %arg2[%run_scoped3A_90, %mul3A_89] : memref<2x320000xi32, #tpu.memory_space<hbm>> -> memref<1x128xi32, #tpu.memory_space<hbm>>
        %dma_start3A_106 = tpu.memref_squeeze %dma_start3A_105 : memref<1x128xi32, #tpu.memory_space<hbm>> -> memref<128xi32, #tpu.memory_space<hbm>>
        tpu.enqueue_dma source(%dma_start3A_106 : memref<128xi32, #tpu.memory_space<hbm>>) target(%arg8 : memref<128xi32, #tpu.memory_space<vmem>>) target_semaphore(%run_scoped3A_102 : memref<!tpu.dma_semaphore, #tpu.memory_space<semaphore_mem>>)
        %dma_wait3A_107 = tpu.memref_slice %arg2[%run_scoped3A_90, %mul3A_89] : memref<2x320000xi32, #tpu.memory_space<hbm>> -> memref<1x128xi32, #tpu.memory_space<hbm>>
        %dma_wait3A_108 = tpu.memref_squeeze %dma_wait3A_107 : memref<1x128xi32, #tpu.memory_space<hbm>> -> memref<128xi32, #tpu.memory_space<hbm>>
        %dma_wait3A_109 = tpu.memref_slice %arg2[%run_scoped3A_90, %mul3A_89] : memref<2x320000xi32, #tpu.memory_space<hbm>> -> memref<1x128xi32, #tpu.memory_space<hbm>>
        %dma_wait3A_110 = tpu.memref_squeeze %dma_wait3A_109 : memref<1x128xi32, #tpu.memory_space<hbm>> -> memref<128xi32, #tpu.memory_space<hbm>>
        tpu.wait_dma2 semaphore(%run_scoped3A_102 : memref<!tpu.dma_semaphore, #tpu.memory_space<semaphore_mem>>) src(%dma_wait3A_110 : memref<128xi32, #tpu.memory_space<hbm>>) dst(%arg8 : memref<128xi32, #tpu.memory_space<vmem>>)
        tpu.yield
      }) : () -> ()
      %mul3A_91 = arith.constant 64 : i32
      %mul3A_92 = arith.muli %add3A_85, %mul3A_91 : i32
      "tpu.region"() ({
        %run_scoped3A_102 = tpu.sem_alloc : memref<!tpu.dma_semaphore, #tpu.memory_space<semaphore_mem>>
        %dma_start3A_103 = arith.constant 0 : i32
        %dma_start3A_104 = tpu.memref_slice %arg4[%mul3A_92, %dma_start3A_103] : memref<160000x128xi32, #tpu.memory_space<hbm>> -> memref<64x128xi32, #tpu.memory_space<hbm>>
        %dma_start3A_105 = arith.constant 0 : i32
        %dma_start3A_106 = tpu.memref_slice %arg4[%mul3A_92, %dma_start3A_105] : memref<160000x128xi32, #tpu.memory_space<hbm>> -> memref<64x128xi32, #tpu.memory_space<hbm>>
        tpu.enqueue_dma source(%dma_start3A_106 : memref<64x128xi32, #tpu.memory_space<hbm>>) target(%arg12 : memref<64x128xi32, #tpu.memory_space<vmem>>) target_semaphore(%run_scoped3A_102 : memref<!tpu.dma_semaphore, #tpu.memory_space<semaphore_mem>>)
        %dma_wait3A_107 = arith.constant 0 : i32
        %dma_wait3A_108 = tpu.memref_slice %arg4[%mul3A_92, %dma_wait3A_107] : memref<160000x128xi32, #tpu.memory_space<hbm>> -> memref<64x128xi32, #tpu.memory_space<hbm>>
        %dma_wait3A_109 = arith.constant 0 : i32
        %dma_wait3A_110 = tpu.memref_slice %arg4[%mul3A_92, %dma_wait3A_109] : memref<160000x128xi32, #tpu.memory_space<hbm>> -> memref<64x128xi32, #tpu.memory_space<hbm>>
        tpu.wait_dma2 semaphore(%run_scoped3A_102 : memref<!tpu.dma_semaphore, #tpu.memory_space<semaphore_mem>>) src(%dma_wait3A_110 : memref<64x128xi32, #tpu.memory_space<hbm>>) dst(%arg12 : memref<64x128xi32, #tpu.memory_space<vmem>>)
        tpu.yield
      }) : () -> ()
      %dma_start3A_93 = arith.constant 0 : i32
      %dma_start3A_94 = arith.constant 0 : i32
      %dma_start3A_95 = tpu.memref_slice %arg3[%dma_start3A_93, %dma_start3A_94] : memref<10000x128xf32, #tpu.memory_space<hbm>> -> memref<10000x128xf32, #tpu.memory_space<hbm>>
      tpu.enqueue_indirect_dma source(%dma_start3A_95 : memref<10000x128xf32, #tpu.memory_space<hbm>>) target(%arg10 : memref<128x128xf32, #tpu.memory_space<vmem>>) offsets(%arg6 : memref<128xi32, #tpu.memory_space<vmem>>) semaphore(%arg19 : memref<!tpu.dma_semaphore, #tpu.memory_space<semaphore_mem>>)
      %dma_wait3A_96 = arith.constant 0 : i32
      %dma_wait3A_97 = arith.constant 0 : i32
      %dma_wait3A_98 = tpu.memref_slice %arg3[%dma_wait3A_96, %dma_wait3A_97] : memref<10000x128xf32, #tpu.memory_space<hbm>> -> memref<10000x128xf32, #tpu.memory_space<hbm>>
      tpu.wait_indirect_dma semaphore(%arg19 : memref<!tpu.dma_semaphore, #tpu.memory_space<semaphore_mem>>) src(%dma_wait3A_98 : memref<10000x128xf32, #tpu.memory_space<hbm>>) dst(%arg10 : memref<128x128xf32, #tpu.memory_space<vmem>>)
      %broadcast_in_dim3A = arith.constant -65536 : i32
      %broadcast_in_dim3A_99 = vector.broadcast %broadcast_in_dim3A : i32 to vector<16xi32>
      %parallel_loop3A = arith.constant 0 : i32
      %parallel_loop3A_100 = arith.constant 64 : i32
      %parallel_loop3A_101 = arith.constant 1 : i32
      scf.for %parallel_loop3A_102 = %parallel_loop3A to %parallel_loop3A_100 step %parallel_loop3A_101  : i32 {
        %parallel_loop3A_103 = arith.constant 2 : i32
        %parallel_loop3A_104 = arith.muli %parallel_loop3A_103, %parallel_loop3A_102 : i32
        %parallel_loop3A_105 = arith.index_cast %parallel_loop3A_102 : i32 to index
        %parallel_loop3A_106 = arith.constant 0 : index
        %parallel_loop3A_107 = tpu.vector_load %arg12[%parallel_loop3A_105, %parallel_loop3A_106] {strides = array<i32>} : memref<64x128xi32, #tpu.memory_space<vmem>>, vector<1x16xi32>,
        %parallel_loop3A_108 = vector.shape_cast %parallel_loop3A_107 : vector<1x16xi32> to vector<16xi32>
        %parallel_loop3A_109 = arith.constant 16 : i32
        %parallel_loop3A_110 = vector.broadcast %parallel_loop3A_109 : i32 to vector<16xi32>
        %parallel_loop3A_111 = arith.shli %parallel_loop3A_108, %parallel_loop3A_110 : vector<16xi32>
        %parallel_loop3A_112 = tpu.bitcast %parallel_loop3A_111 : vector<16xi32> -> vector<16xf32>
        %parallel_loop3A_113 = arith.andi %parallel_loop3A_108, %broadcast_in_dim3A_99 : vector<16xi32>
        %parallel_loop3A_114 = tpu.bitcast %parallel_loop3A_113 : vector<16xi32> -> vector<16xf32>
        %parallel_loop3A_115 = arith.index_cast %parallel_loop3A_104 : i32 to index
        %parallel_loop3A_116 = arith.constant 0 : index
        %parallel_loop3A_117 = tpu.vector_load %arg10[%parallel_loop3A_115, %parallel_loop3A_116] {strides = array<i32>} : memref<128x128xf32, #tpu.memory_space<vmem>>, vector<1x16xf32>,
        %parallel_loop3A_118 = vector.shape_cast %parallel_loop3A_117 : vector<1x16xf32> to vector<16xf32>
        %parallel_loop3A_119 = arith.addf %parallel_loop3A_118, %parallel_loop3A_112 : vector<16xf32>
        %parallel_loop3A_120 = arith.constant 0.000000e+00 : f32
        %parallel_loop3A_121 = vector.broadcast %parallel_loop3A_120 : f32 to vector<16xf32>
        %parallel_loop3A_122 = arith.maximumf %parallel_loop3A_119, %parallel_loop3A_121 : vector<16xf32>
        %parallel_loop3A_123 = arith.index_cast %parallel_loop3A_104 : i32 to index
        %parallel_loop3A_124 = arith.constant 0 : index
        %parallel_loop3A_125 = tpu.vector_load %arg10[%parallel_loop3A_123, %parallel_loop3A_124] {strides = array<i32>} : memref<128x128xf32, #tpu.memory_space<vmem>>, vector<1x16xf32>,
        %parallel_loop3A_126 = vector.shape_cast %parallel_loop3A_125 : vector<1x16xf32> to vector<16xf32>
        %parallel_loop3A_127 = vector.shape_cast %parallel_loop3A_122 : vector<16xf32> to vector<1x16xf32>
        tpu.vector_store %arg10[%parallel_loop3A_123, %parallel_loop3A_124], %parallel_loop3A_127 {strides = array<i32>} : memref<128x128xf32, #tpu.memory_space<vmem>>, vector<1x16xf32>,
        %parallel_loop3A_128 = arith.constant 1 : i32
        %parallel_loop3A_129 = arith.addi %parallel_loop3A_104, %parallel_loop3A_128 : i32
        %parallel_loop3A_130 = arith.index_cast %parallel_loop3A_129 : i32 to index
        %parallel_loop3A_131 = arith.constant 0 : index
        %parallel_loop3A_132 = tpu.vector_load %arg10[%parallel_loop3A_130, %parallel_loop3A_131] {strides = array<i32>} : memref<128x128xf32, #tpu.memory_space<vmem>>, vector<1x16xf32>,
        %parallel_loop3A_133 = vector.shape_cast %parallel_loop3A_132 : vector<1x16xf32> to vector<16xf32>
        %parallel_loop3A_134 = arith.addf %parallel_loop3A_133, %parallel_loop3A_114 : vector<16xf32>
        %parallel_loop3A_135 = arith.constant 0.000000e+00 : f32
        %parallel_loop3A_136 = vector.broadcast %parallel_loop3A_135 : f32 to vector<16xf32>
        %parallel_loop3A_137 = arith.maximumf %parallel_loop3A_134, %parallel_loop3A_136 : vector<16xf32>
        %parallel_loop3A_138 = arith.constant 1 : i32
        %parallel_loop3A_139 = arith.addi %parallel_loop3A_104, %parallel_loop3A_138 : i32
        %parallel_loop3A_140 = arith.index_cast %parallel_loop3A_139 : i32 to index
        %parallel_loop3A_141 = arith.constant 0 : index
        %parallel_loop3A_142 = tpu.vector_load %arg10[%parallel_loop3A_140, %parallel_loop3A_141] {strides = array<i32>} : memref<128x128xf32, #tpu.memory_space<vmem>>, vector<1x16xf32>,
        %parallel_loop3A_143 = vector.shape_cast %parallel_loop3A_142 : vector<1x16xf32> to vector<16xf32>
        %parallel_loop3A_144 = vector.shape_cast %parallel_loop3A_137 : vector<16xf32> to vector<1x16xf32>
        tpu.vector_store %arg10[%parallel_loop3A_140, %parallel_loop3A_141], %parallel_loop3A_144 {strides = array<i32>} : memref<128x128xf32, #tpu.memory_space<vmem>>, vector<1x16xf32>,
        %parallel_loop3A_145 = arith.index_cast %parallel_loop3A_102 : i32 to index
        %parallel_loop3A_146 = arith.constant 16 : index
        %parallel_loop3A_147 = tpu.vector_load %arg12[%parallel_loop3A_145, %parallel_loop3A_146] {strides = array<i32>} : memref<64x128xi32, #tpu.memory_space<vmem>>, vector<1x16xi32>,
        %parallel_loop3A_148 = vector.shape_cast %parallel_loop3A_147 : vector<1x16xi32> to vector<16xi32>
        %parallel_loop3A_149 = arith.constant 16 : i32
        %parallel_loop3A_150 = vector.broadcast %parallel_loop3A_149 : i32 to vector<16xi32>
        %parallel_loop3A_151 = arith.shli %parallel_loop3A_148, %parallel_loop3A_150 : vector<16xi32>
        %parallel_loop3A_152 = tpu.bitcast %parallel_loop3A_151 : vector<16xi32> -> vector<16xf32>
        %parallel_loop3A_153 = arith.andi %parallel_loop3A_148, %broadcast_in_dim3A_99 : vector<16xi32>
        %parallel_loop3A_154 = tpu.bitcast %parallel_loop3A_153 : vector<16xi32> -> vector<16xf32>
        %parallel_loop3A_155 = arith.index_cast %parallel_loop3A_104 : i32 to index
        %parallel_loop3A_156 = arith.constant 16 : index
        %parallel_loop3A_157 = tpu.vector_load %arg10[%parallel_loop3A_155, %parallel_loop3A_156] {strides = array<i32>} : memref<128x128xf32, #tpu.memory_space<vmem>>, vector<1x16xf32>,
        %parallel_loop3A_158 = vector.shape_cast %parallel_loop3A_157 : vector<1x16xf32> to vector<16xf32>
        %parallel_loop3A_159 = arith.addf %parallel_loop3A_158, %parallel_loop3A_152 : vector<16xf32>
        %parallel_loop3A_160 = arith.constant 0.000000e+00 : f32
        %parallel_loop3A_161 = vector.broadcast %parallel_loop3A_160 : f32 to vector<16xf32>
        %parallel_loop3A_162 = arith.maximumf %parallel_loop3A_159, %parallel_loop3A_161 : vector<16xf32>
        %parallel_loop3A_163 = arith.index_cast %parallel_loop3A_104 : i32 to index
        %parallel_loop3A_164 = arith.constant 16 : index
        %parallel_loop3A_165 = tpu.vector_load %arg10[%parallel_loop3A_163, %parallel_loop3A_164] {strides = array<i32>} : memref<128x128xf32, #tpu.memory_space<vmem>>, vector<1x16xf32>,
        %parallel_loop3A_166 = vector.shape_cast %parallel_loop3A_165 : vector<1x16xf32> to vector<16xf32>
        %parallel_loop3A_167 = vector.shape_cast %parallel_loop3A_162 : vector<16xf32> to vector<1x16xf32>
        tpu.vector_store %arg10[%parallel_loop3A_163, %parallel_loop3A_164], %parallel_loop3A_167 {strides = array<i32>} : memref<128x128xf32, #tpu.memory_space<vmem>>, vector<1x16xf32>,
        %parallel_loop3A_168 = arith.constant 1 : i32
        %parallel_loop3A_169 = arith.addi %parallel_loop3A_104, %parallel_loop3A_168 : i32
        %parallel_loop3A_170 = arith.index_cast %parallel_loop3A_169 : i32 to index
        %parallel_loop3A_171 = arith.constant 16 : index
        %parallel_loop3A_172 = tpu.vector_load %arg10[%parallel_loop3A_170, %parallel_loop3A_171] {strides = array<i32>} : memref<128x128xf32, #tpu.memory_space<vmem>>, vector<1x16xf32>,
        %parallel_loop3A_173 = vector.shape_cast %parallel_loop3A_172 : vector<1x16xf32> to vector<16xf32>
        %parallel_loop3A_174 = arith.addf %parallel_loop3A_173, %parallel_loop3A_154 : vector<16xf32>
        %parallel_loop3A_175 = arith.constant 0.000000e+00 : f32
        %parallel_loop3A_176 = vector.broadcast %parallel_loop3A_175 : f32 to vector<16xf32>
        %parallel_loop3A_177 = arith.maximumf %parallel_loop3A_174, %parallel_loop3A_176 : vector<16xf32>
        %parallel_loop3A_178 = arith.constant 1 : i32
        %parallel_loop3A_179 = arith.addi %parallel_loop3A_104, %parallel_loop3A_178 : i32
        %parallel_loop3A_180 = arith.index_cast %parallel_loop3A_179 : i32 to index
        %parallel_loop3A_181 = arith.constant 16 : index
        %parallel_loop3A_182 = tpu.vector_load %arg10[%parallel_loop3A_180, %parallel_loop3A_181] {strides = array<i32>} : memref<128x128xf32, #tpu.memory_space<vmem>>, vector<1x16xf32>,
        %parallel_loop3A_183 = vector.shape_cast %parallel_loop3A_182 : vector<1x16xf32> to vector<16xf32>
        %parallel_loop3A_184 = vector.shape_cast %parallel_loop3A_177 : vector<16xf32> to vector<1x16xf32>
        tpu.vector_store %arg10[%parallel_loop3A_180, %parallel_loop3A_181], %parallel_loop3A_184 {strides = array<i32>} : memref<128x128xf32, #tpu.memory_space<vmem>>, vector<1x16xf32>,
        %parallel_loop3A_185 = arith.index_cast %parallel_loop3A_102 : i32 to index
        %parallel_loop3A_186 = arith.constant 32 : index
        %parallel_loop3A_187 = tpu.vector_load %arg12[%parallel_loop3A_185, %parallel_loop3A_186] {strides = array<i32>} : memref<64x128xi32, #tpu.memory_space<vmem>>, vector<1x16xi32>,
        %parallel_loop3A_188 = vector.shape_cast %parallel_loop3A_187 : vector<1x16xi32> to vector<16xi32>
        %parallel_loop3A_189 = arith.constant 16 : i32
        %parallel_loop3A_190 = vector.broadcast %parallel_loop3A_189 : i32 to vector<16xi32>
        %parallel_loop3A_191 = arith.shli %parallel_loop3A_188, %parallel_loop3A_190 : vector<16xi32>
        %parallel_loop3A_192 = tpu.bitcast %parallel_loop3A_191 : vector<16xi32> -> vector<16xf32>
        %parallel_loop3A_193 = arith.andi %parallel_loop3A_188, %broadcast_in_dim3A_99 : vector<16xi32>
        %parallel_loop3A_194 = tpu.bitcast %parallel_loop3A_193 : vector<16xi32> -> vector<16xf32>
        %parallel_loop3A_195 = arith.index_cast %parallel_loop3A_104 : i32 to index
        %parallel_loop3A_196 = arith.constant 32 : index
        %parallel_loop3A_197 = tpu.vector_load %arg10[%parallel_loop3A_195, %parallel_loop3A_196] {strides = array<i32>} : memref<128x128xf32, #tpu.memory_space<vmem>>, vector<1x16xf32>,
        %parallel_loop3A_198 = vector.shape_cast %parallel_loop3A_197 : vector<1x16xf32> to vector<16xf32>
        %parallel_loop3A_199 = arith.addf %parallel_loop3A_198, %parallel_loop3A_192 : vector<16xf32>
        %parallel_loop3A_200 = arith.constant 0.000000e+00 : f32
        %parallel_loop3A_201 = vector.broadcast %parallel_loop3A_200 : f32 to vector<16xf32>
        %parallel_loop3A_202 = arith.maximumf %parallel_loop3A_199, %parallel_loop3A_201 : vector<16xf32>
        %parallel_loop3A_203 = arith.index_cast %parallel_loop3A_104 : i32 to index
        %parallel_loop3A_204 = arith.constant 32 : index
        %parallel_loop3A_205 = tpu.vector_load %arg10[%parallel_loop3A_203, %parallel_loop3A_204] {strides = array<i32>} : memref<128x128xf32, #tpu.memory_space<vmem>>, vector<1x16xf32>,
        %parallel_loop3A_206 = vector.shape_cast %parallel_loop3A_205 : vector<1x16xf32> to vector<16xf32>
        %parallel_loop3A_207 = vector.shape_cast %parallel_loop3A_202 : vector<16xf32> to vector<1x16xf32>
        tpu.vector_store %arg10[%parallel_loop3A_203, %parallel_loop3A_204], %parallel_loop3A_207 {strides = array<i32>} : memref<128x128xf32, #tpu.memory_space<vmem>>, vector<1x16xf32>,
        %parallel_loop3A_208 = arith.constant 1 : i32
        %parallel_loop3A_209 = arith.addi %parallel_loop3A_104, %parallel_loop3A_208 : i32
        %parallel_loop3A_210 = arith.index_cast %parallel_loop3A_209 : i32 to index
        %parallel_loop3A_211 = arith.constant 32 : index
        %parallel_loop3A_212 = tpu.vector_load %arg10[%parallel_loop3A_210, %parallel_loop3A_211] {strides = array<i32>} : memref<128x128xf32, #tpu.memory_space<vmem>>, vector<1x16xf32>,
        %parallel_loop3A_213 = vector.shape_cast %parallel_loop3A_212 : vector<1x16xf32> to vector<16xf32>
        %parallel_loop3A_214 = arith.addf %parallel_loop3A_213, %parallel_loop3A_194 : vector<16xf32>
        %parallel_loop3A_215 = arith.constant 0.000000e+00 : f32
        %parallel_loop3A_216 = vector.broadcast %parallel_loop3A_215 : f32 to vector<16xf32>
        %parallel_loop3A_217 = arith.maximumf %parallel_loop3A_214, %parallel_loop3A_216 : vector<16xf32>
        %parallel_loop3A_218 = arith.constant 1 : i32
        %parallel_loop3A_219 = arith.addi %parallel_loop3A_104, %parallel_loop3A_218 : i32
        %parallel_loop3A_220 = arith.index_cast %parallel_loop3A_219 : i32 to index
        %parallel_loop3A_221 = arith.constant 32 : index
        %parallel_loop3A_222 = tpu.vector_load %arg10[%parallel_loop3A_220, %parallel_loop3A_221] {strides = array<i32>} : memref<128x128xf32, #tpu.memory_space<vmem>>, vector<1x16xf32>,
        %parallel_loop3A_223 = vector.shape_cast %parallel_loop3A_222 : vector<1x16xf32> to vector<16xf32>
        %parallel_loop3A_224 = vector.shape_cast %parallel_loop3A_217 : vector<16xf32> to vector<1x16xf32>
        tpu.vector_store %arg10[%parallel_loop3A_220, %parallel_loop3A_221], %parallel_loop3A_224 {strides = array<i32>} : memref<128x128xf32, #tpu.memory_space<vmem>>, vector<1x16xf32>,
        %parallel_loop3A_225 = arith.index_cast %parallel_loop3A_102 : i32 to index
        %parallel_loop3A_226 = arith.constant 48 : index
        %parallel_loop3A_227 = tpu.vector_load %arg12[%parallel_loop3A_225, %parallel_loop3A_226] {strides = array<i32>} : memref<64x128xi32, #tpu.memory_space<vmem>>, vector<1x16xi32>,
        %parallel_loop3A_228 = vector.shape_cast %parallel_loop3A_227 : vector<1x16xi32> to vector<16xi32>
        %parallel_loop3A_229 = arith.constant 16 : i32
        %parallel_loop3A_230 = vector.broadcast %parallel_loop3A_229 : i32 to vector<16xi32>
        %parallel_loop3A_231 = arith.shli %parallel_loop3A_228, %parallel_loop3A_230 : vector<16xi32>
        %parallel_loop3A_232 = tpu.bitcast %parallel_loop3A_231 : vector<16xi32> -> vector<16xf32>
        %parallel_loop3A_233 = arith.andi %parallel_loop3A_228, %broadcast_in_dim3A_99 : vector<16xi32>
        %parallel_loop3A_234 = tpu.bitcast %parallel_loop3A_233 : vector<16xi32> -> vector<16xf32>
        %parallel_loop3A_235 = arith.index_cast %parallel_loop3A_104 : i32 to index
        %parallel_loop3A_236 = arith.constant 48 : index
        %parallel_loop3A_237 = tpu.vector_load %arg10[%parallel_loop3A_235, %parallel_loop3A_236] {strides = array<i32>} : memref<128x128xf32, #tpu.memory_space<vmem>>, vector<1x16xf32>,
        %parallel_loop3A_238 = vector.shape_cast %parallel_loop3A_237 : vector<1x16xf32> to vector<16xf32>
        %parallel_loop3A_239 = arith.addf %parallel_loop3A_238, %parallel_loop3A_232 : vector<16xf32>
        %parallel_loop3A_240 = arith.constant 0.000000e+00 : f32
        %parallel_loop3A_241 = vector.broadcast %parallel_loop3A_240 : f32 to vector<16xf32>
        %parallel_loop3A_242 = arith.maximumf %parallel_loop3A_239, %parallel_loop3A_241 : vector<16xf32>
        %parallel_loop3A_243 = arith.index_cast %parallel_loop3A_104 : i32 to index
        %parallel_loop3A_244 = arith.constant 48 : index
        %parallel_loop3A_245 = tpu.vector_load %arg10[%parallel_loop3A_243, %parallel_loop3A_244] {strides = array<i32>} : memref<128x128xf32, #tpu.memory_space<vmem>>, vector<1x16xf32>,
        %parallel_loop3A_246 = vector.shape_cast %parallel_loop3A_245 : vector<1x16xf32> to vector<16xf32>
        %parallel_loop3A_247 = vector.shape_cast %parallel_loop3A_242 : vector<16xf32> to vector<1x16xf32>
        tpu.vector_store %arg10[%parallel_loop3A_243, %parallel_loop3A_244], %parallel_loop3A_247 {strides = array<i32>} : memref<128x128xf32, #tpu.memory_space<vmem>>, vector<1x16xf32>,
        %parallel_loop3A_248 = arith.constant 1 : i32
        %parallel_loop3A_249 = arith.addi %parallel_loop3A_104, %parallel_loop3A_248 : i32
        %parallel_loop3A_250 = arith.index_cast %parallel_loop3A_249 : i32 to index
        %parallel_loop3A_251 = arith.constant 48 : index
        %parallel_loop3A_252 = tpu.vector_load %arg10[%parallel_loop3A_250, %parallel_loop3A_251] {strides = array<i32>} : memref<128x128xf32, #tpu.memory_space<vmem>>, vector<1x16xf32>,
        %parallel_loop3A_253 = vector.shape_cast %parallel_loop3A_252 : vector<1x16xf32> to vector<16xf32>
        %parallel_loop3A_254 = arith.addf %parallel_loop3A_253, %parallel_loop3A_234 : vector<16xf32>
        %parallel_loop3A_255 = arith.constant 0.000000e+00 : f32
        %parallel_loop3A_256 = vector.broadcast %parallel_loop3A_255 : f32 to vector<16xf32>
        %parallel_loop3A_257 = arith.maximumf %parallel_loop3A_254, %parallel_loop3A_256 : vector<16xf32>
        %parallel_loop3A_258 = arith.constant 1 : i32
        %parallel_loop3A_259 = arith.addi %parallel_loop3A_104, %parallel_loop3A_258 : i32
        %parallel_loop3A_260 = arith.index_cast %parallel_loop3A_259 : i32 to index
        %parallel_loop3A_261 = arith.constant 48 : index
        %parallel_loop3A_262 = tpu.vector_load %arg10[%parallel_loop3A_260, %parallel_loop3A_261] {strides = array<i32>} : memref<128x128xf32, #tpu.memory_space<vmem>>, vector<1x16xf32>,
        %parallel_loop3A_263 = vector.shape_cast %parallel_loop3A_262 : vector<1x16xf32> to vector<16xf32>
        %parallel_loop3A_264 = vector.shape_cast %parallel_loop3A_257 : vector<16xf32> to vector<1x16xf32>
        tpu.vector_store %arg10[%parallel_loop3A_260, %parallel_loop3A_261], %parallel_loop3A_264 {strides = array<i32>} : memref<128x128xf32, #tpu.memory_space<vmem>>, vector<1x16xf32>,
        %parallel_loop3A_265 = arith.index_cast %parallel_loop3A_102 : i32 to index
        %parallel_loop3A_266 = arith.constant 64 : index
        %parallel_loop3A_267 = tpu.vector_load %arg12[%parallel_loop3A_265, %parallel_loop3A_266] {strides = array<i32>} : memref<64x128xi32, #tpu.memory_space<vmem>>, vector<1x16xi32>,
        %parallel_loop3A_268 = vector.shape_cast %parallel_loop3A_267 : vector<1x16xi32> to vector<16xi32>
        %parallel_loop3A_269 = arith.constant 16 : i32
        %parallel_loop3A_270 = vector.broadcast %parallel_loop3A_269 : i32 to vector<16xi32>
        %parallel_loop3A_271 = arith.shli %parallel_loop3A_268, %parallel_loop3A_270 : vector<16xi32>
        %parallel_loop3A_272 = tpu.bitcast %parallel_loop3A_271 : vector<16xi32> -> vector<16xf32>
        %parallel_loop3A_273 = arith.andi %parallel_loop3A_268, %broadcast_in_dim3A_99 : vector<16xi32>
        %parallel_loop3A_274 = tpu.bitcast %parallel_loop3A_273 : vector<16xi32> -> vector<16xf32>
        %parallel_loop3A_275 = arith.index_cast %parallel_loop3A_104 : i32 to index
        %parallel_loop3A_276 = arith.constant 64 : index
        %parallel_loop3A_277 = tpu.vector_load %arg10[%parallel_loop3A_275, %parallel_loop3A_276] {strides = array<i32>} : memref<128x128xf32, #tpu.memory_space<vmem>>, vector<1x16xf32>,
        %parallel_loop3A_278 = vector.shape_cast %parallel_loop3A_277 : vector<1x16xf32> to vector<16xf32>
        %parallel_loop3A_279 = arith.addf %parallel_loop3A_278, %parallel_loop3A_272 : vector<16xf32>
        %parallel_loop3A_280 = arith.constant 0.000000e+00 : f32
        %parallel_loop3A_281 = vector.broadcast %parallel_loop3A_280 : f32 to vector<16xf32>
        %parallel_loop3A_282 = arith.maximumf %parallel_loop3A_279, %parallel_loop3A_281 : vector<16xf32>
        %parallel_loop3A_283 = arith.index_cast %parallel_loop3A_104 : i32 to index
        %parallel_loop3A_284 = arith.constant 64 : index
        %parallel_loop3A_285 = tpu.vector_load %arg10[%parallel_loop3A_283, %parallel_loop3A_284] {strides = array<i32>} : memref<128x128xf32, #tpu.memory_space<vmem>>, vector<1x16xf32>,
        %parallel_loop3A_286 = vector.shape_cast %parallel_loop3A_285 : vector<1x16xf32> to vector<16xf32>
        %parallel_loop3A_287 = vector.shape_cast %parallel_loop3A_282 : vector<16xf32> to vector<1x16xf32>
        tpu.vector_store %arg10[%parallel_loop3A_283, %parallel_loop3A_284], %parallel_loop3A_287 {strides = array<i32>} : memref<128x128xf32, #tpu.memory_space<vmem>>, vector<1x16xf32>,
        %parallel_loop3A_288 = arith.constant 1 : i32
        %parallel_loop3A_289 = arith.addi %parallel_loop3A_104, %parallel_loop3A_288 : i32
        %parallel_loop3A_290 = arith.index_cast %parallel_loop3A_289 : i32 to index
        %parallel_loop3A_291 = arith.constant 64 : index
        %parallel_loop3A_292 = tpu.vector_load %arg10[%parallel_loop3A_290, %parallel_loop3A_291] {strides = array<i32>} : memref<128x128xf32, #tpu.memory_space<vmem>>, vector<1x16xf32>,
        %parallel_loop3A_293 = vector.shape_cast %parallel_loop3A_292 : vector<1x16xf32> to vector<16xf32>
        %parallel_loop3A_294 = arith.addf %parallel_loop3A_293, %parallel_loop3A_274 : vector<16xf32>
        %parallel_loop3A_295 = arith.constant 0.000000e+00 : f32
        %parallel_loop3A_296 = vector.broadcast %parallel_loop3A_295 : f32 to vector<16xf32>
        %parallel_loop3A_297 = arith.maximumf %parallel_loop3A_294, %parallel_loop3A_296 : vector<16xf32>
        %parallel_loop3A_298 = arith.constant 1 : i32
        %parallel_loop3A_299 = arith.addi %parallel_loop3A_104, %parallel_loop3A_298 : i32
        %parallel_loop3A_300 = arith.index_cast %parallel_loop3A_299 : i32 to index
        %parallel_loop3A_301 = arith.constant 64 : index
        %parallel_loop3A_302 = tpu.vector_load %arg10[%parallel_loop3A_300, %parallel_loop3A_301] {strides = array<i32>} : memref<128x128xf32, #tpu.memory_space<vmem>>, vector<1x16xf32>,
        %parallel_loop3A_303 = vector.shape_cast %parallel_loop3A_302 : vector<1x16xf32> to vector<16xf32>
        %parallel_loop3A_304 = vector.shape_cast %parallel_loop3A_297 : vector<16xf32> to vector<1x16xf32>
        tpu.vector_store %arg10[%parallel_loop3A_300, %parallel_loop3A_301], %parallel_loop3A_304 {strides = array<i32>} : memref<128x128xf32, #tpu.memory_space<vmem>>, vector<1x16xf32>,
        %parallel_loop3A_305 = arith.index_cast %parallel_loop3A_102 : i32 to index
        %parallel_loop3A_306 = arith.constant 80 : index
        %parallel_loop3A_307 = tpu.vector_load %arg12[%parallel_loop3A_305, %parallel_loop3A_306] {strides = array<i32>} : memref<64x128xi32, #tpu.memory_space<vmem>>, vector<1x16xi32>,
        %parallel_loop3A_308 = vector.shape_cast %parallel_loop3A_307 : vector<1x16xi32> to vector<16xi32>
        %parallel_loop3A_309 = arith.constant 16 : i32
        %parallel_loop3A_310 = vector.broadcast %parallel_loop3A_309 : i32 to vector<16xi32>
        %parallel_loop3A_311 = arith.shli %parallel_loop3A_308, %parallel_loop3A_310 : vector<16xi32>
        %parallel_loop3A_312 = tpu.bitcast %parallel_loop3A_311 : vector<16xi32> -> vector<16xf32>
        %parallel_loop3A_313 = arith.andi %parallel_loop3A_308, %broadcast_in_dim3A_99 : vector<16xi32>
        %parallel_loop3A_314 = tpu.bitcast %parallel_loop3A_313 : vector<16xi32> -> vector<16xf32>
        %parallel_loop3A_315 = arith.index_cast %parallel_loop3A_104 : i32 to index
        %parallel_loop3A_316 = arith.constant 80 : index
        %parallel_loop3A_317 = tpu.vector_load %arg10[%parallel_loop3A_315, %parallel_loop3A_316] {strides = array<i32>} : memref<128x128xf32, #tpu.memory_space<vmem>>, vector<1x16xf32>,
        %parallel_loop3A_318 = vector.shape_cast %parallel_loop3A_317 : vector<1x16xf32> to vector<16xf32>
        %parallel_loop3A_319 = arith.addf %parallel_loop3A_318, %parallel_loop3A_312 : vector<16xf32>
        %parallel_loop3A_320 = arith.constant 0.000000e+00 : f32
        %parallel_loop3A_321 = vector.broadcast %parallel_loop3A_320 : f32 to vector<16xf32>
        %parallel_loop3A_322 = arith.maximumf %parallel_loop3A_319, %parallel_loop3A_321 : vector<16xf32>
        %parallel_loop3A_323 = arith.index_cast %parallel_loop3A_104 : i32 to index
        %parallel_loop3A_324 = arith.constant 80 : index
        %parallel_loop3A_325 = tpu.vector_load %arg10[%parallel_loop3A_323, %parallel_loop3A_324] {strides = array<i32>} : memref<128x128xf32, #tpu.memory_space<vmem>>, vector<1x16xf32>,
        %parallel_loop3A_326 = vector.shape_cast %parallel_loop3A_325 : vector<1x16xf32> to vector<16xf32>
        %parallel_loop3A_327 = vector.shape_cast %parallel_loop3A_322 : vector<16xf32> to vector<1x16xf32>
        tpu.vector_store %arg10[%parallel_loop3A_323, %parallel_loop3A_324], %parallel_loop3A_327 {strides = array<i32>} : memref<128x128xf32, #tpu.memory_space<vmem>>, vector<1x16xf32>,
        %parallel_loop3A_328 = arith.constant 1 : i32
        %parallel_loop3A_329 = arith.addi %parallel_loop3A_104, %parallel_loop3A_328 : i32
        %parallel_loop3A_330 = arith.index_cast %parallel_loop3A_329 : i32 to index
        %parallel_loop3A_331 = arith.constant 80 : index
        %parallel_loop3A_332 = tpu.vector_load %arg10[%parallel_loop3A_330, %parallel_loop3A_331] {strides = array<i32>} : memref<128x128xf32, #tpu.memory_space<vmem>>, vector<1x16xf32>,
        %parallel_loop3A_333 = vector.shape_cast %parallel_loop3A_332 : vector<1x16xf32> to vector<16xf32>
        %parallel_loop3A_334 = arith.addf %parallel_loop3A_333, %parallel_loop3A_314 : vector<16xf32>
        %parallel_loop3A_335 = arith.constant 0.000000e+00 : f32
        %parallel_loop3A_336 = vector.broadcast %parallel_loop3A_335 : f32 to vector<16xf32>
        %parallel_loop3A_337 = arith.maximumf %parallel_loop3A_334, %parallel_loop3A_336 : vector<16xf32>
        %parallel_loop3A_338 = arith.constant 1 : i32
        %parallel_loop3A_339 = arith.addi %parallel_loop3A_104, %parallel_loop3A_338 : i32
        %parallel_loop3A_340 = arith.index_cast %parallel_loop3A_339 : i32 to index
        %parallel_loop3A_341 = arith.constant 80 : index
        %parallel_loop3A_342 = tpu.vector_load %arg10[%parallel_loop3A_340, %parallel_loop3A_341] {strides = array<i32>} : memref<128x128xf32, #tpu.memory_space<vmem>>, vector<1x16xf32>,
        %parallel_loop3A_343 = vector.shape_cast %parallel_loop3A_342 : vector<1x16xf32> to vector<16xf32>
        %parallel_loop3A_344 = vector.shape_cast %parallel_loop3A_337 : vector<16xf32> to vector<1x16xf32>
        tpu.vector_store %arg10[%parallel_loop3A_340, %parallel_loop3A_341], %parallel_loop3A_344 {strides = array<i32>} : memref<128x128xf32, #tpu.memory_space<vmem>>, vector<1x16xf32>,
        %parallel_loop3A_345 = arith.index_cast %parallel_loop3A_102 : i32 to index
        %parallel_loop3A_346 = arith.constant 96 : index
        %parallel_loop3A_347 = tpu.vector_load %arg12[%parallel_loop3A_345, %parallel_loop3A_346] {strides = array<i32>} : memref<64x128xi32, #tpu.memory_space<vmem>>, vector<1x16xi32>,
        %parallel_loop3A_348 = vector.shape_cast %parallel_loop3A_347 : vector<1x16xi32> to vector<16xi32>
        %parallel_loop3A_349 = arith.constant 16 : i32
        %parallel_loop3A_350 = vector.broadcast %parallel_loop3A_349 : i32 to vector<16xi32>
        %parallel_loop3A_351 = arith.shli %parallel_loop3A_348, %parallel_loop3A_350 : vector<16xi32>
        %parallel_loop3A_352 = tpu.bitcast %parallel_loop3A_351 : vector<16xi32> -> vector<16xf32>
        %parallel_loop3A_353 = arith.andi %parallel_loop3A_348, %broadcast_in_dim3A_99 : vector<16xi32>
        %parallel_loop3A_354 = tpu.bitcast %parallel_loop3A_353 : vector<16xi32> -> vector<16xf32>
        %parallel_loop3A_355 = arith.index_cast %parallel_loop3A_104 : i32 to index
        %parallel_loop3A_356 = arith.constant 96 : index
        %parallel_loop3A_357 = tpu.vector_load %arg10[%parallel_loop3A_355, %parallel_loop3A_356] {strides = array<i32>} : memref<128x128xf32, #tpu.memory_space<vmem>>, vector<1x16xf32>,
        %parallel_loop3A_358 = vector.shape_cast %parallel_loop3A_357 : vector<1x16xf32> to vector<16xf32>
        %parallel_loop3A_359 = arith.addf %parallel_loop3A_358, %parallel_loop3A_352 : vector<16xf32>
        %parallel_loop3A_360 = arith.constant 0.000000e+00 : f32
        %parallel_loop3A_361 = vector.broadcast %parallel_loop3A_360 : f32 to vector<16xf32>
        %parallel_loop3A_362 = arith.maximumf %parallel_loop3A_359, %parallel_loop3A_361 : vector<16xf32>
        %parallel_loop3A_363 = arith.index_cast %parallel_loop3A_104 : i32 to index
        %parallel_loop3A_364 = arith.constant 96 : index
        %parallel_loop3A_365 = tpu.vector_load %arg10[%parallel_loop3A_363, %parallel_loop3A_364] {strides = array<i32>} : memref<128x128xf32, #tpu.memory_space<vmem>>, vector<1x16xf32>,
        %parallel_loop3A_366 = vector.shape_cast %parallel_loop3A_365 : vector<1x16xf32> to vector<16xf32>
        %parallel_loop3A_367 = vector.shape_cast %parallel_loop3A_362 : vector<16xf32> to vector<1x16xf32>
        tpu.vector_store %arg10[%parallel_loop3A_363, %parallel_loop3A_364], %parallel_loop3A_367 {strides = array<i32>} : memref<128x128xf32, #tpu.memory_space<vmem>>, vector<1x16xf32>,
        %parallel_loop3A_368 = arith.constant 1 : i32
        %parallel_loop3A_369 = arith.addi %parallel_loop3A_104, %parallel_loop3A_368 : i32
        %parallel_loop3A_370 = arith.index_cast %parallel_loop3A_369 : i32 to index
        %parallel_loop3A_371 = arith.constant 96 : index
        %parallel_loop3A_372 = tpu.vector_load %arg10[%parallel_loop3A_370, %parallel_loop3A_371] {strides = array<i32>} : memref<128x128xf32, #tpu.memory_space<vmem>>, vector<1x16xf32>,
        %parallel_loop3A_373 = vector.shape_cast %parallel_loop3A_372 : vector<1x16xf32> to vector<16xf32>
        %parallel_loop3A_374 = arith.addf %parallel_loop3A_373, %parallel_loop3A_354 : vector<16xf32>
        %parallel_loop3A_375 = arith.constant 0.000000e+00 : f32
        %parallel_loop3A_376 = vector.broadcast %parallel_loop3A_375 : f32 to vector<16xf32>
        %parallel_loop3A_377 = arith.maximumf %parallel_loop3A_374, %parallel_loop3A_376 : vector<16xf32>
        %parallel_loop3A_378 = arith.constant 1 : i32
        %parallel_loop3A_379 = arith.addi %parallel_loop3A_104, %parallel_loop3A_378 : i32
        %parallel_loop3A_380 = arith.index_cast %parallel_loop3A_379 : i32 to index
        %parallel_loop3A_381 = arith.constant 96 : index
        %parallel_loop3A_382 = tpu.vector_load %arg10[%parallel_loop3A_380, %parallel_loop3A_381] {strides = array<i32>} : memref<128x128xf32, #tpu.memory_space<vmem>>, vector<1x16xf32>,
        %parallel_loop3A_383 = vector.shape_cast %parallel_loop3A_382 : vector<1x16xf32> to vector<16xf32>
        %parallel_loop3A_384 = vector.shape_cast %parallel_loop3A_377 : vector<16xf32> to vector<1x16xf32>
        tpu.vector_store %arg10[%parallel_loop3A_380, %parallel_loop3A_381], %parallel_loop3A_384 {strides = array<i32>} : memref<128x128xf32, #tpu.memory_space<vmem>>, vector<1x16xf32>,
        %parallel_loop3A_385 = arith.index_cast %parallel_loop3A_102 : i32 to index
        %parallel_loop3A_386 = arith.constant 112 : index
        %parallel_loop3A_387 = tpu.vector_load %arg12[%parallel_loop3A_385, %parallel_loop3A_386] {strides = array<i32>} : memref<64x128xi32, #tpu.memory_space<vmem>>, vector<1x16xi32>,
        %parallel_loop3A_388 = vector.shape_cast %parallel_loop3A_387 : vector<1x16xi32> to vector<16xi32>
        %parallel_loop3A_389 = arith.constant 16 : i32
        %parallel_loop3A_390 = vector.broadcast %parallel_loop3A_389 : i32 to vector<16xi32>
        %parallel_loop3A_391 = arith.shli %parallel_loop3A_388, %parallel_loop3A_390 : vector<16xi32>
        %parallel_loop3A_392 = tpu.bitcast %parallel_loop3A_391 : vector<16xi32> -> vector<16xf32>
        %parallel_loop3A_393 = arith.andi %parallel_loop3A_388, %broadcast_in_dim3A_99 : vector<16xi32>
        %parallel_loop3A_394 = tpu.bitcast %parallel_loop3A_393 : vector<16xi32> -> vector<16xf32>
        %parallel_loop3A_395 = arith.index_cast %parallel_loop3A_104 : i32 to index
        %parallel_loop3A_396 = arith.constant 112 : index
        %parallel_loop3A_397 = tpu.vector_load %arg10[%parallel_loop3A_395, %parallel_loop3A_396] {strides = array<i32>} : memref<128x128xf32, #tpu.memory_space<vmem>>, vector<1x16xf32>,
        %parallel_loop3A_398 = vector.shape_cast %parallel_loop3A_397 : vector<1x16xf32> to vector<16xf32>
        %parallel_loop3A_399 = arith.addf %parallel_loop3A_398, %parallel_loop3A_392 : vector<16xf32>
        %parallel_loop3A_400 = arith.constant 0.000000e+00 : f32
        %parallel_loop3A_401 = vector.broadcast %parallel_loop3A_400 : f32 to vector<16xf32>
        %parallel_loop3A_402 = arith.maximumf %parallel_loop3A_399, %parallel_loop3A_401 : vector<16xf32>
        %parallel_loop3A_403 = arith.index_cast %parallel_loop3A_104 : i32 to index
        %parallel_loop3A_404 = arith.constant 112 : index
        %parallel_loop3A_405 = tpu.vector_load %arg10[%parallel_loop3A_403, %parallel_loop3A_404] {strides = array<i32>} : memref<128x128xf32, #tpu.memory_space<vmem>>, vector<1x16xf32>,
        %parallel_loop3A_406 = vector.shape_cast %parallel_loop3A_405 : vector<1x16xf32> to vector<16xf32>
        %parallel_loop3A_407 = vector.shape_cast %parallel_loop3A_402 : vector<16xf32> to vector<1x16xf32>
        tpu.vector_store %arg10[%parallel_loop3A_403, %parallel_loop3A_404], %parallel_loop3A_407 {strides = array<i32>} : memref<128x128xf32, #tpu.memory_space<vmem>>, vector<1x16xf32>,
        %parallel_loop3A_408 = arith.constant 1 : i32
        %parallel_loop3A_409 = arith.addi %parallel_loop3A_104, %parallel_loop3A_408 : i32
        %parallel_loop3A_410 = arith.index_cast %parallel_loop3A_409 : i32 to index
        %parallel_loop3A_411 = arith.constant 112 : index
        %parallel_loop3A_412 = tpu.vector_load %arg10[%parallel_loop3A_410, %parallel_loop3A_411] {strides = array<i32>} : memref<128x128xf32, #tpu.memory_space<vmem>>, vector<1x16xf32>,
        %parallel_loop3A_413 = vector.shape_cast %parallel_loop3A_412 : vector<1x16xf32> to vector<16xf32>
        %parallel_loop3A_414 = arith.addf %parallel_loop3A_413, %parallel_loop3A_394 : vector<16xf32>
        %parallel_loop3A_415 = arith.constant 0.000000e+00 : f32
        %parallel_loop3A_416 = vector.broadcast %parallel_loop3A_415 : f32 to vector<16xf32>
        %parallel_loop3A_417 = arith.maximumf %parallel_loop3A_414, %parallel_loop3A_416 : vector<16xf32>
        %parallel_loop3A_418 = arith.constant 1 : i32
        %parallel_loop3A_419 = arith.addi %parallel_loop3A_104, %parallel_loop3A_418 : i32
        %parallel_loop3A_420 = arith.index_cast %parallel_loop3A_419 : i32 to index
        %parallel_loop3A_421 = arith.constant 112 : index
        %parallel_loop3A_422 = tpu.vector_load %arg10[%parallel_loop3A_420, %parallel_loop3A_421] {strides = array<i32>} : memref<128x128xf32, #tpu.memory_space<vmem>>, vector<1x16xf32>,
        %parallel_loop3A_423 = vector.shape_cast %parallel_loop3A_422 : vector<1x16xf32> to vector<16xf32>
        %parallel_loop3A_424 = vector.shape_cast %parallel_loop3A_417 : vector<16xf32> to vector<1x16xf32>
        tpu.vector_store %arg10[%parallel_loop3A_420, %parallel_loop3A_421], %parallel_loop3A_424 {strides = array<i32>} : memref<128x128xf32, #tpu.memory_space<vmem>>, vector<1x16xf32>,
      } {sc.loop_unroll_factor = 2 : i64, sc.parallel_access}
      "tpu.region"() ({
        %run_scoped3A_102 = tpu.sem_alloc : memref<!tpu.dma_semaphore, #tpu.memory_space<semaphore_mem>>
        %dma_start3A_103 = arith.constant 0 : i32
        %dma_start3A_104 = arith.constant 0 : i32
        %dma_start3A_105 = tpu.memref_slice %arg14[%dma_start3A_103, %dma_start3A_104] : memref<10112x128xf32, #tpu.memory_space<vmem_shared>> -> memref<10112x128xf32, #tpu.memory_space<vmem_shared>>
        tpu.enqueue_indirect_dma source(%arg10 : memref<128x128xf32, #tpu.memory_space<vmem>>) target(%dma_start3A_105 : memref<10112x128xf32, #tpu.memory_space<vmem_shared>>) offsets(%arg8 : memref<128xi32, #tpu.memory_space<vmem>>) semaphore(%run_scoped3A_102 : memref<!tpu.dma_semaphore, #tpu.memory_space<semaphore_mem>>) {add = true}
        %dma_wait3A_106 = arith.constant 0 : i32
        %dma_wait3A_107 = arith.constant 0 : i32
        %dma_wait3A_108 = tpu.memref_slice %arg14[%dma_wait3A_106, %dma_wait3A_107] : memref<10112x128xf32, #tpu.memory_space<vmem_shared>> -> memref<10112x128xf32, #tpu.memory_space<vmem_shared>>
        tpu.wait_indirect_dma semaphore(%run_scoped3A_102 : memref<!tpu.dma_semaphore, #tpu.memory_space<semaphore_mem>>) src(%arg10 : memref<128x128xf32, #tpu.memory_space<vmem>>) dst(%dma_wait3A_108 : memref<10112x128xf32, #tpu.memory_space<vmem_shared>>)
        tpu.yield
      }) : () -> ()
    } else {
    }
    %barrier3A_79 = arith.constant 0 : index
    tpu.barrier barrier_id(%barrier3A_79)
    %mul3A_80 = arith.constant 632 : i32
    %mul3A_81 = arith.muli %arg1, %mul3A_80 : i32
    %mul3A_82 = arith.constant 632 : i32
    %mul3A_83 = arith.muli %arg1, %mul3A_82 : i32
    "tpu.region"() ({
      %run_scoped3A = tpu.sem_alloc : memref<!tpu.dma_semaphore, #tpu.memory_space<semaphore_mem>>
      %dma_start3A_84 = arith.constant 0 : i32
      %dma_start3A_85 = tpu.memref_slice %arg5[%arg0, %mul3A_83, %dma_start3A_84] : memref<2x10112x128xf32, #tpu.memory_space<hbm>> -> memref<1x632x128xf32, #tpu.memory_space<hbm>>
      %dma_start3A_86 = tpu.memref_squeeze %dma_start3A_85 : memref<1x632x128xf32, #tpu.memory_space<hbm>> -> memref<632x128xf32, #tpu.memory_space<hbm>>
      %dma_start3A_87 = arith.constant 0 : i32
      %dma_start3A_88 = tpu.memref_slice %arg14[%mul3A_81, %dma_start3A_87] : memref<10112x128xf32, #tpu.memory_space<vmem_shared>> -> memref<632x128xf32, #tpu.memory_space<vmem_shared>>
      tpu.enqueue_dma source(%dma_start3A_88 : memref<632x128xf32, #tpu.memory_space<vmem_shared>>) target(%dma_start3A_86 : memref<632x128xf32, #tpu.memory_space<hbm>>) target_semaphore(%run_scoped3A : memref<!tpu.dma_semaphore, #tpu.memory_space<semaphore_mem>>)
      %dma_wait3A_89 = arith.constant 0 : i32
      %dma_wait3A_90 = tpu.memref_slice %arg5[%arg0, %mul3A_83, %dma_wait3A_89] : memref<2x10112x128xf32, #tpu.memory_space<hbm>> -> memref<1x632x128xf32, #tpu.memory_space<hbm>>
      %dma_wait3A_91 = tpu.memref_squeeze %dma_wait3A_90 : memref<1x632x128xf32, #tpu.memory_space<hbm>> -> memref<632x128xf32, #tpu.memory_space<hbm>>
      %dma_wait3A_92 = arith.constant 0 : i32
      %dma_wait3A_93 = tpu.memref_slice %arg14[%mul3A_81, %dma_wait3A_92] : memref<10112x128xf32, #tpu.memory_space<vmem_shared>> -> memref<632x128xf32, #tpu.memory_space<vmem_shared>>
      tpu.wait_dma2 semaphore(%run_scoped3A : memref<!tpu.dma_semaphore, #tpu.memory_space<semaphore_mem>>) src(%dma_wait3A_93 : memref<632x128xf32, #tpu.memory_space<vmem_shared>>) dst(%dma_wait3A_91 : memref<632x128xf32, #tpu.memory_space<hbm>>)
      tpu.yield
    }) : () -> ()
    return
  }
}

module attributes {stable_mosaic.version = 14 : i64} {
  func.func @_mlp_body(%arg0: i32, %arg1: memref<2000x128xf32, #tpu.memory_space<vmem>>, %arg2: memref<1x2000x128xf32, #tpu.memory_space<vmem>>, %arg3: memref<1x2000x128xf32, #tpu.memory_space<vmem>>, %arg4: memref<1x1xf32, #tpu.memory_space<smem>>, %arg5: memref<128x128xf32, #tpu.memory_space<vmem>>, %arg6: memref<1x128xf32, #tpu.memory_space<vmem>>, %arg7: memref<128x128xf32, #tpu.memory_space<vmem>>, %arg8: memref<1x128xf32, #tpu.memory_space<vmem>>, %arg9: memref<128x128xf32, #tpu.memory_space<vmem>>, %arg10: memref<1x128xf32, #tpu.memory_space<vmem>>, %arg11: memref<2000x128xf32, #tpu.memory_space<vmem>>) attributes {dimension_semantics = [#tpu.dimension_semantics<arbitrary>], iteration_bounds = array<i64: 5>, scalar_prefetch = 0 : i64, scratch_operands = 0 : i64, tpu.core_type = #tpu.core_type<tc>, window_params = [{transform_indices = @transform_0, window_bounds = array<i64: 2000, 128>}, {transform_indices = @transform_1, window_bounds = array<i64: 1, 2000, 128>}, {transform_indices = @transform_2, window_bounds = array<i64: 1, 2000, 128>}, {transform_indices = @transform_3, window_bounds = array<i64: 1, 1>}, {pipeline_mode = #tpu.pipeline_mode<synchronous>, transform_indices = @transform_4, window_bounds = array<i64: 128, 128>}, {pipeline_mode = #tpu.pipeline_mode<synchronous>, transform_indices = @transform_5, window_bounds = array<i64: 1, 128>}, {pipeline_mode = #tpu.pipeline_mode<synchronous>, transform_indices = @transform_6, window_bounds = array<i64: 128, 128>}, {pipeline_mode = #tpu.pipeline_mode<synchronous>, transform_indices = @transform_7, window_bounds = array<i64: 1, 128>}, {pipeline_mode = #tpu.pipeline_mode<synchronous>, transform_indices = @transform_8, window_bounds = array<i64: 128, 128>}, {pipeline_mode = #tpu.pipeline_mode<synchronous>, transform_indices = @transform_9, window_bounds = array<i64: 1, 128>}, {transform_indices = @transform_10, window_bounds = array<i64: 2000, 128>}]} {
    %get3A = arith.constant 0 : index
    %get3A_0 = arith.constant 0 : index
    %get3A_1 = vector.load %arg1[%get3A, %get3A_0] : memref<2000x128xf32, #tpu.memory_space<vmem>>, vector<2000x128xf32>
    %get3A_2 = arith.constant 0 : index
    %get3A_3 = arith.constant 0 : index
    %get3A_4 = memref.load %arg4[%get3A_2, %get3A_3] : memref<1x1xf32, #tpu.memory_space<smem>>
    %add3A = arith.constant 1.000000e+00 : f32
    %add3A_5 = arith.addf %add3A, %get3A_4 : f32
    %mul3A = vector.broadcast %add3A_5 : f32 to vector<2000x128xf32>
    %mul3A_6 = arith.mulf %get3A_1, %mul3A : vector<2000x128xf32>
    %get3A_7 = arith.constant 0 : index
    %get3A_8 = arith.constant 0 : index
    %get3A_9 = arith.constant 0 : index
    %get3A_10 = vector.load %arg2[%get3A_7, %get3A_8, %get3A_9] : memref<1x2000x128xf32, #tpu.memory_space<vmem>>, vector<1x2000x128xf32>
    %get3A_11 = vector.shape_cast %get3A_10 : vector<1x2000x128xf32> to vector<2000x128xf32>
    %add3A_12 = arith.addf %mul3A_6, %get3A_11 : vector<2000x128xf32>
    %get3A_13 = arith.constant 0 : index
    %get3A_14 = arith.constant 0 : index
    %get3A_15 = arith.constant 0 : index
    %get3A_16 = vector.load %arg3[%get3A_13, %get3A_14, %get3A_15] : memref<1x2000x128xf32, #tpu.memory_space<vmem>>, vector<1x2000x128xf32>
    %get3A_17 = vector.shape_cast %get3A_16 : vector<1x2000x128xf32> to vector<2000x128xf32>
    %add3A_18 = arith.addf %add3A_12, %get3A_17 : vector<2000x128xf32>
    %get3A_19 = arith.constant 0 : index
    %get3A_20 = arith.constant 0 : index
    %get3A_21 = vector.load %arg5[%get3A_19, %get3A_20] : memref<128x128xf32, #tpu.memory_space<vmem>>, vector<128x128xf32>
    %dot_general3A = arith.constant dense<0.000000e+00> : vector<2000x128xf32>
    %dot_general3A_22 = tpu.matmul %add3A_18, %get3A_21, %dot_general3A {dimension_numbers = #tpu.dot_dimension_numbers<[1], [0], [0], [1], [0, 0, 1, 1], [], []>, transpose_lhs_hint = false} : vector<2000x128xf32>, vector<128x128xf32>, vector<2000x128xf32> -> vector<2000x128xf32>
    %get3A_23 = arith.constant 0 : index
    %get3A_24 = arith.constant 0 : index
    %get3A_25 = vector.load %arg6[%get3A_23, %get3A_24] : memref<1x128xf32, #tpu.memory_space<vmem>>, vector<1x128xf32>
    %add3A_26 = vector.broadcast %get3A_25 : vector<1x128xf32> to vector<2000x128xf32>
    %add3A_27 = arith.addf %dot_general3A_22, %add3A_26 : vector<2000x128xf32>
    %gt3A = arith.constant 0.000000e+00 : f32
    %gt3A_28 = vector.broadcast %gt3A : f32 to vector<2000x128xf32>
    %gt3A_29 = arith.cmpf ogt, %add3A_27, %gt3A_28 : vector<2000x128xf32>
    %mul3A_30 = arith.constant 0.00999999977 : f32
    %mul3A_31 = vector.broadcast %mul3A_30 : f32 to vector<2000x128xf32>
    %mul3A_32 = arith.mulf %mul3A_31, %add3A_27 : vector<2000x128xf32>
    %select_n3A = arith.select %gt3A_29, %add3A_27, %mul3A_32 : vector<2000x128xi1>, vector<2000x128xf32>
    %get3A_33 = arith.constant 0 : index
    %get3A_34 = arith.constant 0 : index
    %get3A_35 = vector.load %arg7[%get3A_33, %get3A_34] : memref<128x128xf32, #tpu.memory_space<vmem>>, vector<128x128xf32>
    %dot_general3A_36 = arith.constant dense<0.000000e+00> : vector<2000x128xf32>
    %dot_general3A_37 = tpu.matmul %select_n3A, %get3A_35, %dot_general3A_36 {dimension_numbers = #tpu.dot_dimension_numbers<[1], [0], [0], [1], [0, 0, 1, 1], [], []>, transpose_lhs_hint = false} : vector<2000x128xf32>, vector<128x128xf32>, vector<2000x128xf32> -> vector<2000x128xf32>
    %get3A_38 = arith.constant 0 : index
    %get3A_39 = arith.constant 0 : index
    %get3A_40 = vector.load %arg8[%get3A_38, %get3A_39] : memref<1x128xf32, #tpu.memory_space<vmem>>, vector<1x128xf32>
    %add3A_41 = vector.broadcast %get3A_40 : vector<1x128xf32> to vector<2000x128xf32>
    %add3A_42 = arith.addf %dot_general3A_37, %add3A_41 : vector<2000x128xf32>
    %get3A_43 = arith.constant 0 : index
    %get3A_44 = arith.constant 0 : index
    %get3A_45 = vector.load %arg9[%get3A_43, %get3A_44] : memref<128x128xf32, #tpu.memory_space<vmem>>, vector<128x128xf32>
    %dot_general3A_46 = arith.constant dense<0.000000e+00> : vector<2000x128xf32>
    %dot_general3A_47 = tpu.matmul %add3A_42, %get3A_45, %dot_general3A_46 {dimension_numbers = #tpu.dot_dimension_numbers<[1], [0], [0], [1], [0, 0, 1, 1], [], []>, transpose_lhs_hint = false} : vector<2000x128xf32>, vector<128x128xf32>, vector<2000x128xf32> -> vector<2000x128xf32>
    %get3A_48 = arith.constant 0 : index
    %get3A_49 = arith.constant 0 : index
    %get3A_50 = vector.load %arg10[%get3A_48, %get3A_49] : memref<1x128xf32, #tpu.memory_space<vmem>>, vector<1x128xf32>
    %add3A_51 = vector.broadcast %get3A_50 : vector<1x128xf32> to vector<2000x128xf32>
    %add3A_52 = arith.addf %dot_general3A_47, %add3A_51 : vector<2000x128xf32>
    %gt3A_53 = arith.constant 0.000000e+00 : f32
    %gt3A_54 = vector.broadcast %gt3A_53 : f32 to vector<2000x128xf32>
    %gt3A_55 = arith.cmpf ogt, %add3A_52, %gt3A_54 : vector<2000x128xf32>
    %mul3A_56 = arith.constant 0.00999999977 : f32
    %mul3A_57 = vector.broadcast %mul3A_56 : f32 to vector<2000x128xf32>
    %mul3A_58 = arith.mulf %mul3A_57, %add3A_52 : vector<2000x128xf32>
    %select_n3A_59 = arith.select %gt3A_55, %add3A_52, %mul3A_58 : vector<2000x128xi1>, vector<2000x128xf32>
    %swap3A = arith.constant 0 : index
    %swap3A_60 = arith.constant 0 : index
    %swap3A_61 = vector.load %arg11[%swap3A, %swap3A_60] : memref<2000x128xf32, #tpu.memory_space<vmem>>, vector<2000x128xf32>
    tpu.vector_store %arg11[%swap3A, %swap3A_60], %select_n3A_59 {strides = array<i32>} : memref<2000x128xf32, #tpu.memory_space<vmem>>, vector<2000x128xf32>,
    return
  }
  func.func @transform_0(%arg0: i32) -> (i32, i32) {
    %c0_i32 = arith.constant 0 : i32
    %c0_i32_0 = arith.constant 0 : i32
    return %arg0, %c0_i32 : i32, i32
  }
  func.func @transform_1(%arg0: i32) -> (i32, i32, i32) {
    %c0_i32 = arith.constant 0 : i32
    %c0_i32_0 = arith.constant 0 : i32
    %c0_i32_1 = arith.constant 0 : i32
    return %c0_i32, %arg0, %c0_i32_0 : i32, i32, i32
  }
  func.func @transform_2(%arg0: i32) -> (i32, i32, i32) {
    %c1_i32 = arith.constant 1 : i32
    %c0_i32 = arith.constant 0 : i32
    %c0_i32_0 = arith.constant 0 : i32
    return %c1_i32, %arg0, %c0_i32 : i32, i32, i32
  }
  func.func @transform_3(%arg0: i32) -> (i32, i32) {
    %c0_i32 = arith.constant 0 : i32
    %c0_i32_0 = arith.constant 0 : i32
    %c0_i32_1 = arith.constant 0 : i32
    return %c0_i32, %c0_i32_0 : i32, i32
  }
  func.func @transform_4(%arg0: i32) -> (i32, i32) {
    %c0_i32 = arith.constant 0 : i32
    %c0_i32_0 = arith.constant 0 : i32
    %c0_i32_1 = arith.constant 0 : i32
    return %c0_i32, %c0_i32_0 : i32, i32
  }
  func.func @transform_5(%arg0: i32) -> (i32, i32) {
    %c0_i32 = arith.constant 0 : i32
    %c0_i32_0 = arith.constant 0 : i32
    %c0_i32_1 = arith.constant 0 : i32
    return %c0_i32, %c0_i32_0 : i32, i32
  }
  func.func @transform_6(%arg0: i32) -> (i32, i32) {
    %c0_i32 = arith.constant 0 : i32
    %c0_i32_0 = arith.constant 0 : i32
    %c0_i32_1 = arith.constant 0 : i32
    return %c0_i32, %c0_i32_0 : i32, i32
  }
  func.func @transform_7(%arg0: i32) -> (i32, i32) {
    %c0_i32 = arith.constant 0 : i32
    %c0_i32_0 = arith.constant 0 : i32
    %c0_i32_1 = arith.constant 0 : i32
    return %c0_i32, %c0_i32_0 : i32, i32
  }
  func.func @transform_8(%arg0: i32) -> (i32, i32) {
    %c0_i32 = arith.constant 0 : i32
    %c0_i32_0 = arith.constant 0 : i32
    %c0_i32_1 = arith.constant 0 : i32
    return %c0_i32, %c0_i32_0 : i32, i32
  }
  func.func @transform_9(%arg0: i32) -> (i32, i32) {
    %c0_i32 = arith.constant 0 : i32
    %c0_i32_0 = arith.constant 0 : i32
    %c0_i32_1 = arith.constant 0 : i32
    return %c0_i32, %c0_i32_0 : i32, i32
  }
  func.func @transform_10(%arg0: i32) -> (i32, i32) {
    %c0_i32 = arith.constant 0 : i32
    %c0_i32_0 = arith.constant 0 : i32
    return %arg0, %c0_i32 : i32, i32
  }
}

module attributes {stable_mosaic.version = 14 : i64} {
  func.func @_edge_lin_body(%arg0: i32, %arg1: memref<16x12800xf32, #tpu.memory_space<vmem>>, %arg2: memref<16x128xf32, #tpu.memory_space<vmem>>, %arg3: memref<1x128xf32, #tpu.memory_space<vmem>>, %arg4: memref<6400x128xi32, #tpu.memory_space<vmem>>) attributes {dimension_semantics = [#tpu.dimension_semantics<arbitrary>], iteration_bounds = array<i64: 25>, scalar_prefetch = 0 : i64, scratch_operands = 0 : i64, tpu.core_type = #tpu.core_type<tc>, window_params = [{transform_indices = @transform_0, window_bounds = array<i64: 16, 12800>}, {pipeline_mode = #tpu.pipeline_mode<synchronous>, transform_indices = @transform_1, window_bounds = array<i64: 16, 128>}, {pipeline_mode = #tpu.pipeline_mode<synchronous>, transform_indices = @transform_2, window_bounds = array<i64: 1, 128>}, {transform_indices = @transform_3, window_bounds = array<i64: 6400, 128>}]} {
    %get3A = arith.constant 0 : index
    %get3A_0 = arith.constant 0 : index
    %get3A_1 = vector.load %arg1[%get3A, %get3A_0] : memref<16x12800xf32, #tpu.memory_space<vmem>>, vector<16x12800xf32>
    %get3A_2 = arith.constant 0 : index
    %get3A_3 = arith.constant 0 : index
    %get3A_4 = vector.load %arg2[%get3A_2, %get3A_3] : memref<16x128xf32, #tpu.memory_space<vmem>>, vector<16x128xf32>
    %dot_general3A = arith.constant dense<0.000000e+00> : vector<12800x128xf32>
    %dot_general3A_5 = tpu.matmul %get3A_1, %get3A_4, %dot_general3A {dimension_numbers = #tpu.dot_dimension_numbers<[0], [0], [1], [1], [0, 1, 1, 1], [], []>, transpose_lhs_hint = false} : vector<16x12800xf32>, vector<16x128xf32>, vector<12800x128xf32> -> vector<12800x128xf32>
    %get3A_6 = arith.constant 0 : index
    %get3A_7 = arith.constant 0 : index
    %get3A_8 = vector.load %arg3[%get3A_6, %get3A_7] : memref<1x128xf32, #tpu.memory_space<vmem>>, vector<1x128xf32>
    %add3A = vector.broadcast %get3A_8 : vector<1x128xf32> to vector<12800x128xf32>
    %add3A_9 = arith.addf %dot_general3A_5, %add3A : vector<12800x128xf32>
    %convert_element_type3A = arith.truncf %add3A_9 : vector<12800x128xf32> to vector<12800x128xbf16>
    %bitcast3A = tpu.bitcast %convert_element_type3A : vector<12800x128xbf16> -> vector<6400x128xi32>
    %swap3A = arith.constant 0 : index
    %swap3A_10 = arith.constant 0 : index
    %swap3A_11 = vector.load %arg4[%swap3A, %swap3A_10] : memref<6400x128xi32, #tpu.memory_space<vmem>>, vector<6400x128xi32>
    tpu.vector_store %arg4[%swap3A, %swap3A_10], %bitcast3A {strides = array<i32>} : memref<6400x128xi32, #tpu.memory_space<vmem>>, vector<6400x128xi32>,
    return
  }
  func.func @transform_0(%arg0: i32) -> (i32, i32) {
    %c0_i32 = arith.constant 0 : i32
    %c0_i32_0 = arith.constant 0 : i32
    return %c0_i32, %arg0 : i32, i32
  }
  func.func @transform_1(%arg0: i32) -> (i32, i32) {
    %c0_i32 = arith.constant 0 : i32
    %c0_i32_0 = arith.constant 0 : i32
    %c0_i32_1 = arith.constant 0 : i32
    return %c0_i32, %c0_i32_0 : i32, i32
  }
  func.func @transform_2(%arg0: i32) -> (i32, i32) {
    %c0_i32 = arith.constant 0 : i32
    %c0_i32_0 = arith.constant 0 : i32
    %c0_i32_1 = arith.constant 0 : i32
    return %c0_i32, %c0_i32_0 : i32, i32
  }
  func.func @transform_3(%arg0: i32) -> (i32, i32) {
    %c0_i32 = arith.constant 0 : i32
    %c0_i32_0 = arith.constant 0 : i32
    return %arg0, %c0_i32 : i32, i32
  }
}

</mosaic_0001>

<sc_bundles>
// kernel: kernel.5.cloned.1.call-start
scs
__scs_entry_jumppad:
0x0: {  	(pc) =	sbr.rel $0x88, $3  }
0x1: {  	(tag) =	ssettag $0x0;
	lr =	simm.s32 $0x1  }
0x2: {  	[smem:$0x3F95] =	sst lr;
	_ =	strace $0xD0000000  }
0x3: {  	_ = 	snop  }
0x4: {  	_ = 	snop  }
0x5: {  	_ = 	snop  }
0x6: {  	_ = 	snop  }
0x7: {  	_ = 	snop  }
__scs_overlays_trampoline_lowered:
0x8: {  	[smem:$0x3FA4] =	sst s0  }
0x9: {  	[smem:$0x3FA5] =	sst s1  }
0xa: {  	[smem:$0x3FA6] =	sst s2  }
0xb: {  	[smem:$0x3FA7] =	sst s3  }
0xc: {  	[smem:$0x3FA8] =	sst s4  }
0xd: {  	[smem:$0x3FA9] =	sst s5  }
0xe: {  	[smem:$0x3FAA] =	sst s6  }
0xf: {  	[smem:$0x3FAB] =	sst s7  }
0x10: {  	[smem:$0x3FAC] =	sst s8  }
0x11: {  	[smem:$0x3FAD] =	sst s9;
	s0 =	simm.s32 @!p0 $0x0  }
0x12: {  	s1 =	sld [smem:$0x3F93];
	s0 =	simm.s32 @p0 $0x1  }
0x13: {  	[smem:$0x3FAE] =	sst s0;
	s0 =	simm.s32 @!p1 $0x0  }
0x14: {  	s2 =	sld [smem:$0x3F92];
	s0 =	simm.s32 @p1 $0x1  }
0x15: {  	[smem:$0x3FAF] =	sst s0;
	s0 =	simm.s32 @!p2 $0x0  }
0x16: {  	s3 =	sld [smem:$0x3FDB];
	s0 =	simm.s32 @p2 $0x1  }
0x17: {  	s4 =	simm.s32 $0x1BF5;
	[smem:$0x3FB1] =	sst s0  }
0x18: {  	s0 =	sld [smem:$0x3F94];
	_ =	swait.ge [sflag:s4], $0x0  }
0x19: {  	s7 =	sld [smem:$0x3F95]  }
0x1a: {  	s8 =	sadd.s32 $0xFFFFE003, lr  }
0x1b: {  	s9 =	sadd.s32 $0xFFFFFEF7, lr;
	s5 =	simm.s32 $0xFFFFFFFF;
	p2 =	slt.u32 s8, $0xFFFFF086  }
0x1c: {  	p1 =	slt.u32 s9, $0xF7A;
	s5 =	simm.s32 @!p2 $0x0  }
0x1d: {  	s5 =	simm.s32 @p1 $0x1;
	p0 =	seq.s32 s7, s2  }
0x1e: {  	s7 =	smul.u32 @!p0 $0xF7A, s2;
	p2 =	seq.s32 @!p0 s5, $0x0  }
0x1f: {  	s9 =	smul.u32 $0xF7A, s1;
	s8 =	simm.s32 @!p0 $0x1BF5;
	p2 =	por !p2, p0  }
0x20: {  	[sflag:s8] =	ssyncset.s32 @!p0 $0xFFFFF086;
	s6 =	sadd.s32 @!p0 s3, s7;
	s7 =	simm.s32 @!p0 $0x108  }
0x21: {  	s3 =	sadd.s32 s3, s9;
	s6 =	sadd.s32 @!p0 $0x88, s6;
	s7 =	simm.s32 @p2 $0x1082  }
0x22: {  	[simem:s7], [sflag:s8] =	dma.local @!p0 [hbm:s6], $0xF7A  }
0x23: {  	s9 =	sor.u32 $0xD0000000, s2;
	s6 =	simm.s32 $0x108;
	_ =	swait.ge @!p0 [sflag:s8], $0x0  }
0x24: {  	s3 =	sadd.s32 $0x88, s3;
	s6 =	simm.s32 @!p1 $0x1082;
	[sflag:s4] =	ssyncset.s32 $0xFFFFF086  }
0x25: {  	[simem:s6], [sflag:s4] =	dma.local [hbm:s3], $0xF7A  }
0x26: {  	[smem:$0x3F95] =	sst s1;
	(tag) =	ssettag s2;
	_ =	strace s9  }
0x27: {  	s1 =	sld [smem:$0x3FA5]  }
0x28: {  	s2 =	sld [smem:$0x3FA6]  }
0x29: {  	s4 =	sld [smem:$0x3FA8]  }
0x2a: {  	p0 =	seq.s32 s5, $0x0;
	s5 =	sld [smem:$0x3FA9]  }
0x2b: {  	s6 =	sld [smem:$0x3FAA]  }
0x2c: {  	s7 =	sld [smem:$0x3FAB]  }
0x2d: {  	s3 =	simm.s32 $0x108;
	s8 =	sld [smem:$0x3FAC]  }
0x2e: {  	s3 =	simm.s32 @!p0 $0x1082;
	s9 =	sld [smem:$0x3FAD]  }
0x2f: {  	lr =	sadd.s32 s0, s3;
	s0 =	sld [smem:$0x3FA4]  }
0x30: {  	s3 =	sld [smem:$0x3FA7]  }
0x31: {  	[smem:$0x3FB0] =	sst s10  }
0x32: {  	s10 =	sld [smem:$0x3FAE];
	_ =	sdelay $0x3  }
0x33: {  	p0 =	seq.s32 s10, $0x1;
	s10 =	sld [smem:$0x3FB0];
	_ =	sdelay $0x3  }
0x34: {  	[smem:$0x3FB0] =	sst s10  }
0x35: {  	s10 =	sld [smem:$0x3FAF];
	_ =	sdelay $0x3  }
0x36: {  	p1 =	seq.s32 s10, $0x1;
	s10 =	sld [smem:$0x3FB0];
	_ =	sdelay $0x3  }
0x37: {  	[smem:$0x3FB0] =	sst s10  }
0x38: {  	s10 =	sld [smem:$0x3FB1]  }
0x39: {  	_ = 	snop;
	(pc) =	sbr.ind lr, $3  }
0x3a: {  	_ = 	snop  }
0x3b: {  	_ = 	snop  }
0x3c: {  	p2 =	seq.s32 s10, $0x1;
	s10 =	sld [smem:$0x3FB0]  }
0x3d: {  	_ =	shalt  }
0x3e: {  	_ =	shalt  }
0x3f: {  	_ =	shalt  }
0x40: {  	_ =	shalt  }
0x41: {  	_ =	shalt  }
0x42: {  	_ =	shalt  }
0x43: {  	_ =	shalt  }
0x44: {  	_ =	shalt  }
0x45: {  	_ =	shalt  }
0x46: {  	_ =	shalt  }
0x47: {  	_ =	shalt  }
0x48: {  	_ =	shalt  }
0x49: {  	_ =	shalt  }
0x4a: {  	_ =	shalt  }
0x4b: {  	_ =	shalt  }
0x4c: {  	_ =	shalt  }
0x4d: {  	_ =	shalt  }
0x4e: {  	_ =	shalt  }
0x4f: {  	_ =	shalt  }
0x50: {  	_ =	shalt  }
0x51: {  	_ =	shalt  }
0x52: {  	_ =	shalt  }
0x53: {  	_ =	shalt  }
0x54: {  	_ =	shalt  }
0x55: {  	_ =	shalt  }
0x56: {  	_ =	shalt  }
0x57: {  	_ =	shalt  }
0x58: {  	_ =	shalt  }
0x59: {  	_ =	shalt  }
0x5a: {  	_ =	shalt  }
0x5b: {  	_ =	shalt  }
0x5c: {  	_ =	shalt  }
0x5d: {  	_ =	shalt  }
0x5e: {  	_ =	shalt  }
0x5f: {  	_ =	shalt  }
0x60: {  	_ =	shalt  }
0x61: {  	_ =	shalt  }
0x62: {  	_ =	shalt  }
0x63: {  	_ =	shalt  }
0x64: {  	_ =	shalt  }
0x65: {  	_ =	shalt  }
0x66: {  	_ =	shalt  }
0x67: {  	_ =	shalt  }
0x68: {  	_ =	shalt  }
0x69: {  	_ =	shalt  }
0x6a: {  	_ =	shalt  }
0x6b: {  	_ =	shalt  }
0x6c: {  	_ =	shalt  }
0x6d: {  	_ =	shalt  }
0x6e: {  	_ =	shalt  }
0x6f: {  	_ =	shalt  }
0x70: {  	_ =	shalt  }
0x71: {  	_ =	shalt  }
0x72: {  	_ =	shalt  }
0x73: {  	_ =	shalt  }
0x74: {  	_ =	shalt  }
0x75: {  	_ =	shalt  }
0x76: {  	_ =	shalt  }
0x77: {  	_ =	shalt  }
0x78: {  	_ =	shalt  }
0x79: {  	_ =	shalt  }
0x7a: {  	_ =	shalt  }
0x7b: {  	_ =	shalt  }
0x7c: {  	_ =	shalt  }
0x7d: {  	_ =	shalt  }
0x7e: {  	_ =	shalt  }
0x7f: {  	_ =	shalt  }
0x80: {  	_ =	shalt  }
0x81: {  	_ =	shalt  }
0x82: {  	_ =	shalt  }
0x83: {  	_ =	shalt  }
0x84: {  	_ =	shalt  }
0x85: {  	_ =	shalt  }
0x86: {  	_ =	shalt  }
0x87: {  	_ =	shalt  }
.Lfunc_end0:
.L_simem_size_0:
called_computation_lowered:
.L_overlay_start_0:
0x88: {  	s2 =	sld [smem:$0x3FD9]  }
0x89: {  	s3 =	sld [smem:$0x3FFE];
	_ =	sdelay $0x1  }
0x8a: {  	s1 =	srdreg.scid  }
0x8b: {  	s0 =	sand.u32 $0x1, s1  }
0x8c: {  	s17 =	sshll.u32 s0, $0xA;
	s2 =	sadd.s32 s3, s2  }
0x8d: {  	s2 =	sadd.s32 s2, s17  }
0x8e: {  	[smem:$0x3FBC] =	sst s2  }
0x8f: {  	_ = 	snop  }
0x90: {  	s2 =	sld [smem:$0x3FC9]  }
0x91: {  	s18 =	sld [smem:$0x3FC8];
	(tm) =	ssettm $0x1  }
0x92: {  	s4 =	sld [smem:$0x3FFB];
	_ =	sdelay $0x3  }
0x93: {  	_ =	strace s4  }
0x94: {  	s4 =	sld [smem:$0x3FFC];
	_ =	sdelay $0x3  }
0x95: {  	_ =	strace s4  }
0x96: {  	s4 =	sld [smem:$0x3FFD];
	_ =	sdelay $0x3  }
0x97: {  	_ =	strace s4  }
0x98: {  	_ =	strace $0x8FFFFFFF  }
0x99: {  	s19 =	sld [smem:$0x3FDB];
	_ =	sdelay $0x1  }
0x9a: {  	s5 =	simm.s32 $_scs_section_size  }
0x9b: {  	s6 =	simm.s32 $_size__tile_overlayer_lowered;
	s7 =	simm.s32 $_tile_overlayer_lowered  }
0x9c: {  	s22 =	simm.s32 $0x1BFF;
	s21 =	sshll.u32 s7, $0x1;
	s4 =	sadd.s32 s5, s19  }
0x9d: {  	s8 =	simm.s32 $0x0;
	s20 =	sshll.u32 s6, $0x1;
	s6 =	sadd.s32 s21, s4  }
0x9e: {  	[timem:s8], [sflag:s22] =	dma.local [hbm:s6], s20  }
0x9f: {  	_ =	swait.ge [sflag:s22], s20  }
0xa0: {  	s5 =	ssub.s32 $0x0, s20;
	[sflag:s22] =	ssyncset.done $0x0  }
0xa1: {  	[sflag:s22] =	ssyncadd.s32 s5;
	_ =	sdelay $0x1  }
0xa2: {  	s23 =	simm.s32 $0x1B8B  }
0xa3: {  	_ =	swait.ge [sflag:s23], $0x1  }
0xa4: {  	[sflag:s23] =	ssyncset.done $0x0  }
0xa5: {  	s25 =	simm.s32 $0x1B8E;
	s24 =	sld [smem:$0x3FFE];
	[sflag:s23] =	ssyncadd.s32 $0xFFFFFFFF  }
0xa6: {  	s26 =	simm.s32 $execute0_lowered;
	[smem:$0x3FD2] =	sst s25  }
0xa7: {  	s6 =	sshll.u32 s26, $0x1;
	_ =	strace $0x80000046;
	[dreg:$0x1] =	wrdreg $0xFFFFFFFF  }
0xa8: {  	s28 =	simm.s32 $_size_execute0_lowered;
	s4 =	sadd.s32 s4, s6;
	[dreg:$0x0] =	wrdreg $0x0  }
0xa9: {  	s6 =	sshll.u32 s28, $0x1;
	[dreg:$0x2] =	wrdreg s4  }
0xaa: {  	[dreg:$0x3] =	wrdreg s6  }
0xab: {  	[dreg:$0x4] =	wrdreg $0xC0  }
0xac: {  	_ =	task [dreg:s8], $0x5FFFF  }
0xad: {  	[dreg:$0x1] =	wrdreg $0xFFFFFFFF  }
0xae: {  	[dreg:$0x0] =	wrdreg $0x60  }
0xaf: {  	[dreg:$0x2] =	wrdreg s18  }
0xb0: {  	[dreg:$0x3] =	wrdreg s2  }
0xb1: {  	[dreg:$0x4] =	wrdreg s24  }
0xb2: {  	[dreg:$0x5] =	wrdreg $0xC2000  }
0xb3: {  	[dreg:$0x6] =	wrdreg $0x9  }
0xb4: {  	_ =	task.clear_ibuf [dreg:s8], $0x7FFFF;
	_ =	strace $0x90000046  }
0xb5: {  	s29 =	simm.s32 $0x9;
	_ =	strace $0x80000048  }
0xb6: {  	_ =	swait.ge [sflag:s29], $0x1  }
0xb7: {  	[sflag:s29] =	ssyncadd.s32 $0xFFFFFFFF  }
0xb8: {  	_ =	strace $0x90000048  }
0xb9: {  	_ =	sfence  }
0xba: {  	s30 =	sld [smem:$0x0];
	_ =	sdelay $0x2  }
0xbb: {  	s31 =	sshll.u32 s1, $0xD;
	s1 =	sshrl.u32 s1, $0x2  }
0xbc: {  	s3 =	sand.u32 $0x4000, s31;
	s1 =	sadd.s32 s1, s30  }
0xbd: {  	s0 =	sor.u32 s3, s0;
	s1 =	sshll.u32 s1, $0x11  }
0xbe: {  	s0 =	sor.u32 s1, s0  }
0xbf: {  	s0 =	sadd.s32 $0x8F2B, s0  }
0xc0: {  	[sflag:s0] =	ssyncadd.remote.s32 $0x1  }
0xc1: {  	_ =	sfence.sel $0xFFFF  }
0xc2: {  	[dreg:$0x0] =	wrdreg $0xFFFFFFFF;
	(pc) =	sbr.abs _section_cstart, $3  }
0xc3: {  	[dreg:$0x1] =	wrdreg $0xFFFFFFFF  }
0xc4: {  	_ =	task.clear_ibuf [dreg:s8], $0x2FFFF;
	_ =	strace $0x9FFFFFFF  }
0xc5: {  	(tm) =	ssettm $0x7FFFFFFF  }
tec
execute0_lowered:
.L_overlay_start_1:
0x0: {  	(tag) =	ssettag $0x1  }
0x1: {  	s0 =	rddreg [dreg:$0x0]  }
0x2: {  	s1 =	rddreg [dreg:$0x1]  }
0x3: {  	s2 =	srdreg.scid;
	s6 =	rddreg [dreg:$0x2]  }
0x4: {  	s11 =	stileid.u32;
	s3 =	rddreg [dreg:$0x3];
	s4 =	simm.s32 $0x0  }
0x5: {  	s28 =	simm.s32 $0x100;
	s31 =	simm.s32 $0x2;
	s7 =	smul.u32 $0x13C00, s11  }
0x6: {  	s30 =	simm.s32 $0x3;
	s2 =	sand.u32 $0x1, s2;
	s8 =	smul.u32 $0x4F000, s11  }
0x7: {  	s13 =	simm.s32 $0x0;
	[smem:$0x7FF] =	sst s4;
	s5 =	smul.u32 $0x13C000, s2  }
0x8: {  	s10 =	sshll.u32 s11, $0x1;
	p0 =	sgt.u32 s11, $0x1;
	s14 =	ssub.s32 $0x2, s2  }
0x9: {  	_ =	strace $0x80000047;
	s9 =	sshrl.u32 s14, $0x1;
	s5 =	sadd.s32 s7, s5  }
0xa: {  	s8 =	sshrl.u32 s8, $0x2;
	s9 =	ssub.s32 s14, s9;
	s7 =	sshrl.u32 s5, $0x3  }
0xb: {  	s5 =	sadd.s32 $0x2000, s6;
	s29 =	smax.u32 s9, $0x1;
	s7 =	sadd.s32 s7, s6  }
0xc: {  	s6 =	sor.u32 s2, s10;
	s10 =	sadd.s32 s8, s3;
	[dreg:$0x11] =	wrdreg s29  }
0xd: {  	s14 =	sadd.s32 $0x10, s0;
	s15 =	sadd.s32 $0x4000, s10;
	[dreg:$0x5] =	wrdreg s10  }
0xe: {  	s16 =	sadd.s32 $0x8000, s10;
	s17 =	sshll.u32 s6, $0x5;
	[dreg:$0x6] =	wrdreg s15  }
0xf: {  	s8 =	sadd.s32 $0xC000, s10;
	s18 =	sadd.s32 $0x10000, s10;
	[dreg:$0x7] =	wrdreg s16  }
0x10: {  	s20 =	sshll.u32 s6, $0xA;
	s22 =	sor.u32 $0x9C0, s6;
	[dreg:$0x8] =	wrdreg s8  }
0x11: {  	s26 =	sadd.s32 $0x273000, s7;
	[dreg:$0x9] =	wrdreg s18;
	s12 =	sadd.s32 s0, s17  }
0x12: {  	s2 =	sadd.s32 s17, s14;
	s21 =	sadd.s32 s5, s20;
	s17 =	sor.u32 $0x20, s6  }
0x13: {  	s23 =	sshll.u32 s22, $0x5;
	s25 =	sshll.u32 s22, $0xA;
	[dreg:$0x10] =	wrdreg s26  }
0x14: {  	s26 =	simm.s32 $0x80;
	s20 =	simm.s32 $0xA200;
	[dreg:$0xb] =	wrdreg s2  }
0x15: {  	s8 =	simm.s32 $0x4;
	s19 =	sadd.s32 $0x400, s12;
	[dreg:$0xc] =	wrdreg s21  }
.Ltmp0:
0x16: {  	s0 =	sadd.s32 s0, s23;
	[dreg:$0xa] =	wrdreg s19;
	(pc) =	sbr.rel .LBB2_1-.Ltmp0, $4  }
0x17: {  	s18 =	sadd.s32 $0xC00, s12;
	s24 =	sadd.s32 s23, s14;
	[dreg:$0xd] =	wrdreg s0  }
0x18: {  	s2 =	simm.s32 $0x180;
	s21 =	simm.s32 $0x5;
	[dreg:$0xe] =	wrdreg s24  }
0x19: {  	s0 =	sadd.s32 s5, s25;
	s24 =	simm.s32 $0x200;
	s25 =	simm.s32 $0xB  }
0x1a: {  	v0 =	vimm.f32 $0.0e+00;
	s19 =	simm.s32 $0x4200;
	[dreg:$0xf] =	wrdreg s0;
	s0 =	simm.s32 $0x7  }
.LBB2_13:
0x1b: {  	s7 =	stileid.u32;
	[bflag:$0x0] =	sbarrier.arrive $0xFFFF  }
0x1c: {  	s7 =	sshll.u32 s7, $0x6;
	s10 =	rddreg [dreg:$0x5]  }
0x1d: {  	s11 =	rddreg [dreg:$0x10];
	s7 =	sor.u32 $0x1C0B, s7;
	s9 =	sshrl.u32 s10, $0x3  }
0x1e: {  	[hbm:s11], [sflag:s7] =	dma.local [spmem:s9], $0x2780  }
0x1f: {  	_ =	swait.ge [sflag:s25], $0x2780  }
0x20: {  	s13 =	sadd.s32 $0x1, s13;
	s29 =	rddreg [dreg:$0x11]  }
0x21: {  	p1 =	sne.s32 s13, s29  }
.Ltmp1:
0x22: {  	_ = 	snop;
	(pc) =	sbr.rel @!p1 .LBB2_14-.Ltmp1, $3  }
0x23: {  	_ =	sdelay $0x1  }
0x24: {  	[sflag:s25] =	ssyncset.done $0x0  }
0x25: {  	[sflag:s25] =	ssyncadd.s32 $0xFFFFD880  }
.LBB2_1:
0x26: {  	s7 =	simm.s32 $0x240  }
0x27: {  	[tilespmem:s7+$0xFFFFFFC0] =	vst v0  }
0x28: {  	[tilespmem:s7+$0x30] =	vst v0  }
0x29: {  	[tilespmem:s7+$0x20] =	vst v0  }
0x2a: {  	[tilespmem:s7+$0x10] =	vst v0  }
0x2b: {  	[tilespmem:s7+$0x0] =	vst v0  }
0x2c: {  	[tilespmem:s7+$0xFFFFFFF0] =	vst v0  }
0x2d: {  	[dreg:$0x12] =	wrdreg s13;
	s9 =	simm.s32 $0x0;
	[tilespmem:s7+$0xFFFFFFE0] =	vst v0  }
.LBB2_2:
0x2e: {  	s9 =	sadd.s32 $0x8, s9;
	[tilespmem:s7+$0xFFFFFFD0] =	vst v0;
	s7 =	sadd.s32 $0x80, s7  }
0x2f: {  	[tilespmem:s7+$0xFFFFFFC0] =	vst v0;
	p1 =	slt.u32 s9, $0x3F8  }
0x30: {  	[tilespmem:s7+$0x30] =	vst v0  }
.Ltmp2:
0x31: {  	[tilespmem:s7+$0x20] =	vst v0;
	(pc) =	sbr.rel @p1 .LBB2_2-.Ltmp2, $4  }
0x32: {  	[tilespmem:s7+$0x10] =	vst v0  }
0x33: {  	[tilespmem:s7+$0x0] =	vst v0  }
0x34: {  	[tilespmem:s7+$0xFFFFFFF0] =	vst v0  }
0x35: {  	[tilespmem:s7+$0xFFFFFFE0] =	vst v0  }
0x36: {  	[tilespmem:s7+$0xFFFFFFD0] =	vst v0  }
0x37: {  	[spmem:s10] =	stream.linear.scatter [tilespmem:s24], [sflag:$0xB], $0x4000, $0x38;
	[tilespmem:$0x1FE00] =	vst v63  }
0x38: {  	_ =	swait.ge [sflag:s25], $0x4000  }
0x39: {  	[sflag:s25] =	ssyncset.done $0x0  }
0x3a: {  	s10 =	rddreg [dreg:$0x6];
	[sflag:s25] =	ssyncadd.s32 $0xFFFFC000  }
0x3b: {  	[spmem:s10] =	stream.linear.scatter [tilespmem:s24], [sflag:$0xB], $0x4000, $0x38;
	[tilespmem:$0x1FE00] =	vst v63  }
0x3c: {  	_ =	swait.ge [sflag:s25], $0x4000  }
0x3d: {  	[sflag:s25] =	ssyncset.done $0x0  }
0x3e: {  	s11 =	rddreg [dreg:$0x7];
	[sflag:s25] =	ssyncadd.s32 $0xFFFFC000  }
0x3f: {  	[spmem:s11] =	stream.linear.scatter [tilespmem:s24], [sflag:$0xB], $0x4000, $0x38;
	[tilespmem:$0x1FE00] =	vst v63  }
0x40: {  	_ =	swait.ge [sflag:s25], $0x4000  }
0x41: {  	[sflag:s25] =	ssyncset.done $0x0  }
0x42: {  	s13 =	rddreg [dreg:$0x8];
	[sflag:s25] =	ssyncadd.s32 $0xFFFFC000  }
0x43: {  	[spmem:s13] =	stream.linear.scatter [tilespmem:s24], [sflag:$0xB], $0x4000, $0x38;
	[tilespmem:$0x1FE00] =	vst v63  }
0x44: {  	_ =	swait.ge [sflag:s25], $0x4000  }
0x45: {  	[sflag:s25] =	ssyncset.done $0x0  }
0x46: {  	s15 =	rddreg [dreg:$0x9];
	[sflag:s25] =	ssyncadd.s32 $0xFFFFC000  }
0x47: {  	[spmem:s15] =	stream.linear.scatter [tilespmem:s24], [sflag:$0xB], $0x3C00, $0x38;
	[tilespmem:$0x1FE00] =	vst v63  }
0x48: {  	_ =	swait.ge [sflag:s25], $0x3C00  }
0x49: {  	[sflag:s25] =	ssyncset.done $0x0  }
0x4a: {  	[sflag:s25] =	ssyncadd.s32 $0xFFFFC400  }
0x4b: {  	s13 =	simm.s32 $0x0;
	[bflag:$0x0] =	sbarrier.arrive $0xFFFF  }
0x4c: {  	[tilespmem:s13], [sflag:$0x1] =	stream.linear.gather [hbm4b:s12+s13], $0x80, $0x38;
	[tilespmem:$0x1FE00] =	vst v63  }
0x4d: {  	s16 =	rddreg [dreg:$0xa]  }
0x4e: {  	[tilespmem:s26], [sflag:$0x2] =	stream.linear.gather [hbm4b:s16+s13], $0x80, $0x38;
	[tilespmem:$0x1FE00] =	vst v63  }
0x4f: {  	s23 =	simm.s32 $0x1;
	s22 =	rddreg [dreg:$0xb]  }
0x50: {  	[tilespmem:s28], [sflag:$0x3] =	stream.linear.gather [hbm4b:s22+s13], $0x80, $0x38;
	[tilespmem:$0x1FE00] =	vst v63  }
0x51: {  	_ =	swait.ge [sflag:s23], $0x80  }
0x52: {  	[sflag:s23] =	ssyncset.done $0x0  }
0x53: {  	[sflag:s23] =	ssyncadd.s32 $0xFFFFFF80  }
0x54: {  	[tilespmem:s24], [sflag:$0x5] =	stream.indirect.gather [hbm4b:s1+s26], $0x80, s13, s26, $0xb8;
	[tilespmem:$0x1FE00] =	vst v63  }
0x55: {  	s9 =	simm.s32 $0x8200;
	s29 =	rddreg [dreg:$0xc]  }
0x56: {  	[tilespmem:s9], [sflag:$0x7] =	stream.linear.gather [hbm4b:s29+s13], $0x2000, $0x38;
	[tilespmem:$0x1FE00] =	vst v63  }
.LBB2_4:
0x57: {  	_ =	swait.ge [sflag:s31], $0x80  }
0x58: {  	p1 =	seq.s32 s13, $0x0;
	[sflag:s31] =	ssyncset.done $0x0  }
0x59: {  	s7 =	sshll.u32 s13, $0x6;
	s9 =	simm.s32 @!p1 $0xA;
	[sflag:s31] =	ssyncadd.s32 $0xFFFFFF80  }
0x5a: {  	s7 =	sor.u32 s17, s7;
	_ =	swait.ge @!p1 [sflag:s9], $0x4000  }
0x5b: {  	s10 =	sshll.u32 s7, $0x5;
	[sflag:s9] =	ssyncset.done @!p1 $0x0  }
0x5c: {  	s23 =	sadd.s32 s10, s14;
	[sflag:s9] =	ssyncadd.s32 @!p1 $0xFFFFC000  }
0x5d: {  	[tilespmem:s2], [sflag:$0x4] =	stream.linear.gather [hbm4b:s23+s4], $0x80, $0x38;
	[tilespmem:$0x1FE00] =	vst v63  }
0x5e: {  	s7 =	sshll.u32 s7, $0xA  }
0x5f: {  	[tilespmem:s19], [sflag:$0x6] =	stream.indirect.gather [hbm4b:s1+s26], $0x80, s26, s26, $0xb8;
	[tilespmem:$0x1FE00] =	vst v63  }
0x60: {  	s7 =	sadd.s32 s5, s7  }
0x61: {  	[tilespmem:s20], [sflag:$0x8] =	stream.linear.gather [hbm4b:s7+s4], $0x2000, $0x38;
	[tilespmem:$0x1FE00] =	vst v63  }
0x62: {  	_ =	swait.ge [sflag:s21], $0x4000  }
0x63: {  	[sflag:s21] =	ssyncset.done $0x0  }
0x64: {  	s10 =	sshll.u32 s13, $0x1;
	[sflag:s21] =	ssyncadd.s32 $0xFFFFC000  }
0x65: {  	s15 =	sadd.s32 $0x2, s10;
	p1 =	seq.s32 s13, $0x26;
	_ =	swait.ge [sflag:s0], $0x2000  }
0x66: {  	s11 =	simm.s32 $0x8280;
	s7 =	sshll.u32 @!p1 s15, $0xA;
	[sflag:s0] =	ssyncset.done $0x0  }
0x67: {  	s9 =	simm.s32 @!p1 $0x0;
	s7 =	sadd.s32 @!p1 s7, s12;
	[sflag:s0] =	ssyncadd.s32 $0xFFFFE000  }
0x68: {  	[tilespmem:s9], [sflag:$0x1] =	stream.linear.gather @!p1 [hbm4b:s7+s9], $0x80, $0x38;
	[tilespmem:$0x1FE00] =	vst v63  }
0x69: {  	s16 =	simm.s32 $0x300;
	v1 =	vld [tilespmem:s11+$0x0]  }
0x6a: {  	v2 =	vld [tilespmem:s16+$0x0]  }
0x6b: {  	v3 =	vld [tilespmem:s16+$0x80];
	_ =	sdelay $0x2  }
0x6c: {  	v4 =	vshll.u32 v1, $0x10  }
0x6d: {  	v5 =	vld [tilespmem:s11+$0xFFFFFF80];
	v1 =	vand.u32 $0xFFFF0000, v1;
	v2 =	vadd.f32 v4, v2  }
0x6e: {  	v4 =	vld [tilespmem:s16+$0xFFFFFF00];
	v1 =	vadd.f32 v1, v3  }
0x6f: {  	v3 =	vld [tilespmem:s16+$0xFFFFFF80];
	v2 =	vmax.f32 v2, $0.0e+00  }
0x70: {  	v1 =	vmax.f32 v1, $0.0e+00;
	[tilespmem:s16+$0x0] =	vst v2  }
0x71: {  	[tilespmem:s16+$0x80] =	vst v1  }
0x72: {  	v1 =	vshll.u32 v5, $0x10;
	v6 =	vld [tilespmem:s11+$0x10]  }
0x73: {  	v5 =	vand.u32 $0xFFFF0000, v5;
	v1 =	vadd.f32 v1, v4;
	v4 =	vld [tilespmem:s16+$0x10]  }
0x74: {  	v3 =	vadd.f32 v5, v3;
	v5 =	vld [tilespmem:s16+$0x90]  }
0x75: {  	v1 =	vmax.f32 v1, $0.0e+00  }
0x76: {  	[tilespmem:s16+$0xFFFFFF00] =	vst v1;
	v1 =	vmax.f32 v3, $0.0e+00  }
0x77: {  	[tilespmem:s16+$0xFFFFFF80] =	vst v1;
	v1 =	vshll.u32 v6, $0x10  }
0x78: {  	v6 =	vand.u32 $0xFFFF0000, v6;
	v3 =	vld [tilespmem:s11+$0xFFFFFF90];
	v1 =	vadd.f32 v1, v4  }
0x79: {  	v2 =	vld [tilespmem:s16+$0xFFFFFF10];
	v4 =	vadd.f32 v6, v5  }
0x7a: {  	v1 =	vmax.f32 v1, $0.0e+00  }
0x7b: {  	v7 =	vld [tilespmem:s16+$0xFFFFFF90];
	[tilespmem:s16+$0x10] =	vst v1;
	v1 =	vmax.f32 v4, $0.0e+00  }
0x7c: {  	[tilespmem:s16+$0x90] =	vst v1  }
0x7d: {  	v1 =	vshll.u32 v3, $0x10;
	v4 =	vld [tilespmem:s11+$0x20]  }
0x7e: {  	v1 =	vadd.f32 v1, v2;
	v2 =	vld [tilespmem:s16+$0x20]  }
0x7f: {  	v6 =	vld [tilespmem:s16+$0xA0];
	v3 =	vand.u32 $0xFFFF0000, v3  }
0x80: {  	v3 =	vadd.f32 v3, v7  }
0x81: {  	v8 =	vld [tilespmem:s16+$0xFFFFFFA0];
	v1 =	vmax.f32 v1, $0.0e+00  }
0x82: {  	v10 =	vld [tilespmem:s16+$0xFFFFFF30];
	v3 =	vmax.f32 v3, $0.0e+00;
	[tilespmem:s16+$0xFFFFFF10] =	vst v1;
	v1 =	vshll.u32 v4, $0x10  }
0x83: {  	v11 =	vld [tilespmem:s16+$0xFFFFFFB0];
	[tilespmem:s16+$0xFFFFFF90] =	vst v3;
	v4 =	vand.u32 $0xFFFF0000, v4;
	v1 =	vadd.f32 v1, v2  }
0x84: {  	v3 =	vld [tilespmem:s11+$0xFFFFFFA0];
	v2 =	vadd.f32 v4, v6  }
0x85: {  	v5 =	vld [tilespmem:s16+$0xFFFFFF20];
	v1 =	vmax.f32 v1, $0.0e+00  }
0x86: {  	v12 =	vld [tilespmem:s16+$0xFFFFFF40];
	[tilespmem:s16+$0x20] =	vst v1;
	v1 =	vmax.f32 v2, $0.0e+00  }
0x87: {  	v13 =	vld [tilespmem:s16+$0xFFFFFFC0];
	[tilespmem:s16+$0xA0] =	vst v1  }
0x88: {  	v2 =	vld [tilespmem:s11+$0x30]  }
0x89: {  	v4 =	vld [tilespmem:s16+$0x30];
	v1 =	vshll.u32 v3, $0x10  }
0x8a: {  	v1 =	vadd.f32 v1, v5;
	v5 =	vld [tilespmem:s16+$0xB0]  }
0x8b: {  	v9 =	vld [tilespmem:s16+$0xFFFFFFD0]  }
0x8c: {  	s23 =	simm.s32 $0x8380;
	v15 =	vld [tilespmem:s16+$0xC0];
	v1 =	vmax.f32 v1, $0.0e+00  }
0x8d: {  	s22 =	simm.s32 $0x500;
	v16 =	vld [tilespmem:s23+$0x0];
	[tilespmem:s16+$0xFFFFFF20] =	vst v1;
	v1 =	vshll.u32 v2, $0x10  }
0x8e: {  	v17 =	vld [tilespmem:s22+$0x0];
	v2 =	vand.u32 $0xFFFF0000, v2;
	v1 =	vadd.f32 v1, v4  }
0x8f: {  	v19 =	vld [tilespmem:s22+$0x80];
	v2 =	vadd.f32 v2, v5  }
0x90: {  	v20 =	vld [tilespmem:s22+$0xFFFFFF80];
	v1 =	vmax.f32 v1, $0.0e+00  }
0x91: {  	s29 =	simm.s32 $0x8480;
	v22 =	vld [tilespmem:s22+$0xFFFFFFB0];
	[tilespmem:s16+$0x30] =	vst v1;
	v1 =	vmax.f32 v2, $0.0e+00  }
0x92: {  	v24 =	vld [tilespmem:s29+$0x0];
	[tilespmem:s16+$0xB0] =	vst v1  }
0x93: {  	v3 =	vand.u32 $0xFFFF0000, v3;
	v1 =	vld [tilespmem:s11+$0x40]  }
0x94: {  	s9 =	simm.s32 $0x700;
	v3 =	vadd.f32 v3, v8;
	v2 =	vld [tilespmem:s16+$0x40]  }
0x95: {  	v25 =	vld [tilespmem:s9+$0x0]  }
0x96: {  	v27 =	vld [tilespmem:s9+$0x80];
	v3 =	vmax.f32 v3, $0.0e+00  }
0x97: {  	v40 =	vld [tilespmem:s29+$0xFFFFFF80];
	[tilespmem:s16+$0xFFFFFFA0] =	vst v3  }
0x98: {  	v14 =	vld [tilespmem:s11+$0xFFFFFFB0];
	v18 =	vshll.u32 v1, $0x10;
	v1 =	vand.u32 $0xFFFF0000, v1  }
0x99: {  	v2 =	vadd.f32 v18, v2;
	v18 =	vld [tilespmem:s23+$0xFFFFFF80];
	v1 =	vadd.f32 v1, v15  }
0x9a: {  	v21 =	vshll.u32 v16, $0x10;
	v15 =	vld [tilespmem:s22+$0xFFFFFF00]  }
0x9b: {  	v28 =	vld [tilespmem:s9+$0xFFFFFF80];
	v16 =	vand.u32 $0xFFFF0000, v16;
	v17 =	vadd.f32 v21, v17;
	v1 =	vmax.f32 v1, $0.0e+00  }
0x9c: {  	v43 =	vld [tilespmem:s22+$0x50];
	v2 =	vmax.f32 v2, $0.0e+00;
	[tilespmem:s16+$0xC0] =	vst v1;
	v1 =	vadd.f32 v16, v19  }
0x9d: {  	v21 =	vld [tilespmem:s16+$0x50];
	v17 =	vmax.f32 v17, $0.0e+00;
	[tilespmem:s16+$0x40] =	vst v2;
	v19 =	vshll.u32 v14, $0x10  }
0x9e: {  	[tilespmem:s22+$0x0] =	vst v17;
	v16 =	vld [tilespmem:s11+$0x50];
	v10 =	vadd.f32 v19, v10;
	v19 =	vshll.u32 v18, $0x10;
	v1 =	vmax.f32 v1, $0.0e+00  }
0x9f: {  	v17 =	vld [tilespmem:s16+$0xD0];
	v18 =	vand.u32 $0xFFFF0000, v18;
	v15 =	vadd.f32 v19, v15;
	[tilespmem:s22+$0x80] =	vst v1  }
0xa0: {  	v1 =	vand.u32 $0xFFFF0000, v14;
	v10 =	vmax.f32 v10, $0.0e+00;
	v14 =	vadd.f32 v18, v20;
	v18 =	vld [tilespmem:s23+$0x10]  }
0xa1: {  	v1 =	vadd.f32 v1, v11;
	[tilespmem:s16+$0xFFFFFF30] =	vst v10;
	v11 =	vld [tilespmem:s22+$0x10];
	v10 =	vmax.f32 v15, $0.0e+00  }
0xa2: {  	[tilespmem:s22+$0xFFFFFF00] =	vst v10;
	v10 =	vmax.f32 v14, $0.0e+00;
	v14 =	vld [tilespmem:s22+$0x90]  }
0xa3: {  	v44 =	vld [tilespmem:s22+$0xD0];
	v1 =	vmax.f32 v1, $0.0e+00;
	v15 =	vshll.u32 v16, $0x10;
	[tilespmem:s22+$0xFFFFFF80] =	vst v10  }
0xa4: {  	[tilespmem:s16+$0xFFFFFFB0] =	vst v1;
	v1 =	vand.u32 $0xFFFF0000, v16;
	v10 =	vadd.f32 v15, v21;
	v15 =	vld [tilespmem:s23+$0xFFFFFF90]  }
0xa5: {  	v2 =	vld [tilespmem:s22+$0xFFFFFF10];
	v1 =	vadd.f32 v1, v17;
	v17 =	vshll.u32 v18, $0x10  }
0xa6: {  	v19 =	vld [tilespmem:s22+$0xFFFFFF90];
	v10 =	vmax.f32 v10, $0.0e+00;
	v18 =	vand.u32 $0xFFFF0000, v18;
	v11 =	vadd.f32 v17, v11  }
0xa7: {  	v45 =	vld [tilespmem:s9+$0xFFFFFF90];
	[tilespmem:s16+$0x50] =	vst v10;
	v1 =	vmax.f32 v1, $0.0e+00;
	v10 =	vadd.f32 v18, v14  }
0xa8: {  	v46 =	vld [tilespmem:s9+$0x10];
	[tilespmem:s16+$0xD0] =	vst v1;
	v1 =	vmax.f32 v11, $0.0e+00  }
0xa9: {  	v16 =	vld [tilespmem:s11+$0xFFFFFFC0];
	v11 =	vshll.u32 v15, $0x10;
	[tilespmem:s22+$0x10] =	vst v1;
	v1 =	vmax.f32 v10, $0.0e+00  }
0xaa: {  	v14 =	vld [tilespmem:s11+$0x60];
	v10 =	vand.u32 $0xFFFF0000, v15;
	v2 =	vadd.f32 v11, v2;
	[tilespmem:s22+$0x90] =	vst v1  }
0xab: {  	v1 =	vadd.f32 v10, v19;
	v10 =	vld [tilespmem:s23+$0x20]  }
0xac: {  	v11 =	vld [tilespmem:s22+$0x20];
	v2 =	vmax.f32 v2, $0.0e+00  }
0xad: {  	v1 =	vmax.f32 v1, $0.0e+00;
	[tilespmem:s22+$0xFFFFFF10] =	vst v2;
	v2 =	vld [tilespmem:s22+$0xA0]  }
0xae: {  	v15 =	vld [tilespmem:s16+$0x60];
	[tilespmem:s22+$0xFFFFFF90] =	vst v1  }
0xaf: {  	v1 =	vshll.u32 v16, $0x10;
	v18 =	vld [tilespmem:s23+$0xFFFFFFA0]  }
0xb0: {  	v20 =	vld [tilespmem:s22+$0xFFFFFF20];
	v1 =	vadd.f32 v1, v12;
	v12 =	vshll.u32 v10, $0x10  }
0xb1: {  	v17 =	vld [tilespmem:s22+$0xFFFFFFA0];
	v10 =	vand.u32 $0xFFFF0000, v10;
	v23 =	vadd.f32 v12, v11  }
0xb2: {  	v19 =	vld [tilespmem:s16+$0xE0];
	v1 =	vmax.f32 v1, $0.0e+00;
	v12 =	vand.u32 $0xFFFF0000, v16;
	v2 =	vadd.f32 v10, v2  }
0xb3: {  	v49 =	vld [tilespmem:s9+$0xFFFFFF20];
	[tilespmem:s16+$0xFFFFFF40] =	vst v1;
	v1 =	vshll.u32 v14, $0x10;
	v10 =	vadd.f32 v12, v13;
	v13 =	vmax.f32 v23, $0.0e+00  }
0xb4: {  	v30 =	vld [tilespmem:s9+$0xFFFFFFA0];
	v1 =	vadd.f32 v1, v15;
	v16 =	vshll.u32 v18, $0x10;
	[tilespmem:s22+$0x20] =	vst v13;
	v2 =	vmax.f32 v2, $0.0e+00  }
0xb5: {  	v51 =	vld [tilespmem:s9+$0xFFFFFF30];
	v18 =	vand.u32 $0xFFFF0000, v18;
	v13 =	vmax.f32 v10, $0.0e+00;
	v16 =	vadd.f32 v16, v20;
	[tilespmem:s22+$0xA0] =	vst v2  }
0xb6: {  	v54 =	vld [tilespmem:s22+$0x60];
	v1 =	vmax.f32 v1, $0.0e+00;
	[tilespmem:s16+$0xFFFFFFC0] =	vst v13;
	v2 =	vand.u32 $0xFFFF0000, v14;
	v13 =	vadd.f32 v18, v17  }
0xb7: {  	[tilespmem:s16+$0x60] =	vst v1;
	v14 =	vld [tilespmem:s23+$0x30];
	v2 =	vadd.f32 v2, v19;
	v1 =	vmax.f32 v16, $0.0e+00  }
0xb8: {  	v16 =	vld [tilespmem:s22+$0x30];
	v13 =	vmax.f32 v13, $0.0e+00;
	[tilespmem:s22+$0xFFFFFF20] =	vst v1  }
0xb9: {  	v1 =	vld [tilespmem:s22+$0xB0];
	v2 =	vmax.f32 v2, $0.0e+00;
	[tilespmem:s22+$0xFFFFFFA0] =	vst v13  }
0xba: {  	[tilespmem:s16+$0xE0] =	vst v2;
	v2 =	vld [tilespmem:s23+$0xFFFFFFB0]  }
0xbb: {  	v21 =	vld [tilespmem:s22+$0xFFFFFF30]  }
0xbc: {  	v55 =	vld [tilespmem:s22+$0xE0];
	v13 =	vshll.u32 v14, $0x10  }
0xbd: {  	v62 =	vld [tilespmem:s9+$0x30];
	v14 =	vand.u32 $0xFFFF0000, v14;
	v16 =	vadd.f32 v13, v16  }
0xbe: {  	v7 =	vld [tilespmem:s16+$0x70];
	v20 =	vadd.f32 v14, v1  }
0xbf: {  	v6 =	vld [tilespmem:s16+$0xFFFFFF50];
	v16 =	vmax.f32 v16, $0.0e+00;
	v23 =	vshll.u32 v2, $0x10  }
0xc0: {  	v8 =	vld [tilespmem:s16+$0xFFFFFF60];
	[tilespmem:s22+$0x30] =	vst v16;
	v16 =	vmax.f32 v20, $0.0e+00;
	v20 =	vand.u32 $0xFFFF0000, v2;
	v21 =	vadd.f32 v23, v21  }
0xc1: {  	v3 =	vld [tilespmem:s16+$0xFFFFFFE0];
	[tilespmem:s22+$0xB0] =	vst v16;
	v20 =	vadd.f32 v20, v22  }
0xc2: {  	v21 =	vmax.f32 v21, $0.0e+00;
	v22 =	vld [tilespmem:s23+$0x40]  }
0xc3: {  	v20 =	vmax.f32 v20, $0.0e+00;
	[tilespmem:s22+$0xFFFFFF30] =	vst v21;
	v21 =	vld [tilespmem:s22+$0x40]  }
0xc4: {  	[tilespmem:s22+$0xFFFFFFB0] =	vst v20;
	v20 =	vld [tilespmem:s22+$0xC0]  }
0xc5: {  	v4 =	vld [tilespmem:s16+$0xFFFFFF70]  }
0xc6: {  	v5 =	vld [tilespmem:s16+$0xFFFFFFF0]  }
0xc7: {  	v11 =	vld [tilespmem:s22+$0xFFFFFF40];
	v26 =	vshll.u32 v22, $0x10  }
0xc8: {  	v12 =	vld [tilespmem:s22+$0xFFFFFFC0];
	v22 =	vand.u32 $0xFFFF0000, v22;
	v21 =	vadd.f32 v26, v21  }
0xc9: {  	v20 =	vadd.f32 v22, v20;
	v22 =	vld [tilespmem:s9+$0xFFFFFF00]  }
0xca: {  	v29 =	vshll.u32 v24, $0x10;
	v15 =	vld [tilespmem:s22+$0xFFFFFF50];
	v21 =	vmax.f32 v21, $0.0e+00  }
0xcb: {  	v24 =	vand.u32 $0xFFFF0000, v24;
	v25 =	vadd.f32 v29, v25;
	v10 =	vld [tilespmem:s22+$0xFFFFFFD0];
	[tilespmem:s22+$0x40] =	vst v21;
	v20 =	vmax.f32 v20, $0.0e+00  }
0xcc: {  	v18 =	vld [tilespmem:s16+$0xF0];
	[tilespmem:s22+$0xC0] =	vst v20;
	v20 =	vadd.f32 v24, v27  }
0xcd: {  	v42 =	vshll.u32 v40, $0x10;
	v25 =	vmax.f32 v25, $0.0e+00;
	v41 =	vld [tilespmem:s23+$0x50]  }
0xce: {  	[tilespmem:s9+$0x0] =	vst v25;
	v19 =	vld [tilespmem:s11+$0xFFFFFFD0];
	v26 =	vand.u32 $0xFFFF0000, v40;
	v22 =	vadd.f32 v42, v22;
	v20 =	vmax.f32 v20, $0.0e+00  }
0xcf: {  	v17 =	vld [tilespmem:s11+$0x70];
	v26 =	vadd.f32 v26, v28;
	[tilespmem:s9+$0x80] =	vst v20  }
0xd0: {  	v20 =	vmax.f32 v22, $0.0e+00;
	v22 =	vld [tilespmem:s29+$0x10]  }
0xd1: {  	v13 =	vld [tilespmem:s22+$0xFFFFFF60];
	[tilespmem:s9+$0xFFFFFF00] =	vst v20;
	v20 =	vmax.f32 v26, $0.0e+00  }
0xd2: {  	v47 =	vshll.u32 v41, $0x10;
	[tilespmem:s9+$0xFFFFFF80] =	vst v20;
	v20 =	vld [tilespmem:s9+$0x90]  }
0xd3: {  	v52 =	vshll.u32 v19, $0x10;
	v23 =	vld [tilespmem:s23+$0xFFFFFFC0];
	v24 =	vand.u32 $0xFFFF0000, v41;
	v28 =	vadd.f32 v47, v43  }
0xd4: {  	v19 =	vand.u32 $0xFFFF0000, v19;
	v6 =	vadd.f32 v52, v6;
	v48 =	vld [tilespmem:s29+$0xFFFFFF90];
	v24 =	vadd.f32 v24, v44  }
0xd5: {  	v9 =	vadd.f32 v19, v9;
	v21 =	vld [tilespmem:s9+$0xFFFFFF10];
	v28 =	vmax.f32 v28, $0.0e+00;
	v50 =	vshll.u32 v22, $0x10  }
0xd6: {  	v14 =	vld [tilespmem:s22+$0xFFFFFFE0];
	v24 =	vmax.f32 v24, $0.0e+00;
	v22 =	vand.u32 $0xFFFF0000, v22;
	[tilespmem:s22+$0x50] =	vst v28;
	v26 =	vadd.f32 v50, v46  }
0xd7: {  	v1 =	vld [tilespmem:s22+$0xFFFFFF70];
	v6 =	vmax.f32 v6, $0.0e+00;
	[tilespmem:s22+$0xD0] =	vst v24;
	v20 =	vadd.f32 v22, v20  }
0xd8: {  	[tilespmem:s16+$0xFFFFFF50] =	vst v6;
	v6 =	vmax.f32 v9, $0.0e+00;
	v9 =	vshll.u32 v23, $0x10;
	v22 =	vld [tilespmem:s23+$0x60];
	v53 =	vmax.f32 v26, $0.0e+00  }
0xd9: {  	v2 =	vld [tilespmem:s22+$0xFFFFFFF0];
	v9 =	vadd.f32 v9, v11;
	v19 =	vshll.u32 v48, $0x10;
	[tilespmem:s9+$0x10] =	vst v53;
	v20 =	vmax.f32 v20, $0.0e+00  }
0xda: {  	v16 =	vld [tilespmem:s22+$0x70];
	v19 =	vadd.f32 v19, v21;
	v21 =	vand.u32 $0xFFFF0000, v48;
	[tilespmem:s9+$0x90] =	vst v20  }
0xdb: {  	[tilespmem:s16+$0xFFFFFFD0] =	vst v6;
	v6 =	vand.u32 $0xFFFF0000, v23;
	v9 =	vmax.f32 v9, $0.0e+00;
	v21 =	vadd.f32 v21, v45;
	v56 =	vld [tilespmem:s29+$0x20]  }
0xdc: {  	v6 =	vadd.f32 v6, v12;
	[tilespmem:s22+$0xFFFFFF40] =	vst v9;
	v11 =	vmax.f32 v19, $0.0e+00;
	v19 =	vld [tilespmem:s9+$0x20]  }
0xdd: {  	v12 =	vmax.f32 v21, $0.0e+00;
	[tilespmem:s9+$0xFFFFFF10] =	vst v11;
	v11 =	vshll.u32 v22, $0x10;
	v21 =	vld [tilespmem:s9+$0xA0]  }
0xde: {  	v23 =	vld [tilespmem:s11+$0xFFFFFFE0];
	v6 =	vmax.f32 v6, $0.0e+00;
	[tilespmem:s9+$0xFFFFFF90] =	vst v12;
	v12 =	vand.u32 $0xFFFF0000, v22;
	v11 =	vadd.f32 v11, v54  }
0xdf: {  	[tilespmem:s22+$0xFFFFFFC0] =	vst v6;
	v9 =	vld [tilespmem:s29+$0xFFFFFFA0];
	v22 =	vadd.f32 v12, v55  }
0xe0: {  	v58 =	vld [tilespmem:s23+$0xFFFFFFD0];
	v6 =	vmax.f32 v11, $0.0e+00;
	v57 =	vshll.u32 v56, $0x10  }
0xe1: {  	v20 =	vld [tilespmem:s9+$0xFFFFFFB0];
	[tilespmem:s22+$0x60] =	vst v6;
	v6 =	vmax.f32 v22, $0.0e+00;
	v22 =	vand.u32 $0xFFFF0000, v56;
	v19 =	vadd.f32 v57, v19  }
0xe2: {  	v12 =	vld [tilespmem:s9+$0xFFFFFF40];
	v21 =	vadd.f32 v22, v21  }
0xe3: {  	v11 =	vld [tilespmem:s9+$0xFFFFFFC0];
	[tilespmem:s22+$0xE0] =	vst v6;
	v6 =	vmax.f32 v19, $0.0e+00  }
0xe4: {  	v22 =	vld [tilespmem:s23+$0x70];
	v19 =	vand.u32 $0xFFFF0000, v17;
	v59 =	vshll.u32 v9, $0x10;
	v21 =	vmax.f32 v21, $0.0e+00;
	[tilespmem:s9+$0x20] =	vst v6  }
0xe5: {  	v6 =	vld [tilespmem:s9+$0xFFFFFF50];
	v18 =	vadd.f32 v19, v18;
	v19 =	vand.u32 $0xFFFF0000, v9;
	v25 =	vadd.f32 v59, v49;
	[tilespmem:s9+$0xA0] =	vst v21  }
0xe6: {  	v61 =	vshll.u32 v58, $0x10;
	v21 =	vshll.u32 v23, $0x10;
	v19 =	vadd.f32 v19, v30;
	v60 =	vld [tilespmem:s29+$0x30]  }
0xe7: {  	v9 =	vld [tilespmem:s9+$0xFFFFFFD0];
	v23 =	vand.u32 $0xFFFF0000, v23;
	v8 =	vadd.f32 v21, v8;
	v21 =	vmax.f32 v25, $0.0e+00  }
0xe8: {  	v15 =	vadd.f32 v61, v15;
	v3 =	vadd.f32 v23, v3;
	[tilespmem:s9+$0xFFFFFF20] =	vst v21;
	v19 =	vmax.f32 v19, $0.0e+00;
	v21 =	vld [tilespmem:s9+$0xB0]  }
0xe9: {  	v17 =	vshll.u32 v17, $0x10;
	v23 =	vand.u32 $0xFFFF0000, v58;
	v8 =	vmax.f32 v8, $0.0e+00;
	[tilespmem:s9+$0xFFFFFFA0] =	vst v19;
	v19 =	vld [tilespmem:s22+$0xF0]  }
0xea: {  	v17 =	vadd.f32 v17, v7;
	v3 =	vmax.f32 v3, $0.0e+00;
	[tilespmem:s16+$0xFFFFFF60] =	vst v8;
	v8 =	vadd.f32 v23, v10;
	v10 =	vld [tilespmem:s29+$0xFFFFFFB0]  }
0xeb: {  	v7 =	vld [tilespmem:s9+$0xFFFFFF60];
	v18 =	vmax.f32 v18, $0.0e+00;
	[tilespmem:s16+$0xFFFFFFE0] =	vst v3;
	v3 =	vmax.f32 v15, $0.0e+00;
	v15 =	vshll.u32 v60, $0x10  }
0xec: {  	[tilespmem:s22+$0xFFFFFF50] =	vst v3;
	v3 =	vmax.f32 v8, $0.0e+00;
	v8 =	vld [tilespmem:s9+$0xFFFFFFE0];
	v23 =	vand.u32 $0xFFFF0000, v60;
	v15 =	vadd.f32 v15, v62  }
0xed: {  	v17 =	vmax.f32 v17, $0.0e+00;
	[tilespmem:s22+$0xFFFFFFD0] =	vst v3;
	v3 =	vand.u32 $0xFFFF0000, v22;
	v21 =	vadd.f32 v23, v21;
	v23 =	vld [tilespmem:s11+$0xFFFFFFF0]  }
0xee: {  	[tilespmem:s16+$0xF0] =	vst v18;
	v22 =	vshll.u32 v22, $0x10;
	v18 =	vadd.f32 v3, v19;
	v19 =	vld [tilespmem:s23+$0xFFFFFFE0];
	v3 =	vmax.f32 v15, $0.0e+00  }
0xef: {  	v16 =	vadd.f32 v22, v16;
	v15 =	vshll.u32 v10, $0x10;
	v10 =	vand.u32 $0xFFFF0000, v10;
	[tilespmem:s9+$0x30] =	vst v3;
	v3 =	vld [tilespmem:s9+$0xFFFFFF70]  }
0xf0: {  	[tilespmem:s16+$0x70] =	vst v17;
	v21 =	vmax.f32 v21, $0.0e+00;
	v22 =	vadd.f32 v15, v51;
	v20 =	vadd.f32 v10, v20;
	v15 =	vld [tilespmem:s9+$0xFFFFFFF0]  }
0xf1: {  	[tilespmem:s9+$0xB0] =	vst v21;
	v17 =	vmax.f32 v18, $0.0e+00;
	v10 =	vld [tilespmem:s9+$0x70]  }
0xf2: {  	v21 =	vmax.f32 v16, $0.0e+00;
	[tilespmem:s22+$0xF0] =	vst v17;
	v17 =	vld [tilespmem:s29+$0x40];
	v16 =	vmax.f32 v22, $0.0e+00;
	v20 =	vmax.f32 v20, $0.0e+00  }
0xf3: {  	v18 =	vld [tilespmem:s9+$0x40];
	v22 =	vshll.u32 v23, $0x10;
	[tilespmem:s9+$0xFFFFFF30] =	vst v16;
	v16 =	vshll.u32 v19, $0x10;
	v63 =	vand.u32 $0xFFFF0000, v19  }
0xf4: {  	v23 =	vand.u32 $0xFFFF0000, v23;
	[tilespmem:s9+$0xFFFFFFB0] =	vst v20;
	v19 =	vld [tilespmem:s9+$0xC0];
	v16 =	vadd.f32 v16, v13;
	v14 =	vadd.f32 v63, v14  }
0xf5: {  	s10 =	simm.s32 $0x700;
	s7 =	simm.s32 $0x4;
	s11 =	simm.s32 $0x8580;
	[tilespmem:s22+$0x70] =	vst v21;
	v5 =	vadd.f32 v23, v5;
	v20 =	vld [tilespmem:s29+$0xFFFFFFC0];
	v13 =	vadd.f32 v22, v4  }
.LBB2_5:
0xf6: {  	v21 =	vld [tilespmem:s11+$0x0];
	s9 =	sadd.s32 $0x200, s9;
	v16 =	vmax.f32 v16, $0.0e+00;
	v14 =	vmax.f32 v14, $0.0e+00;
	v4 =	vmov v15  }
0xf7: {  	v15 =	vld [tilespmem:s9+$0x0];
	v22 =	vshll.u32 v17, $0x10;
	[tilespmem:s22+$0xFFFFFF60] =	vst v16;
	v13 =	vmax.f32 v13, $0.0e+00;
	v5 =	vmax.f32 v5, $0.0e+00  }
0xf8: {  	v17 =	vand.u32 $0xFFFF0000, v17;
	v16 =	vld [tilespmem:s9+$0x80];
	v18 =	vadd.f32 v22, v18;
	[tilespmem:s22+$0xFFFFFFE0] =	vst v14  }
0xf9: {  	v14 =	vld [tilespmem:s11+$0xFFFFFF80];
	v17 =	vadd.f32 v17, v19;
	[tilespmem:s16+$0xFFFFFF70] =	vst v13  }
0xfa: {  	v13 =	vld [tilespmem:s9+$0xFFFFFF00];
	v19 =	vshll.u32 v20, $0x10;
	v20 =	vand.u32 $0xFFFF0000, v20;
	v18 =	vmax.f32 v18, $0.0e+00;
	[tilespmem:s16+$0xFFFFFFF0] =	vst v5;
	s16 =	smov.u32 s22;
	s22 =	smov.u32 s10;
	s10 =	smov.u32 s9  }
0xfb: {  	v5 =	vld [tilespmem:s9+$0xFFFFFF80];
	v22 =	vshll.u32 v21, $0x10;
	v12 =	vadd.f32 v19, v12;
	[tilespmem:s22+$0x40] =	vst v18;
	v17 =	vmax.f32 v17, $0.0e+00  }
0xfc: {  	v19 =	vand.u32 $0xFFFF0000, v21;
	v11 =	vadd.f32 v20, v11;
	v18 =	vld [tilespmem:s9+$0xFFFFFF10];
	v15 =	vadd.f32 v22, v15;
	[tilespmem:s22+$0xC0] =	vst v17  }
0xfd: {  	s7 =	sadd.s32 $0x2, s7;
	v16 =	vadd.f32 v19, v16;
	v12 =	vmax.f32 v12, $0.0e+00;
	v17 =	vld [tilespmem:s29+$0x50]  }
0xfe: {  	p2 =	slt.u32 s7, $0x3E;
	v19 =	vshll.u32 v14, $0x10;
	v14 =	vand.u32 $0xFFFF0000, v14;
	v15 =	vmax.f32 v15, $0.0e+00;
	[tilespmem:s22+$0xFFFFFF40] =	vst v12;
	v12 =	vld [tilespmem:s22+$0x50]  }
0xff: {  	v11 =	vmax.f32 v11, $0.0e+00;
	v13 =	vadd.f32 v19, v13;
	[tilespmem:s9+$0x0] =	vst v15;
	v15 =	vmax.f32 v16, $0.0e+00;
	v16 =	vld [tilespmem:s22+$0xD0]  }
0x100: {  	v5 =	vadd.f32 v14, v5;
	v14 =	vld [tilespmem:s9+$0xFFFFFF90];
	[tilespmem:s9+$0x80] =	vst v15  }
0x101: {  	v13 =	vmax.f32 v13, $0.0e+00;
	v15 =	vld [tilespmem:s11+$0x10];
	[tilespmem:s22+$0xFFFFFFC0] =	vst v11  }
0x102: {  	[tilespmem:s9+$0xFFFFFF00] =	vst v13;
	v5 =	vmax.f32 v5, $0.0e+00;
	v11 =	vld [tilespmem:s9+$0x10];
	v13 =	vshll.u32 v17, $0x10  }
0x103: {  	v17 =	vand.u32 $0xFFFF0000, v17;
	[tilespmem:s9+$0xFFFFFF80] =	vst v5;
	v5 =	vld [tilespmem:s9+$0x90];
	v12 =	vadd.f32 v13, v12  }
0x104: {  	v13 =	vld [tilespmem:s11+$0xFFFFFF90];
	v16 =	vadd.f32 v17, v16  }
0x105: {  	v17 =	vld [tilespmem:s9+$0xFFFFFF20];
	v12 =	vmax.f32 v12, $0.0e+00  }
0x106: {  	v19 =	vld [tilespmem:s9+$0xFFFFFFA0];
	v20 =	vshll.u32 v15, $0x10;
	[tilespmem:s22+$0x50] =	vst v12;
	v12 =	vmax.f32 v16, $0.0e+00  }
0x107: {  	v15 =	vand.u32 $0xFFFF0000, v15;
	v16 =	vld [tilespmem:s9+$0xFFFFFF30];
	v11 =	vadd.f32 v20, v11;
	[tilespmem:s22+$0xD0] =	vst v12  }
0x108: {  	v5 =	vadd.f32 v15, v5;
	v12 =	vld [tilespmem:s29+$0x60]  }
0x109: {  	v15 =	vshll.u32 v13, $0x10;
	v13 =	vand.u32 $0xFFFF0000, v13;
	v11 =	vmax.f32 v11, $0.0e+00;
	v20 =	vld [tilespmem:s22+$0x60]  }
0x10a: {  	v15 =	vadd.f32 v15, v18;
	v13 =	vadd.f32 v13, v14;
	[tilespmem:s9+$0x10] =	vst v11;
	v5 =	vmax.f32 v5, $0.0e+00;
	v11 =	vld [tilespmem:s22+$0xE0]  }
0x10b: {  	v14 =	vld [tilespmem:s9+$0xFFFFFFB0];
	[tilespmem:s9+$0x90] =	vst v5  }
0x10c: {  	v5 =	vmax.f32 v15, $0.0e+00;
	v13 =	vmax.f32 v13, $0.0e+00;
	v15 =	vld [tilespmem:s11+$0x20]  }
0x10d: {  	[tilespmem:s9+$0xFFFFFF10] =	vst v5;
	v5 =	vld [tilespmem:s9+$0x20];
	v18 =	vshll.u32 v12, $0x10  }
0x10e: {  	v12 =	vand.u32 $0xFFFF0000, v12;
	[tilespmem:s9+$0xFFFFFF90] =	vst v13;
	v13 =	vld [tilespmem:s9+$0xA0];
	v18 =	vadd.f32 v18, v20  }
0x10f: {  	v20 =	vld [tilespmem:s11+$0xFFFFFFA0];
	v21 =	vadd.f32 v12, v11  }
0x110: {  	v12 =	vld [tilespmem:s9+$0xFFFFFF40];
	v18 =	vmax.f32 v18, $0.0e+00  }
0x111: {  	v11 =	vld [tilespmem:s9+$0xFFFFFFC0];
	v22 =	vshll.u32 v15, $0x10;
	[tilespmem:s22+$0x60] =	vst v18;
	v18 =	vmax.f32 v21, $0.0e+00  }
0x112: {  	v15 =	vand.u32 $0xFFFF0000, v15;
	v5 =	vadd.f32 v22, v5;
	v21 =	vld [tilespmem:s29+$0xFFFFFFD0];
	[tilespmem:s22+$0xE0] =	vst v18  }
0x113: {  	v13 =	vadd.f32 v15, v13;
	v15 =	vld [tilespmem:s29+$0x70]  }
0x114: {  	v18 =	vshll.u32 v20, $0x10;
	v20 =	vand.u32 $0xFFFF0000, v20;
	v5 =	vmax.f32 v5, $0.0e+00;
	v22 =	vld [tilespmem:s22+$0xF0]  }
0x115: {  	v17 =	vadd.f32 v18, v17;
	v18 =	vadd.f32 v20, v19;
	v19 =	vld [tilespmem:s9+$0xFFFFFF50];
	[tilespmem:s9+$0x20] =	vst v5;
	v5 =	vmax.f32 v13, $0.0e+00  }
0x116: {  	v13 =	vld [tilespmem:s9+$0xFFFFFFD0];
	[tilespmem:s9+$0xA0] =	vst v5  }
0x117: {  	v5 =	vmax.f32 v17, $0.0e+00;
	v17 =	vmax.f32 v18, $0.0e+00;
	v18 =	vld [tilespmem:s11+$0x30];
	v20 =	vshll.u32 v21, $0x10  }
0x118: {  	v21 =	vand.u32 $0xFFFF0000, v21;
	[tilespmem:s9+$0xFFFFFF20] =	vst v5;
	v5 =	vld [tilespmem:s9+$0x30];
	v23 =	vadd.f32 v20, v6;
	v20 =	vand.u32 $0xFFFF0000, v15  }
0x119: {  	v24 =	vadd.f32 v21, v9;
	v15 =	vshll.u32 v15, $0x10;
	[tilespmem:s9+$0xFFFFFFA0] =	vst v17;
	v17 =	vld [tilespmem:s9+$0xB0];
	v20 =	vadd.f32 v20, v22  }
0x11a: {  	v10 =	vadd.f32 v15, v10;
	v21 =	vld [tilespmem:s11+$0xFFFFFFB0];
	v22 =	vmax.f32 v23, $0.0e+00;
	v6 =	vmov v19  }
0x11b: {  	v15 =	vmax.f32 v24, $0.0e+00;
	v23 =	vld [tilespmem:s9+$0xFFFFFF60];
	[tilespmem:s22+$0xFFFFFF50] =	vst v22;
	v19 =	vmax.f32 v20, $0.0e+00;
	v9 =	vmov v13  }
0x11c: {  	v10 =	vmax.f32 v10, $0.0e+00;
	v13 =	vld [tilespmem:s9+$0xFFFFFFE0];
	v20 =	vshll.u32 v18, $0x10;
	[tilespmem:s22+$0xF0] =	vst v19  }
0x11d: {  	v18 =	vand.u32 $0xFFFF0000, v18;
	v5 =	vadd.f32 v20, v5;
	[tilespmem:s22+$0xFFFFFFD0] =	vst v15;
	v19 =	vld [tilespmem:s23+$0xFFFFFFF0];
	s23 =	smov.u32 s29;
	s29 =	smov.u32 s11  }
0x11e: {  	v17 =	vadd.f32 v18, v17;
	v20 =	vld [tilespmem:s23+$0xFFFFFFE0];
	[tilespmem:s22+$0x70] =	vst v10  }
0x11f: {  	v10 =	vshll.u32 v21, $0x10;
	v15 =	vand.u32 $0xFFFF0000, v21;
	v21 =	vld [tilespmem:s9+$0xFFFFFF70];
	v5 =	vmax.f32 v5, $0.0e+00  }
0x120: {  	v16 =	vadd.f32 v10, v16;
	v14 =	vadd.f32 v15, v14;
	v15 =	vld [tilespmem:s9+$0xFFFFFFF0];
	[tilespmem:s9+$0x30] =	vst v5;
	v5 =	vmax.f32 v17, $0.0e+00  }
.Ltmp3:
0x121: {  	[tilespmem:s9+$0xB0] =	vst v5;
	v10 =	vld [tilespmem:s9+$0x70];
	(pc) =	sbr.rel @p2 .LBB2_5-.Ltmp3, $4  }
0x122: {  	v5 =	vmax.f32 v16, $0.0e+00;
	v14 =	vmax.f32 v14, $0.0e+00;
	v17 =	vld [tilespmem:s11+$0x40];
	v22 =	vshll.u32 v19, $0x10  }
0x123: {  	v24 =	vand.u32 $0xFFFF0000, v19;
	[tilespmem:s9+$0xFFFFFF30] =	vst v5;
	v18 =	vld [tilespmem:s9+$0x40];
	v5 =	vshll.u32 v20, $0x10;
	v20 =	vand.u32 $0xFFFF0000, v20  }
0x124: {  	[tilespmem:s9+$0xFFFFFFB0] =	vst v14;
	v19 =	vld [tilespmem:s9+$0xC0];
	v16 =	vadd.f32 v5, v7;
	v14 =	vadd.f32 v20, v8;
	v7 =	vmovc v23;
	v8 =	vmov v13  }
0x125: {  	s11 =	sadd.s32 $0x100, s11;
	v13 =	vadd.f32 v22, v1;
	v5 =	vadd.f32 v24, v2;
	v1 =	vmovc v3;
	v3 =	vmovc v21;
	v2 =	vmov v4;
	v20 =	vld [tilespmem:s29+$0xFFFFFFC0]  }
0x126: {  	_ = 	snop  }
0x127: {  	v4 =	vshll.u32 v17, $0x10  }
0x128: {  	v17 =	vand.u32 $0xFFFF0000, v17;
	v4 =	vadd.f32 v4, v18  }
0x129: {  	v17 =	vadd.f32 v17, v19  }
0x12a: {  	v4 =	vmax.f32 v4, $0.0e+00  }
0x12b: {  	v18 =	vshll.u32 v20, $0x10;
	[tilespmem:s10+$0x40] =	vst v4;
	v4 =	vmax.f32 v17, $0.0e+00  }
0x12c: {  	v17 =	vand.u32 $0xFFFF0000, v20;
	v12 =	vadd.f32 v18, v12;
	[tilespmem:s10+$0xC0] =	vst v4  }
0x12d: {  	v4 =	vadd.f32 v17, v11;
	v11 =	vld [tilespmem:s29+$0x50]  }
0x12e: {  	v17 =	vld [tilespmem:s10+$0x50];
	v12 =	vmax.f32 v12, $0.0e+00  }
0x12f: {  	[tilespmem:s10+$0xFFFFFF40] =	vst v12;
	v4 =	vmax.f32 v4, $0.0e+00;
	v12 =	vld [tilespmem:s10+$0xD0]  }
0x130: {  	[tilespmem:s10+$0xFFFFFFC0] =	vst v4  }
0x131: {  	v4 =	vld [tilespmem:s29+$0xFFFFFFD0]  }
0x132: {  	v18 =	vshll.u32 v11, $0x10  }
0x133: {  	v11 =	vand.u32 $0xFFFF0000, v11;
	v17 =	vadd.f32 v18, v17  }
0x134: {  	v11 =	vadd.f32 v11, v12  }
0x135: {  	v12 =	vmax.f32 v17, $0.0e+00  }
0x136: {  	v11 =	vmax.f32 v11, $0.0e+00;
	[tilespmem:s10+$0x50] =	vst v12;
	v12 =	vshll.u32 v4, $0x10  }
0x137: {  	[tilespmem:s10+$0xD0] =	vst v11;
	v4 =	vand.u32 $0xFFFF0000, v4;
	v6 =	vadd.f32 v12, v6  }
0x138: {  	v11 =	vld [tilespmem:s29+$0x60];
	v4 =	vadd.f32 v4, v9  }
0x139: {  	v9 =	vld [tilespmem:s10+$0x60];
	v6 =	vmax.f32 v6, $0.0e+00  }
0x13a: {  	v12 =	vld [tilespmem:s10+$0xE0];
	v4 =	vmax.f32 v4, $0.0e+00;
	[tilespmem:s10+$0xFFFFFF50] =	vst v6  }
0x13b: {  	[tilespmem:s10+$0xFFFFFFD0] =	vst v4  }
0x13c: {  	v4 =	vld [tilespmem:s29+$0xFFFFFFE0]  }
0x13d: {  	v6 =	vshll.u32 v11, $0x10  }
0x13e: {  	v11 =	vand.u32 $0xFFFF0000, v11;
	v6 =	vadd.f32 v6, v9  }
0x13f: {  	v9 =	vadd.f32 v11, v12  }
0x140: {  	v6 =	vmax.f32 v6, $0.0e+00  }
0x141: {  	[tilespmem:s10+$0x60] =	vst v6;
	v6 =	vmax.f32 v9, $0.0e+00;
	v9 =	vshll.u32 v4, $0x10  }
0x142: {  	v11 =	vmax.f32 v16, $0.0e+00;
	v4 =	vand.u32 $0xFFFF0000, v4;
	[tilespmem:s10+$0xE0] =	vst v6;
	v6 =	vadd.f32 v9, v7  }
0x143: {  	[tilespmem:s22+$0xFFFFFF60] =	vst v11;
	v7 =	vmax.f32 v14, $0.0e+00;
	v4 =	vadd.f32 v4, v8;
	v9 =	vld [tilespmem:s29+$0x70]  }
0x144: {  	[tilespmem:s22+$0xFFFFFFE0] =	vst v7;
	v7 =	vld [tilespmem:s10+$0xF0];
	v6 =	vmax.f32 v6, $0.0e+00  }
0x145: {  	v8 =	vld [tilespmem:s23+$0xFFFFFFF0];
	v4 =	vmax.f32 v4, $0.0e+00;
	[tilespmem:s10+$0xFFFFFF60] =	vst v6  }
0x146: {  	[tilespmem:s10+$0xFFFFFFE0] =	vst v4  }
0x147: {  	v4 =	vld [tilespmem:s29+$0xFFFFFFF0]  }
0x148: {  	v6 =	vand.u32 $0xFFFF0000, v9  }
0x149: {  	v5 =	vmax.f32 v5, $0.0e+00;
	v9 =	vshll.u32 v9, $0x10;
	v6 =	vadd.f32 v6, v7  }
0x14a: {  	[tilespmem:s16+$0xFFFFFFF0] =	vst v5;
	v11 =	vmax.f32 v13, $0.0e+00;
	v7 =	vadd.f32 v9, v10;
	v9 =	vshll.u32 v8, $0x10  }
0x14b: {  	[tilespmem:s16+$0xFFFFFF70] =	vst v11;
	v1 =	vadd.f32 v9, v1;
	v5 =	vmax.f32 v6, $0.0e+00;
	v6 =	vand.u32 $0xFFFF0000, v8  }
0x14c: {  	v7 =	vmax.f32 v7, $0.0e+00;
	[tilespmem:s10+$0xF0] =	vst v5;
	v2 =	vadd.f32 v6, v2;
	v5 =	vshll.u32 v4, $0x10  }
0x14d: {  	[tilespmem:s10+$0x70] =	vst v7;
	v1 =	vmax.f32 v1, $0.0e+00;
	v4 =	vand.u32 $0xFFFF0000, v4;
	v3 =	vadd.f32 v5, v3  }
0x14e: {  	[tilespmem:s22+$0xFFFFFF70] =	vst v1;
	v1 =	vadd.f32 v4, v15;
	v2 =	vmax.f32 v2, $0.0e+00  }
0x14f: {  	[tilespmem:s22+$0xFFFFFFF0] =	vst v2;
	v2 =	vmax.f32 v3, $0.0e+00  }
0x150: {  	v1 =	vmax.f32 v1, $0.0e+00;
	[tilespmem:s10+$0xFFFFFF70] =	vst v2  }
0x151: {  	[tilespmem:s10+$0xFFFFFFF0] =	vst v1  }
0x152: {  	_ =	swait.ge [sflag:s30], $0x80  }
0x153: {  	[sflag:s30] =	ssyncset.done $0x0  }
0x154: {  	s7 =	simm.s32 @p1 $0x6;
	[sflag:s30] =	ssyncadd.s32 $0xFFFFFF80  }
0x155: {  	[spmem:s3] =	stream.indirect.scatter.add.f32 [tilespmem:s24], [sflag:$0x9], $0x80, s28, s26, $0xb8;
	[tilespmem:$0x1FE00] =	vst v63  }
0x156: {  	_ =	swait.ge @p1 [sflag:s7], $0x4000  }
0x157: {  	[sflag:s7] =	ssyncset.done @p1 $0x0  }
0x158: {  	[sflag:s7] =	ssyncadd.s32 @p1 $0xFFFFC000;
	s7 =	simm.s32 @p1 $0x8  }
0x159: {  	_ =	swait.ge @p1 [sflag:s7], $0x2000  }
0x15a: {  	[sflag:s7] =	ssyncset.done @p1 $0x0  }
0x15b: {  	[sflag:s7] =	ssyncadd.s32 @p1 $0xFFFFE000;
	s7 =	simm.s32 @!p1 $0x1  }
0x15c: {  	_ =	swait.ge @!p1 [sflag:s7], $0x80  }
0x15d: {  	[sflag:s7] =	ssyncset.done @!p1 $0x0  }
0x15e: {  	s9 =	sshll.u32 @!p1 s15, $0x5;
	[sflag:s7] =	ssyncadd.s32 @!p1 $0xFFFFFF80;
	s7 =	simm.s32 @!p1 $0x9  }
0x15f: {  	s9 =	sor.u32 @!p1 s6, s9;
	_ =	swait.ge @!p1 [sflag:s7], $0x4000  }
0x160: {  	s10 =	sshll.u32 @!p1 s9, $0x5;
	[sflag:s7] =	ssyncset.done @!p1 $0x0  }
0x161: {  	s11 =	simm.s32 @!p1 $0x100;
	[sflag:s7] =	ssyncadd.s32 @!p1 $0xFFFFC000;
	s7 =	sand.u32 @!p1 $0x1FFFFBE0, s10  }
0x162: {  	s9 =	sshll.u32 @!p1 s9, $0xA;
	s10 =	simm.s32 @!p1 $0x0;
	s7 =	sadd.s32 @!p1 s7, s14  }
0x163: {  	[tilespmem:s11], [sflag:$0x3] =	stream.linear.gather @!p1 [hbm4b:s7+s10], $0x80, $0x38;
	[tilespmem:$0x1FE00] =	vst v63  }
0x164: {  	s9 =	sand.u32 @!p1 $0x1FFF7C00, s9;
	s7 =	simm.s32 @!p1 $0x80;
	s11 =	simm.s32 @!p1 $0x200  }
0x165: {  	[tilespmem:s11], [sflag:$0x5] =	stream.indirect.gather @!p1 [hbm4b:s1+s7], $0x80, s10, s7, $0xb8;
	[tilespmem:$0x1FE00] =	vst v63  }
0x166: {  	s9 =	sadd.s32 @!p1 s5, s9;
	s11 =	simm.s32 @!p1 $0x8200  }
0x167: {  	[tilespmem:s11], [sflag:$0x7] =	stream.linear.gather @!p1 [hbm4b:s9+s10], $0x2000, $0x38;
	[tilespmem:$0x1FE00] =	vst v63  }
0x168: {  	s9 =	simm.s32 @!p1 $0x6  }
0x169: {  	_ =	swait.ge @!p1 [sflag:s9], $0x4000  }
0x16a: {  	[sflag:s9] =	ssyncset.done @!p1 $0x0  }
0x16b: {  	[sflag:s9] =	ssyncadd.s32 @!p1 $0xFFFFC000;
	s9 =	simm.s32 @!p1 $0x8  }
0x16c: {  	_ =	swait.ge @!p1 [sflag:s9], $0x2000  }
0x16d: {  	s11 =	sshll.u32 @!p1 s13, $0xB;
	[sflag:s9] =	ssyncset.done @!p1 $0x0  }
0x16e: {  	s29 =	simm.s32 $0xA280;
	[sflag:s9] =	ssyncadd.s32 @!p1 $0xFFFFE000;
	s9 =	sadd.s32 @!p1 s11, s18  }
0x16f: {  	[tilespmem:s7], [sflag:$0x2] =	stream.linear.gather @!p1 [hbm4b:s9+s10], $0x80, $0x38;
	[tilespmem:$0x1FE00] =	vst v63  }
0x170: {  	s15 =	simm.s32 $0x4300;
	v1 =	vld [tilespmem:s29+$0x0]  }
0x171: {  	v2 =	vld [tilespmem:s15+$0x0]  }
0x172: {  	v3 =	vld [tilespmem:s15+$0x80];
	_ =	sdelay $0x2  }
0x173: {  	v4 =	vshll.u32 v1, $0x10  }
0x174: {  	v5 =	vld [tilespmem:s29+$0xFFFFFF80];
	v1 =	vand.u32 $0xFFFF0000, v1;
	v2 =	vadd.f32 v4, v2  }
0x175: {  	v4 =	vld [tilespmem:s15+$0xFFFFFF00];
	v1 =	vadd.f32 v1, v3  }
0x176: {  	v3 =	vld [tilespmem:s15+$0xFFFFFF80];
	v2 =	vmax.f32 v2, $0.0e+00  }
0x177: {  	v1 =	vmax.f32 v1, $0.0e+00;
	[tilespmem:s15+$0x0] =	vst v2  }
0x178: {  	[tilespmem:s15+$0x80] =	vst v1  }
0x179: {  	v1 =	vshll.u32 v5, $0x10;
	v6 =	vld [tilespmem:s29+$0x10]  }
0x17a: {  	v5 =	vand.u32 $0xFFFF0000, v5;
	v1 =	vadd.f32 v1, v4;
	v4 =	vld [tilespmem:s15+$0x10]  }
0x17b: {  	v3 =	vadd.f32 v5, v3;
	v5 =	vld [tilespmem:s15+$0x90]  }
0x17c: {  	v1 =	vmax.f32 v1, $0.0e+00  }
0x17d: {  	[tilespmem:s15+$0xFFFFFF00] =	vst v1;
	v1 =	vmax.f32 v3, $0.0e+00  }
0x17e: {  	[tilespmem:s15+$0xFFFFFF80] =	vst v1;
	v1 =	vshll.u32 v6, $0x10  }
0x17f: {  	v6 =	vand.u32 $0xFFFF0000, v6;
	v3 =	vld [tilespmem:s29+$0xFFFFFF90];
	v1 =	vadd.f32 v1, v4  }
0x180: {  	v2 =	vld [tilespmem:s15+$0xFFFFFF10];
	v4 =	vadd.f32 v6, v5  }
0x181: {  	v1 =	vmax.f32 v1, $0.0e+00  }
0x182: {  	v7 =	vld [tilespmem:s15+$0xFFFFFF90];
	[tilespmem:s15+$0x10] =	vst v1;
	v1 =	vmax.f32 v4, $0.0e+00  }
0x183: {  	[tilespmem:s15+$0x90] =	vst v1  }
0x184: {  	v1 =	vshll.u32 v3, $0x10;
	v4 =	vld [tilespmem:s29+$0x20]  }
0x185: {  	v1 =	vadd.f32 v1, v2;
	v2 =	vld [tilespmem:s15+$0x20]  }
0x186: {  	v6 =	vld [tilespmem:s15+$0xA0];
	v3 =	vand.u32 $0xFFFF0000, v3  }
0x187: {  	v3 =	vadd.f32 v3, v7  }
0x188: {  	v8 =	vld [tilespmem:s15+$0xFFFFFFA0];
	v1 =	vmax.f32 v1, $0.0e+00  }
0x189: {  	v10 =	vld [tilespmem:s15+$0xFFFFFF30];
	v3 =	vmax.f32 v3, $0.0e+00;
	[tilespmem:s15+$0xFFFFFF10] =	vst v1;
	v1 =	vshll.u32 v4, $0x10  }
0x18a: {  	v11 =	vld [tilespmem:s15+$0xFFFFFFB0];
	[tilespmem:s15+$0xFFFFFF90] =	vst v3;
	v4 =	vand.u32 $0xFFFF0000, v4;
	v1 =	vadd.f32 v1, v2  }
0x18b: {  	v3 =	vld [tilespmem:s29+$0xFFFFFFA0];
	v2 =	vadd.f32 v4, v6  }
0x18c: {  	v5 =	vld [tilespmem:s15+$0xFFFFFF20];
	v1 =	vmax.f32 v1, $0.0e+00  }
0x18d: {  	v12 =	vld [tilespmem:s15+$0xFFFFFF40];
	[tilespmem:s15+$0x20] =	vst v1;
	v1 =	vmax.f32 v2, $0.0e+00  }
0x18e: {  	v13 =	vld [tilespmem:s15+$0xFFFFFFC0];
	[tilespmem:s15+$0xA0] =	vst v1  }
0x18f: {  	v2 =	vld [tilespmem:s29+$0x30]  }
0x190: {  	v4 =	vld [tilespmem:s15+$0x30];
	v1 =	vshll.u32 v3, $0x10  }
0x191: {  	v1 =	vadd.f32 v1, v5;
	v5 =	vld [tilespmem:s15+$0xB0]  }
0x192: {  	v9 =	vld [tilespmem:s15+$0xFFFFFFD0]  }
0x193: {  	s22 =	simm.s32 $0xA380;
	v15 =	vld [tilespmem:s15+$0xC0];
	v1 =	vmax.f32 v1, $0.0e+00  }
0x194: {  	s16 =	simm.s32 $0x4500;
	v16 =	vld [tilespmem:s22+$0x0];
	[tilespmem:s15+$0xFFFFFF20] =	vst v1;
	v1 =	vshll.u32 v2, $0x10  }
0x195: {  	v17 =	vld [tilespmem:s16+$0x0];
	v2 =	vand.u32 $0xFFFF0000, v2;
	v1 =	vadd.f32 v1, v4  }
0x196: {  	v19 =	vld [tilespmem:s16+$0x80];
	v2 =	vadd.f32 v2, v5  }
0x197: {  	v20 =	vld [tilespmem:s16+$0xFFFFFF80];
	v1 =	vmax.f32 v1, $0.0e+00  }
0x198: {  	s23 =	simm.s32 $0xA480;
	v22 =	vld [tilespmem:s16+$0xFFFFFFB0];
	[tilespmem:s15+$0x30] =	vst v1;
	v1 =	vmax.f32 v2, $0.0e+00  }
0x199: {  	v24 =	vld [tilespmem:s23+$0x0];
	[tilespmem:s15+$0xB0] =	vst v1  }
0x19a: {  	v3 =	vand.u32 $0xFFFF0000, v3;
	v1 =	vld [tilespmem:s29+$0x40]  }
0x19b: {  	s9 =	simm.s32 $0x4700;
	v3 =	vadd.f32 v3, v8;
	v2 =	vld [tilespmem:s15+$0x40]  }
0x19c: {  	v25 =	vld [tilespmem:s9+$0x0]  }
0x19d: {  	v27 =	vld [tilespmem:s9+$0x80];
	v3 =	vmax.f32 v3, $0.0e+00  }
0x19e: {  	v40 =	vld [tilespmem:s23+$0xFFFFFF80];
	[tilespmem:s15+$0xFFFFFFA0] =	vst v3  }
0x19f: {  	v14 =	vld [tilespmem:s29+$0xFFFFFFB0];
	v18 =	vshll.u32 v1, $0x10;
	v1 =	vand.u32 $0xFFFF0000, v1  }
0x1a0: {  	v2 =	vadd.f32 v18, v2;
	v18 =	vld [tilespmem:s22+$0xFFFFFF80];
	v1 =	vadd.f32 v1, v15  }
0x1a1: {  	v21 =	vshll.u32 v16, $0x10;
	v15 =	vld [tilespmem:s16+$0xFFFFFF00]  }
0x1a2: {  	v28 =	vld [tilespmem:s9+$0xFFFFFF80];
	v16 =	vand.u32 $0xFFFF0000, v16;
	v17 =	vadd.f32 v21, v17;
	v1 =	vmax.f32 v1, $0.0e+00  }
0x1a3: {  	v43 =	vld [tilespmem:s16+$0x50];
	v2 =	vmax.f32 v2, $0.0e+00;
	[tilespmem:s15+$0xC0] =	vst v1;
	v1 =	vadd.f32 v16, v19  }
0x1a4: {  	v21 =	vld [tilespmem:s15+$0x50];
	v17 =	vmax.f32 v17, $0.0e+00;
	[tilespmem:s15+$0x40] =	vst v2;
	v19 =	vshll.u32 v14, $0x10  }
0x1a5: {  	[tilespmem:s16+$0x0] =	vst v17;
	v16 =	vld [tilespmem:s29+$0x50];
	v10 =	vadd.f32 v19, v10;
	v19 =	vshll.u32 v18, $0x10;
	v1 =	vmax.f32 v1, $0.0e+00  }
0x1a6: {  	v17 =	vld [tilespmem:s15+$0xD0];
	v18 =	vand.u32 $0xFFFF0000, v18;
	v15 =	vadd.f32 v19, v15;
	[tilespmem:s16+$0x80] =	vst v1  }
0x1a7: {  	v1 =	vand.u32 $0xFFFF0000, v14;
	v10 =	vmax.f32 v10, $0.0e+00;
	v14 =	vadd.f32 v18, v20;
	v18 =	vld [tilespmem:s22+$0x10]  }
0x1a8: {  	v1 =	vadd.f32 v1, v11;
	[tilespmem:s15+$0xFFFFFF30] =	vst v10;
	v11 =	vld [tilespmem:s16+$0x10];
	v10 =	vmax.f32 v15, $0.0e+00  }
0x1a9: {  	[tilespmem:s16+$0xFFFFFF00] =	vst v10;
	v10 =	vmax.f32 v14, $0.0e+00;
	v14 =	vld [tilespmem:s16+$0x90]  }
0x1aa: {  	v44 =	vld [tilespmem:s16+$0xD0];
	v1 =	vmax.f32 v1, $0.0e+00;
	v15 =	vshll.u32 v16, $0x10;
	[tilespmem:s16+$0xFFFFFF80] =	vst v10  }
0x1ab: {  	[tilespmem:s15+$0xFFFFFFB0] =	vst v1;
	v1 =	vand.u32 $0xFFFF0000, v16;
	v10 =	vadd.f32 v15, v21;
	v15 =	vld [tilespmem:s22+$0xFFFFFF90]  }
0x1ac: {  	v2 =	vld [tilespmem:s16+$0xFFFFFF10];
	v1 =	vadd.f32 v1, v17;
	v17 =	vshll.u32 v18, $0x10  }
0x1ad: {  	v19 =	vld [tilespmem:s16+$0xFFFFFF90];
	v10 =	vmax.f32 v10, $0.0e+00;
	v18 =	vand.u32 $0xFFFF0000, v18;
	v11 =	vadd.f32 v17, v11  }
0x1ae: {  	v45 =	vld [tilespmem:s9+$0xFFFFFF90];
	[tilespmem:s15+$0x50] =	vst v10;
	v1 =	vmax.f32 v1, $0.0e+00;
	v10 =	vadd.f32 v18, v14  }
0x1af: {  	v46 =	vld [tilespmem:s9+$0x10];
	[tilespmem:s15+$0xD0] =	vst v1;
	v1 =	vmax.f32 v11, $0.0e+00  }
0x1b0: {  	v16 =	vld [tilespmem:s29+$0xFFFFFFC0];
	v11 =	vshll.u32 v15, $0x10;
	[tilespmem:s16+$0x10] =	vst v1;
	v1 =	vmax.f32 v10, $0.0e+00  }
0x1b1: {  	v14 =	vld [tilespmem:s29+$0x60];
	v10 =	vand.u32 $0xFFFF0000, v15;
	v2 =	vadd.f32 v11, v2;
	[tilespmem:s16+$0x90] =	vst v1  }
0x1b2: {  	v1 =	vadd.f32 v10, v19;
	v10 =	vld [tilespmem:s22+$0x20]  }
0x1b3: {  	v11 =	vld [tilespmem:s16+$0x20];
	v2 =	vmax.f32 v2, $0.0e+00  }
0x1b4: {  	v1 =	vmax.f32 v1, $0.0e+00;
	[tilespmem:s16+$0xFFFFFF10] =	vst v2;
	v2 =	vld [tilespmem:s16+$0xA0]  }
0x1b5: {  	v15 =	vld [tilespmem:s15+$0x60];
	[tilespmem:s16+$0xFFFFFF90] =	vst v1  }
0x1b6: {  	v1 =	vshll.u32 v16, $0x10;
	v18 =	vld [tilespmem:s22+$0xFFFFFFA0]  }
0x1b7: {  	v20 =	vld [tilespmem:s16+$0xFFFFFF20];
	v1 =	vadd.f32 v1, v12;
	v12 =	vshll.u32 v10, $0x10  }
0x1b8: {  	v17 =	vld [tilespmem:s16+$0xFFFFFFA0];
	v10 =	vand.u32 $0xFFFF0000, v10;
	v23 =	vadd.f32 v12, v11  }
0x1b9: {  	v19 =	vld [tilespmem:s15+$0xE0];
	v1 =	vmax.f32 v1, $0.0e+00;
	v12 =	vand.u32 $0xFFFF0000, v16;
	v2 =	vadd.f32 v10, v2  }
0x1ba: {  	v49 =	vld [tilespmem:s9+$0xFFFFFF20];
	[tilespmem:s15+$0xFFFFFF40] =	vst v1;
	v1 =	vshll.u32 v14, $0x10;
	v10 =	vadd.f32 v12, v13;
	v13 =	vmax.f32 v23, $0.0e+00  }
0x1bb: {  	v30 =	vld [tilespmem:s9+$0xFFFFFFA0];
	v1 =	vadd.f32 v1, v15;
	v16 =	vshll.u32 v18, $0x10;
	[tilespmem:s16+$0x20] =	vst v13;
	v2 =	vmax.f32 v2, $0.0e+00  }
0x1bc: {  	v51 =	vld [tilespmem:s9+$0xFFFFFF30];
	v18 =	vand.u32 $0xFFFF0000, v18;
	v13 =	vmax.f32 v10, $0.0e+00;
	v16 =	vadd.f32 v16, v20;
	[tilespmem:s16+$0xA0] =	vst v2  }
0x1bd: {  	v54 =	vld [tilespmem:s16+$0x60];
	v1 =	vmax.f32 v1, $0.0e+00;
	[tilespmem:s15+$0xFFFFFFC0] =	vst v13;
	v2 =	vand.u32 $0xFFFF0000, v14;
	v13 =	vadd.f32 v18, v17  }
0x1be: {  	[tilespmem:s15+$0x60] =	vst v1;
	v14 =	vld [tilespmem:s22+$0x30];
	v2 =	vadd.f32 v2, v19;
	v1 =	vmax.f32 v16, $0.0e+00  }
0x1bf: {  	v16 =	vld [tilespmem:s16+$0x30];
	v13 =	vmax.f32 v13, $0.0e+00;
	[tilespmem:s16+$0xFFFFFF20] =	vst v1  }
0x1c0: {  	v1 =	vld [tilespmem:s16+$0xB0];
	v2 =	vmax.f32 v2, $0.0e+00;
	[tilespmem:s16+$0xFFFFFFA0] =	vst v13  }
0x1c1: {  	[tilespmem:s15+$0xE0] =	vst v2;
	v2 =	vld [tilespmem:s22+$0xFFFFFFB0]  }
0x1c2: {  	v21 =	vld [tilespmem:s16+$0xFFFFFF30]  }
0x1c3: {  	v55 =	vld [tilespmem:s16+$0xE0];
	v13 =	vshll.u32 v14, $0x10  }
0x1c4: {  	v62 =	vld [tilespmem:s9+$0x30];
	v14 =	vand.u32 $0xFFFF0000, v14;
	v16 =	vadd.f32 v13, v16  }
0x1c5: {  	v7 =	vld [tilespmem:s15+$0x70];
	v20 =	vadd.f32 v14, v1  }
0x1c6: {  	v6 =	vld [tilespmem:s15+$0xFFFFFF50];
	v16 =	vmax.f32 v16, $0.0e+00;
	v23 =	vshll.u32 v2, $0x10  }
0x1c7: {  	v8 =	vld [tilespmem:s15+$0xFFFFFF60];
	[tilespmem:s16+$0x30] =	vst v16;
	v16 =	vmax.f32 v20, $0.0e+00;
	v20 =	vand.u32 $0xFFFF0000, v2;
	v21 =	vadd.f32 v23, v21  }
0x1c8: {  	v3 =	vld [tilespmem:s15+$0xFFFFFFE0];
	[tilespmem:s16+$0xB0] =	vst v16;
	v20 =	vadd.f32 v20, v22  }
0x1c9: {  	v21 =	vmax.f32 v21, $0.0e+00;
	v22 =	vld [tilespmem:s22+$0x40]  }
0x1ca: {  	v20 =	vmax.f32 v20, $0.0e+00;
	[tilespmem:s16+$0xFFFFFF30] =	vst v21;
	v21 =	vld [tilespmem:s16+$0x40]  }
0x1cb: {  	[tilespmem:s16+$0xFFFFFFB0] =	vst v20;
	v20 =	vld [tilespmem:s16+$0xC0]  }
0x1cc: {  	v4 =	vld [tilespmem:s15+$0xFFFFFF70]  }
0x1cd: {  	v5 =	vld [tilespmem:s15+$0xFFFFFFF0]  }
0x1ce: {  	v11 =	vld [tilespmem:s16+$0xFFFFFF40];
	v26 =	vshll.u32 v22, $0x10  }
0x1cf: {  	v12 =	vld [tilespmem:s16+$0xFFFFFFC0];
	v22 =	vand.u32 $0xFFFF0000, v22;
	v21 =	vadd.f32 v26, v21  }
0x1d0: {  	v20 =	vadd.f32 v22, v20;
	v22 =	vld [tilespmem:s9+$0xFFFFFF00]  }
0x1d1: {  	v29 =	vshll.u32 v24, $0x10;
	v15 =	vld [tilespmem:s16+$0xFFFFFF50];
	v21 =	vmax.f32 v21, $0.0e+00  }
0x1d2: {  	v24 =	vand.u32 $0xFFFF0000, v24;
	v25 =	vadd.f32 v29, v25;
	v10 =	vld [tilespmem:s16+$0xFFFFFFD0];
	[tilespmem:s16+$0x40] =	vst v21;
	v20 =	vmax.f32 v20, $0.0e+00  }
0x1d3: {  	v18 =	vld [tilespmem:s15+$0xF0];
	[tilespmem:s16+$0xC0] =	vst v20;
	v20 =	vadd.f32 v24, v27  }
0x1d4: {  	v42 =	vshll.u32 v40, $0x10;
	v25 =	vmax.f32 v25, $0.0e+00;
	v41 =	vld [tilespmem:s22+$0x50]  }
0x1d5: {  	[tilespmem:s9+$0x0] =	vst v25;
	v19 =	vld [tilespmem:s29+$0xFFFFFFD0];
	v26 =	vand.u32 $0xFFFF0000, v40;
	v22 =	vadd.f32 v42, v22;
	v20 =	vmax.f32 v20, $0.0e+00  }
0x1d6: {  	v17 =	vld [tilespmem:s29+$0x70];
	v26 =	vadd.f32 v26, v28;
	[tilespmem:s9+$0x80] =	vst v20  }
0x1d7: {  	v20 =	vmax.f32 v22, $0.0e+00;
	v22 =	vld [tilespmem:s23+$0x10]  }
0x1d8: {  	v13 =	vld [tilespmem:s16+$0xFFFFFF60];
	[tilespmem:s9+$0xFFFFFF00] =	vst v20;
	v20 =	vmax.f32 v26, $0.0e+00  }
0x1d9: {  	v47 =	vshll.u32 v41, $0x10;
	[tilespmem:s9+$0xFFFFFF80] =	vst v20;
	v20 =	vld [tilespmem:s9+$0x90]  }
0x1da: {  	v52 =	vshll.u32 v19, $0x10;
	v23 =	vld [tilespmem:s22+$0xFFFFFFC0];
	v24 =	vand.u32 $0xFFFF0000, v41;
	v28 =	vadd.f32 v47, v43  }
0x1db: {  	v19 =	vand.u32 $0xFFFF0000, v19;
	v6 =	vadd.f32 v52, v6;
	v48 =	vld [tilespmem:s23+$0xFFFFFF90];
	v24 =	vadd.f32 v24, v44  }
0x1dc: {  	v9 =	vadd.f32 v19, v9;
	v21 =	vld [tilespmem:s9+$0xFFFFFF10];
	v28 =	vmax.f32 v28, $0.0e+00;
	v50 =	vshll.u32 v22, $0x10  }
0x1dd: {  	v14 =	vld [tilespmem:s16+$0xFFFFFFE0];
	v24 =	vmax.f32 v24, $0.0e+00;
	v22 =	vand.u32 $0xFFFF0000, v22;
	[tilespmem:s16+$0x50] =	vst v28;
	v26 =	vadd.f32 v50, v46  }
0x1de: {  	v1 =	vld [tilespmem:s16+$0xFFFFFF70];
	v6 =	vmax.f32 v6, $0.0e+00;
	[tilespmem:s16+$0xD0] =	vst v24;
	v20 =	vadd.f32 v22, v20  }
0x1df: {  	[tilespmem:s15+$0xFFFFFF50] =	vst v6;
	v6 =	vmax.f32 v9, $0.0e+00;
	v9 =	vshll.u32 v23, $0x10;
	v22 =	vld [tilespmem:s22+$0x60];
	v53 =	vmax.f32 v26, $0.0e+00  }
0x1e0: {  	v2 =	vld [tilespmem:s16+$0xFFFFFFF0];
	v9 =	vadd.f32 v9, v11;
	v19 =	vshll.u32 v48, $0x10;
	[tilespmem:s9+$0x10] =	vst v53;
	v20 =	vmax.f32 v20, $0.0e+00  }
0x1e1: {  	v16 =	vld [tilespmem:s16+$0x70];
	v19 =	vadd.f32 v19, v21;
	v21 =	vand.u32 $0xFFFF0000, v48;
	[tilespmem:s9+$0x90] =	vst v20  }
0x1e2: {  	[tilespmem:s15+$0xFFFFFFD0] =	vst v6;
	v6 =	vand.u32 $0xFFFF0000, v23;
	v9 =	vmax.f32 v9, $0.0e+00;
	v21 =	vadd.f32 v21, v45;
	v56 =	vld [tilespmem:s23+$0x20]  }
0x1e3: {  	v6 =	vadd.f32 v6, v12;
	[tilespmem:s16+$0xFFFFFF40] =	vst v9;
	v11 =	vmax.f32 v19, $0.0e+00;
	v19 =	vld [tilespmem:s9+$0x20]  }
0x1e4: {  	v12 =	vmax.f32 v21, $0.0e+00;
	[tilespmem:s9+$0xFFFFFF10] =	vst v11;
	v11 =	vshll.u32 v22, $0x10;
	v21 =	vld [tilespmem:s9+$0xA0]  }
0x1e5: {  	v23 =	vld [tilespmem:s29+$0xFFFFFFE0];
	v6 =	vmax.f32 v6, $0.0e+00;
	[tilespmem:s9+$0xFFFFFF90] =	vst v12;
	v12 =	vand.u32 $0xFFFF0000, v22;
	v11 =	vadd.f32 v11, v54  }
0x1e6: {  	[tilespmem:s16+$0xFFFFFFC0] =	vst v6;
	v9 =	vld [tilespmem:s23+$0xFFFFFFA0];
	v22 =	vadd.f32 v12, v55  }
0x1e7: {  	v58 =	vld [tilespmem:s22+$0xFFFFFFD0];
	v6 =	vmax.f32 v11, $0.0e+00;
	v57 =	vshll.u32 v56, $0x10  }
0x1e8: {  	v20 =	vld [tilespmem:s9+$0xFFFFFFB0];
	[tilespmem:s16+$0x60] =	vst v6;
	v6 =	vmax.f32 v22, $0.0e+00;
	v22 =	vand.u32 $0xFFFF0000, v56;
	v19 =	vadd.f32 v57, v19  }
0x1e9: {  	v12 =	vld [tilespmem:s9+$0xFFFFFF40];
	v21 =	vadd.f32 v22, v21  }
0x1ea: {  	v11 =	vld [tilespmem:s9+$0xFFFFFFC0];
	[tilespmem:s16+$0xE0] =	vst v6;
	v6 =	vmax.f32 v19, $0.0e+00  }
0x1eb: {  	v22 =	vld [tilespmem:s22+$0x70];
	v19 =	vand.u32 $0xFFFF0000, v17;
	v59 =	vshll.u32 v9, $0x10;
	v21 =	vmax.f32 v21, $0.0e+00;
	[tilespmem:s9+$0x20] =	vst v6  }
0x1ec: {  	v6 =	vld [tilespmem:s9+$0xFFFFFF50];
	v18 =	vadd.f32 v19, v18;
	v19 =	vand.u32 $0xFFFF0000, v9;
	v25 =	vadd.f32 v59, v49;
	[tilespmem:s9+$0xA0] =	vst v21  }
0x1ed: {  	v61 =	vshll.u32 v58, $0x10;
	v21 =	vshll.u32 v23, $0x10;
	v19 =	vadd.f32 v19, v30;
	v60 =	vld [tilespmem:s23+$0x30]  }
0x1ee: {  	v9 =	vld [tilespmem:s9+$0xFFFFFFD0];
	v23 =	vand.u32 $0xFFFF0000, v23;
	v8 =	vadd.f32 v21, v8;
	v21 =	vmax.f32 v25, $0.0e+00  }
0x1ef: {  	v15 =	vadd.f32 v61, v15;
	v3 =	vadd.f32 v23, v3;
	[tilespmem:s9+$0xFFFFFF20] =	vst v21;
	v19 =	vmax.f32 v19, $0.0e+00;
	v21 =	vld [tilespmem:s9+$0xB0]  }
0x1f0: {  	v17 =	vshll.u32 v17, $0x10;
	v23 =	vand.u32 $0xFFFF0000, v58;
	v8 =	vmax.f32 v8, $0.0e+00;
	[tilespmem:s9+$0xFFFFFFA0] =	vst v19;
	v19 =	vld [tilespmem:s16+$0xF0]  }
0x1f1: {  	v17 =	vadd.f32 v17, v7;
	v3 =	vmax.f32 v3, $0.0e+00;
	[tilespmem:s15+$0xFFFFFF60] =	vst v8;
	v8 =	vadd.f32 v23, v10;
	v10 =	vld [tilespmem:s23+$0xFFFFFFB0]  }
0x1f2: {  	v7 =	vld [tilespmem:s9+$0xFFFFFF60];
	v18 =	vmax.f32 v18, $0.0e+00;
	[tilespmem:s15+$0xFFFFFFE0] =	vst v3;
	v3 =	vmax.f32 v15, $0.0e+00;
	v15 =	vshll.u32 v60, $0x10  }
0x1f3: {  	[tilespmem:s16+$0xFFFFFF50] =	vst v3;
	v3 =	vmax.f32 v8, $0.0e+00;
	v8 =	vld [tilespmem:s9+$0xFFFFFFE0];
	v23 =	vand.u32 $0xFFFF0000, v60;
	v15 =	vadd.f32 v15, v62  }
0x1f4: {  	v17 =	vmax.f32 v17, $0.0e+00;
	[tilespmem:s16+$0xFFFFFFD0] =	vst v3;
	v3 =	vand.u32 $0xFFFF0000, v22;
	v21 =	vadd.f32 v23, v21;
	v23 =	vld [tilespmem:s29+$0xFFFFFFF0]  }
0x1f5: {  	[tilespmem:s15+$0xF0] =	vst v18;
	v22 =	vshll.u32 v22, $0x10;
	v18 =	vadd.f32 v3, v19;
	v19 =	vld [tilespmem:s22+$0xFFFFFFE0];
	v3 =	vmax.f32 v15, $0.0e+00  }
0x1f6: {  	v16 =	vadd.f32 v22, v16;
	v15 =	vshll.u32 v10, $0x10;
	v10 =	vand.u32 $0xFFFF0000, v10;
	[tilespmem:s9+$0x30] =	vst v3;
	v3 =	vld [tilespmem:s9+$0xFFFFFF70]  }
0x1f7: {  	[tilespmem:s15+$0x70] =	vst v17;
	v21 =	vmax.f32 v21, $0.0e+00;
	v22 =	vadd.f32 v15, v51;
	v20 =	vadd.f32 v10, v20;
	v15 =	vld [tilespmem:s9+$0xFFFFFFF0]  }
0x1f8: {  	[tilespmem:s9+$0xB0] =	vst v21;
	v17 =	vmax.f32 v18, $0.0e+00;
	v10 =	vld [tilespmem:s9+$0x70]  }
0x1f9: {  	v21 =	vmax.f32 v16, $0.0e+00;
	[tilespmem:s16+$0xF0] =	vst v17;
	v17 =	vld [tilespmem:s23+$0x40];
	v16 =	vmax.f32 v22, $0.0e+00;
	v20 =	vmax.f32 v20, $0.0e+00  }
0x1fa: {  	v18 =	vld [tilespmem:s9+$0x40];
	v22 =	vshll.u32 v23, $0x10;
	[tilespmem:s9+$0xFFFFFF30] =	vst v16;
	v16 =	vshll.u32 v19, $0x10;
	v63 =	vand.u32 $0xFFFF0000, v19  }
0x1fb: {  	v23 =	vand.u32 $0xFFFF0000, v23;
	[tilespmem:s9+$0xFFFFFFB0] =	vst v20;
	v19 =	vld [tilespmem:s9+$0xC0];
	v16 =	vadd.f32 v16, v13;
	v14 =	vadd.f32 v63, v14  }
0x1fc: {  	s11 =	simm.s32 $0xA580;
	s7 =	simm.s32 $0x4;
	s10 =	simm.s32 $0x4700;
	[tilespmem:s16+$0x70] =	vst v21;
	v5 =	vadd.f32 v23, v5;
	v20 =	vld [tilespmem:s23+$0xFFFFFFC0];
	v13 =	vadd.f32 v22, v4  }
.LBB2_7:
0x1fd: {  	v21 =	vld [tilespmem:s11+$0x0];
	s9 =	sadd.s32 $0x200, s9;
	v16 =	vmax.f32 v16, $0.0e+00;
	v14 =	vmax.f32 v14, $0.0e+00;
	v4 =	vmov v15  }
0x1fe: {  	v15 =	vld [tilespmem:s9+$0x0];
	v22 =	vshll.u32 v17, $0x10;
	[tilespmem:s16+$0xFFFFFF60] =	vst v16;
	v13 =	vmax.f32 v13, $0.0e+00;
	v5 =	vmax.f32 v5, $0.0e+00  }
0x1ff: {  	v17 =	vand.u32 $0xFFFF0000, v17;
	v16 =	vld [tilespmem:s9+$0x80];
	v18 =	vadd.f32 v22, v18;
	[tilespmem:s16+$0xFFFFFFE0] =	vst v14  }
0x200: {  	v14 =	vld [tilespmem:s11+$0xFFFFFF80];
	v17 =	vadd.f32 v17, v19;
	[tilespmem:s15+$0xFFFFFF70] =	vst v13  }
0x201: {  	v13 =	vld [tilespmem:s9+$0xFFFFFF00];
	v19 =	vshll.u32 v20, $0x10;
	v20 =	vand.u32 $0xFFFF0000, v20;
	v18 =	vmax.f32 v18, $0.0e+00;
	[tilespmem:s15+$0xFFFFFFF0] =	vst v5;
	s15 =	smov.u32 s16;
	s16 =	smov.u32 s10;
	s10 =	smov.u32 s9  }
0x202: {  	v5 =	vld [tilespmem:s9+$0xFFFFFF80];
	v22 =	vshll.u32 v21, $0x10;
	v12 =	vadd.f32 v19, v12;
	[tilespmem:s16+$0x40] =	vst v18;
	v17 =	vmax.f32 v17, $0.0e+00  }
0x203: {  	v19 =	vand.u32 $0xFFFF0000, v21;
	v11 =	vadd.f32 v20, v11;
	v18 =	vld [tilespmem:s9+$0xFFFFFF10];
	v15 =	vadd.f32 v22, v15;
	[tilespmem:s16+$0xC0] =	vst v17  }
0x204: {  	s7 =	sadd.s32 $0x2, s7;
	v16 =	vadd.f32 v19, v16;
	v12 =	vmax.f32 v12, $0.0e+00;
	v17 =	vld [tilespmem:s23+$0x50]  }
0x205: {  	p1 =	slt.u32 s7, $0x3E;
	v19 =	vshll.u32 v14, $0x10;
	v14 =	vand.u32 $0xFFFF0000, v14;
	v15 =	vmax.f32 v15, $0.0e+00;
	[tilespmem:s16+$0xFFFFFF40] =	vst v12;
	v12 =	vld [tilespmem:s16+$0x50]  }
0x206: {  	v11 =	vmax.f32 v11, $0.0e+00;
	v13 =	vadd.f32 v19, v13;
	[tilespmem:s9+$0x0] =	vst v15;
	v15 =	vmax.f32 v16, $0.0e+00;
	v16 =	vld [tilespmem:s16+$0xD0]  }
0x207: {  	v5 =	vadd.f32 v14, v5;
	v14 =	vld [tilespmem:s9+$0xFFFFFF90];
	[tilespmem:s9+$0x80] =	vst v15  }
0x208: {  	v13 =	vmax.f32 v13, $0.0e+00;
	v15 =	vld [tilespmem:s11+$0x10];
	[tilespmem:s16+$0xFFFFFFC0] =	vst v11  }
0x209: {  	[tilespmem:s9+$0xFFFFFF00] =	vst v13;
	v5 =	vmax.f32 v5, $0.0e+00;
	v11 =	vld [tilespmem:s9+$0x10];
	v13 =	vshll.u32 v17, $0x10  }
0x20a: {  	v17 =	vand.u32 $0xFFFF0000, v17;
	[tilespmem:s9+$0xFFFFFF80] =	vst v5;
	v5 =	vld [tilespmem:s9+$0x90];
	v12 =	vadd.f32 v13, v12  }
0x20b: {  	v13 =	vld [tilespmem:s11+$0xFFFFFF90];
	v16 =	vadd.f32 v17, v16  }
0x20c: {  	v17 =	vld [tilespmem:s9+$0xFFFFFF20];
	v12 =	vmax.f32 v12, $0.0e+00  }
0x20d: {  	v19 =	vld [tilespmem:s9+$0xFFFFFFA0];
	v20 =	vshll.u32 v15, $0x10;
	[tilespmem:s16+$0x50] =	vst v12;
	v12 =	vmax.f32 v16, $0.0e+00  }
0x20e: {  	v15 =	vand.u32 $0xFFFF0000, v15;
	v16 =	vld [tilespmem:s9+$0xFFFFFF30];
	v11 =	vadd.f32 v20, v11;
	[tilespmem:s16+$0xD0] =	vst v12  }
0x20f: {  	v5 =	vadd.f32 v15, v5;
	v12 =	vld [tilespmem:s23+$0x60]  }
0x210: {  	v15 =	vshll.u32 v13, $0x10;
	v13 =	vand.u32 $0xFFFF0000, v13;
	v11 =	vmax.f32 v11, $0.0e+00;
	v20 =	vld [tilespmem:s16+$0x60]  }
0x211: {  	v15 =	vadd.f32 v15, v18;
	v13 =	vadd.f32 v13, v14;
	[tilespmem:s9+$0x10] =	vst v11;
	v5 =	vmax.f32 v5, $0.0e+00;
	v11 =	vld [tilespmem:s16+$0xE0]  }
0x212: {  	v14 =	vld [tilespmem:s9+$0xFFFFFFB0];
	[tilespmem:s9+$0x90] =	vst v5  }
0x213: {  	v5 =	vmax.f32 v15, $0.0e+00;
	v13 =	vmax.f32 v13, $0.0e+00;
	v15 =	vld [tilespmem:s11+$0x20]  }
0x214: {  	[tilespmem:s9+$0xFFFFFF10] =	vst v5;
	v5 =	vld [tilespmem:s9+$0x20];
	v18 =	vshll.u32 v12, $0x10  }
0x215: {  	v12 =	vand.u32 $0xFFFF0000, v12;
	[tilespmem:s9+$0xFFFFFF90] =	vst v13;
	v13 =	vld [tilespmem:s9+$0xA0];
	v18 =	vadd.f32 v18, v20  }
0x216: {  	v20 =	vld [tilespmem:s11+$0xFFFFFFA0];
	v21 =	vadd.f32 v12, v11  }
0x217: {  	v12 =	vld [tilespmem:s9+$0xFFFFFF40];
	v18 =	vmax.f32 v18, $0.0e+00  }
0x218: {  	v11 =	vld [tilespmem:s9+$0xFFFFFFC0];
	v22 =	vshll.u32 v15, $0x10;
	[tilespmem:s16+$0x60] =	vst v18;
	v18 =	vmax.f32 v21, $0.0e+00  }
0x219: {  	v15 =	vand.u32 $0xFFFF0000, v15;
	v5 =	vadd.f32 v22, v5;
	v21 =	vld [tilespmem:s23+$0xFFFFFFD0];
	[tilespmem:s16+$0xE0] =	vst v18  }
0x21a: {  	v13 =	vadd.f32 v15, v13;
	v15 =	vld [tilespmem:s23+$0x70]  }
0x21b: {  	v18 =	vshll.u32 v20, $0x10;
	v20 =	vand.u32 $0xFFFF0000, v20;
	v5 =	vmax.f32 v5, $0.0e+00;
	v22 =	vld [tilespmem:s16+$0xF0]  }
0x21c: {  	v17 =	vadd.f32 v18, v17;
	v18 =	vadd.f32 v20, v19;
	v19 =	vld [tilespmem:s9+$0xFFFFFF50];
	[tilespmem:s9+$0x20] =	vst v5;
	v5 =	vmax.f32 v13, $0.0e+00  }
0x21d: {  	v13 =	vld [tilespmem:s9+$0xFFFFFFD0];
	[tilespmem:s9+$0xA0] =	vst v5  }
0x21e: {  	v5 =	vmax.f32 v17, $0.0e+00;
	v17 =	vmax.f32 v18, $0.0e+00;
	v18 =	vld [tilespmem:s11+$0x30];
	v20 =	vshll.u32 v21, $0x10  }
0x21f: {  	v21 =	vand.u32 $0xFFFF0000, v21;
	[tilespmem:s9+$0xFFFFFF20] =	vst v5;
	v5 =	vld [tilespmem:s9+$0x30];
	v23 =	vadd.f32 v20, v6;
	v20 =	vand.u32 $0xFFFF0000, v15  }
0x220: {  	v24 =	vadd.f32 v21, v9;
	v15 =	vshll.u32 v15, $0x10;
	[tilespmem:s9+$0xFFFFFFA0] =	vst v17;
	v17 =	vld [tilespmem:s9+$0xB0];
	v20 =	vadd.f32 v20, v22  }
0x221: {  	v10 =	vadd.f32 v15, v10;
	v21 =	vld [tilespmem:s11+$0xFFFFFFB0];
	v22 =	vmax.f32 v23, $0.0e+00;
	v6 =	vmov v19  }
0x222: {  	v15 =	vmax.f32 v24, $0.0e+00;
	v23 =	vld [tilespmem:s9+$0xFFFFFF60];
	[tilespmem:s16+$0xFFFFFF50] =	vst v22;
	v19 =	vmax.f32 v20, $0.0e+00;
	v9 =	vmov v13  }
0x223: {  	v10 =	vmax.f32 v10, $0.0e+00;
	v13 =	vld [tilespmem:s9+$0xFFFFFFE0];
	v20 =	vshll.u32 v18, $0x10;
	[tilespmem:s16+$0xF0] =	vst v19  }
0x224: {  	v18 =	vand.u32 $0xFFFF0000, v18;
	v5 =	vadd.f32 v20, v5;
	[tilespmem:s16+$0xFFFFFFD0] =	vst v15;
	v19 =	vld [tilespmem:s22+$0xFFFFFFF0];
	s22 =	smov.u32 s23;
	s23 =	smov.u32 s11  }
0x225: {  	v17 =	vadd.f32 v18, v17;
	v20 =	vld [tilespmem:s22+$0xFFFFFFE0];
	[tilespmem:s16+$0x70] =	vst v10  }
0x226: {  	v10 =	vshll.u32 v21, $0x10;
	v15 =	vand.u32 $0xFFFF0000, v21;
	v21 =	vld [tilespmem:s9+$0xFFFFFF70];
	v5 =	vmax.f32 v5, $0.0e+00  }
0x227: {  	v16 =	vadd.f32 v10, v16;
	v14 =	vadd.f32 v15, v14;
	v15 =	vld [tilespmem:s9+$0xFFFFFFF0];
	[tilespmem:s9+$0x30] =	vst v5;
	v5 =	vmax.f32 v17, $0.0e+00  }
.Ltmp4:
0x228: {  	[tilespmem:s9+$0xB0] =	vst v5;
	v10 =	vld [tilespmem:s9+$0x70];
	(pc) =	sbr.rel @p1 .LBB2_7-.Ltmp4, $4  }
0x229: {  	v5 =	vmax.f32 v16, $0.0e+00;
	v14 =	vmax.f32 v14, $0.0e+00;
	v17 =	vld [tilespmem:s11+$0x40];
	v22 =	vshll.u32 v19, $0x10  }
0x22a: {  	v24 =	vand.u32 $0xFFFF0000, v19;
	[tilespmem:s9+$0xFFFFFF30] =	vst v5;
	v18 =	vld [tilespmem:s9+$0x40];
	v5 =	vshll.u32 v20, $0x10;
	v20 =	vand.u32 $0xFFFF0000, v20  }
0x22b: {  	[tilespmem:s9+$0xFFFFFFB0] =	vst v14;
	v19 =	vld [tilespmem:s9+$0xC0];
	v16 =	vadd.f32 v5, v7;
	v14 =	vadd.f32 v20, v8;
	v7 =	vmovc v23;
	v8 =	vmov v13  }
0x22c: {  	s11 =	sadd.s32 $0x100, s11;
	v13 =	vadd.f32 v22, v1;
	v5 =	vadd.f32 v24, v2;
	v1 =	vmovc v3;
	v3 =	vmovc v21;
	v2 =	vmov v4;
	v20 =	vld [tilespmem:s23+$0xFFFFFFC0]  }
0x22d: {  	_ =	sdelay $0x1  }
0x22e: {  	v4 =	vshll.u32 v17, $0x10  }
0x22f: {  	v34 =	vand.u32 $0xFFFF0000, v17;
	v4 =	vadd.f32 v4, v18  }
0x230: {  	v17 =	vadd.f32 v34, v19;
	v35 =	vshll.u32 v20, $0x10  }
0x231: {  	v4 =	vmax.f32 v4, $0.0e+00;
	v37 =	vand.u32 $0xFFFF0000, v20;
	v12 =	vadd.f32 v35, v12  }
0x232: {  	[tilespmem:s10+$0x40] =	vst v4;
	v36 =	vmax.f32 v17, $0.0e+00;
	v38 =	vadd.f32 v37, v11  }
0x233: {  	v40 =	vld [tilespmem:s10+$0x50];
	[tilespmem:s10+$0xC0] =	vst v36;
	v12 =	vmax.f32 v12, $0.0e+00  }
0x234: {  	v39 =	vld [tilespmem:s23+$0x50];
	v4 =	vmax.f32 v38, $0.0e+00;
	[tilespmem:s10+$0xFFFFFF40] =	vst v12  }
0x235: {  	v41 =	vld [tilespmem:s10+$0xD0];
	[tilespmem:s10+$0xFFFFFFC0] =	vst v4  }
0x236: {  	v4 =	vld [tilespmem:s23+$0xFFFFFFD0];
	_ =	sdelay $0x2  }
0x237: {  	v42 =	vshll.u32 v39, $0x10  }
0x238: {  	v11 =	vand.u32 $0xFFFF0000, v39;
	v17 =	vadd.f32 v42, v40  }
0x239: {  	v11 =	vadd.f32 v11, v41;
	v44 =	vshll.u32 v4, $0x10  }
0x23a: {  	v4 =	vand.u32 $0xFFFF0000, v4;
	v43 =	vmax.f32 v17, $0.0e+00;
	v6 =	vadd.f32 v44, v6  }
0x23b: {  	v11 =	vmax.f32 v11, $0.0e+00;
	v4 =	vadd.f32 v4, v9;
	[tilespmem:s10+$0x50] =	vst v43  }
0x23c: {  	v45 =	vld [tilespmem:s10+$0x60];
	[tilespmem:s10+$0xD0] =	vst v11;
	v6 =	vmax.f32 v6, $0.0e+00  }
0x23d: {  	v11 =	vld [tilespmem:s23+$0x60];
	v4 =	vmax.f32 v4, $0.0e+00;
	[tilespmem:s10+$0xFFFFFF50] =	vst v6  }
0x23e: {  	v46 =	vld [tilespmem:s10+$0xE0];
	[tilespmem:s10+$0xFFFFFFD0] =	vst v4  }
0x23f: {  	v4 =	vld [tilespmem:s23+$0xFFFFFFE0];
	_ =	sdelay $0x2  }
0x240: {  	v47 =	vshll.u32 v11, $0x10  }
0x241: {  	v51 =	vmax.f32 v16, $0.0e+00;
	v11 =	vand.u32 $0xFFFF0000, v11;
	v6 =	vadd.f32 v47, v45  }
0x242: {  	v53 =	vmax.f32 v14, $0.0e+00;
	[tilespmem:s16+$0xFFFFFF60] =	vst v51;
	v48 =	vadd.f32 v11, v46;
	v50 =	vshll.u32 v4, $0x10  }
0x243: {  	[tilespmem:s16+$0xFFFFFFE0] =	vst v53;
	v4 =	vand.u32 $0xFFFF0000, v4;
	v6 =	vmax.f32 v6, $0.0e+00;
	v52 =	vadd.f32 v50, v7  }
0x244: {  	v56 =	vld [tilespmem:s22+$0xFFFFFFF0];
	v49 =	vmax.f32 v48, $0.0e+00;
	v4 =	vadd.f32 v4, v8;
	[tilespmem:s10+$0x60] =	vst v6  }
0x245: {  	[tilespmem:s10+$0xE0] =	vst v49;
	v6 =	vmax.f32 v52, $0.0e+00  }
0x246: {  	v54 =	vld [tilespmem:s23+$0x70];
	v4 =	vmax.f32 v4, $0.0e+00;
	[tilespmem:s10+$0xFFFFFF60] =	vst v6  }
0x247: {  	v55 =	vld [tilespmem:s10+$0xF0];
	[tilespmem:s10+$0xFFFFFFE0] =	vst v4  }
0x248: {  	v4 =	vld [tilespmem:s23+$0xFFFFFFF0]  }
0x249: {  	v60 =	vshll.u32 v56, $0x10  }
0x24a: {  	v58 =	vmax.f32 v13, $0.0e+00;
	v62 =	vand.u32 $0xFFFF0000, v56;
	v1 =	vadd.f32 v60, v1  }
0x24b: {  	v5 =	vmax.f32 v5, $0.0e+00;
	[tilespmem:s15+$0xFFFFFF70] =	vst v58;
	v2 =	vadd.f32 v62, v2;
	v57 =	vand.u32 $0xFFFF0000, v54  }
0x24c: {  	[tilespmem:s15+$0xFFFFFFF0] =	vst v5;
	v1 =	vmax.f32 v1, $0.0e+00;
	v9 =	vshll.u32 v54, $0x10;
	v6 =	vadd.f32 v57, v55  }
0x24d: {  	v2 =	vmax.f32 v2, $0.0e+00;
	[tilespmem:s16+$0xFFFFFF70] =	vst v1;
	v59 =	vadd.f32 v9, v10;
	v63 =	vshll.u32 v4, $0x10  }
0x24e: {  	[tilespmem:s16+$0xFFFFFFF0] =	vst v2;
	v4 =	vand.u32 $0xFFFF0000, v4;
	v61 =	vmax.f32 v6, $0.0e+00;
	v3 =	vadd.f32 v63, v3  }
0x24f: {  	v7 =	vmax.f32 v59, $0.0e+00;
	v1 =	vadd.f32 v4, v15;
	[tilespmem:s10+$0xF0] =	vst v61  }
0x250: {  	s13 =	sadd.s32 $0x1, s13;
	[tilespmem:s10+$0x70] =	vst v7;
	v2 =	vmax.f32 v3, $0.0e+00  }
0x251: {  	p1 =	sne.s32 s13, $0x27;
	v1 =	vmax.f32 v1, $0.0e+00;
	[tilespmem:s10+$0xFFFFFF70] =	vst v2  }
.Ltmp5:
0x252: {  	[tilespmem:s10+$0xFFFFFFF0] =	vst v1;
	(pc) =	sbr.rel @p1 .LBB2_4-.Ltmp5, $4  }
0x253: {  	_ =	swait.ge [sflag:s8], $0x80  }
0x254: {  	[sflag:s8] =	ssyncset.done $0x0  }
0x255: {  	[sflag:s8] =	ssyncadd.s32 $0xFFFFFF80  }
0x256: {  	[spmem:s3] =	stream.indirect.scatter.add.f32 [tilespmem:s19], [sflag:$0xA], $0x80, s2, s26, $0xb8;
	[tilespmem:$0x1FE00] =	vst v63  }
0x257: {  	s7 =	simm.s32 $0x9  }
0x258: {  	_ =	swait.ge [sflag:s7], $0x4000  }
.Ltmp6:
0x259: {  	[sflag:s7] =	ssyncset.done $0x0;
	(pc) =	sbr.rel @p0 .LBB2_13-.Ltmp6, $4  }
0x25a: {  	s29 =	simm.s32 $0xA;
	[sflag:s7] =	ssyncadd.s32 $0xFFFFC000  }
0x25b: {  	_ =	swait.ge [sflag:s29], $0x4000  }
0x25c: {  	[sflag:s29] =	ssyncset.done $0x0  }
0x25d: {  	s13 =	rddreg [dreg:$0x12];
	[sflag:s29] =	ssyncadd.s32 $0xFFFFC000  }
0x25e: {  	s7 =	rddreg [dreg:$0xd]  }
0x25f: {  	[tilespmem:s4], [sflag:$0xB] =	stream.linear.gather [hbm4b:s7+s4], $0x80, $0x38;
	[tilespmem:$0x1FE00] =	vst v63  }
0x260: {  	_ =	swait.ge [sflag:s25], $0x80  }
0x261: {  	[sflag:s25] =	ssyncset.done $0x0  }
0x262: {  	s23 =	rddreg [dreg:$0xe];
	[sflag:s25] =	ssyncadd.s32 $0xFFFFFF80  }
0x263: {  	[tilespmem:s28], [sflag:$0xB] =	stream.linear.gather [hbm4b:s23+s4], $0x80, $0x38;
	[tilespmem:$0x1FE00] =	vst v63  }
0x264: {  	_ =	swait.ge [sflag:s25], $0x80  }
0x265: {  	[sflag:s25] =	ssyncset.done $0x0  }
0x266: {  	s9 =	simm.s32 $0x8200;
	s29 =	rddreg [dreg:$0xf];
	[sflag:s25] =	ssyncadd.s32 $0xFFFFFF80  }
0x267: {  	[tilespmem:s9], [sflag:$0xB] =	stream.linear.gather [hbm4b:s29+s4], $0x2000, $0x38;
	[tilespmem:$0x1FE00] =	vst v63  }
0x268: {  	_ =	swait.ge [sflag:s25], $0x2000  }
0x269: {  	[sflag:s25] =	ssyncset.done $0x0  }
0x26a: {  	[sflag:s25] =	ssyncadd.s32 $0xFFFFE000  }
0x26b: {  	[tilespmem:s24], [sflag:$0x5] =	stream.indirect.gather [hbm4b:s1+s26], $0x80, s4, s26, $0xb8;
	[tilespmem:$0x1FE00] =	vst v63  }
0x26c: {  	_ =	swait.ge [sflag:s21], $0x4000  }
0x26d: {  	[sflag:s21] =	ssyncset.done $0x0  }
0x26e: {  	s10 =	simm.s32 $0x8280;
	[sflag:s21] =	ssyncadd.s32 $0xFFFFC000  }
0x26f: {  	s13 =	simm.s32 $0x300;
	v1 =	vld [tilespmem:s10+$0x0]  }
0x270: {  	v2 =	vld [tilespmem:s13+$0x0]  }
0x271: {  	v3 =	vld [tilespmem:s13+$0x80];
	_ =	sdelay $0x2  }
0x272: {  	v4 =	vshll.u32 v1, $0x10  }
0x273: {  	v5 =	vld [tilespmem:s10+$0xFFFFFF80];
	v1 =	vand.u32 $0xFFFF0000, v1;
	v2 =	vadd.f32 v4, v2  }
0x274: {  	v4 =	vld [tilespmem:s13+$0xFFFFFF00];
	v1 =	vadd.f32 v1, v3  }
0x275: {  	v3 =	vld [tilespmem:s13+$0xFFFFFF80];
	v2 =	vmax.f32 v2, $0.0e+00  }
0x276: {  	v1 =	vmax.f32 v1, $0.0e+00;
	[tilespmem:s13+$0x0] =	vst v2  }
0x277: {  	[tilespmem:s13+$0x80] =	vst v1  }
0x278: {  	v1 =	vshll.u32 v5, $0x10;
	v6 =	vld [tilespmem:s10+$0x10]  }
0x279: {  	v5 =	vand.u32 $0xFFFF0000, v5;
	v1 =	vadd.f32 v1, v4;
	v4 =	vld [tilespmem:s13+$0x10]  }
0x27a: {  	v3 =	vadd.f32 v5, v3;
	v5 =	vld [tilespmem:s13+$0x90]  }
0x27b: {  	v1 =	vmax.f32 v1, $0.0e+00  }
0x27c: {  	[tilespmem:s13+$0xFFFFFF00] =	vst v1;
	v1 =	vmax.f32 v3, $0.0e+00  }
0x27d: {  	[tilespmem:s13+$0xFFFFFF80] =	vst v1;
	v1 =	vshll.u32 v6, $0x10  }
0x27e: {  	v6 =	vand.u32 $0xFFFF0000, v6;
	v3 =	vld [tilespmem:s10+$0xFFFFFF90];
	v1 =	vadd.f32 v1, v4  }
0x27f: {  	v2 =	vld [tilespmem:s13+$0xFFFFFF10];
	v4 =	vadd.f32 v6, v5  }
0x280: {  	v1 =	vmax.f32 v1, $0.0e+00  }
0x281: {  	v7 =	vld [tilespmem:s13+$0xFFFFFF90];
	[tilespmem:s13+$0x10] =	vst v1;
	v1 =	vmax.f32 v4, $0.0e+00  }
0x282: {  	[tilespmem:s13+$0x90] =	vst v1  }
0x283: {  	v1 =	vshll.u32 v3, $0x10;
	v4 =	vld [tilespmem:s10+$0x20]  }
0x284: {  	v1 =	vadd.f32 v1, v2;
	v2 =	vld [tilespmem:s13+$0x20]  }
0x285: {  	v6 =	vld [tilespmem:s13+$0xA0];
	v3 =	vand.u32 $0xFFFF0000, v3  }
0x286: {  	v3 =	vadd.f32 v3, v7  }
0x287: {  	v8 =	vld [tilespmem:s13+$0xFFFFFFA0];
	v1 =	vmax.f32 v1, $0.0e+00  }
0x288: {  	v10 =	vld [tilespmem:s13+$0xFFFFFF30];
	v3 =	vmax.f32 v3, $0.0e+00;
	[tilespmem:s13+$0xFFFFFF10] =	vst v1;
	v1 =	vshll.u32 v4, $0x10  }
0x289: {  	v11 =	vld [tilespmem:s13+$0xFFFFFFB0];
	[tilespmem:s13+$0xFFFFFF90] =	vst v3;
	v4 =	vand.u32 $0xFFFF0000, v4;
	v1 =	vadd.f32 v1, v2  }
0x28a: {  	v3 =	vld [tilespmem:s10+$0xFFFFFFA0];
	v2 =	vadd.f32 v4, v6  }
0x28b: {  	v5 =	vld [tilespmem:s13+$0xFFFFFF20];
	v1 =	vmax.f32 v1, $0.0e+00  }
0x28c: {  	v12 =	vld [tilespmem:s13+$0xFFFFFF40];
	[tilespmem:s13+$0x20] =	vst v1;
	v1 =	vmax.f32 v2, $0.0e+00  }
0x28d: {  	v13 =	vld [tilespmem:s13+$0xFFFFFFC0];
	[tilespmem:s13+$0xA0] =	vst v1  }
0x28e: {  	v2 =	vld [tilespmem:s10+$0x30]  }
0x28f: {  	v4 =	vld [tilespmem:s13+$0x30];
	v1 =	vshll.u32 v3, $0x10  }
0x290: {  	v1 =	vadd.f32 v1, v5;
	v5 =	vld [tilespmem:s13+$0xB0]  }
0x291: {  	v9 =	vld [tilespmem:s13+$0xFFFFFFD0]  }
0x292: {  	s16 =	simm.s32 $0x8380;
	v15 =	vld [tilespmem:s13+$0xC0];
	v1 =	vmax.f32 v1, $0.0e+00  }
0x293: {  	s15 =	simm.s32 $0x500;
	v16 =	vld [tilespmem:s16+$0x0];
	[tilespmem:s13+$0xFFFFFF20] =	vst v1;
	v1 =	vshll.u32 v2, $0x10  }
0x294: {  	v17 =	vld [tilespmem:s15+$0x0];
	v2 =	vand.u32 $0xFFFF0000, v2;
	v1 =	vadd.f32 v1, v4  }
0x295: {  	v19 =	vld [tilespmem:s15+$0x80];
	v2 =	vadd.f32 v2, v5  }
0x296: {  	v20 =	vld [tilespmem:s15+$0xFFFFFF80];
	v1 =	vmax.f32 v1, $0.0e+00  }
0x297: {  	s22 =	simm.s32 $0x8480;
	v22 =	vld [tilespmem:s15+$0xFFFFFFB0];
	[tilespmem:s13+$0x30] =	vst v1;
	v1 =	vmax.f32 v2, $0.0e+00  }
0x298: {  	v24 =	vld [tilespmem:s22+$0x0];
	[tilespmem:s13+$0xB0] =	vst v1  }
0x299: {  	v3 =	vand.u32 $0xFFFF0000, v3;
	v1 =	vld [tilespmem:s10+$0x40]  }
0x29a: {  	s9 =	simm.s32 $0x700;
	v3 =	vadd.f32 v3, v8;
	v2 =	vld [tilespmem:s13+$0x40]  }
0x29b: {  	v25 =	vld [tilespmem:s9+$0x0]  }
0x29c: {  	v27 =	vld [tilespmem:s9+$0x80];
	v3 =	vmax.f32 v3, $0.0e+00  }
0x29d: {  	v40 =	vld [tilespmem:s22+$0xFFFFFF80];
	[tilespmem:s13+$0xFFFFFFA0] =	vst v3  }
0x29e: {  	v14 =	vld [tilespmem:s10+$0xFFFFFFB0];
	v18 =	vshll.u32 v1, $0x10;
	v1 =	vand.u32 $0xFFFF0000, v1  }
0x29f: {  	v2 =	vadd.f32 v18, v2;
	v18 =	vld [tilespmem:s16+$0xFFFFFF80];
	v1 =	vadd.f32 v1, v15  }
0x2a0: {  	v21 =	vshll.u32 v16, $0x10;
	v15 =	vld [tilespmem:s15+$0xFFFFFF00]  }
0x2a1: {  	v28 =	vld [tilespmem:s9+$0xFFFFFF80];
	v16 =	vand.u32 $0xFFFF0000, v16;
	v17 =	vadd.f32 v21, v17;
	v1 =	vmax.f32 v1, $0.0e+00  }
0x2a2: {  	v43 =	vld [tilespmem:s15+$0x50];
	v2 =	vmax.f32 v2, $0.0e+00;
	[tilespmem:s13+$0xC0] =	vst v1;
	v1 =	vadd.f32 v16, v19  }
0x2a3: {  	v21 =	vld [tilespmem:s13+$0x50];
	v17 =	vmax.f32 v17, $0.0e+00;
	[tilespmem:s13+$0x40] =	vst v2;
	v19 =	vshll.u32 v14, $0x10  }
0x2a4: {  	[tilespmem:s15+$0x0] =	vst v17;
	v16 =	vld [tilespmem:s10+$0x50];
	v10 =	vadd.f32 v19, v10;
	v19 =	vshll.u32 v18, $0x10;
	v1 =	vmax.f32 v1, $0.0e+00  }
0x2a5: {  	v17 =	vld [tilespmem:s13+$0xD0];
	v18 =	vand.u32 $0xFFFF0000, v18;
	v15 =	vadd.f32 v19, v15;
	[tilespmem:s15+$0x80] =	vst v1  }
0x2a6: {  	v1 =	vand.u32 $0xFFFF0000, v14;
	v10 =	vmax.f32 v10, $0.0e+00;
	v14 =	vadd.f32 v18, v20;
	v18 =	vld [tilespmem:s16+$0x10]  }
0x2a7: {  	v1 =	vadd.f32 v1, v11;
	[tilespmem:s13+$0xFFFFFF30] =	vst v10;
	v11 =	vld [tilespmem:s15+$0x10];
	v10 =	vmax.f32 v15, $0.0e+00  }
0x2a8: {  	[tilespmem:s15+$0xFFFFFF00] =	vst v10;
	v10 =	vmax.f32 v14, $0.0e+00;
	v14 =	vld [tilespmem:s15+$0x90]  }
0x2a9: {  	v44 =	vld [tilespmem:s15+$0xD0];
	v1 =	vmax.f32 v1, $0.0e+00;
	v15 =	vshll.u32 v16, $0x10;
	[tilespmem:s15+$0xFFFFFF80] =	vst v10  }
0x2aa: {  	[tilespmem:s13+$0xFFFFFFB0] =	vst v1;
	v1 =	vand.u32 $0xFFFF0000, v16;
	v10 =	vadd.f32 v15, v21;
	v15 =	vld [tilespmem:s16+$0xFFFFFF90]  }
0x2ab: {  	v2 =	vld [tilespmem:s15+$0xFFFFFF10];
	v1 =	vadd.f32 v1, v17;
	v17 =	vshll.u32 v18, $0x10  }
0x2ac: {  	v19 =	vld [tilespmem:s15+$0xFFFFFF90];
	v10 =	vmax.f32 v10, $0.0e+00;
	v18 =	vand.u32 $0xFFFF0000, v18;
	v11 =	vadd.f32 v17, v11  }
0x2ad: {  	v45 =	vld [tilespmem:s9+$0xFFFFFF90];
	[tilespmem:s13+$0x50] =	vst v10;
	v1 =	vmax.f32 v1, $0.0e+00;
	v10 =	vadd.f32 v18, v14  }
0x2ae: {  	v46 =	vld [tilespmem:s9+$0x10];
	[tilespmem:s13+$0xD0] =	vst v1;
	v1 =	vmax.f32 v11, $0.0e+00  }
0x2af: {  	v16 =	vld [tilespmem:s10+$0xFFFFFFC0];
	v11 =	vshll.u32 v15, $0x10;
	[tilespmem:s15+$0x10] =	vst v1;
	v1 =	vmax.f32 v10, $0.0e+00  }
0x2b0: {  	v14 =	vld [tilespmem:s10+$0x60];
	v10 =	vand.u32 $0xFFFF0000, v15;
	v2 =	vadd.f32 v11, v2;
	[tilespmem:s15+$0x90] =	vst v1  }
0x2b1: {  	v1 =	vadd.f32 v10, v19;
	v10 =	vld [tilespmem:s16+$0x20]  }
0x2b2: {  	v11 =	vld [tilespmem:s15+$0x20];
	v2 =	vmax.f32 v2, $0.0e+00  }
0x2b3: {  	v1 =	vmax.f32 v1, $0.0e+00;
	[tilespmem:s15+$0xFFFFFF10] =	vst v2;
	v2 =	vld [tilespmem:s15+$0xA0]  }
0x2b4: {  	v15 =	vld [tilespmem:s13+$0x60];
	[tilespmem:s15+$0xFFFFFF90] =	vst v1  }
0x2b5: {  	v1 =	vshll.u32 v16, $0x10;
	v18 =	vld [tilespmem:s16+$0xFFFFFFA0]  }
0x2b6: {  	v20 =	vld [tilespmem:s15+$0xFFFFFF20];
	v1 =	vadd.f32 v1, v12;
	v12 =	vshll.u32 v10, $0x10  }
0x2b7: {  	v17 =	vld [tilespmem:s15+$0xFFFFFFA0];
	v10 =	vand.u32 $0xFFFF0000, v10;
	v23 =	vadd.f32 v12, v11  }
0x2b8: {  	v19 =	vld [tilespmem:s13+$0xE0];
	v1 =	vmax.f32 v1, $0.0e+00;
	v12 =	vand.u32 $0xFFFF0000, v16;
	v2 =	vadd.f32 v10, v2  }
0x2b9: {  	v49 =	vld [tilespmem:s9+$0xFFFFFF20];
	[tilespmem:s13+$0xFFFFFF40] =	vst v1;
	v1 =	vshll.u32 v14, $0x10;
	v10 =	vadd.f32 v12, v13;
	v13 =	vmax.f32 v23, $0.0e+00  }
0x2ba: {  	v30 =	vld [tilespmem:s9+$0xFFFFFFA0];
	v1 =	vadd.f32 v1, v15;
	v16 =	vshll.u32 v18, $0x10;
	[tilespmem:s15+$0x20] =	vst v13;
	v2 =	vmax.f32 v2, $0.0e+00  }
0x2bb: {  	v51 =	vld [tilespmem:s9+$0xFFFFFF30];
	v18 =	vand.u32 $0xFFFF0000, v18;
	v13 =	vmax.f32 v10, $0.0e+00;
	v16 =	vadd.f32 v16, v20;
	[tilespmem:s15+$0xA0] =	vst v2  }
0x2bc: {  	v54 =	vld [tilespmem:s15+$0x60];
	v1 =	vmax.f32 v1, $0.0e+00;
	[tilespmem:s13+$0xFFFFFFC0] =	vst v13;
	v2 =	vand.u32 $0xFFFF0000, v14;
	v13 =	vadd.f32 v18, v17  }
0x2bd: {  	[tilespmem:s13+$0x60] =	vst v1;
	v14 =	vld [tilespmem:s16+$0x30];
	v2 =	vadd.f32 v2, v19;
	v1 =	vmax.f32 v16, $0.0e+00  }
0x2be: {  	v16 =	vld [tilespmem:s15+$0x30];
	v13 =	vmax.f32 v13, $0.0e+00;
	[tilespmem:s15+$0xFFFFFF20] =	vst v1  }
0x2bf: {  	v1 =	vld [tilespmem:s15+$0xB0];
	v2 =	vmax.f32 v2, $0.0e+00;
	[tilespmem:s15+$0xFFFFFFA0] =	vst v13  }
0x2c0: {  	[tilespmem:s13+$0xE0] =	vst v2;
	v2 =	vld [tilespmem:s16+$0xFFFFFFB0]  }
0x2c1: {  	v21 =	vld [tilespmem:s15+$0xFFFFFF30]  }
0x2c2: {  	v55 =	vld [tilespmem:s15+$0xE0];
	v13 =	vshll.u32 v14, $0x10  }
0x2c3: {  	v62 =	vld [tilespmem:s9+$0x30];
	v14 =	vand.u32 $0xFFFF0000, v14;
	v16 =	vadd.f32 v13, v16  }
0x2c4: {  	v7 =	vld [tilespmem:s13+$0x70];
	v20 =	vadd.f32 v14, v1  }
0x2c5: {  	v6 =	vld [tilespmem:s13+$0xFFFFFF50];
	v16 =	vmax.f32 v16, $0.0e+00;
	v23 =	vshll.u32 v2, $0x10  }
0x2c6: {  	v8 =	vld [tilespmem:s13+$0xFFFFFF60];
	[tilespmem:s15+$0x30] =	vst v16;
	v16 =	vmax.f32 v20, $0.0e+00;
	v20 =	vand.u32 $0xFFFF0000, v2;
	v21 =	vadd.f32 v23, v21  }
0x2c7: {  	v3 =	vld [tilespmem:s13+$0xFFFFFFE0];
	[tilespmem:s15+$0xB0] =	vst v16;
	v20 =	vadd.f32 v20, v22  }
0x2c8: {  	v21 =	vmax.f32 v21, $0.0e+00;
	v22 =	vld [tilespmem:s16+$0x40]  }
0x2c9: {  	v20 =	vmax.f32 v20, $0.0e+00;
	[tilespmem:s15+$0xFFFFFF30] =	vst v21;
	v21 =	vld [tilespmem:s15+$0x40]  }
0x2ca: {  	[tilespmem:s15+$0xFFFFFFB0] =	vst v20;
	v20 =	vld [tilespmem:s15+$0xC0]  }
0x2cb: {  	v4 =	vld [tilespmem:s13+$0xFFFFFF70]  }
0x2cc: {  	v5 =	vld [tilespmem:s13+$0xFFFFFFF0]  }
0x2cd: {  	v11 =	vld [tilespmem:s15+$0xFFFFFF40];
	v26 =	vshll.u32 v22, $0x10  }
0x2ce: {  	v12 =	vld [tilespmem:s15+$0xFFFFFFC0];
	v22 =	vand.u32 $0xFFFF0000, v22;
	v21 =	vadd.f32 v26, v21  }
0x2cf: {  	v20 =	vadd.f32 v22, v20;
	v22 =	vld [tilespmem:s9+$0xFFFFFF00]  }
0x2d0: {  	v29 =	vshll.u32 v24, $0x10;
	v15 =	vld [tilespmem:s15+$0xFFFFFF50];
	v21 =	vmax.f32 v21, $0.0e+00  }
0x2d1: {  	v24 =	vand.u32 $0xFFFF0000, v24;
	v25 =	vadd.f32 v29, v25;
	v10 =	vld [tilespmem:s15+$0xFFFFFFD0];
	[tilespmem:s15+$0x40] =	vst v21;
	v20 =	vmax.f32 v20, $0.0e+00  }
0x2d2: {  	v18 =	vld [tilespmem:s13+$0xF0];
	[tilespmem:s15+$0xC0] =	vst v20;
	v20 =	vadd.f32 v24, v27  }
0x2d3: {  	v42 =	vshll.u32 v40, $0x10;
	v25 =	vmax.f32 v25, $0.0e+00;
	v41 =	vld [tilespmem:s16+$0x50]  }
0x2d4: {  	[tilespmem:s9+$0x0] =	vst v25;
	v19 =	vld [tilespmem:s10+$0xFFFFFFD0];
	v26 =	vand.u32 $0xFFFF0000, v40;
	v22 =	vadd.f32 v42, v22;
	v20 =	vmax.f32 v20, $0.0e+00  }
0x2d5: {  	v17 =	vld [tilespmem:s10+$0x70];
	v26 =	vadd.f32 v26, v28;
	[tilespmem:s9+$0x80] =	vst v20  }
0x2d6: {  	v20 =	vmax.f32 v22, $0.0e+00;
	v22 =	vld [tilespmem:s22+$0x10]  }
0x2d7: {  	v13 =	vld [tilespmem:s15+$0xFFFFFF60];
	[tilespmem:s9+$0xFFFFFF00] =	vst v20;
	v20 =	vmax.f32 v26, $0.0e+00  }
0x2d8: {  	v47 =	vshll.u32 v41, $0x10;
	[tilespmem:s9+$0xFFFFFF80] =	vst v20;
	v20 =	vld [tilespmem:s9+$0x90]  }
0x2d9: {  	v52 =	vshll.u32 v19, $0x10;
	v23 =	vld [tilespmem:s16+$0xFFFFFFC0];
	v24 =	vand.u32 $0xFFFF0000, v41;
	v28 =	vadd.f32 v47, v43  }
0x2da: {  	v19 =	vand.u32 $0xFFFF0000, v19;
	v6 =	vadd.f32 v52, v6;
	v48 =	vld [tilespmem:s22+$0xFFFFFF90];
	v24 =	vadd.f32 v24, v44  }
0x2db: {  	v9 =	vadd.f32 v19, v9;
	v21 =	vld [tilespmem:s9+$0xFFFFFF10];
	v28 =	vmax.f32 v28, $0.0e+00;
	v50 =	vshll.u32 v22, $0x10  }
0x2dc: {  	v14 =	vld [tilespmem:s15+$0xFFFFFFE0];
	v24 =	vmax.f32 v24, $0.0e+00;
	v22 =	vand.u32 $0xFFFF0000, v22;
	[tilespmem:s15+$0x50] =	vst v28;
	v26 =	vadd.f32 v50, v46  }
0x2dd: {  	v1 =	vld [tilespmem:s15+$0xFFFFFF70];
	v6 =	vmax.f32 v6, $0.0e+00;
	[tilespmem:s15+$0xD0] =	vst v24;
	v20 =	vadd.f32 v22, v20  }
0x2de: {  	[tilespmem:s13+$0xFFFFFF50] =	vst v6;
	v6 =	vmax.f32 v9, $0.0e+00;
	v9 =	vshll.u32 v23, $0x10;
	v22 =	vld [tilespmem:s16+$0x60];
	v53 =	vmax.f32 v26, $0.0e+00  }
0x2df: {  	v2 =	vld [tilespmem:s15+$0xFFFFFFF0];
	v9 =	vadd.f32 v9, v11;
	v19 =	vshll.u32 v48, $0x10;
	[tilespmem:s9+$0x10] =	vst v53;
	v20 =	vmax.f32 v20, $0.0e+00  }
0x2e0: {  	v16 =	vld [tilespmem:s15+$0x70];
	v19 =	vadd.f32 v19, v21;
	v21 =	vand.u32 $0xFFFF0000, v48;
	[tilespmem:s9+$0x90] =	vst v20  }
0x2e1: {  	[tilespmem:s13+$0xFFFFFFD0] =	vst v6;
	v6 =	vand.u32 $0xFFFF0000, v23;
	v9 =	vmax.f32 v9, $0.0e+00;
	v21 =	vadd.f32 v21, v45;
	v56 =	vld [tilespmem:s22+$0x20]  }
0x2e2: {  	v6 =	vadd.f32 v6, v12;
	[tilespmem:s15+$0xFFFFFF40] =	vst v9;
	v11 =	vmax.f32 v19, $0.0e+00;
	v19 =	vld [tilespmem:s9+$0x20]  }
0x2e3: {  	v12 =	vmax.f32 v21, $0.0e+00;
	[tilespmem:s9+$0xFFFFFF10] =	vst v11;
	v11 =	vshll.u32 v22, $0x10;
	v21 =	vld [tilespmem:s9+$0xA0]  }
0x2e4: {  	v23 =	vld [tilespmem:s10+$0xFFFFFFE0];
	v6 =	vmax.f32 v6, $0.0e+00;
	[tilespmem:s9+$0xFFFFFF90] =	vst v12;
	v12 =	vand.u32 $0xFFFF0000, v22;
	v11 =	vadd.f32 v11, v54  }
0x2e5: {  	[tilespmem:s15+$0xFFFFFFC0] =	vst v6;
	v9 =	vld [tilespmem:s22+$0xFFFFFFA0];
	v22 =	vadd.f32 v12, v55  }
0x2e6: {  	v58 =	vld [tilespmem:s16+$0xFFFFFFD0];
	v6 =	vmax.f32 v11, $0.0e+00;
	v57 =	vshll.u32 v56, $0x10  }
0x2e7: {  	v20 =	vld [tilespmem:s9+$0xFFFFFFB0];
	[tilespmem:s15+$0x60] =	vst v6;
	v6 =	vmax.f32 v22, $0.0e+00;
	v22 =	vand.u32 $0xFFFF0000, v56;
	v19 =	vadd.f32 v57, v19  }
0x2e8: {  	v12 =	vld [tilespmem:s9+$0xFFFFFF40];
	v21 =	vadd.f32 v22, v21  }
0x2e9: {  	v11 =	vld [tilespmem:s9+$0xFFFFFFC0];
	[tilespmem:s15+$0xE0] =	vst v6;
	v6 =	vmax.f32 v19, $0.0e+00  }
0x2ea: {  	v22 =	vld [tilespmem:s16+$0x70];
	v19 =	vand.u32 $0xFFFF0000, v17;
	v59 =	vshll.u32 v9, $0x10;
	v21 =	vmax.f32 v21, $0.0e+00;
	[tilespmem:s9+$0x20] =	vst v6  }
0x2eb: {  	v6 =	vld [tilespmem:s9+$0xFFFFFF50];
	v18 =	vadd.f32 v19, v18;
	v19 =	vand.u32 $0xFFFF0000, v9;
	v25 =	vadd.f32 v59, v49;
	[tilespmem:s9+$0xA0] =	vst v21  }
0x2ec: {  	v61 =	vshll.u32 v58, $0x10;
	v21 =	vshll.u32 v23, $0x10;
	v19 =	vadd.f32 v19, v30;
	v60 =	vld [tilespmem:s22+$0x30]  }
0x2ed: {  	v9 =	vld [tilespmem:s9+$0xFFFFFFD0];
	v23 =	vand.u32 $0xFFFF0000, v23;
	v8 =	vadd.f32 v21, v8;
	v21 =	vmax.f32 v25, $0.0e+00  }
0x2ee: {  	v15 =	vadd.f32 v61, v15;
	v3 =	vadd.f32 v23, v3;
	[tilespmem:s9+$0xFFFFFF20] =	vst v21;
	v19 =	vmax.f32 v19, $0.0e+00;
	v21 =	vld [tilespmem:s9+$0xB0]  }
0x2ef: {  	v17 =	vshll.u32 v17, $0x10;
	v23 =	vand.u32 $0xFFFF0000, v58;
	v8 =	vmax.f32 v8, $0.0e+00;
	[tilespmem:s9+$0xFFFFFFA0] =	vst v19;
	v19 =	vld [tilespmem:s15+$0xF0]  }
0x2f0: {  	v17 =	vadd.f32 v17, v7;
	v3 =	vmax.f32 v3, $0.0e+00;
	[tilespmem:s13+$0xFFFFFF60] =	vst v8;
	v8 =	vadd.f32 v23, v10;
	v10 =	vld [tilespmem:s22+$0xFFFFFFB0]  }
0x2f1: {  	v7 =	vld [tilespmem:s9+$0xFFFFFF60];
	v18 =	vmax.f32 v18, $0.0e+00;
	[tilespmem:s13+$0xFFFFFFE0] =	vst v3;
	v3 =	vmax.f32 v15, $0.0e+00;
	v15 =	vshll.u32 v60, $0x10  }
0x2f2: {  	[tilespmem:s15+$0xFFFFFF50] =	vst v3;
	v3 =	vmax.f32 v8, $0.0e+00;
	v8 =	vld [tilespmem:s9+$0xFFFFFFE0];
	v23 =	vand.u32 $0xFFFF0000, v60;
	v15 =	vadd.f32 v15, v62  }
0x2f3: {  	v17 =	vmax.f32 v17, $0.0e+00;
	[tilespmem:s15+$0xFFFFFFD0] =	vst v3;
	v3 =	vand.u32 $0xFFFF0000, v22;
	v21 =	vadd.f32 v23, v21;
	v23 =	vld [tilespmem:s10+$0xFFFFFFF0]  }
0x2f4: {  	[tilespmem:s13+$0xF0] =	vst v18;
	v22 =	vshll.u32 v22, $0x10;
	v18 =	vadd.f32 v3, v19;
	v19 =	vld [tilespmem:s16+$0xFFFFFFE0];
	v3 =	vmax.f32 v15, $0.0e+00  }
0x2f5: {  	v16 =	vadd.f32 v22, v16;
	v15 =	vshll.u32 v10, $0x10;
	v10 =	vand.u32 $0xFFFF0000, v10;
	[tilespmem:s9+$0x30] =	vst v3;
	v3 =	vld [tilespmem:s9+$0xFFFFFF70]  }
0x2f6: {  	[tilespmem:s13+$0x70] =	vst v17;
	v21 =	vmax.f32 v21, $0.0e+00;
	v22 =	vadd.f32 v15, v51;
	v20 =	vadd.f32 v10, v20;
	v15 =	vld [tilespmem:s9+$0xFFFFFFF0]  }
0x2f7: {  	[tilespmem:s9+$0xB0] =	vst v21;
	v17 =	vmax.f32 v18, $0.0e+00;
	v10 =	vld [tilespmem:s9+$0x70]  }
0x2f8: {  	v21 =	vmax.f32 v16, $0.0e+00;
	[tilespmem:s15+$0xF0] =	vst v17;
	v17 =	vld [tilespmem:s22+$0x40];
	v16 =	vmax.f32 v22, $0.0e+00;
	v20 =	vmax.f32 v20, $0.0e+00  }
0x2f9: {  	v18 =	vld [tilespmem:s9+$0x40];
	v22 =	vshll.u32 v23, $0x10;
	[tilespmem:s9+$0xFFFFFF30] =	vst v16;
	v16 =	vshll.u32 v19, $0x10;
	v63 =	vand.u32 $0xFFFF0000, v19  }
0x2fa: {  	v23 =	vand.u32 $0xFFFF0000, v23;
	[tilespmem:s9+$0xFFFFFFB0] =	vst v20;
	v19 =	vld [tilespmem:s9+$0xC0];
	v16 =	vadd.f32 v16, v13;
	v14 =	vadd.f32 v63, v14  }
0x2fb: {  	s11 =	simm.s32 $0x8580;
	s7 =	simm.s32 $0x4;
	s10 =	simm.s32 $0x700;
	[tilespmem:s15+$0x70] =	vst v21;
	v5 =	vadd.f32 v23, v5;
	v20 =	vld [tilespmem:s22+$0xFFFFFFC0];
	v13 =	vadd.f32 v22, v4  }
.LBB2_11:
0x2fc: {  	v21 =	vld [tilespmem:s11+$0x0];
	s9 =	sadd.s32 $0x200, s9;
	v16 =	vmax.f32 v16, $0.0e+00;
	v14 =	vmax.f32 v14, $0.0e+00;
	v4 =	vmov v15  }
0x2fd: {  	v15 =	vld [tilespmem:s9+$0x0];
	v22 =	vshll.u32 v17, $0x10;
	[tilespmem:s15+$0xFFFFFF60] =	vst v16;
	v13 =	vmax.f32 v13, $0.0e+00;
	v5 =	vmax.f32 v5, $0.0e+00  }
0x2fe: {  	v17 =	vand.u32 $0xFFFF0000, v17;
	v16 =	vld [tilespmem:s9+$0x80];
	v18 =	vadd.f32 v22, v18;
	[tilespmem:s15+$0xFFFFFFE0] =	vst v14  }
0x2ff: {  	v14 =	vld [tilespmem:s11+$0xFFFFFF80];
	v17 =	vadd.f32 v17, v19;
	[tilespmem:s13+$0xFFFFFF70] =	vst v13  }
0x300: {  	v13 =	vld [tilespmem:s9+$0xFFFFFF00];
	v19 =	vshll.u32 v20, $0x10;
	v20 =	vand.u32 $0xFFFF0000, v20;
	v18 =	vmax.f32 v18, $0.0e+00;
	[tilespmem:s13+$0xFFFFFFF0] =	vst v5;
	s13 =	smov.u32 s15;
	s15 =	smov.u32 s10;
	s10 =	smov.u32 s9  }
0x301: {  	v5 =	vld [tilespmem:s9+$0xFFFFFF80];
	v22 =	vshll.u32 v21, $0x10;
	v12 =	vadd.f32 v19, v12;
	[tilespmem:s15+$0x40] =	vst v18;
	v17 =	vmax.f32 v17, $0.0e+00  }
0x302: {  	v19 =	vand.u32 $0xFFFF0000, v21;
	v11 =	vadd.f32 v20, v11;
	v18 =	vld [tilespmem:s9+$0xFFFFFF10];
	v15 =	vadd.f32 v22, v15;
	[tilespmem:s15+$0xC0] =	vst v17  }
0x303: {  	s7 =	sadd.s32 $0x2, s7;
	v16 =	vadd.f32 v19, v16;
	v12 =	vmax.f32 v12, $0.0e+00;
	v17 =	vld [tilespmem:s22+$0x50]  }
0x304: {  	p1 =	slt.u32 s7, $0x3E;
	v19 =	vshll.u32 v14, $0x10;
	v14 =	vand.u32 $0xFFFF0000, v14;
	v15 =	vmax.f32 v15, $0.0e+00;
	[tilespmem:s15+$0xFFFFFF40] =	vst v12;
	v12 =	vld [tilespmem:s15+$0x50]  }
0x305: {  	v11 =	vmax.f32 v11, $0.0e+00;
	v13 =	vadd.f32 v19, v13;
	[tilespmem:s9+$0x0] =	vst v15;
	v15 =	vmax.f32 v16, $0.0e+00;
	v16 =	vld [tilespmem:s15+$0xD0]  }
0x306: {  	v5 =	vadd.f32 v14, v5;
	v14 =	vld [tilespmem:s9+$0xFFFFFF90];
	[tilespmem:s9+$0x80] =	vst v15  }
0x307: {  	v13 =	vmax.f32 v13, $0.0e+00;
	v15 =	vld [tilespmem:s11+$0x10];
	[tilespmem:s15+$0xFFFFFFC0] =	vst v11  }
0x308: {  	[tilespmem:s9+$0xFFFFFF00] =	vst v13;
	v5 =	vmax.f32 v5, $0.0e+00;
	v11 =	vld [tilespmem:s9+$0x10];
	v13 =	vshll.u32 v17, $0x10  }
0x309: {  	v17 =	vand.u32 $0xFFFF0000, v17;
	[tilespmem:s9+$0xFFFFFF80] =	vst v5;
	v5 =	vld [tilespmem:s9+$0x90];
	v12 =	vadd.f32 v13, v12  }
0x30a: {  	v13 =	vld [tilespmem:s11+$0xFFFFFF90];
	v16 =	vadd.f32 v17, v16  }
0x30b: {  	v17 =	vld [tilespmem:s9+$0xFFFFFF20];
	v12 =	vmax.f32 v12, $0.0e+00  }
0x30c: {  	v19 =	vld [tilespmem:s9+$0xFFFFFFA0];
	v20 =	vshll.u32 v15, $0x10;
	[tilespmem:s15+$0x50] =	vst v12;
	v12 =	vmax.f32 v16, $0.0e+00  }
0x30d: {  	v15 =	vand.u32 $0xFFFF0000, v15;
	v16 =	vld [tilespmem:s9+$0xFFFFFF30];
	v11 =	vadd.f32 v20, v11;
	[tilespmem:s15+$0xD0] =	vst v12  }
0x30e: {  	v5 =	vadd.f32 v15, v5;
	v12 =	vld [tilespmem:s22+$0x60]  }
0x30f: {  	v15 =	vshll.u32 v13, $0x10;
	v13 =	vand.u32 $0xFFFF0000, v13;
	v11 =	vmax.f32 v11, $0.0e+00;
	v20 =	vld [tilespmem:s15+$0x60]  }
0x310: {  	v15 =	vadd.f32 v15, v18;
	v13 =	vadd.f32 v13, v14;
	[tilespmem:s9+$0x10] =	vst v11;
	v5 =	vmax.f32 v5, $0.0e+00;
	v11 =	vld [tilespmem:s15+$0xE0]  }
0x311: {  	v14 =	vld [tilespmem:s9+$0xFFFFFFB0];
	[tilespmem:s9+$0x90] =	vst v5  }
0x312: {  	v5 =	vmax.f32 v15, $0.0e+00;
	v13 =	vmax.f32 v13, $0.0e+00;
	v15 =	vld [tilespmem:s11+$0x20]  }
0x313: {  	[tilespmem:s9+$0xFFFFFF10] =	vst v5;
	v5 =	vld [tilespmem:s9+$0x20];
	v18 =	vshll.u32 v12, $0x10  }
0x314: {  	v12 =	vand.u32 $0xFFFF0000, v12;
	[tilespmem:s9+$0xFFFFFF90] =	vst v13;
	v13 =	vld [tilespmem:s9+$0xA0];
	v18 =	vadd.f32 v18, v20  }
0x315: {  	v20 =	vld [tilespmem:s11+$0xFFFFFFA0];
	v21 =	vadd.f32 v12, v11  }
0x316: {  	v12 =	vld [tilespmem:s9+$0xFFFFFF40];
	v18 =	vmax.f32 v18, $0.0e+00  }
0x317: {  	v11 =	vld [tilespmem:s9+$0xFFFFFFC0];
	v22 =	vshll.u32 v15, $0x10;
	[tilespmem:s15+$0x60] =	vst v18;
	v18 =	vmax.f32 v21, $0.0e+00  }
0x318: {  	v15 =	vand.u32 $0xFFFF0000, v15;
	v5 =	vadd.f32 v22, v5;
	v21 =	vld [tilespmem:s22+$0xFFFFFFD0];
	[tilespmem:s15+$0xE0] =	vst v18  }
0x319: {  	v13 =	vadd.f32 v15, v13;
	v15 =	vld [tilespmem:s22+$0x70]  }
0x31a: {  	v18 =	vshll.u32 v20, $0x10;
	v20 =	vand.u32 $0xFFFF0000, v20;
	v5 =	vmax.f32 v5, $0.0e+00;
	v22 =	vld [tilespmem:s15+$0xF0]  }
0x31b: {  	v17 =	vadd.f32 v18, v17;
	v18 =	vadd.f32 v20, v19;
	v19 =	vld [tilespmem:s9+$0xFFFFFF50];
	[tilespmem:s9+$0x20] =	vst v5;
	v5 =	vmax.f32 v13, $0.0e+00  }
0x31c: {  	v13 =	vld [tilespmem:s9+$0xFFFFFFD0];
	[tilespmem:s9+$0xA0] =	vst v5  }
0x31d: {  	v5 =	vmax.f32 v17, $0.0e+00;
	v17 =	vmax.f32 v18, $0.0e+00;
	v18 =	vld [tilespmem:s11+$0x30];
	v20 =	vshll.u32 v21, $0x10  }
0x31e: {  	v21 =	vand.u32 $0xFFFF0000, v21;
	[tilespmem:s9+$0xFFFFFF20] =	vst v5;
	v5 =	vld [tilespmem:s9+$0x30];
	v23 =	vadd.f32 v20, v6;
	v20 =	vand.u32 $0xFFFF0000, v15  }
0x31f: {  	v24 =	vadd.f32 v21, v9;
	v15 =	vshll.u32 v15, $0x10;
	[tilespmem:s9+$0xFFFFFFA0] =	vst v17;
	v17 =	vld [tilespmem:s9+$0xB0];
	v20 =	vadd.f32 v20, v22  }
0x320: {  	v10 =	vadd.f32 v15, v10;
	v21 =	vld [tilespmem:s11+$0xFFFFFFB0];
	v22 =	vmax.f32 v23, $0.0e+00;
	v6 =	vmov v19  }
0x321: {  	v15 =	vmax.f32 v24, $0.0e+00;
	v23 =	vld [tilespmem:s9+$0xFFFFFF60];
	[tilespmem:s15+$0xFFFFFF50] =	vst v22;
	v19 =	vmax.f32 v20, $0.0e+00;
	v9 =	vmov v13  }
0x322: {  	v10 =	vmax.f32 v10, $0.0e+00;
	v13 =	vld [tilespmem:s9+$0xFFFFFFE0];
	v20 =	vshll.u32 v18, $0x10;
	[tilespmem:s15+$0xF0] =	vst v19  }
0x323: {  	v18 =	vand.u32 $0xFFFF0000, v18;
	v5 =	vadd.f32 v20, v5;
	[tilespmem:s15+$0xFFFFFFD0] =	vst v15;
	v19 =	vld [tilespmem:s16+$0xFFFFFFF0];
	s16 =	smov.u32 s22;
	s22 =	smov.u32 s11  }
0x324: {  	v17 =	vadd.f32 v18, v17;
	v20 =	vld [tilespmem:s16+$0xFFFFFFE0];
	[tilespmem:s15+$0x70] =	vst v10  }
0x325: {  	v10 =	vshll.u32 v21, $0x10;
	v15 =	vand.u32 $0xFFFF0000, v21;
	v21 =	vld [tilespmem:s9+$0xFFFFFF70];
	v5 =	vmax.f32 v5, $0.0e+00  }
0x326: {  	v16 =	vadd.f32 v10, v16;
	v14 =	vadd.f32 v15, v14;
	v15 =	vld [tilespmem:s9+$0xFFFFFFF0];
	[tilespmem:s9+$0x30] =	vst v5;
	v5 =	vmax.f32 v17, $0.0e+00  }
.Ltmp7:
0x327: {  	[tilespmem:s9+$0xB0] =	vst v5;
	v10 =	vld [tilespmem:s9+$0x70];
	(pc) =	sbr.rel @p1 .LBB2_11-.Ltmp7, $4  }
0x328: {  	v5 =	vmax.f32 v16, $0.0e+00;
	v14 =	vmax.f32 v14, $0.0e+00;
	v17 =	vld [tilespmem:s11+$0x40];
	v22 =	vshll.u32 v19, $0x10  }
0x329: {  	v24 =	vand.u32 $0xFFFF0000, v19;
	[tilespmem:s9+$0xFFFFFF30] =	vst v5;
	v18 =	vld [tilespmem:s9+$0x40];
	v5 =	vshll.u32 v20, $0x10;
	v20 =	vand.u32 $0xFFFF0000, v20  }
0x32a: {  	[tilespmem:s9+$0xFFFFFFB0] =	vst v14;
	v19 =	vld [tilespmem:s9+$0xC0];
	v16 =	vadd.f32 v5, v7;
	v14 =	vadd.f32 v20, v8;
	v7 =	vmovc v23;
	v8 =	vmov v13  }
0x32b: {  	s11 =	sadd.s32 $0x100, s11;
	v13 =	vadd.f32 v22, v1;
	v5 =	vadd.f32 v24, v2;
	v1 =	vmovc v3;
	v3 =	vmovc v21;
	v2 =	vmov v4;
	v20 =	vld [tilespmem:s22+$0xFFFFFFC0]  }
0x32c: {  	_ =	sdelay $0x1  }
0x32d: {  	v4 =	vshll.u32 v17, $0x10  }
0x32e: {  	v34 =	vand.u32 $0xFFFF0000, v17;
	v4 =	vadd.f32 v4, v18  }
0x32f: {  	v17 =	vadd.f32 v34, v19;
	v35 =	vshll.u32 v20, $0x10  }
0x330: {  	v4 =	vmax.f32 v4, $0.0e+00;
	v37 =	vand.u32 $0xFFFF0000, v20;
	v12 =	vadd.f32 v35, v12  }
0x331: {  	[tilespmem:s10+$0x40] =	vst v4;
	v36 =	vmax.f32 v17, $0.0e+00;
	v38 =	vadd.f32 v37, v11  }
0x332: {  	v40 =	vld [tilespmem:s10+$0x50];
	[tilespmem:s10+$0xC0] =	vst v36;
	v12 =	vmax.f32 v12, $0.0e+00  }
0x333: {  	v39 =	vld [tilespmem:s22+$0x50];
	v4 =	vmax.f32 v38, $0.0e+00;
	[tilespmem:s10+$0xFFFFFF40] =	vst v12  }
0x334: {  	v41 =	vld [tilespmem:s10+$0xD0];
	[tilespmem:s10+$0xFFFFFFC0] =	vst v4  }
0x335: {  	v4 =	vld [tilespmem:s22+$0xFFFFFFD0];
	_ =	sdelay $0x2  }
0x336: {  	v42 =	vshll.u32 v39, $0x10  }
0x337: {  	v11 =	vand.u32 $0xFFFF0000, v39;
	v17 =	vadd.f32 v42, v40  }
0x338: {  	v11 =	vadd.f32 v11, v41;
	v44 =	vshll.u32 v4, $0x10  }
0x339: {  	v4 =	vand.u32 $0xFFFF0000, v4;
	v43 =	vmax.f32 v17, $0.0e+00;
	v6 =	vadd.f32 v44, v6  }
0x33a: {  	v11 =	vmax.f32 v11, $0.0e+00;
	v4 =	vadd.f32 v4, v9;
	[tilespmem:s10+$0x50] =	vst v43  }
0x33b: {  	v45 =	vld [tilespmem:s10+$0x60];
	[tilespmem:s10+$0xD0] =	vst v11;
	v6 =	vmax.f32 v6, $0.0e+00  }
0x33c: {  	v11 =	vld [tilespmem:s22+$0x60];
	v4 =	vmax.f32 v4, $0.0e+00;
	[tilespmem:s10+$0xFFFFFF50] =	vst v6  }
0x33d: {  	v46 =	vld [tilespmem:s10+$0xE0];
	[tilespmem:s10+$0xFFFFFFD0] =	vst v4  }
0x33e: {  	v4 =	vld [tilespmem:s22+$0xFFFFFFE0];
	_ =	sdelay $0x2  }
0x33f: {  	v47 =	vshll.u32 v11, $0x10  }
0x340: {  	v51 =	vmax.f32 v16, $0.0e+00;
	v11 =	vand.u32 $0xFFFF0000, v11;
	v6 =	vadd.f32 v47, v45  }
0x341: {  	v53 =	vmax.f32 v14, $0.0e+00;
	[tilespmem:s15+$0xFFFFFF60] =	vst v51;
	v48 =	vadd.f32 v11, v46;
	v50 =	vshll.u32 v4, $0x10  }
0x342: {  	[tilespmem:s15+$0xFFFFFFE0] =	vst v53;
	v4 =	vand.u32 $0xFFFF0000, v4;
	v6 =	vmax.f32 v6, $0.0e+00;
	v52 =	vadd.f32 v50, v7  }
0x343: {  	v56 =	vld [tilespmem:s16+$0xFFFFFFF0];
	v49 =	vmax.f32 v48, $0.0e+00;
	v4 =	vadd.f32 v4, v8;
	[tilespmem:s10+$0x60] =	vst v6  }
0x344: {  	[tilespmem:s10+$0xE0] =	vst v49;
	v6 =	vmax.f32 v52, $0.0e+00  }
0x345: {  	v54 =	vld [tilespmem:s22+$0x70];
	v4 =	vmax.f32 v4, $0.0e+00;
	[tilespmem:s10+$0xFFFFFF60] =	vst v6  }
0x346: {  	v55 =	vld [tilespmem:s10+$0xF0];
	[tilespmem:s10+$0xFFFFFFE0] =	vst v4  }
0x347: {  	v4 =	vld [tilespmem:s22+$0xFFFFFFF0]  }
0x348: {  	v60 =	vshll.u32 v56, $0x10  }
0x349: {  	v58 =	vmax.f32 v13, $0.0e+00;
	v62 =	vand.u32 $0xFFFF0000, v56;
	v1 =	vadd.f32 v60, v1  }
0x34a: {  	v5 =	vmax.f32 v5, $0.0e+00;
	[tilespmem:s13+$0xFFFFFF70] =	vst v58;
	v2 =	vadd.f32 v62, v2;
	v57 =	vand.u32 $0xFFFF0000, v54  }
0x34b: {  	[tilespmem:s13+$0xFFFFFFF0] =	vst v5;
	v1 =	vmax.f32 v1, $0.0e+00;
	v9 =	vshll.u32 v54, $0x10;
	v6 =	vadd.f32 v57, v55  }
0x34c: {  	v2 =	vmax.f32 v2, $0.0e+00;
	[tilespmem:s15+$0xFFFFFF70] =	vst v1;
	v59 =	vadd.f32 v9, v10;
	v63 =	vshll.u32 v4, $0x10  }
0x34d: {  	[tilespmem:s15+$0xFFFFFFF0] =	vst v2;
	v4 =	vand.u32 $0xFFFF0000, v4;
	v61 =	vmax.f32 v6, $0.0e+00;
	v3 =	vadd.f32 v63, v3  }
0x34e: {  	v7 =	vmax.f32 v59, $0.0e+00;
	v1 =	vadd.f32 v4, v15;
	[tilespmem:s10+$0xF0] =	vst v61  }
0x34f: {  	[tilespmem:s10+$0x70] =	vst v7;
	v2 =	vmax.f32 v3, $0.0e+00  }
0x350: {  	v1 =	vmax.f32 v1, $0.0e+00;
	[tilespmem:s10+$0xFFFFFF70] =	vst v2  }
.Ltmp8:
0x351: {  	[tilespmem:s10+$0xFFFFFFF0] =	vst v1;
	(pc) =	sbr.rel .LBB2_13-.Ltmp8, $4  }
0x352: {  	[spmem:s3] =	stream.indirect.scatter.add.f32 [tilespmem:s24], [sflag:$0xB], $0x80, s28, s26, $0xb8;
	[tilespmem:$0x1FE00] =	vst v63  }
0x353: {  	_ =	swait.ge [sflag:s25], $0x4000  }
0x354: {  	[sflag:s25] =	ssyncset.done $0x0  }
0x355: {  	s13 =	rddreg [dreg:$0x12];
	[sflag:s25] =	ssyncadd.s32 $0xFFFFC000  }
.LBB2_14:
0x356: {  	_ =	sfence.sel $0x180000  }
0x357: {  	[bflag:$0x0] =	sbarrier.arrive $0xFFFF  }
0x358: {  	_ =	strace $0x90000047  }
0x359: {  	s0 =	stileid.u32;
	[bflag:$0x2] =	sbarrier.arrive $0xFFFF  }
0x35a: {  	p0 =	sne.s32 s0, $0x0;
	s0 =	rddreg [dreg:$0x4]  }
0x35b: {  	s0 =	sadd.s32 @!p0 $0x100000, s0  }
0x35c: {  	[sflag:s0] =	ssyncadd.tile.s32 @!p0 $0x1;
	_ =	shalt  }
.Lfunc_end2:
_tile_overlayer_lowered:
.L_overlay_start_2:
0x35d: {  	(tag) =	ssettag $0x2  }
0x35e: {  	s0 =	rddreg [dreg:$0x0];
	s2 =	stileid.u32  }
0x35f: {  	s1 =	rddreg [dreg:$0x1];
	p0 =	sne.s32 s2, $0x0  }
0x360: {  	s3 =	rddreg [dreg:$0x2];
	[bflag:$0x3] =	sbarrier.arrive $0xFFFF;
	s2 =	simm.s32 @!p0 $0x1C0B  }
0x361: {  	[timem:s3], [sflag:s2] =	dma.local @!p0 [hbm:s0], s1  }
0x362: {  	s0 =	simm.s32 @!p0 $0xB  }
0x363: {  	_ =	swait.ge @!p0 [sflag:s0], s1  }
0x364: {  	s1 =	ssub.s32 @!p0 $0x0, s1;
	[sflag:s0] =	ssyncset.done @!p0 $0x0  }
0x365: {  	[sflag:s0] =	ssyncadd.s32 @!p0 s1  }
0x366: {  	[bflag:$0x3] =	sbarrier.arrive $0xFFFF  }
0x367: {  	_ =	shalt  }

</sc_bundles>
